<compile_context>
chip_gen: v7x
topology: tpu7x:2x2x1
jax: 0.10.2.dev20260603
libtpu: 0.0.44.dev20260713+nightly
codegen_flags: <defaults>
</compile_context>

<pallas_src>
import functools

import jax
import jax.numpy as jnp
from jax import lax
from jax.experimental import pallas as pl
from jax.experimental.pallas import tpu as pltpu
from jax.experimental.pallas import tpu_sc as plsc

N = 100000
H = 128
DE = 16
B = 2000
GRID = N // B
CH = 112
NFULL = N // CH
TAIL = N - NFULL * CH
NW = 32
KMAX = -(-NFULL // NW)

BF = jnp.bfloat16
F32 = jnp.float32


def _tc_encode(nf, ef, W_node, bn, Wmpa0, Wmpc0, Wmpb, W_edge, be, bmp):

    def body(nf_ref, ef_ref, wn_ref, bn_ref, wa_ref, wc_ref, wb_ref, we_ref,
             be_ref, bmp_ref, n_ref, a_ref, c_ref, e0_ref, e1_ref, e2_ref):
        n0 = jnp.dot(nf_ref[...].astype(BF), wn_ref[...].astype(BF),
                     preferred_element_type=F32) + bn_ref[...]
        n0b = n0.astype(BF)
        n_ref[...] = n0
        a_ref[...] = jnp.dot(n0b, wa_ref[...].astype(BF),
                             preferred_element_type=F32)
        c_ref[...] = jnp.dot(n0b, wc_ref[...].astype(BF),
                             preferred_element_type=F32)
        ef = ef_ref[...].astype(BF)
        for l, er in enumerate((e0_ref, e1_ref, e2_ref)):
            wb = wb_ref[l]
            wfold = jnp.dot(we_ref[...], wb, preferred_element_type=F32)
            bfold = jnp.dot(be_ref[...], wb,
                            preferred_element_type=F32) + bmp_ref[l]
            er[...] = jnp.dot(ef, wfold.astype(BF),
                              preferred_element_type=F32) + bfold

    row = lambda i: (i, 0)
    fixed = lambda i: (0, 0)
    fixed3 = lambda i: (0, 0, 0)
    out = jax.ShapeDtypeStruct((N, H), F32)
    return pl.pallas_call(
        body,
        grid=(GRID,),
        in_specs=[
            pl.BlockSpec((B, H), row),
            pl.BlockSpec((B, DE), row),
            pl.BlockSpec((H, H), fixed),
            pl.BlockSpec((1, H), fixed),
            pl.BlockSpec((H, H), fixed),
            pl.BlockSpec((H, H), fixed),
            pl.BlockSpec((3, H, H), fixed3),
            pl.BlockSpec((DE, H), fixed),
            pl.BlockSpec((1, H), fixed),
            pl.BlockSpec((3, 1, H), fixed3),
        ],
        out_specs=[pl.BlockSpec((B, H), row)] * 6,
        out_shape=[out] * 6,
        compiler_params=pltpu.CompilerParams(
            dimension_semantics=("parallel",)),
    )(nf, ef, W_node, bn, Wmpa0, Wmpc0, Wmpb, W_edge, be, bmp)


def _tc_proj(nodes, Wa, Wc):

    def body(n_ref, wa_ref, wc_ref, a_ref, c_ref):
        n = n_ref[...].astype(BF)
        a_ref[...] = jnp.dot(n, wa_ref[...].astype(BF),
                             preferred_element_type=F32)
        c_ref[...] = jnp.dot(n, wc_ref[...].astype(BF),
                             preferred_element_type=F32)

    row = lambda i: (i, 0)
    fixed = lambda i: (0, 0)
    out = jax.ShapeDtypeStruct((N, H), F32)
    return pl.pallas_call(
        body,
        grid=(GRID,),
        in_specs=[
            pl.BlockSpec((B, H), row),
            pl.BlockSpec((H, H), fixed),
            pl.BlockSpec((H, H), fixed),
        ],
        out_specs=[pl.BlockSpec((B, H), row)] * 2,
        out_shape=[out] * 2,
        compiler_params=pltpu.CompilerParams(
            dimension_semantics=("parallel",)),
    )(nodes, Wa, Wc)


def _sc_layer(A, C, E, nodes, src, dst):
    mesh = plsc.VectorSubcoreMesh(core_axis_name="c", subcore_axis_name="s")

    @functools.partial(
        pl.kernel,
        out_type=jax.ShapeDtypeStruct((N, H), F32),
        mesh=mesh,
        scratch_types=[
            pltpu.VMEM((CH,), jnp.int32), pltpu.VMEM((CH,), jnp.int32),
            pltpu.VMEM((CH,), jnp.int32), pltpu.VMEM((CH,), jnp.int32),
            pltpu.VMEM((CH, H), F32), pltpu.VMEM((CH, H), F32),
            pltpu.VMEM((CH, H), F32), pltpu.VMEM((CH, H), F32),
            pltpu.VMEM((CH, H), F32), pltpu.VMEM((CH, H), F32),
            pltpu.VMEM((CH, H), F32), pltpu.VMEM((CH, H), F32),
            pltpu.SemaphoreType.DMA, pltpu.SemaphoreType.DMA,
            pltpu.SemaphoreType.DMA, pltpu.SemaphoreType.DMA,
            pltpu.SemaphoreType.DMA, pltpu.SemaphoreType.DMA,
        ],
    )
    def k(a_hbm, c_hbm, e_hbm, n_hbm, src_hbm, dst_hbm, out_hbm,
          si0, si1, di0, di1, ga0, ga1, gc0, gc1, ev0, ev1, nv0, nv1,
          semi0, semi1, semg0, semg1, semo0, semo1):
        wid = lax.axis_index("s") * 2 + lax.axis_index("c")
        kw = (NFULL + NW - 1 - wid) // NW

        sis = (si0, si1)
        dis = (di0, di1)
        gas = (ga0, ga1)
        gcs = (gc0, gc1)
        evs = (ev0, ev1)
        nvs = (nv0, nv1)
        semis = (semi0, semi1)
        semgs = (semg0, semg1)
        semos = (semo0, semo1)

        def cbase(kc):
            return (wid + kc * NW) * CH

        def issue_idx(kc, p):
            b = cbase(kc)
            pltpu.async_copy(src_hbm.at[pl.ds(b, CH)], sis[p], semis[p])
            pltpu.async_copy(dst_hbm.at[pl.ds(b, CH)], dis[p], semis[p])

        def wait_idx(p):
            pltpu.make_async_copy(src_hbm.at[pl.ds(0, CH)], sis[p],
                                  semis[p]).wait()
            pltpu.make_async_copy(dst_hbm.at[pl.ds(0, CH)], dis[p],
                                  semis[p]).wait()

        def issue_main(kc, p):
            b = cbase(kc)
            pltpu.async_copy(a_hbm.at[sis[p]], gas[p], semgs[p])
            pltpu.async_copy(c_hbm.at[dis[p]], gcs[p], semgs[p])
            pltpu.async_copy(e_hbm.at[pl.ds(b, CH)], evs[p], semgs[p])
            pltpu.async_copy(n_hbm.at[pl.ds(b, CH)], nvs[p], semgs[p])

        def wait_main(p):
            pltpu.make_async_copy(a_hbm.at[sis[p]], gas[p], semgs[p]).wait()
            pltpu.make_async_copy(c_hbm.at[dis[p]], gcs[p], semgs[p]).wait()
            pltpu.make_async_copy(e_hbm.at[pl.ds(0, CH)], evs[p],
                                  semgs[p]).wait()
            pltpu.make_async_copy(n_hbm.at[pl.ds(0, CH)], nvs[p],
                                  semgs[p]).wait()

        def compute(p):
            ga, gc, ev, nv = gas[p], gcs[p], evs[p], nvs[p]

            @pl.loop(0, CH)
            def _(r):
                for j in range(H // 16):
                    sl = pl.ds(j * 16, 16)
                    m = ga[r, sl] + gc[r, sl] + ev[r, sl]
                    ga[r, sl] = nv[r, sl] + jnp.maximum(m, 0.0)

        def issue_out(kc, p):
            pltpu.async_copy(gas[p], out_hbm.at[pl.ds(cbase(kc), CH)],
                             semos[p])

        def wait_out(p):
            pltpu.make_async_copy(gas[p], out_hbm.at[pl.ds(0, CH)],
                                  semos[p]).wait()

        issue_idx(0, 0)
        wait_idx(0)
        issue_main(0, 0)
        issue_idx(1, 1)

        @pl.loop(0, KMAX, step=2)
        def _(t):
            for b2 in range(2):
                p = b2
                q = 1 - b2

                def body(kc=t + b2, p=p, q=q):
                    @pl.when(kc + 1 < kw)
                    def _():
                        wait_idx(q)

                        @pl.when(kc >= 1)
                        def _():
                            wait_out(q)

                        issue_main(kc + 1, q)

                    wait_main(p)

                    @pl.when(kc + 2 < kw)
                    def _():
                        issue_idx(kc + 2, p)

                    compute(p)
                    issue_out(kc, p)

                @pl.when(t + b2 < kw)
                def _():
                    body()

        wait_out(0)
        wait_out(1)

        @pl.when(wid == NW - 1)
        def _():
            base = NFULL * CH
            rows = pl.ds(0, TAIL)
            pltpu.async_copy(src_hbm.at[pl.ds(base, TAIL)],
                             si0.at[rows], semi0)
            pltpu.async_copy(dst_hbm.at[pl.ds(base, TAIL)],
                             di0.at[rows], semi0)
            pltpu.make_async_copy(src_hbm.at[pl.ds(0, TAIL)], si0.at[rows],
                                  semi0).wait()
            pltpu.make_async_copy(dst_hbm.at[pl.ds(0, TAIL)], di0.at[rows],
                                  semi0).wait()
            pltpu.async_copy(a_hbm.at[si0.at[rows]], ga0.at[rows], semg0)
            pltpu.async_copy(c_hbm.at[di0.at[rows]], gc0.at[rows], semg0)
            pltpu.async_copy(e_hbm.at[pl.ds(base, TAIL)], ev0.at[rows], semg0)
            pltpu.async_copy(n_hbm.at[pl.ds(base, TAIL)], nv0.at[rows], semg0)
            pltpu.make_async_copy(a_hbm.at[si0.at[rows]], ga0.at[rows],
                                  semg0).wait()
            pltpu.make_async_copy(c_hbm.at[di0.at[rows]], gc0.at[rows],
                                  semg0).wait()
            pltpu.make_async_copy(e_hbm.at[pl.ds(0, TAIL)], ev0.at[rows],
                                  semg0).wait()
            pltpu.make_async_copy(n_hbm.at[pl.ds(0, TAIL)], nv0.at[rows],
                                  semg0).wait()

            @pl.loop(0, TAIL)
            def _(r):
                for j in range(H // 16):
                    sl = pl.ds(j * 16, 16)
                    m = ga0[r, sl] + gc0[r, sl] + ev0[r, sl]
                    ga0[r, sl] = nv0[r, sl] + jnp.maximum(m, 0.0)

            pltpu.sync_copy(ga0.at[rows], out_hbm.at[pl.ds(base, TAIL)])

    return k(A, C, E, nodes, src, dst)


def _tc_readout(nodes, W_r1, b1, W_r2, b2, w3row, b3, W_ap, bap):
    def body(n_ref, w1_ref, b1_ref, w2_ref, b2_ref, w3_ref, b3_ref,
             wap_ref, bap_ref, risk_ref, ap_ref):
        n = n_ref[...].astype(BF)
        h = jnp.maximum(jnp.dot(n, w1_ref[...].astype(BF),
                                preferred_element_type=F32)
                        + b1_ref[...], 0.0)
        h = jnp.maximum(jnp.dot(h.astype(BF), w2_ref[...].astype(BF),
                                preferred_element_type=F32)
                        + b2_ref[...], 0.0)
        r = jnp.sum(h * w3_ref[...], axis=1, keepdims=True) + b3_ref[...]
        risk_ref[...] = jax.nn.sigmoid(r)
        ap_ref[...] = jnp.dot(n, wap_ref[...].astype(BF),
                              preferred_element_type=F32) + bap_ref[...]

    row = lambda i: (i, 0)
    fixed = lambda i: (0, 0)
    return pl.pallas_call(
        body,
        grid=(GRID,),
        in_specs=[
            pl.BlockSpec((B, H), row),
            pl.BlockSpec((H, H), fixed),
            pl.BlockSpec((1, H), fixed),
            pl.BlockSpec((H, 64), fixed),
            pl.BlockSpec((1, 64), fixed),
            pl.BlockSpec((1, 64), fixed),
            pl.BlockSpec((1, 1), fixed),
            pl.BlockSpec((H, H), fixed),
            pl.BlockSpec((1, H), fixed),
        ],
        out_specs=[pl.BlockSpec((B, 1), row), pl.BlockSpec((B, H), row)],
        out_shape=[jax.ShapeDtypeStruct((N, 1), F32),
                   jax.ShapeDtypeStruct((N, H), F32)],
        compiler_params=pltpu.CompilerParams(
            dimension_semantics=("parallel",)),
    )(nodes, W_r1, b1, W_r2, b2, w3row, b3, W_ap, bap)


def kernel(node_features, edge_features, edge_index, W_node, b_node, W_edge,
           b_edge, W_mp, b_mp, W_r1, b_r1, W_r2, b_r2, W_r3, b_r3, W_ap, b_ap):
    src = edge_index[0]
    dst = edge_index[1]
    Wmpa = W_mp[:, 0:H, :]
    Wmpb = W_mp[:, H:2 * H, :]
    Wmpc = W_mp[:, 2 * H:3 * H, :]

    nodes, A, C, E0, E1, E2 = _tc_encode(
        node_features, edge_features, W_node, b_node.reshape(1, H),
        Wmpa[0], Wmpc[0], Wmpb, W_edge, b_edge.reshape(1, H),
        b_mp.reshape(3, 1, H))

    for l, E in enumerate((E0, E1, E2)):
        nodes = _sc_layer(A, C, E, nodes, src, dst)
        if l < 2:
            A, C = _tc_proj(nodes, Wmpa[l + 1], Wmpc[l + 1])

    risk, ap = _tc_readout(
        nodes, W_r1, b_r1.reshape(1, H), W_r2, b_r2.reshape(1, 64),
        W_r3.reshape(1, 64), b_r3.reshape(1, 1), W_ap, b_ap.reshape(1, H))
    return (risk, ap)

# --- scband reference (transcript-rebuilt; emitter-appended) ---
"""Pipeline reference for scband-security-risk-scorer-37409165148226 (READ-ONLY COPY).

The authoritative reference and input builder live on the scoring server;
editing this copy changes nothing except your own understanding.
"""

import jax, jax.numpy as jnp
import numpy as np

N = 100000
E = 100000
DN = 128
DE = 16
H = 128


def _lin(k, i, o):
    return jax.random.normal(k, (i, o), dtype=jnp.float32) / np.sqrt(i)


def setup_inputs(seed: int = 0) -> dict:
    key = jax.random.key(seed)
    ks = jax.random.split(key, 24)
    inp = {}
    inp["node_features"] = jax.random.normal(ks[0], (N, DN), dtype=jnp.float32)
    inp["edge_features"] = jax.random.normal(ks[1], (E, DE), dtype=jnp.float32)
    inp["edge_index"] = jax.random.randint(ks[2], (2, E), 0, N, dtype=jnp.int32)
    inp["W_node"] = _lin(ks[3], DN, H)
    inp["b_node"] = jnp.zeros((H,), dtype=jnp.float32)
    inp["W_edge"] = _lin(ks[4], DE, H)
    inp["b_edge"] = jnp.zeros((H,), dtype=jnp.float32)
    inp["W_mp"] = jnp.stack([_lin(ks[5 + l], 3 * H, H) for l in range(3)])
    inp["b_mp"] = jnp.zeros((3, H), dtype=jnp.float32)
    inp["W_r1"] = _lin(ks[8], H, 128)
    inp["b_r1"] = jnp.zeros((128,), dtype=jnp.float32)
    inp["W_r2"] = _lin(ks[9], 128, 64)
    inp["b_r2"] = jnp.zeros((64,), dtype=jnp.float32)
    inp["W_r3"] = _lin(ks[10], 64, 1)
    inp["b_r3"] = jnp.zeros((1,), dtype=jnp.float32)
    inp["W_ap"] = _lin(ks[11], H, H)
    inp["b_ap"] = jnp.zeros((H,), dtype=jnp.float32)
    return inp


def reference(node_features, edge_features, edge_index, W_node, b_node, W_edge, b_edge,
              W_mp, b_mp, W_r1, b_r1, W_r2, b_r2, W_r3, b_r3, W_ap, b_ap):
    nodes = node_features @ W_node + b_node
    edges = edge_features @ W_edge + b_edge
    src = edge_index[0]
    dst = edge_index[1]
    for l in range(3):
        source_nodes = jnp.take(nodes, src, axis=0)
        target_nodes = jnp.take(nodes, dst, axis=0)
        messages = jnp.concatenate([source_nodes, edges, target_nodes], axis=-1)
        m = jax.nn.relu(messages @ W_mp[l] + b_mp[l])
        # dropout is identity in eval mode
        nodes = nodes + m
    h = jax.nn.relu(nodes @ W_r1 + b_r1)
    h = jax.nn.relu(h @ W_r2 + b_r2)
    risk_scores = jax.nn.sigmoid(h @ W_r3 + b_r3)
    attack_paths = nodes @ W_ap + b_ap
    return (risk_scores, attack_paths)

if __name__ == "__main__":
    import jax
    _d = setup_inputs()
    print(jax.jit(kernel)(*tuple(_d.values())))

</pallas_src>

<mosaic_0001>
#map = affine_map<(d0, d1) -> (0, 0)>
#map1 = affine_map<(d0, d1) -> (0)>
module attributes {stable_mosaic.version = 14 : i64} {
  func.func @k(%arg0: i32, %arg1: i32, %arg2: memref<100000x128xf32, #tpu.memory_space<hbm>>, %arg3: memref<100000x128xf32, #tpu.memory_space<hbm>>, %arg4: memref<100000x128xf32, #tpu.memory_space<hbm>>, %arg5: memref<100000x128xf32, #tpu.memory_space<hbm>>, %arg6: memref<100000xi32, #tpu.memory_space<hbm>>, %arg7: memref<100000xi32, #tpu.memory_space<hbm>>, %arg8: memref<100000x128xf32, #tpu.memory_space<hbm>>, %arg9: memref<112xi32, #tpu.memory_space<vmem>>, %arg10: memref<112xi32, #tpu.memory_space<vmem>>, %arg11: memref<112xi32, #tpu.memory_space<vmem>>, %arg12: memref<112xi32, #tpu.memory_space<vmem>>, %arg13: memref<112x128xf32, #tpu.memory_space<vmem>>, %arg14: memref<112x128xf32, #tpu.memory_space<vmem>>, %arg15: memref<112x128xf32, #tpu.memory_space<vmem>>, %arg16: memref<112x128xf32, #tpu.memory_space<vmem>>, %arg17: memref<112x128xf32, #tpu.memory_space<vmem>>, %arg18: memref<112x128xf32, #tpu.memory_space<vmem>>, %arg19: memref<112x128xf32, #tpu.memory_space<vmem>>, %arg20: memref<112x128xf32, #tpu.memory_space<vmem>>, %arg21: memref<!tpu.dma_semaphore, #tpu.memory_space<semaphore_mem>>, %arg22: memref<!tpu.dma_semaphore, #tpu.memory_space<semaphore_mem>>, %arg23: memref<!tpu.dma_semaphore, #tpu.memory_space<semaphore_mem>>, %arg24: memref<!tpu.dma_semaphore, #tpu.memory_space<semaphore_mem>>, %arg25: memref<!tpu.dma_semaphore, #tpu.memory_space<semaphore_mem>>, %arg26: memref<!tpu.dma_semaphore, #tpu.memory_space<semaphore_mem>>) attributes {dimension_semantics = [#tpu.dimension_semantics<core_parallel>, #tpu.dimension_semantics<subcore_parallel>], iteration_bounds = array<i64: 2, 16>, scalar_prefetch = 0 : i64, scratch_operands = 18 : i64, tpu.core_type = #tpu.core_type<sc_vector_subcore>, window_params = [{transform_indices = #map}, {transform_indices = #map}, {transform_indices = #map}, {transform_indices = #map}, {transform_indices = #map1}, {transform_indices = #map1}, {transform_indices = #map}]} {
    %mul3A = arith.constant 2 : i32
    %mul3A_0 = arith.muli %arg1, %mul3A : i32
    %add3A = arith.addi %mul3A_0, %arg0 : i32
    %sub3A = arith.constant 923 : i32
    %sub3A_1 = arith.subi %sub3A, %add3A : i32
    %jit3A = arith.constant 32 : i32
    %div3A = arith.divsi %sub3A_1, %jit3A : i32
    %sign3A = arith.constant 0 : i32
    %sign3A_2 = arith.cmpi sgt, %sub3A_1, %sign3A : i32
    %sign3A_3 = arith.extui %sign3A_2 : i1 to i32
    %sign3A_4 = arith.constant 0 : i32
    %sign3A_5 = arith.cmpi slt, %sub3A_1, %sign3A_4 : i32
    %sign3A_6 = arith.extui %sign3A_5 : i1 to i32
    %sign3A_7 = arith.subi %sign3A_3, %sign3A_6 : i32
    %sign3A_8 = arith.constant 0 : i32
    %sign3A_9 = arith.cmpi sgt, %jit3A, %sign3A_8 : i32
    %sign3A_10 = arith.extui %sign3A_9 : i1 to i32
    %sign3A_11 = arith.constant 0 : i32
    %sign3A_12 = arith.cmpi slt, %jit3A, %sign3A_11 : i32
    %sign3A_13 = arith.extui %sign3A_12 : i1 to i32
    %sign3A_14 = arith.subi %sign3A_10, %sign3A_13 : i32
    %ne3A = arith.cmpi ne, %sign3A_7, %sign3A_14 : i32
    %rem3A = arith.remsi %sub3A_1, %jit3A : i32
    %ne3A_15 = arith.constant 0 : i32
    %ne3A_16 = arith.cmpi ne, %rem3A, %ne3A_15 : i32
    %and3A = arith.andi %ne3A, %ne3A_16 : i1
    %sub3A_17 = arith.constant 1 : i32
    %sub3A_18 = arith.subi %div3A, %sub3A_17 : i32
    %select_n3A = arith.select %and3A, %sub3A_18, %div3A : i32
    %add3A_19 = arith.constant 0 : i32
    %add3A_20 = arith.addi %add3A, %add3A_19 : i32
    %mul3A_21 = arith.constant 112 : i32
    %mul3A_22 = arith.muli %add3A_20, %mul3A_21 : i32
    %dma_start3A = tpu.memref_slice %arg6[%mul3A_22] : memref<100000xi32, #tpu.memory_space<hbm>> -> memref<112xi32, #tpu.memory_space<hbm>>
    %dma_start3A_23 = tpu.memref_slice %arg6[%mul3A_22] : memref<100000xi32, #tpu.memory_space<hbm>> -> memref<112xi32, #tpu.memory_space<hbm>>
    tpu.enqueue_dma source(%dma_start3A_23 : memref<112xi32, #tpu.memory_space<hbm>>) target(%arg9 : memref<112xi32, #tpu.memory_space<vmem>>) target_semaphore(%arg21 : memref<!tpu.dma_semaphore, #tpu.memory_space<semaphore_mem>>)
    %dma_start3A_24 = tpu.memref_slice %arg7[%mul3A_22] : memref<100000xi32, #tpu.memory_space<hbm>> -> memref<112xi32, #tpu.memory_space<hbm>>
    %dma_start3A_25 = tpu.memref_slice %arg7[%mul3A_22] : memref<100000xi32, #tpu.memory_space<hbm>> -> memref<112xi32, #tpu.memory_space<hbm>>
    tpu.enqueue_dma source(%dma_start3A_25 : memref<112xi32, #tpu.memory_space<hbm>>) target(%arg11 : memref<112xi32, #tpu.memory_space<vmem>>) target_semaphore(%arg21 : memref<!tpu.dma_semaphore, #tpu.memory_space<semaphore_mem>>)
    %dma_wait3A = arith.constant 0 : i32
    %dma_wait3A_26 = tpu.memref_slice %arg6[%dma_wait3A] : memref<100000xi32, #tpu.memory_space<hbm>> -> memref<112xi32, #tpu.memory_space<hbm>>
    %dma_wait3A_27 = arith.constant 0 : i32
    %dma_wait3A_28 = tpu.memref_slice %arg6[%dma_wait3A_27] : memref<100000xi32, #tpu.memory_space<hbm>> -> memref<112xi32, #tpu.memory_space<hbm>>
    tpu.wait_dma2 semaphore(%arg21 : memref<!tpu.dma_semaphore, #tpu.memory_space<semaphore_mem>>) src(%dma_wait3A_28 : memref<112xi32, #tpu.memory_space<hbm>>) dst(%arg9 : memref<112xi32, #tpu.memory_space<vmem>>)
    %dma_wait3A_29 = arith.constant 0 : i32
    %dma_wait3A_30 = tpu.memref_slice %arg7[%dma_wait3A_29] : memref<100000xi32, #tpu.memory_space<hbm>> -> memref<112xi32, #tpu.memory_space<hbm>>
    %dma_wait3A_31 = arith.constant 0 : i32
    %dma_wait3A_32 = tpu.memref_slice %arg7[%dma_wait3A_31] : memref<100000xi32, #tpu.memory_space<hbm>> -> memref<112xi32, #tpu.memory_space<hbm>>
    tpu.wait_dma2 semaphore(%arg21 : memref<!tpu.dma_semaphore, #tpu.memory_space<semaphore_mem>>) src(%dma_wait3A_32 : memref<112xi32, #tpu.memory_space<hbm>>) dst(%arg11 : memref<112xi32, #tpu.memory_space<vmem>>)
    %add3A_33 = arith.constant 0 : i32
    %add3A_34 = arith.addi %add3A, %add3A_33 : i32
    %mul3A_35 = arith.constant 112 : i32
    %mul3A_36 = arith.muli %add3A_34, %mul3A_35 : i32
    %dma_start3A_37 = arith.constant 0 : i32
    %dma_start3A_38 = arith.constant 0 : i32
    %dma_start3A_39 = tpu.memref_slice %arg2[%dma_start3A_37, %dma_start3A_38] : memref<100000x128xf32, #tpu.memory_space<hbm>> -> memref<100000x128xf32, #tpu.memory_space<hbm>>
    tpu.enqueue_indirect_dma source(%dma_start3A_39 : memref<100000x128xf32, #tpu.memory_space<hbm>>) target(%arg13 : memref<112x128xf32, #tpu.memory_space<vmem>>) offsets(%arg9 : memref<112xi32, #tpu.memory_space<vmem>>) semaphore(%arg23 : memref<!tpu.dma_semaphore, #tpu.memory_space<semaphore_mem>>)
    %dma_start3A_40 = arith.constant 0 : i32
    %dma_start3A_41 = arith.constant 0 : i32
    %dma_start3A_42 = tpu.memref_slice %arg3[%dma_start3A_40, %dma_start3A_41] : memref<100000x128xf32, #tpu.memory_space<hbm>> -> memref<100000x128xf32, #tpu.memory_space<hbm>>
    tpu.enqueue_indirect_dma source(%dma_start3A_42 : memref<100000x128xf32, #tpu.memory_space<hbm>>) target(%arg15 : memref<112x128xf32, #tpu.memory_space<vmem>>) offsets(%arg11 : memref<112xi32, #tpu.memory_space<vmem>>) semaphore(%arg23 : memref<!tpu.dma_semaphore, #tpu.memory_space<semaphore_mem>>)
    %dma_start3A_43 = arith.constant 0 : i32
    %dma_start3A_44 = tpu.memref_slice %arg4[%mul3A_36, %dma_start3A_43] : memref<100000x128xf32, #tpu.memory_space<hbm>> -> memref<112x128xf32, #tpu.memory_space<hbm>>
    %dma_start3A_45 = arith.constant 0 : i32
    %dma_start3A_46 = tpu.memref_slice %arg4[%mul3A_36, %dma_start3A_45] : memref<100000x128xf32, #tpu.memory_space<hbm>> -> memref<112x128xf32, #tpu.memory_space<hbm>>
    tpu.enqueue_dma source(%dma_start3A_46 : memref<112x128xf32, #tpu.memory_space<hbm>>) target(%arg17 : memref<112x128xf32, #tpu.memory_space<vmem>>) target_semaphore(%arg23 : memref<!tpu.dma_semaphore, #tpu.memory_space<semaphore_mem>>)
    %dma_start3A_47 = arith.constant 0 : i32
    %dma_start3A_48 = tpu.memref_slice %arg5[%mul3A_36, %dma_start3A_47] : memref<100000x128xf32, #tpu.memory_space<hbm>> -> memref<112x128xf32, #tpu.memory_space<hbm>>
    %dma_start3A_49 = arith.constant 0 : i32
    %dma_start3A_50 = tpu.memref_slice %arg5[%mul3A_36, %dma_start3A_49] : memref<100000x128xf32, #tpu.memory_space<hbm>> -> memref<112x128xf32, #tpu.memory_space<hbm>>
    tpu.enqueue_dma source(%dma_start3A_50 : memref<112x128xf32, #tpu.memory_space<hbm>>) target(%arg19 : memref<112x128xf32, #tpu.memory_space<vmem>>) target_semaphore(%arg23 : memref<!tpu.dma_semaphore, #tpu.memory_space<semaphore_mem>>)
    %add3A_51 = arith.constant 32 : i32
    %add3A_52 = arith.addi %add3A, %add3A_51 : i32
    %mul3A_53 = arith.constant 112 : i32
    %mul3A_54 = arith.muli %add3A_52, %mul3A_53 : i32
    %dma_start3A_55 = tpu.memref_slice %arg6[%mul3A_54] : memref<100000xi32, #tpu.memory_space<hbm>> -> memref<112xi32, #tpu.memory_space<hbm>>
    %dma_start3A_56 = tpu.memref_slice %arg6[%mul3A_54] : memref<100000xi32, #tpu.memory_space<hbm>> -> memref<112xi32, #tpu.memory_space<hbm>>
    tpu.enqueue_dma source(%dma_start3A_56 : memref<112xi32, #tpu.memory_space<hbm>>) target(%arg10 : memref<112xi32, #tpu.memory_space<vmem>>) target_semaphore(%arg22 : memref<!tpu.dma_semaphore, #tpu.memory_space<semaphore_mem>>)
    %dma_start3A_57 = tpu.memref_slice %arg7[%mul3A_54] : memref<100000xi32, #tpu.memory_space<hbm>> -> memref<112xi32, #tpu.memory_space<hbm>>
    %dma_start3A_58 = tpu.memref_slice %arg7[%mul3A_54] : memref<100000xi32, #tpu.memory_space<hbm>> -> memref<112xi32, #tpu.memory_space<hbm>>
    tpu.enqueue_dma source(%dma_start3A_58 : memref<112xi32, #tpu.memory_space<hbm>>) target(%arg12 : memref<112xi32, #tpu.memory_space<vmem>>) target_semaphore(%arg22 : memref<!tpu.dma_semaphore, #tpu.memory_space<semaphore_mem>>)
    %scan3A = arith.constant 0 : i32
    %scan3A_59 = arith.constant 14 : i32
    %scan3A_60 = arith.addi %scan3A, %scan3A_59 : i32
    %scan3A_61 = arith.constant 1 : i32
    scf.for %scan3A_77 = %scan3A to %scan3A_60 step %scan3A_61  : i32 {
      %mul3A_78 = arith.constant 2 : i32
      %mul3A_79 = arith.muli %scan3A_77, %mul3A_78 : i32
      %add3A_80 = arith.constant 0 : i32
      %add3A_81 = arith.addi %add3A_80, %mul3A_79 : i32
      %add3A_82 = arith.constant 0 : i32
      %add3A_83 = arith.addi %add3A_81, %add3A_82 : i32
      %add3A_84 = arith.constant 0 : i32
      %add3A_85 = arith.addi %add3A_81, %add3A_84 : i32
      %lt3A = arith.cmpi slt, %add3A_85, %select_n3A : i32
      %convert_element_type3A_86 = arith.extui %lt3A : i1 to i32
      %cond3A_87 = arith.constant 0 : i32
      %cond3A_88 = arith.cmpi ne, %convert_element_type3A_86, %cond3A_87 : i32
      scf.if %cond3A_88 {
        %add3A_97 = arith.constant 1 : i32
        %add3A_98 = arith.addi %add3A_83, %add3A_97 : i32
        %lt3A_99 = arith.cmpi slt, %add3A_98, %select_n3A : i32
        %convert_element_type3A_100 = arith.extui %lt3A_99 : i1 to i32
        %cond3A_101 = arith.constant 0 : i32
        %cond3A_102 = arith.cmpi ne, %convert_element_type3A_100, %cond3A_101 : i32
        scf.if %cond3A_102 {
          %dma_wait3A_141 = arith.constant 0 : i32
          %dma_wait3A_142 = tpu.memref_slice %arg6[%dma_wait3A_141] : memref<100000xi32, #tpu.memory_space<hbm>> -> memref<112xi32, #tpu.memory_space<hbm>>
          %dma_wait3A_143 = arith.constant 0 : i32
          %dma_wait3A_144 = tpu.memref_slice %arg6[%dma_wait3A_143] : memref<100000xi32, #tpu.memory_space<hbm>> -> memref<112xi32, #tpu.memory_space<hbm>>
          tpu.wait_dma2 semaphore(%arg22 : memref<!tpu.dma_semaphore, #tpu.memory_space<semaphore_mem>>) src(%dma_wait3A_144 : memref<112xi32, #tpu.memory_space<hbm>>) dst(%arg10 : memref<112xi32, #tpu.memory_space<vmem>>)
          %dma_wait3A_145 = arith.constant 0 : i32
          %dma_wait3A_146 = tpu.memref_slice %arg7[%dma_wait3A_145] : memref<100000xi32, #tpu.memory_space<hbm>> -> memref<112xi32, #tpu.memory_space<hbm>>
          %dma_wait3A_147 = arith.constant 0 : i32
          %dma_wait3A_148 = tpu.memref_slice %arg7[%dma_wait3A_147] : memref<100000xi32, #tpu.memory_space<hbm>> -> memref<112xi32, #tpu.memory_space<hbm>>
          tpu.wait_dma2 semaphore(%arg22 : memref<!tpu.dma_semaphore, #tpu.memory_space<semaphore_mem>>) src(%dma_wait3A_148 : memref<112xi32, #tpu.memory_space<hbm>>) dst(%arg12 : memref<112xi32, #tpu.memory_space<vmem>>)
          %ge3A = arith.constant 1 : i32
          %ge3A_149 = arith.cmpi sge, %add3A_83, %ge3A : i32
          %convert_element_type3A_150 = arith.extui %ge3A_149 : i1 to i32
          %cond3A_151 = arith.constant 0 : i32
          %cond3A_152 = arith.cmpi ne, %convert_element_type3A_150, %cond3A_151 : i32
          scf.if %cond3A_152 {
            %dma_wait3A_174 = arith.constant 0 : i32
            %dma_wait3A_175 = arith.constant 0 : i32
            %dma_wait3A_176 = tpu.memref_slice %arg8[%dma_wait3A_174, %dma_wait3A_175] : memref<100000x128xf32, #tpu.memory_space<hbm>> -> memref<112x128xf32, #tpu.memory_space<hbm>>
            %dma_wait3A_177 = arith.constant 0 : i32
            %dma_wait3A_178 = arith.constant 0 : i32
            %dma_wait3A_179 = tpu.memref_slice %arg8[%dma_wait3A_177, %dma_wait3A_178] : memref<100000x128xf32, #tpu.memory_space<hbm>> -> memref<112x128xf32, #tpu.memory_space<hbm>>
            tpu.wait_dma2 semaphore(%arg26 : memref<!tpu.dma_semaphore, #tpu.memory_space<semaphore_mem>>) src(%arg14 : memref<112x128xf32, #tpu.memory_space<vmem>>) dst(%dma_wait3A_179 : memref<112x128xf32, #tpu.memory_space<hbm>>)
          } else {
          }
          %add3A_153 = arith.constant 1 : i32
          %add3A_154 = arith.addi %add3A_83, %add3A_153 : i32
          %mul3A_155 = arith.constant 32 : i32
          %mul3A_156 = arith.muli %add3A_154, %mul3A_155 : i32
          %add3A_157 = arith.addi %add3A, %mul3A_156 : i32
          %mul3A_158 = arith.constant 112 : i32
          %mul3A_159 = arith.muli %add3A_157, %mul3A_158 : i32
          %dma_start3A_160 = arith.constant 0 : i32
          %dma_start3A_161 = arith.constant 0 : i32
          %dma_start3A_162 = tpu.memref_slice %arg2[%dma_start3A_160, %dma_start3A_161] : memref<100000x128xf32, #tpu.memory_space<hbm>> -> memref<100000x128xf32, #tpu.memory_space<hbm>>
          tpu.enqueue_indirect_dma source(%dma_start3A_162 : memref<100000x128xf32, #tpu.memory_space<hbm>>) target(%arg14 : memref<112x128xf32, #tpu.memory_space<vmem>>) offsets(%arg10 : memref<112xi32, #tpu.memory_space<vmem>>) semaphore(%arg24 : memref<!tpu.dma_semaphore, #tpu.memory_space<semaphore_mem>>)
          %dma_start3A_163 = arith.constant 0 : i32
          %dma_start3A_164 = arith.constant 0 : i32
          %dma_start3A_165 = tpu.memref_slice %arg3[%dma_start3A_163, %dma_start3A_164] : memref<100000x128xf32, #tpu.memory_space<hbm>> -> memref<100000x128xf32, #tpu.memory_space<hbm>>
          tpu.enqueue_indirect_dma source(%dma_start3A_165 : memref<100000x128xf32, #tpu.memory_space<hbm>>) target(%arg16 : memref<112x128xf32, #tpu.memory_space<vmem>>) offsets(%arg12 : memref<112xi32, #tpu.memory_space<vmem>>) semaphore(%arg24 : memref<!tpu.dma_semaphore, #tpu.memory_space<semaphore_mem>>)
          %dma_start3A_166 = arith.constant 0 : i32
          %dma_start3A_167 = tpu.memref_slice %arg4[%mul3A_159, %dma_start3A_166] : memref<100000x128xf32, #tpu.memory_space<hbm>> -> memref<112x128xf32, #tpu.memory_space<hbm>>
          %dma_start3A_168 = arith.constant 0 : i32
          %dma_start3A_169 = tpu.memref_slice %arg4[%mul3A_159, %dma_start3A_168] : memref<100000x128xf32, #tpu.memory_space<hbm>> -> memref<112x128xf32, #tpu.memory_space<hbm>>
          tpu.enqueue_dma source(%dma_start3A_169 : memref<112x128xf32, #tpu.memory_space<hbm>>) target(%arg18 : memref<112x128xf32, #tpu.memory_space<vmem>>) target_semaphore(%arg24 : memref<!tpu.dma_semaphore, #tpu.memory_space<semaphore_mem>>)
          %dma_start3A_170 = arith.constant 0 : i32
          %dma_start3A_171 = tpu.memref_slice %arg5[%mul3A_159, %dma_start3A_170] : memref<100000x128xf32, #tpu.memory_space<hbm>> -> memref<112x128xf32, #tpu.memory_space<hbm>>
          %dma_start3A_172 = arith.constant 0 : i32
          %dma_start3A_173 = tpu.memref_slice %arg5[%mul3A_159, %dma_start3A_172] : memref<100000x128xf32, #tpu.memory_space<hbm>> -> memref<112x128xf32, #tpu.memory_space<hbm>>
          tpu.enqueue_dma source(%dma_start3A_173 : memref<112x128xf32, #tpu.memory_space<hbm>>) target(%arg20 : memref<112x128xf32, #tpu.memory_space<vmem>>) target_semaphore(%arg24 : memref<!tpu.dma_semaphore, #tpu.memory_space<semaphore_mem>>)
        } else {
        }
        %dma_wait3A_103 = arith.constant 0 : i32
        %dma_wait3A_104 = arith.constant 0 : i32
        %dma_wait3A_105 = tpu.memref_slice %arg2[%dma_wait3A_103, %dma_wait3A_104] : memref<100000x128xf32, #tpu.memory_space<hbm>> -> memref<100000x128xf32, #tpu.memory_space<hbm>>
        tpu.wait_indirect_dma semaphore(%arg23 : memref<!tpu.dma_semaphore, #tpu.memory_space<semaphore_mem>>) src(%dma_wait3A_105 : memref<100000x128xf32, #tpu.memory_space<hbm>>) dst(%arg13 : memref<112x128xf32, #tpu.memory_space<vmem>>)
        %dma_wait3A_106 = arith.constant 0 : i32
        %dma_wait3A_107 = arith.constant 0 : i32
        %dma_wait3A_108 = tpu.memref_slice %arg3[%dma_wait3A_106, %dma_wait3A_107] : memref<100000x128xf32, #tpu.memory_space<hbm>> -> memref<100000x128xf32, #tpu.memory_space<hbm>>
        tpu.wait_indirect_dma semaphore(%arg23 : memref<!tpu.dma_semaphore, #tpu.memory_space<semaphore_mem>>) src(%dma_wait3A_108 : memref<100000x128xf32, #tpu.memory_space<hbm>>) dst(%arg15 : memref<112x128xf32, #tpu.memory_space<vmem>>)
        %dma_wait3A_109 = arith.constant 0 : i32
        %dma_wait3A_110 = arith.constant 0 : i32
        %dma_wait3A_111 = tpu.memref_slice %arg4[%dma_wait3A_109, %dma_wait3A_110] : memref<100000x128xf32, #tpu.memory_space<hbm>> -> memref<112x128xf32, #tpu.memory_space<hbm>>
        %dma_wait3A_112 = arith.constant 0 : i32
        %dma_wait3A_113 = arith.constant 0 : i32
        %dma_wait3A_114 = tpu.memref_slice %arg4[%dma_wait3A_112, %dma_wait3A_113] : memref<100000x128xf32, #tpu.memory_space<hbm>> -> memref<112x128xf32, #tpu.memory_space<hbm>>
        tpu.wait_dma2 semaphore(%arg23 : memref<!tpu.dma_semaphore, #tpu.memory_space<semaphore_mem>>) src(%dma_wait3A_114 : memref<112x128xf32, #tpu.memory_space<hbm>>) dst(%arg17 : memref<112x128xf32, #tpu.memory_space<vmem>>)
        %dma_wait3A_115 = arith.constant 0 : i32
        %dma_wait3A_116 = arith.constant 0 : i32
        %dma_wait3A_117 = tpu.memref_slice %arg5[%dma_wait3A_115, %dma_wait3A_116] : memref<100000x128xf32, #tpu.memory_space<hbm>> -> memref<112x128xf32, #tpu.memory_space<hbm>>
        %dma_wait3A_118 = arith.constant 0 : i32
        %dma_wait3A_119 = arith.constant 0 : i32
        %dma_wait3A_120 = tpu.memref_slice %arg5[%dma_wait3A_118, %dma_wait3A_119] : memref<100000x128xf32, #tpu.memory_space<hbm>> -> memref<112x128xf32, #tpu.memory_space<hbm>>
        tpu.wait_dma2 semaphore(%arg23 : memref<!tpu.dma_semaphore, #tpu.memory_space<semaphore_mem>>) src(%dma_wait3A_120 : memref<112x128xf32, #tpu.memory_space<hbm>>) dst(%arg19 : memref<112x128xf32, #tpu.memory_space<vmem>>)
        %add3A_121 = arith.constant 2 : i32
        %add3A_122 = arith.addi %add3A_83, %add3A_121 : i32
        %lt3A_123 = arith.cmpi slt, %add3A_122, %select_n3A : i32
        %convert_element_type3A_124 = arith.extui %lt3A_123 : i1 to i32
        %cond3A_125 = arith.constant 0 : i32
        %cond3A_126 = arith.cmpi ne, %convert_element_type3A_124, %cond3A_125 : i32
        scf.if %cond3A_126 {
          %add3A_141 = arith.constant 2 : i32
          %add3A_142 = arith.addi %add3A_83, %add3A_141 : i32
          %mul3A_143 = arith.constant 32 : i32
          %mul3A_144 = arith.muli %add3A_142, %mul3A_143 : i32
          %add3A_145 = arith.addi %add3A, %mul3A_144 : i32
          %mul3A_146 = arith.constant 112 : i32
          %mul3A_147 = arith.muli %add3A_145, %mul3A_146 : i32
          %dma_start3A_148 = tpu.memref_slice %arg6[%mul3A_147] : memref<100000xi32, #tpu.memory_space<hbm>> -> memref<112xi32, #tpu.memory_space<hbm>>
          %dma_start3A_149 = tpu.memref_slice %arg6[%mul3A_147] : memref<100000xi32, #tpu.memory_space<hbm>> -> memref<112xi32, #tpu.memory_space<hbm>>
          tpu.enqueue_dma source(%dma_start3A_149 : memref<112xi32, #tpu.memory_space<hbm>>) target(%arg9 : memref<112xi32, #tpu.memory_space<vmem>>) target_semaphore(%arg21 : memref<!tpu.dma_semaphore, #tpu.memory_space<semaphore_mem>>)
          %dma_start3A_150 = tpu.memref_slice %arg7[%mul3A_147] : memref<100000xi32, #tpu.memory_space<hbm>> -> memref<112xi32, #tpu.memory_space<hbm>>
          %dma_start3A_151 = tpu.memref_slice %arg7[%mul3A_147] : memref<100000xi32, #tpu.memory_space<hbm>> -> memref<112xi32, #tpu.memory_space<hbm>>
          tpu.enqueue_dma source(%dma_start3A_151 : memref<112xi32, #tpu.memory_space<hbm>>) target(%arg11 : memref<112xi32, #tpu.memory_space<vmem>>) target_semaphore(%arg21 : memref<!tpu.dma_semaphore, #tpu.memory_space<semaphore_mem>>)
        } else {
        }
        %scan3A_127 = arith.constant 0 : i32
        %scan3A_128 = arith.constant 112 : i32
        %scan3A_129 = arith.addi %scan3A_127, %scan3A_128 : i32
        %scan3A_130 = arith.constant 1 : i32
        scf.for %scan3A_141 = %scan3A_127 to %scan3A_129 step %scan3A_130  : i32 {
          %mul3A_142 = arith.constant 1 : i32
          %mul3A_143 = arith.muli %scan3A_141, %mul3A_142 : i32
          %add3A_144 = arith.constant 0 : i32
          %add3A_145 = arith.addi %add3A_144, %mul3A_143 : i32
          %get3A = arith.index_cast %add3A_145 : i32 to index
          %get3A_146 = arith.constant 0 : index
          %get3A_147 = tpu.vector_load %arg13[%get3A, %get3A_146] {strides = array<i32>} : memref<112x128xf32, #tpu.memory_space<vmem>>, vector<1x16xf32>,
          %get3A_148 = vector.shape_cast %get3A_147 : vector<1x16xf32> to vector<16xf32>
          %get3A_149 = arith.index_cast %add3A_145 : i32 to index
          %get3A_150 = arith.constant 0 : index
          %get3A_151 = tpu.vector_load %arg15[%get3A_149, %get3A_150] {strides = array<i32>} : memref<112x128xf32, #tpu.memory_space<vmem>>, vector<1x16xf32>,
          %get3A_152 = vector.shape_cast %get3A_151 : vector<1x16xf32> to vector<16xf32>
          %add3A_153 = arith.addf %get3A_148, %get3A_152 : vector<16xf32>
          %get3A_154 = arith.index_cast %add3A_145 : i32 to index
          %get3A_155 = arith.constant 0 : index
          %get3A_156 = tpu.vector_load %arg17[%get3A_154, %get3A_155] {strides = array<i32>} : memref<112x128xf32, #tpu.memory_space<vmem>>, vector<1x16xf32>,
          %get3A_157 = vector.shape_cast %get3A_156 : vector<1x16xf32> to vector<16xf32>
          %add3A_158 = arith.addf %add3A_153, %get3A_157 : vector<16xf32>
          %get3A_159 = arith.index_cast %add3A_145 : i32 to index
          %get3A_160 = arith.constant 0 : index
          %get3A_161 = tpu.vector_load %arg19[%get3A_159, %get3A_160] {strides = array<i32>} : memref<112x128xf32, #tpu.memory_space<vmem>>, vector<1x16xf32>,
          %get3A_162 = vector.shape_cast %get3A_161 : vector<1x16xf32> to vector<16xf32>
          %max3A = arith.constant 0.000000e+00 : f32
          %max3A_163 = vector.broadcast %max3A : f32 to vector<16xf32>
          %max3A_164 = arith.maximumf %add3A_158, %max3A_163 : vector<16xf32>
          %add3A_165 = arith.addf %get3A_162, %max3A_164 : vector<16xf32>
          %swap3A = arith.index_cast %add3A_145 : i32 to index
          %swap3A_166 = arith.constant 0 : index
          %swap3A_167 = tpu.vector_load %arg13[%swap3A, %swap3A_166] {strides = array<i32>} : memref<112x128xf32, #tpu.memory_space<vmem>>, vector<1x16xf32>,
          %swap3A_168 = vector.shape_cast %swap3A_167 : vector<1x16xf32> to vector<16xf32>
          %swap3A_169 = vector.shape_cast %add3A_165 : vector<16xf32> to vector<1x16xf32>
          tpu.vector_store %arg13[%swap3A, %swap3A_166], %swap3A_169 {strides = array<i32>} : memref<112x128xf32, #tpu.memory_space<vmem>>, vector<1x16xf32>,
          %get3A_170 = arith.index_cast %add3A_145 : i32 to index
          %get3A_171 = arith.constant 16 : index
          %get3A_172 = tpu.vector_load %arg13[%get3A_170, %get3A_171] {strides = array<i32>} : memref<112x128xf32, #tpu.memory_space<vmem>>, vector<1x16xf32>,
          %get3A_173 = vector.shape_cast %get3A_172 : vector<1x16xf32> to vector<16xf32>
          %get3A_174 = arith.index_cast %add3A_145 : i32 to index
          %get3A_175 = arith.constant 16 : index
          %get3A_176 = tpu.vector_load %arg15[%get3A_174, %get3A_175] {strides = array<i32>} : memref<112x128xf32, #tpu.memory_space<vmem>>, vector<1x16xf32>,
          %get3A_177 = vector.shape_cast %get3A_176 : vector<1x16xf32> to vector<16xf32>
          %add3A_178 = arith.addf %get3A_173, %get3A_177 : vector<16xf32>
          %get3A_179 = arith.index_cast %add3A_145 : i32 to index
          %get3A_180 = arith.constant 16 : index
          %get3A_181 = tpu.vector_load %arg17[%get3A_179, %get3A_180] {strides = array<i32>} : memref<112x128xf32, #tpu.memory_space<vmem>>, vector<1x16xf32>,
          %get3A_182 = vector.shape_cast %get3A_181 : vector<1x16xf32> to vector<16xf32>
          %add3A_183 = arith.addf %add3A_178, %get3A_182 : vector<16xf32>
          %get3A_184 = arith.index_cast %add3A_145 : i32 to index
          %get3A_185 = arith.constant 16 : index
          %get3A_186 = tpu.vector_load %arg19[%get3A_184, %get3A_185] {strides = array<i32>} : memref<112x128xf32, #tpu.memory_space<vmem>>, vector<1x16xf32>,
          %get3A_187 = vector.shape_cast %get3A_186 : vector<1x16xf32> to vector<16xf32>
          %max3A_188 = arith.constant 0.000000e+00 : f32
          %max3A_189 = vector.broadcast %max3A_188 : f32 to vector<16xf32>
          %max3A_190 = arith.maximumf %add3A_183, %max3A_189 : vector<16xf32>
          %add3A_191 = arith.addf %get3A_187, %max3A_190 : vector<16xf32>
          %swap3A_192 = arith.index_cast %add3A_145 : i32 to index
          %swap3A_193 = arith.constant 16 : index
          %swap3A_194 = tpu.vector_load %arg13[%swap3A_192, %swap3A_193] {strides = array<i32>} : memref<112x128xf32, #tpu.memory_space<vmem>>, vector<1x16xf32>,
          %swap3A_195 = vector.shape_cast %swap3A_194 : vector<1x16xf32> to vector<16xf32>
          %swap3A_196 = vector.shape_cast %add3A_191 : vector<16xf32> to vector<1x16xf32>
          tpu.vector_store %arg13[%swap3A_192, %swap3A_193], %swap3A_196 {strides = array<i32>} : memref<112x128xf32, #tpu.memory_space<vmem>>, vector<1x16xf32>,
          %get3A_197 = arith.index_cast %add3A_145 : i32 to index
          %get3A_198 = arith.constant 32 : index
          %get3A_199 = tpu.vector_load %arg13[%get3A_197, %get3A_198] {strides = array<i32>} : memref<112x128xf32, #tpu.memory_space<vmem>>, vector<1x16xf32>,
          %get3A_200 = vector.shape_cast %get3A_199 : vector<1x16xf32> to vector<16xf32>
          %get3A_201 = arith.index_cast %add3A_145 : i32 to index
          %get3A_202 = arith.constant 32 : index
          %get3A_203 = tpu.vector_load %arg15[%get3A_201, %get3A_202] {strides = array<i32>} : memref<112x128xf32, #tpu.memory_space<vmem>>, vector<1x16xf32>,
          %get3A_204 = vector.shape_cast %get3A_203 : vector<1x16xf32> to vector<16xf32>
          %add3A_205 = arith.addf %get3A_200, %get3A_204 : vector<16xf32>
          %get3A_206 = arith.index_cast %add3A_145 : i32 to index
          %get3A_207 = arith.constant 32 : index
          %get3A_208 = tpu.vector_load %arg17[%get3A_206, %get3A_207] {strides = array<i32>} : memref<112x128xf32, #tpu.memory_space<vmem>>, vector<1x16xf32>,
          %get3A_209 = vector.shape_cast %get3A_208 : vector<1x16xf32> to vector<16xf32>
          %add3A_210 = arith.addf %add3A_205, %get3A_209 : vector<16xf32>
          %get3A_211 = arith.index_cast %add3A_145 : i32 to index
          %get3A_212 = arith.constant 32 : index
          %get3A_213 = tpu.vector_load %arg19[%get3A_211, %get3A_212] {strides = array<i32>} : memref<112x128xf32, #tpu.memory_space<vmem>>, vector<1x16xf32>,
          %get3A_214 = vector.shape_cast %get3A_213 : vector<1x16xf32> to vector<16xf32>
          %max3A_215 = arith.constant 0.000000e+00 : f32
          %max3A_216 = vector.broadcast %max3A_215 : f32 to vector<16xf32>
          %max3A_217 = arith.maximumf %add3A_210, %max3A_216 : vector<16xf32>
          %add3A_218 = arith.addf %get3A_214, %max3A_217 : vector<16xf32>
          %swap3A_219 = arith.index_cast %add3A_145 : i32 to index
          %swap3A_220 = arith.constant 32 : index
          %swap3A_221 = tpu.vector_load %arg13[%swap3A_219, %swap3A_220] {strides = array<i32>} : memref<112x128xf32, #tpu.memory_space<vmem>>, vector<1x16xf32>,
          %swap3A_222 = vector.shape_cast %swap3A_221 : vector<1x16xf32> to vector<16xf32>
          %swap3A_223 = vector.shape_cast %add3A_218 : vector<16xf32> to vector<1x16xf32>
          tpu.vector_store %arg13[%swap3A_219, %swap3A_220], %swap3A_223 {strides = array<i32>} : memref<112x128xf32, #tpu.memory_space<vmem>>, vector<1x16xf32>,
          %get3A_224 = arith.index_cast %add3A_145 : i32 to index
          %get3A_225 = arith.constant 48 : index
          %get3A_226 = tpu.vector_load %arg13[%get3A_224, %get3A_225] {strides = array<i32>} : memref<112x128xf32, #tpu.memory_space<vmem>>, vector<1x16xf32>,
          %get3A_227 = vector.shape_cast %get3A_226 : vector<1x16xf32> to vector<16xf32>
          %get3A_228 = arith.index_cast %add3A_145 : i32 to index
          %get3A_229 = arith.constant 48 : index
          %get3A_230 = tpu.vector_load %arg15[%get3A_228, %get3A_229] {strides = array<i32>} : memref<112x128xf32, #tpu.memory_space<vmem>>, vector<1x16xf32>,
          %get3A_231 = vector.shape_cast %get3A_230 : vector<1x16xf32> to vector<16xf32>
          %add3A_232 = arith.addf %get3A_227, %get3A_231 : vector<16xf32>
          %get3A_233 = arith.index_cast %add3A_145 : i32 to index
          %get3A_234 = arith.constant 48 : index
          %get3A_235 = tpu.vector_load %arg17[%get3A_233, %get3A_234] {strides = array<i32>} : memref<112x128xf32, #tpu.memory_space<vmem>>, vector<1x16xf32>,
          %get3A_236 = vector.shape_cast %get3A_235 : vector<1x16xf32> to vector<16xf32>
          %add3A_237 = arith.addf %add3A_232, %get3A_236 : vector<16xf32>
          %get3A_238 = arith.index_cast %add3A_145 : i32 to index
          %get3A_239 = arith.constant 48 : index
          %get3A_240 = tpu.vector_load %arg19[%get3A_238, %get3A_239] {strides = array<i32>} : memref<112x128xf32, #tpu.memory_space<vmem>>, vector<1x16xf32>,
          %get3A_241 = vector.shape_cast %get3A_240 : vector<1x16xf32> to vector<16xf32>
          %max3A_242 = arith.constant 0.000000e+00 : f32
          %max3A_243 = vector.broadcast %max3A_242 : f32 to vector<16xf32>
          %max3A_244 = arith.maximumf %add3A_237, %max3A_243 : vector<16xf32>
          %add3A_245 = arith.addf %get3A_241, %max3A_244 : vector<16xf32>
          %swap3A_246 = arith.index_cast %add3A_145 : i32 to index
          %swap3A_247 = arith.constant 48 : index
          %swap3A_248 = tpu.vector_load %arg13[%swap3A_246, %swap3A_247] {strides = array<i32>} : memref<112x128xf32, #tpu.memory_space<vmem>>, vector<1x16xf32>,
          %swap3A_249 = vector.shape_cast %swap3A_248 : vector<1x16xf32> to vector<16xf32>
          %swap3A_250 = vector.shape_cast %add3A_245 : vector<16xf32> to vector<1x16xf32>
          tpu.vector_store %arg13[%swap3A_246, %swap3A_247], %swap3A_250 {strides = array<i32>} : memref<112x128xf32, #tpu.memory_space<vmem>>, vector<1x16xf32>,
          %get3A_251 = arith.index_cast %add3A_145 : i32 to index
          %get3A_252 = arith.constant 64 : index
          %get3A_253 = tpu.vector_load %arg13[%get3A_251, %get3A_252] {strides = array<i32>} : memref<112x128xf32, #tpu.memory_space<vmem>>, vector<1x16xf32>,
          %get3A_254 = vector.shape_cast %get3A_253 : vector<1x16xf32> to vector<16xf32>
          %get3A_255 = arith.index_cast %add3A_145 : i32 to index
          %get3A_256 = arith.constant 64 : index
          %get3A_257 = tpu.vector_load %arg15[%get3A_255, %get3A_256] {strides = array<i32>} : memref<112x128xf32, #tpu.memory_space<vmem>>, vector<1x16xf32>,
          %get3A_258 = vector.shape_cast %get3A_257 : vector<1x16xf32> to vector<16xf32>
          %add3A_259 = arith.addf %get3A_254, %get3A_258 : vector<16xf32>
          %get3A_260 = arith.index_cast %add3A_145 : i32 to index
          %get3A_261 = arith.constant 64 : index
          %get3A_262 = tpu.vector_load %arg17[%get3A_260, %get3A_261] {strides = array<i32>} : memref<112x128xf32, #tpu.memory_space<vmem>>, vector<1x16xf32>,
          %get3A_263 = vector.shape_cast %get3A_262 : vector<1x16xf32> to vector<16xf32>
          %add3A_264 = arith.addf %add3A_259, %get3A_263 : vector<16xf32>
          %get3A_265 = arith.index_cast %add3A_145 : i32 to index
          %get3A_266 = arith.constant 64 : index
          %get3A_267 = tpu.vector_load %arg19[%get3A_265, %get3A_266] {strides = array<i32>} : memref<112x128xf32, #tpu.memory_space<vmem>>, vector<1x16xf32>,
          %get3A_268 = vector.shape_cast %get3A_267 : vector<1x16xf32> to vector<16xf32>
          %max3A_269 = arith.constant 0.000000e+00 : f32
          %max3A_270 = vector.broadcast %max3A_269 : f32 to vector<16xf32>
          %max3A_271 = arith.maximumf %add3A_264, %max3A_270 : vector<16xf32>
          %add3A_272 = arith.addf %get3A_268, %max3A_271 : vector<16xf32>
          %swap3A_273 = arith.index_cast %add3A_145 : i32 to index
          %swap3A_274 = arith.constant 64 : index
          %swap3A_275 = tpu.vector_load %arg13[%swap3A_273, %swap3A_274] {strides = array<i32>} : memref<112x128xf32, #tpu.memory_space<vmem>>, vector<1x16xf32>,
          %swap3A_276 = vector.shape_cast %swap3A_275 : vector<1x16xf32> to vector<16xf32>
          %swap3A_277 = vector.shape_cast %add3A_272 : vector<16xf32> to vector<1x16xf32>
          tpu.vector_store %arg13[%swap3A_273, %swap3A_274], %swap3A_277 {strides = array<i32>} : memref<112x128xf32, #tpu.memory_space<vmem>>, vector<1x16xf32>,
          %get3A_278 = arith.index_cast %add3A_145 : i32 to index
          %get3A_279 = arith.constant 80 : index
          %get3A_280 = tpu.vector_load %arg13[%get3A_278, %get3A_279] {strides = array<i32>} : memref<112x128xf32, #tpu.memory_space<vmem>>, vector<1x16xf32>,
          %get3A_281 = vector.shape_cast %get3A_280 : vector<1x16xf32> to vector<16xf32>
          %get3A_282 = arith.index_cast %add3A_145 : i32 to index
          %get3A_283 = arith.constant 80 : index
          %get3A_284 = tpu.vector_load %arg15[%get3A_282, %get3A_283] {strides = array<i32>} : memref<112x128xf32, #tpu.memory_space<vmem>>, vector<1x16xf32>,
          %get3A_285 = vector.shape_cast %get3A_284 : vector<1x16xf32> to vector<16xf32>
          %add3A_286 = arith.addf %get3A_281, %get3A_285 : vector<16xf32>
          %get3A_287 = arith.index_cast %add3A_145 : i32 to index
          %get3A_288 = arith.constant 80 : index
          %get3A_289 = tpu.vector_load %arg17[%get3A_287, %get3A_288] {strides = array<i32>} : memref<112x128xf32, #tpu.memory_space<vmem>>, vector<1x16xf32>,
          %get3A_290 = vector.shape_cast %get3A_289 : vector<1x16xf32> to vector<16xf32>
          %add3A_291 = arith.addf %add3A_286, %get3A_290 : vector<16xf32>
          %get3A_292 = arith.index_cast %add3A_145 : i32 to index
          %get3A_293 = arith.constant 80 : index
          %get3A_294 = tpu.vector_load %arg19[%get3A_292, %get3A_293] {strides = array<i32>} : memref<112x128xf32, #tpu.memory_space<vmem>>, vector<1x16xf32>,
          %get3A_295 = vector.shape_cast %get3A_294 : vector<1x16xf32> to vector<16xf32>
          %max3A_296 = arith.constant 0.000000e+00 : f32
          %max3A_297 = vector.broadcast %max3A_296 : f32 to vector<16xf32>
          %max3A_298 = arith.maximumf %add3A_291, %max3A_297 : vector<16xf32>
          %add3A_299 = arith.addf %get3A_295, %max3A_298 : vector<16xf32>
          %swap3A_300 = arith.index_cast %add3A_145 : i32 to index
          %swap3A_301 = arith.constant 80 : index
          %swap3A_302 = tpu.vector_load %arg13[%swap3A_300, %swap3A_301] {strides = array<i32>} : memref<112x128xf32, #tpu.memory_space<vmem>>, vector<1x16xf32>,
          %swap3A_303 = vector.shape_cast %swap3A_302 : vector<1x16xf32> to vector<16xf32>
          %swap3A_304 = vector.shape_cast %add3A_299 : vector<16xf32> to vector<1x16xf32>
          tpu.vector_store %arg13[%swap3A_300, %swap3A_301], %swap3A_304 {strides = array<i32>} : memref<112x128xf32, #tpu.memory_space<vmem>>, vector<1x16xf32>,
          %get3A_305 = arith.index_cast %add3A_145 : i32 to index
          %get3A_306 = arith.constant 96 : index
          %get3A_307 = tpu.vector_load %arg13[%get3A_305, %get3A_306] {strides = array<i32>} : memref<112x128xf32, #tpu.memory_space<vmem>>, vector<1x16xf32>,
          %get3A_308 = vector.shape_cast %get3A_307 : vector<1x16xf32> to vector<16xf32>
          %get3A_309 = arith.index_cast %add3A_145 : i32 to index
          %get3A_310 = arith.constant 96 : index
          %get3A_311 = tpu.vector_load %arg15[%get3A_309, %get3A_310] {strides = array<i32>} : memref<112x128xf32, #tpu.memory_space<vmem>>, vector<1x16xf32>,
          %get3A_312 = vector.shape_cast %get3A_311 : vector<1x16xf32> to vector<16xf32>
          %add3A_313 = arith.addf %get3A_308, %get3A_312 : vector<16xf32>
          %get3A_314 = arith.index_cast %add3A_145 : i32 to index
          %get3A_315 = arith.constant 96 : index
          %get3A_316 = tpu.vector_load %arg17[%get3A_314, %get3A_315] {strides = array<i32>} : memref<112x128xf32, #tpu.memory_space<vmem>>, vector<1x16xf32>,
          %get3A_317 = vector.shape_cast %get3A_316 : vector<1x16xf32> to vector<16xf32>
          %add3A_318 = arith.addf %add3A_313, %get3A_317 : vector<16xf32>
          %get3A_319 = arith.index_cast %add3A_145 : i32 to index
          %get3A_320 = arith.constant 96 : index
          %get3A_321 = tpu.vector_load %arg19[%get3A_319, %get3A_320] {strides = array<i32>} : memref<112x128xf32, #tpu.memory_space<vmem>>, vector<1x16xf32>,
          %get3A_322 = vector.shape_cast %get3A_321 : vector<1x16xf32> to vector<16xf32>
          %max3A_323 = arith.constant 0.000000e+00 : f32
          %max3A_324 = vector.broadcast %max3A_323 : f32 to vector<16xf32>
          %max3A_325 = arith.maximumf %add3A_318, %max3A_324 : vector<16xf32>
          %add3A_326 = arith.addf %get3A_322, %max3A_325 : vector<16xf32>
          %swap3A_327 = arith.index_cast %add3A_145 : i32 to index
          %swap3A_328 = arith.constant 96 : index
          %swap3A_329 = tpu.vector_load %arg13[%swap3A_327, %swap3A_328] {strides = array<i32>} : memref<112x128xf32, #tpu.memory_space<vmem>>, vector<1x16xf32>,
          %swap3A_330 = vector.shape_cast %swap3A_329 : vector<1x16xf32> to vector<16xf32>
          %swap3A_331 = vector.shape_cast %add3A_326 : vector<16xf32> to vector<1x16xf32>
          tpu.vector_store %arg13[%swap3A_327, %swap3A_328], %swap3A_331 {strides = array<i32>} : memref<112x128xf32, #tpu.memory_space<vmem>>, vector<1x16xf32>,
          %get3A_332 = arith.index_cast %add3A_145 : i32 to index
          %get3A_333 = arith.constant 112 : index
          %get3A_334 = tpu.vector_load %arg13[%get3A_332, %get3A_333] {strides = array<i32>} : memref<112x128xf32, #tpu.memory_space<vmem>>, vector<1x16xf32>,
          %get3A_335 = vector.shape_cast %get3A_334 : vector<1x16xf32> to vector<16xf32>
          %get3A_336 = arith.index_cast %add3A_145 : i32 to index
          %get3A_337 = arith.constant 112 : index
          %get3A_338 = tpu.vector_load %arg15[%get3A_336, %get3A_337] {strides = array<i32>} : memref<112x128xf32, #tpu.memory_space<vmem>>, vector<1x16xf32>,
          %get3A_339 = vector.shape_cast %get3A_338 : vector<1x16xf32> to vector<16xf32>
          %add3A_340 = arith.addf %get3A_335, %get3A_339 : vector<16xf32>
          %get3A_341 = arith.index_cast %add3A_145 : i32 to index
          %get3A_342 = arith.constant 112 : index
          %get3A_343 = tpu.vector_load %arg17[%get3A_341, %get3A_342] {strides = array<i32>} : memref<112x128xf32, #tpu.memory_space<vmem>>, vector<1x16xf32>,
          %get3A_344 = vector.shape_cast %get3A_343 : vector<1x16xf32> to vector<16xf32>
          %add3A_345 = arith.addf %add3A_340, %get3A_344 : vector<16xf32>
          %get3A_346 = arith.index_cast %add3A_145 : i32 to index
          %get3A_347 = arith.constant 112 : index
          %get3A_348 = tpu.vector_load %arg19[%get3A_346, %get3A_347] {strides = array<i32>} : memref<112x128xf32, #tpu.memory_space<vmem>>, vector<1x16xf32>,
          %get3A_349 = vector.shape_cast %get3A_348 : vector<1x16xf32> to vector<16xf32>
          %max3A_350 = arith.constant 0.000000e+00 : f32
          %max3A_351 = vector.broadcast %max3A_350 : f32 to vector<16xf32>
          %max3A_352 = arith.maximumf %add3A_345, %max3A_351 : vector<16xf32>
          %add3A_353 = arith.addf %get3A_349, %max3A_352 : vector<16xf32>
          %swap3A_354 = arith.index_cast %add3A_145 : i32 to index
          %swap3A_355 = arith.constant 112 : index
          %swap3A_356 = tpu.vector_load %arg13[%swap3A_354, %swap3A_355] {strides = array<i32>} : memref<112x128xf32, #tpu.memory_space<vmem>>, vector<1x16xf32>,
          %swap3A_357 = vector.shape_cast %swap3A_356 : vector<1x16xf32> to vector<16xf32>
          %swap3A_358 = vector.shape_cast %add3A_353 : vector<16xf32> to vector<1x16xf32>
          tpu.vector_store %arg13[%swap3A_354, %swap3A_355], %swap3A_358 {strides = array<i32>} : memref<112x128xf32, #tpu.memory_space<vmem>>, vector<1x16xf32>,
        }
        %scan3A_131 = arith.constant 112 : i32
        %mul3A_132 = arith.constant 32 : i32
        %mul3A_133 = arith.muli %add3A_83, %mul3A_132 : i32
        %add3A_134 = arith.addi %add3A, %mul3A_133 : i32
        %mul3A_135 = arith.constant 112 : i32
        %mul3A_136 = arith.muli %add3A_134, %mul3A_135 : i32
        %dma_start3A_137 = arith.constant 0 : i32
        %dma_start3A_138 = tpu.memref_slice %arg8[%mul3A_136, %dma_start3A_137] : memref<100000x128xf32, #tpu.memory_space<hbm>> -> memref<112x128xf32, #tpu.memory_space<hbm>>
        %dma_start3A_139 = arith.constant 0 : i32
        %dma_start3A_140 = tpu.memref_slice %arg8[%mul3A_136, %dma_start3A_139] : memref<100000x128xf32, #tpu.memory_space<hbm>> -> memref<112x128xf32, #tpu.memory_space<hbm>>
        tpu.enqueue_dma source(%arg13 : memref<112x128xf32, #tpu.memory_space<vmem>>) target(%dma_start3A_140 : memref<112x128xf32, #tpu.memory_space<hbm>>) target_semaphore(%arg25 : memref<!tpu.dma_semaphore, #tpu.memory_space<semaphore_mem>>)
      } else {
      }
      %add3A_89 = arith.constant 1 : i32
      %add3A_90 = arith.addi %add3A_81, %add3A_89 : i32
      %add3A_91 = arith.constant 1 : i32
      %add3A_92 = arith.addi %add3A_81, %add3A_91 : i32
      %lt3A_93 = arith.cmpi slt, %add3A_92, %select_n3A : i32
      %convert_element_type3A_94 = arith.extui %lt3A_93 : i1 to i32
      %cond3A_95 = arith.constant 0 : i32
      %cond3A_96 = arith.cmpi ne, %convert_element_type3A_94, %cond3A_95 : i32
      scf.if %cond3A_96 {
        %add3A_97 = arith.constant 1 : i32
        %add3A_98 = arith.addi %add3A_90, %add3A_97 : i32
        %lt3A_99 = arith.cmpi slt, %add3A_98, %select_n3A : i32
        %convert_element_type3A_100 = arith.extui %lt3A_99 : i1 to i32
        %cond3A_101 = arith.constant 0 : i32
        %cond3A_102 = arith.cmpi ne, %convert_element_type3A_100, %cond3A_101 : i32
        scf.if %cond3A_102 {
          %dma_wait3A_141 = arith.constant 0 : i32
          %dma_wait3A_142 = tpu.memref_slice %arg6[%dma_wait3A_141] : memref<100000xi32, #tpu.memory_space<hbm>> -> memref<112xi32, #tpu.memory_space<hbm>>
          %dma_wait3A_143 = arith.constant 0 : i32
          %dma_wait3A_144 = tpu.memref_slice %arg6[%dma_wait3A_143] : memref<100000xi32, #tpu.memory_space<hbm>> -> memref<112xi32, #tpu.memory_space<hbm>>
          tpu.wait_dma2 semaphore(%arg21 : memref<!tpu.dma_semaphore, #tpu.memory_space<semaphore_mem>>) src(%dma_wait3A_144 : memref<112xi32, #tpu.memory_space<hbm>>) dst(%arg9 : memref<112xi32, #tpu.memory_space<vmem>>)
          %dma_wait3A_145 = arith.constant 0 : i32
          %dma_wait3A_146 = tpu.memref_slice %arg7[%dma_wait3A_145] : memref<100000xi32, #tpu.memory_space<hbm>> -> memref<112xi32, #tpu.memory_space<hbm>>
          %dma_wait3A_147 = arith.constant 0 : i32
          %dma_wait3A_148 = tpu.memref_slice %arg7[%dma_wait3A_147] : memref<100000xi32, #tpu.memory_space<hbm>> -> memref<112xi32, #tpu.memory_space<hbm>>
          tpu.wait_dma2 semaphore(%arg21 : memref<!tpu.dma_semaphore, #tpu.memory_space<semaphore_mem>>) src(%dma_wait3A_148 : memref<112xi32, #tpu.memory_space<hbm>>) dst(%arg11 : memref<112xi32, #tpu.memory_space<vmem>>)
          %ge3A = arith.constant 1 : i32
          %ge3A_149 = arith.cmpi sge, %add3A_90, %ge3A : i32
          %convert_element_type3A_150 = arith.extui %ge3A_149 : i1 to i32
          %cond3A_151 = arith.constant 0 : i32
          %cond3A_152 = arith.cmpi ne, %convert_element_type3A_150, %cond3A_151 : i32
          scf.if %cond3A_152 {
            %dma_wait3A_174 = arith.constant 0 : i32
            %dma_wait3A_175 = arith.constant 0 : i32
            %dma_wait3A_176 = tpu.memref_slice %arg8[%dma_wait3A_174, %dma_wait3A_175] : memref<100000x128xf32, #tpu.memory_space<hbm>> -> memref<112x128xf32, #tpu.memory_space<hbm>>
            %dma_wait3A_177 = arith.constant 0 : i32
            %dma_wait3A_178 = arith.constant 0 : i32
            %dma_wait3A_179 = tpu.memref_slice %arg8[%dma_wait3A_177, %dma_wait3A_178] : memref<100000x128xf32, #tpu.memory_space<hbm>> -> memref<112x128xf32, #tpu.memory_space<hbm>>
            tpu.wait_dma2 semaphore(%arg25 : memref<!tpu.dma_semaphore, #tpu.memory_space<semaphore_mem>>) src(%arg13 : memref<112x128xf32, #tpu.memory_space<vmem>>) dst(%dma_wait3A_179 : memref<112x128xf32, #tpu.memory_space<hbm>>)
          } else {
          }
          %add3A_153 = arith.constant 1 : i32
          %add3A_154 = arith.addi %add3A_90, %add3A_153 : i32
          %mul3A_155 = arith.constant 32 : i32
          %mul3A_156 = arith.muli %add3A_154, %mul3A_155 : i32
          %add3A_157 = arith.addi %add3A, %mul3A_156 : i32
          %mul3A_158 = arith.constant 112 : i32
          %mul3A_159 = arith.muli %add3A_157, %mul3A_158 : i32
          %dma_start3A_160 = arith.constant 0 : i32
          %dma_start3A_161 = arith.constant 0 : i32
          %dma_start3A_162 = tpu.memref_slice %arg2[%dma_start3A_160, %dma_start3A_161] : memref<100000x128xf32, #tpu.memory_space<hbm>> -> memref<100000x128xf32, #tpu.memory_space<hbm>>
          tpu.enqueue_indirect_dma source(%dma_start3A_162 : memref<100000x128xf32, #tpu.memory_space<hbm>>) target(%arg13 : memref<112x128xf32, #tpu.memory_space<vmem>>) offsets(%arg9 : memref<112xi32, #tpu.memory_space<vmem>>) semaphore(%arg23 : memref<!tpu.dma_semaphore, #tpu.memory_space<semaphore_mem>>)
          %dma_start3A_163 = arith.constant 0 : i32
          %dma_start3A_164 = arith.constant 0 : i32
          %dma_start3A_165 = tpu.memref_slice %arg3[%dma_start3A_163, %dma_start3A_164] : memref<100000x128xf32, #tpu.memory_space<hbm>> -> memref<100000x128xf32, #tpu.memory_space<hbm>>
          tpu.enqueue_indirect_dma source(%dma_start3A_165 : memref<100000x128xf32, #tpu.memory_space<hbm>>) target(%arg15 : memref<112x128xf32, #tpu.memory_space<vmem>>) offsets(%arg11 : memref<112xi32, #tpu.memory_space<vmem>>) semaphore(%arg23 : memref<!tpu.dma_semaphore, #tpu.memory_space<semaphore_mem>>)
          %dma_start3A_166 = arith.constant 0 : i32
          %dma_start3A_167 = tpu.memref_slice %arg4[%mul3A_159, %dma_start3A_166] : memref<100000x128xf32, #tpu.memory_space<hbm>> -> memref<112x128xf32, #tpu.memory_space<hbm>>
          %dma_start3A_168 = arith.constant 0 : i32
          %dma_start3A_169 = tpu.memref_slice %arg4[%mul3A_159, %dma_start3A_168] : memref<100000x128xf32, #tpu.memory_space<hbm>> -> memref<112x128xf32, #tpu.memory_space<hbm>>
          tpu.enqueue_dma source(%dma_start3A_169 : memref<112x128xf32, #tpu.memory_space<hbm>>) target(%arg17 : memref<112x128xf32, #tpu.memory_space<vmem>>) target_semaphore(%arg23 : memref<!tpu.dma_semaphore, #tpu.memory_space<semaphore_mem>>)
          %dma_start3A_170 = arith.constant 0 : i32
          %dma_start3A_171 = tpu.memref_slice %arg5[%mul3A_159, %dma_start3A_170] : memref<100000x128xf32, #tpu.memory_space<hbm>> -> memref<112x128xf32, #tpu.memory_space<hbm>>
          %dma_start3A_172 = arith.constant 0 : i32
          %dma_start3A_173 = tpu.memref_slice %arg5[%mul3A_159, %dma_start3A_172] : memref<100000x128xf32, #tpu.memory_space<hbm>> -> memref<112x128xf32, #tpu.memory_space<hbm>>
          tpu.enqueue_dma source(%dma_start3A_173 : memref<112x128xf32, #tpu.memory_space<hbm>>) target(%arg19 : memref<112x128xf32, #tpu.memory_space<vmem>>) target_semaphore(%arg23 : memref<!tpu.dma_semaphore, #tpu.memory_space<semaphore_mem>>)
        } else {
        }
        %dma_wait3A_103 = arith.constant 0 : i32
        %dma_wait3A_104 = arith.constant 0 : i32
        %dma_wait3A_105 = tpu.memref_slice %arg2[%dma_wait3A_103, %dma_wait3A_104] : memref<100000x128xf32, #tpu.memory_space<hbm>> -> memref<100000x128xf32, #tpu.memory_space<hbm>>
        tpu.wait_indirect_dma semaphore(%arg24 : memref<!tpu.dma_semaphore, #tpu.memory_space<semaphore_mem>>) src(%dma_wait3A_105 : memref<100000x128xf32, #tpu.memory_space<hbm>>) dst(%arg14 : memref<112x128xf32, #tpu.memory_space<vmem>>)
        %dma_wait3A_106 = arith.constant 0 : i32
        %dma_wait3A_107 = arith.constant 0 : i32
        %dma_wait3A_108 = tpu.memref_slice %arg3[%dma_wait3A_106, %dma_wait3A_107] : memref<100000x128xf32, #tpu.memory_space<hbm>> -> memref<100000x128xf32, #tpu.memory_space<hbm>>
        tpu.wait_indirect_dma semaphore(%arg24 : memref<!tpu.dma_semaphore, #tpu.memory_space<semaphore_mem>>) src(%dma_wait3A_108 : memref<100000x128xf32, #tpu.memory_space<hbm>>) dst(%arg16 : memref<112x128xf32, #tpu.memory_space<vmem>>)
        %dma_wait3A_109 = arith.constant 0 : i32
        %dma_wait3A_110 = arith.constant 0 : i32
        %dma_wait3A_111 = tpu.memref_slice %arg4[%dma_wait3A_109, %dma_wait3A_110] : memref<100000x128xf32, #tpu.memory_space<hbm>> -> memref<112x128xf32, #tpu.memory_space<hbm>>
        %dma_wait3A_112 = arith.constant 0 : i32
        %dma_wait3A_113 = arith.constant 0 : i32
        %dma_wait3A_114 = tpu.memref_slice %arg4[%dma_wait3A_112, %dma_wait3A_113] : memref<100000x128xf32, #tpu.memory_space<hbm>> -> memref<112x128xf32, #tpu.memory_space<hbm>>
        tpu.wait_dma2 semaphore(%arg24 : memref<!tpu.dma_semaphore, #tpu.memory_space<semaphore_mem>>) src(%dma_wait3A_114 : memref<112x128xf32, #tpu.memory_space<hbm>>) dst(%arg18 : memref<112x128xf32, #tpu.memory_space<vmem>>)
        %dma_wait3A_115 = arith.constant 0 : i32
        %dma_wait3A_116 = arith.constant 0 : i32
        %dma_wait3A_117 = tpu.memref_slice %arg5[%dma_wait3A_115, %dma_wait3A_116] : memref<100000x128xf32, #tpu.memory_space<hbm>> -> memref<112x128xf32, #tpu.memory_space<hbm>>
        %dma_wait3A_118 = arith.constant 0 : i32
        %dma_wait3A_119 = arith.constant 0 : i32
        %dma_wait3A_120 = tpu.memref_slice %arg5[%dma_wait3A_118, %dma_wait3A_119] : memref<100000x128xf32, #tpu.memory_space<hbm>> -> memref<112x128xf32, #tpu.memory_space<hbm>>
        tpu.wait_dma2 semaphore(%arg24 : memref<!tpu.dma_semaphore, #tpu.memory_space<semaphore_mem>>) src(%dma_wait3A_120 : memref<112x128xf32, #tpu.memory_space<hbm>>) dst(%arg20 : memref<112x128xf32, #tpu.memory_space<vmem>>)
        %add3A_121 = arith.constant 2 : i32
        %add3A_122 = arith.addi %add3A_90, %add3A_121 : i32
        %lt3A_123 = arith.cmpi slt, %add3A_122, %select_n3A : i32
        %convert_element_type3A_124 = arith.extui %lt3A_123 : i1 to i32
        %cond3A_125 = arith.constant 0 : i32
        %cond3A_126 = arith.cmpi ne, %convert_element_type3A_124, %cond3A_125 : i32
        scf.if %cond3A_126 {
          %add3A_141 = arith.constant 2 : i32
          %add3A_142 = arith.addi %add3A_90, %add3A_141 : i32
          %mul3A_143 = arith.constant 32 : i32
          %mul3A_144 = arith.muli %add3A_142, %mul3A_143 : i32
          %add3A_145 = arith.addi %add3A, %mul3A_144 : i32
          %mul3A_146 = arith.constant 112 : i32
          %mul3A_147 = arith.muli %add3A_145, %mul3A_146 : i32
          %dma_start3A_148 = tpu.memref_slice %arg6[%mul3A_147] : memref<100000xi32, #tpu.memory_space<hbm>> -> memref<112xi32, #tpu.memory_space<hbm>>
          %dma_start3A_149 = tpu.memref_slice %arg6[%mul3A_147] : memref<100000xi32, #tpu.memory_space<hbm>> -> memref<112xi32, #tpu.memory_space<hbm>>
          tpu.enqueue_dma source(%dma_start3A_149 : memref<112xi32, #tpu.memory_space<hbm>>) target(%arg10 : memref<112xi32, #tpu.memory_space<vmem>>) target_semaphore(%arg22 : memref<!tpu.dma_semaphore, #tpu.memory_space<semaphore_mem>>)
          %dma_start3A_150 = tpu.memref_slice %arg7[%mul3A_147] : memref<100000xi32, #tpu.memory_space<hbm>> -> memref<112xi32, #tpu.memory_space<hbm>>
          %dma_start3A_151 = tpu.memref_slice %arg7[%mul3A_147] : memref<100000xi32, #tpu.memory_space<hbm>> -> memref<112xi32, #tpu.memory_space<hbm>>
          tpu.enqueue_dma source(%dma_start3A_151 : memref<112xi32, #tpu.memory_space<hbm>>) target(%arg12 : memref<112xi32, #tpu.memory_space<vmem>>) target_semaphore(%arg22 : memref<!tpu.dma_semaphore, #tpu.memory_space<semaphore_mem>>)
        } else {
        }
        %scan3A_127 = arith.constant 0 : i32
        %scan3A_128 = arith.constant 112 : i32
        %scan3A_129 = arith.addi %scan3A_127, %scan3A_128 : i32
        %scan3A_130 = arith.constant 1 : i32
        scf.for %scan3A_141 = %scan3A_127 to %scan3A_129 step %scan3A_130  : i32 {
          %mul3A_142 = arith.constant 1 : i32
          %mul3A_143 = arith.muli %scan3A_141, %mul3A_142 : i32
          %add3A_144 = arith.constant 0 : i32
          %add3A_145 = arith.addi %add3A_144, %mul3A_143 : i32
          %get3A = arith.index_cast %add3A_145 : i32 to index
          %get3A_146 = arith.constant 0 : index
          %get3A_147 = tpu.vector_load %arg14[%get3A, %get3A_146] {strides = array<i32>} : memref<112x128xf32, #tpu.memory_space<vmem>>, vector<1x16xf32>,
          %get3A_148 = vector.shape_cast %get3A_147 : vector<1x16xf32> to vector<16xf32>
          %get3A_149 = arith.index_cast %add3A_145 : i32 to index
          %get3A_150 = arith.constant 0 : index
          %get3A_151 = tpu.vector_load %arg16[%get3A_149, %get3A_150] {strides = array<i32>} : memref<112x128xf32, #tpu.memory_space<vmem>>, vector<1x16xf32>,
          %get3A_152 = vector.shape_cast %get3A_151 : vector<1x16xf32> to vector<16xf32>
          %add3A_153 = arith.addf %get3A_148, %get3A_152 : vector<16xf32>
          %get3A_154 = arith.index_cast %add3A_145 : i32 to index
          %get3A_155 = arith.constant 0 : index
          %get3A_156 = tpu.vector_load %arg18[%get3A_154, %get3A_155] {strides = array<i32>} : memref<112x128xf32, #tpu.memory_space<vmem>>, vector<1x16xf32>,
          %get3A_157 = vector.shape_cast %get3A_156 : vector<1x16xf32> to vector<16xf32>
          %add3A_158 = arith.addf %add3A_153, %get3A_157 : vector<16xf32>
          %get3A_159 = arith.index_cast %add3A_145 : i32 to index
          %get3A_160 = arith.constant 0 : index
          %get3A_161 = tpu.vector_load %arg20[%get3A_159, %get3A_160] {strides = array<i32>} : memref<112x128xf32, #tpu.memory_space<vmem>>, vector<1x16xf32>,
          %get3A_162 = vector.shape_cast %get3A_161 : vector<1x16xf32> to vector<16xf32>
          %max3A = arith.constant 0.000000e+00 : f32
          %max3A_163 = vector.broadcast %max3A : f32 to vector<16xf32>
          %max3A_164 = arith.maximumf %add3A_158, %max3A_163 : vector<16xf32>
          %add3A_165 = arith.addf %get3A_162, %max3A_164 : vector<16xf32>
          %swap3A = arith.index_cast %add3A_145 : i32 to index
          %swap3A_166 = arith.constant 0 : index
          %swap3A_167 = tpu.vector_load %arg14[%swap3A, %swap3A_166] {strides = array<i32>} : memref<112x128xf32, #tpu.memory_space<vmem>>, vector<1x16xf32>,
          %swap3A_168 = vector.shape_cast %swap3A_167 : vector<1x16xf32> to vector<16xf32>
          %swap3A_169 = vector.shape_cast %add3A_165 : vector<16xf32> to vector<1x16xf32>
          tpu.vector_store %arg14[%swap3A, %swap3A_166], %swap3A_169 {strides = array<i32>} : memref<112x128xf32, #tpu.memory_space<vmem>>, vector<1x16xf32>,
          %get3A_170 = arith.index_cast %add3A_145 : i32 to index
          %get3A_171 = arith.constant 16 : index
          %get3A_172 = tpu.vector_load %arg14[%get3A_170, %get3A_171] {strides = array<i32>} : memref<112x128xf32, #tpu.memory_space<vmem>>, vector<1x16xf32>,
          %get3A_173 = vector.shape_cast %get3A_172 : vector<1x16xf32> to vector<16xf32>
          %get3A_174 = arith.index_cast %add3A_145 : i32 to index
          %get3A_175 = arith.constant 16 : index
          %get3A_176 = tpu.vector_load %arg16[%get3A_174, %get3A_175] {strides = array<i32>} : memref<112x128xf32, #tpu.memory_space<vmem>>, vector<1x16xf32>,
          %get3A_177 = vector.shape_cast %get3A_176 : vector<1x16xf32> to vector<16xf32>
          %add3A_178 = arith.addf %get3A_173, %get3A_177 : vector<16xf32>
          %get3A_179 = arith.index_cast %add3A_145 : i32 to index
          %get3A_180 = arith.constant 16 : index
          %get3A_181 = tpu.vector_load %arg18[%get3A_179, %get3A_180] {strides = array<i32>} : memref<112x128xf32, #tpu.memory_space<vmem>>, vector<1x16xf32>,
          %get3A_182 = vector.shape_cast %get3A_181 : vector<1x16xf32> to vector<16xf32>
          %add3A_183 = arith.addf %add3A_178, %get3A_182 : vector<16xf32>
          %get3A_184 = arith.index_cast %add3A_145 : i32 to index
          %get3A_185 = arith.constant 16 : index
          %get3A_186 = tpu.vector_load %arg20[%get3A_184, %get3A_185] {strides = array<i32>} : memref<112x128xf32, #tpu.memory_space<vmem>>, vector<1x16xf32>,
          %get3A_187 = vector.shape_cast %get3A_186 : vector<1x16xf32> to vector<16xf32>
          %max3A_188 = arith.constant 0.000000e+00 : f32
          %max3A_189 = vector.broadcast %max3A_188 : f32 to vector<16xf32>
          %max3A_190 = arith.maximumf %add3A_183, %max3A_189 : vector<16xf32>
          %add3A_191 = arith.addf %get3A_187, %max3A_190 : vector<16xf32>
          %swap3A_192 = arith.index_cast %add3A_145 : i32 to index
          %swap3A_193 = arith.constant 16 : index
          %swap3A_194 = tpu.vector_load %arg14[%swap3A_192, %swap3A_193] {strides = array<i32>} : memref<112x128xf32, #tpu.memory_space<vmem>>, vector<1x16xf32>,
          %swap3A_195 = vector.shape_cast %swap3A_194 : vector<1x16xf32> to vector<16xf32>
          %swap3A_196 = vector.shape_cast %add3A_191 : vector<16xf32> to vector<1x16xf32>
          tpu.vector_store %arg14[%swap3A_192, %swap3A_193], %swap3A_196 {strides = array<i32>} : memref<112x128xf32, #tpu.memory_space<vmem>>, vector<1x16xf32>,
          %get3A_197 = arith.index_cast %add3A_145 : i32 to index
          %get3A_198 = arith.constant 32 : index
          %get3A_199 = tpu.vector_load %arg14[%get3A_197, %get3A_198] {strides = array<i32>} : memref<112x128xf32, #tpu.memory_space<vmem>>, vector<1x16xf32>,
          %get3A_200 = vector.shape_cast %get3A_199 : vector<1x16xf32> to vector<16xf32>
          %get3A_201 = arith.index_cast %add3A_145 : i32 to index
          %get3A_202 = arith.constant 32 : index
          %get3A_203 = tpu.vector_load %arg16[%get3A_201, %get3A_202] {strides = array<i32>} : memref<112x128xf32, #tpu.memory_space<vmem>>, vector<1x16xf32>,
          %get3A_204 = vector.shape_cast %get3A_203 : vector<1x16xf32> to vector<16xf32>
          %add3A_205 = arith.addf %get3A_200, %get3A_204 : vector<16xf32>
          %get3A_206 = arith.index_cast %add3A_145 : i32 to index
          %get3A_207 = arith.constant 32 : index
          %get3A_208 = tpu.vector_load %arg18[%get3A_206, %get3A_207] {strides = array<i32>} : memref<112x128xf32, #tpu.memory_space<vmem>>, vector<1x16xf32>,
          %get3A_209 = vector.shape_cast %get3A_208 : vector<1x16xf32> to vector<16xf32>
          %add3A_210 = arith.addf %add3A_205, %get3A_209 : vector<16xf32>
          %get3A_211 = arith.index_cast %add3A_145 : i32 to index
          %get3A_212 = arith.constant 32 : index
          %get3A_213 = tpu.vector_load %arg20[%get3A_211, %get3A_212] {strides = array<i32>} : memref<112x128xf32, #tpu.memory_space<vmem>>, vector<1x16xf32>,
          %get3A_214 = vector.shape_cast %get3A_213 : vector<1x16xf32> to vector<16xf32>
          %max3A_215 = arith.constant 0.000000e+00 : f32
          %max3A_216 = vector.broadcast %max3A_215 : f32 to vector<16xf32>
          %max3A_217 = arith.maximumf %add3A_210, %max3A_216 : vector<16xf32>
          %add3A_218 = arith.addf %get3A_214, %max3A_217 : vector<16xf32>
          %swap3A_219 = arith.index_cast %add3A_145 : i32 to index
          %swap3A_220 = arith.constant 32 : index
          %swap3A_221 = tpu.vector_load %arg14[%swap3A_219, %swap3A_220] {strides = array<i32>} : memref<112x128xf32, #tpu.memory_space<vmem>>, vector<1x16xf32>,
          %swap3A_222 = vector.shape_cast %swap3A_221 : vector<1x16xf32> to vector<16xf32>
          %swap3A_223 = vector.shape_cast %add3A_218 : vector<16xf32> to vector<1x16xf32>
          tpu.vector_store %arg14[%swap3A_219, %swap3A_220], %swap3A_223 {strides = array<i32>} : memref<112x128xf32, #tpu.memory_space<vmem>>, vector<1x16xf32>,
          %get3A_224 = arith.index_cast %add3A_145 : i32 to index
          %get3A_225 = arith.constant 48 : index
          %get3A_226 = tpu.vector_load %arg14[%get3A_224, %get3A_225] {strides = array<i32>} : memref<112x128xf32, #tpu.memory_space<vmem>>, vector<1x16xf32>,
          %get3A_227 = vector.shape_cast %get3A_226 : vector<1x16xf32> to vector<16xf32>
          %get3A_228 = arith.index_cast %add3A_145 : i32 to index
          %get3A_229 = arith.constant 48 : index
          %get3A_230 = tpu.vector_load %arg16[%get3A_228, %get3A_229] {strides = array<i32>} : memref<112x128xf32, #tpu.memory_space<vmem>>, vector<1x16xf32>,
          %get3A_231 = vector.shape_cast %get3A_230 : vector<1x16xf32> to vector<16xf32>
          %add3A_232 = arith.addf %get3A_227, %get3A_231 : vector<16xf32>
          %get3A_233 = arith.index_cast %add3A_145 : i32 to index
          %get3A_234 = arith.constant 48 : index
          %get3A_235 = tpu.vector_load %arg18[%get3A_233, %get3A_234] {strides = array<i32>} : memref<112x128xf32, #tpu.memory_space<vmem>>, vector<1x16xf32>,
          %get3A_236 = vector.shape_cast %get3A_235 : vector<1x16xf32> to vector<16xf32>
          %add3A_237 = arith.addf %add3A_232, %get3A_236 : vector<16xf32>
          %get3A_238 = arith.index_cast %add3A_145 : i32 to index
          %get3A_239 = arith.constant 48 : index
          %get3A_240 = tpu.vector_load %arg20[%get3A_238, %get3A_239] {strides = array<i32>} : memref<112x128xf32, #tpu.memory_space<vmem>>, vector<1x16xf32>,
          %get3A_241 = vector.shape_cast %get3A_240 : vector<1x16xf32> to vector<16xf32>
          %max3A_242 = arith.constant 0.000000e+00 : f32
          %max3A_243 = vector.broadcast %max3A_242 : f32 to vector<16xf32>
          %max3A_244 = arith.maximumf %add3A_237, %max3A_243 : vector<16xf32>
          %add3A_245 = arith.addf %get3A_241, %max3A_244 : vector<16xf32>
          %swap3A_246 = arith.index_cast %add3A_145 : i32 to index
          %swap3A_247 = arith.constant 48 : index
          %swap3A_248 = tpu.vector_load %arg14[%swap3A_246, %swap3A_247] {strides = array<i32>} : memref<112x128xf32, #tpu.memory_space<vmem>>, vector<1x16xf32>,
          %swap3A_249 = vector.shape_cast %swap3A_248 : vector<1x16xf32> to vector<16xf32>
          %swap3A_250 = vector.shape_cast %add3A_245 : vector<16xf32> to vector<1x16xf32>
          tpu.vector_store %arg14[%swap3A_246, %swap3A_247], %swap3A_250 {strides = array<i32>} : memref<112x128xf32, #tpu.memory_space<vmem>>, vector<1x16xf32>,
          %get3A_251 = arith.index_cast %add3A_145 : i32 to index
          %get3A_252 = arith.constant 64 : index
          %get3A_253 = tpu.vector_load %arg14[%get3A_251, %get3A_252] {strides = array<i32>} : memref<112x128xf32, #tpu.memory_space<vmem>>, vector<1x16xf32>,
          %get3A_254 = vector.shape_cast %get3A_253 : vector<1x16xf32> to vector<16xf32>
          %get3A_255 = arith.index_cast %add3A_145 : i32 to index
          %get3A_256 = arith.constant 64 : index
          %get3A_257 = tpu.vector_load %arg16[%get3A_255, %get3A_256] {strides = array<i32>} : memref<112x128xf32, #tpu.memory_space<vmem>>, vector<1x16xf32>,
          %get3A_258 = vector.shape_cast %get3A_257 : vector<1x16xf32> to vector<16xf32>
          %add3A_259 = arith.addf %get3A_254, %get3A_258 : vector<16xf32>
          %get3A_260 = arith.index_cast %add3A_145 : i32 to index
          %get3A_261 = arith.constant 64 : index
          %get3A_262 = tpu.vector_load %arg18[%get3A_260, %get3A_261] {strides = array<i32>} : memref<112x128xf32, #tpu.memory_space<vmem>>, vector<1x16xf32>,
          %get3A_263 = vector.shape_cast %get3A_262 : vector<1x16xf32> to vector<16xf32>
          %add3A_264 = arith.addf %add3A_259, %get3A_263 : vector<16xf32>
          %get3A_265 = arith.index_cast %add3A_145 : i32 to index
          %get3A_266 = arith.constant 64 : index
          %get3A_267 = tpu.vector_load %arg20[%get3A_265, %get3A_266] {strides = array<i32>} : memref<112x128xf32, #tpu.memory_space<vmem>>, vector<1x16xf32>,
          %get3A_268 = vector.shape_cast %get3A_267 : vector<1x16xf32> to vector<16xf32>
          %max3A_269 = arith.constant 0.000000e+00 : f32
          %max3A_270 = vector.broadcast %max3A_269 : f32 to vector<16xf32>
          %max3A_271 = arith.maximumf %add3A_264, %max3A_270 : vector<16xf32>
          %add3A_272 = arith.addf %get3A_268, %max3A_271 : vector<16xf32>
          %swap3A_273 = arith.index_cast %add3A_145 : i32 to index
          %swap3A_274 = arith.constant 64 : index
          %swap3A_275 = tpu.vector_load %arg14[%swap3A_273, %swap3A_274] {strides = array<i32>} : memref<112x128xf32, #tpu.memory_space<vmem>>, vector<1x16xf32>,
          %swap3A_276 = vector.shape_cast %swap3A_275 : vector<1x16xf32> to vector<16xf32>
          %swap3A_277 = vector.shape_cast %add3A_272 : vector<16xf32> to vector<1x16xf32>
          tpu.vector_store %arg14[%swap3A_273, %swap3A_274], %swap3A_277 {strides = array<i32>} : memref<112x128xf32, #tpu.memory_space<vmem>>, vector<1x16xf32>,
          %get3A_278 = arith.index_cast %add3A_145 : i32 to index
          %get3A_279 = arith.constant 80 : index
          %get3A_280 = tpu.vector_load %arg14[%get3A_278, %get3A_279] {strides = array<i32>} : memref<112x128xf32, #tpu.memory_space<vmem>>, vector<1x16xf32>,
          %get3A_281 = vector.shape_cast %get3A_280 : vector<1x16xf32> to vector<16xf32>
          %get3A_282 = arith.index_cast %add3A_145 : i32 to index
          %get3A_283 = arith.constant 80 : index
          %get3A_284 = tpu.vector_load %arg16[%get3A_282, %get3A_283] {strides = array<i32>} : memref<112x128xf32, #tpu.memory_space<vmem>>, vector<1x16xf32>,
          %get3A_285 = vector.shape_cast %get3A_284 : vector<1x16xf32> to vector<16xf32>
          %add3A_286 = arith.addf %get3A_281, %get3A_285 : vector<16xf32>
          %get3A_287 = arith.index_cast %add3A_145 : i32 to index
          %get3A_288 = arith.constant 80 : index
          %get3A_289 = tpu.vector_load %arg18[%get3A_287, %get3A_288] {strides = array<i32>} : memref<112x128xf32, #tpu.memory_space<vmem>>, vector<1x16xf32>,
          %get3A_290 = vector.shape_cast %get3A_289 : vector<1x16xf32> to vector<16xf32>
          %add3A_291 = arith.addf %add3A_286, %get3A_290 : vector<16xf32>
          %get3A_292 = arith.index_cast %add3A_145 : i32 to index
          %get3A_293 = arith.constant 80 : index
          %get3A_294 = tpu.vector_load %arg20[%get3A_292, %get3A_293] {strides = array<i32>} : memref<112x128xf32, #tpu.memory_space<vmem>>, vector<1x16xf32>,
          %get3A_295 = vector.shape_cast %get3A_294 : vector<1x16xf32> to vector<16xf32>
          %max3A_296 = arith.constant 0.000000e+00 : f32
          %max3A_297 = vector.broadcast %max3A_296 : f32 to vector<16xf32>
          %max3A_298 = arith.maximumf %add3A_291, %max3A_297 : vector<16xf32>
          %add3A_299 = arith.addf %get3A_295, %max3A_298 : vector<16xf32>
          %swap3A_300 = arith.index_cast %add3A_145 : i32 to index
          %swap3A_301 = arith.constant 80 : index
          %swap3A_302 = tpu.vector_load %arg14[%swap3A_300, %swap3A_301] {strides = array<i32>} : memref<112x128xf32, #tpu.memory_space<vmem>>, vector<1x16xf32>,
          %swap3A_303 = vector.shape_cast %swap3A_302 : vector<1x16xf32> to vector<16xf32>
          %swap3A_304 = vector.shape_cast %add3A_299 : vector<16xf32> to vector<1x16xf32>
          tpu.vector_store %arg14[%swap3A_300, %swap3A_301], %swap3A_304 {strides = array<i32>} : memref<112x128xf32, #tpu.memory_space<vmem>>, vector<1x16xf32>,
          %get3A_305 = arith.index_cast %add3A_145 : i32 to index
          %get3A_306 = arith.constant 96 : index
          %get3A_307 = tpu.vector_load %arg14[%get3A_305, %get3A_306] {strides = array<i32>} : memref<112x128xf32, #tpu.memory_space<vmem>>, vector<1x16xf32>,
          %get3A_308 = vector.shape_cast %get3A_307 : vector<1x16xf32> to vector<16xf32>
          %get3A_309 = arith.index_cast %add3A_145 : i32 to index
          %get3A_310 = arith.constant 96 : index
          %get3A_311 = tpu.vector_load %arg16[%get3A_309, %get3A_310] {strides = array<i32>} : memref<112x128xf32, #tpu.memory_space<vmem>>, vector<1x16xf32>,
          %get3A_312 = vector.shape_cast %get3A_311 : vector<1x16xf32> to vector<16xf32>
          %add3A_313 = arith.addf %get3A_308, %get3A_312 : vector<16xf32>
          %get3A_314 = arith.index_cast %add3A_145 : i32 to index
          %get3A_315 = arith.constant 96 : index
          %get3A_316 = tpu.vector_load %arg18[%get3A_314, %get3A_315] {strides = array<i32>} : memref<112x128xf32, #tpu.memory_space<vmem>>, vector<1x16xf32>,
          %get3A_317 = vector.shape_cast %get3A_316 : vector<1x16xf32> to vector<16xf32>
          %add3A_318 = arith.addf %add3A_313, %get3A_317 : vector<16xf32>
          %get3A_319 = arith.index_cast %add3A_145 : i32 to index
          %get3A_320 = arith.constant 96 : index
          %get3A_321 = tpu.vector_load %arg20[%get3A_319, %get3A_320] {strides = array<i32>} : memref<112x128xf32, #tpu.memory_space<vmem>>, vector<1x16xf32>,
          %get3A_322 = vector.shape_cast %get3A_321 : vector<1x16xf32> to vector<16xf32>
          %max3A_323 = arith.constant 0.000000e+00 : f32
          %max3A_324 = vector.broadcast %max3A_323 : f32 to vector<16xf32>
          %max3A_325 = arith.maximumf %add3A_318, %max3A_324 : vector<16xf32>
          %add3A_326 = arith.addf %get3A_322, %max3A_325 : vector<16xf32>
          %swap3A_327 = arith.index_cast %add3A_145 : i32 to index
          %swap3A_328 = arith.constant 96 : index
          %swap3A_329 = tpu.vector_load %arg14[%swap3A_327, %swap3A_328] {strides = array<i32>} : memref<112x128xf32, #tpu.memory_space<vmem>>, vector<1x16xf32>,
          %swap3A_330 = vector.shape_cast %swap3A_329 : vector<1x16xf32> to vector<16xf32>
          %swap3A_331 = vector.shape_cast %add3A_326 : vector<16xf32> to vector<1x16xf32>
          tpu.vector_store %arg14[%swap3A_327, %swap3A_328], %swap3A_331 {strides = array<i32>} : memref<112x128xf32, #tpu.memory_space<vmem>>, vector<1x16xf32>,
          %get3A_332 = arith.index_cast %add3A_145 : i32 to index
          %get3A_333 = arith.constant 112 : index
          %get3A_334 = tpu.vector_load %arg14[%get3A_332, %get3A_333] {strides = array<i32>} : memref<112x128xf32, #tpu.memory_space<vmem>>, vector<1x16xf32>,
          %get3A_335 = vector.shape_cast %get3A_334 : vector<1x16xf32> to vector<16xf32>
          %get3A_336 = arith.index_cast %add3A_145 : i32 to index
          %get3A_337 = arith.constant 112 : index
          %get3A_338 = tpu.vector_load %arg16[%get3A_336, %get3A_337] {strides = array<i32>} : memref<112x128xf32, #tpu.memory_space<vmem>>, vector<1x16xf32>,
          %get3A_339 = vector.shape_cast %get3A_338 : vector<1x16xf32> to vector<16xf32>
          %add3A_340 = arith.addf %get3A_335, %get3A_339 : vector<16xf32>
          %get3A_341 = arith.index_cast %add3A_145 : i32 to index
          %get3A_342 = arith.constant 112 : index
          %get3A_343 = tpu.vector_load %arg18[%get3A_341, %get3A_342] {strides = array<i32>} : memref<112x128xf32, #tpu.memory_space<vmem>>, vector<1x16xf32>,
          %get3A_344 = vector.shape_cast %get3A_343 : vector<1x16xf32> to vector<16xf32>
          %add3A_345 = arith.addf %add3A_340, %get3A_344 : vector<16xf32>
          %get3A_346 = arith.index_cast %add3A_145 : i32 to index
          %get3A_347 = arith.constant 112 : index
          %get3A_348 = tpu.vector_load %arg20[%get3A_346, %get3A_347] {strides = array<i32>} : memref<112x128xf32, #tpu.memory_space<vmem>>, vector<1x16xf32>,
          %get3A_349 = vector.shape_cast %get3A_348 : vector<1x16xf32> to vector<16xf32>
          %max3A_350 = arith.constant 0.000000e+00 : f32
          %max3A_351 = vector.broadcast %max3A_350 : f32 to vector<16xf32>
          %max3A_352 = arith.maximumf %add3A_345, %max3A_351 : vector<16xf32>
          %add3A_353 = arith.addf %get3A_349, %max3A_352 : vector<16xf32>
          %swap3A_354 = arith.index_cast %add3A_145 : i32 to index
          %swap3A_355 = arith.constant 112 : index
          %swap3A_356 = tpu.vector_load %arg14[%swap3A_354, %swap3A_355] {strides = array<i32>} : memref<112x128xf32, #tpu.memory_space<vmem>>, vector<1x16xf32>,
          %swap3A_357 = vector.shape_cast %swap3A_356 : vector<1x16xf32> to vector<16xf32>
          %swap3A_358 = vector.shape_cast %add3A_353 : vector<16xf32> to vector<1x16xf32>
          tpu.vector_store %arg14[%swap3A_354, %swap3A_355], %swap3A_358 {strides = array<i32>} : memref<112x128xf32, #tpu.memory_space<vmem>>, vector<1x16xf32>,
        }
        %scan3A_131 = arith.constant 112 : i32
        %mul3A_132 = arith.constant 32 : i32
        %mul3A_133 = arith.muli %add3A_90, %mul3A_132 : i32
        %add3A_134 = arith.addi %add3A, %mul3A_133 : i32
        %mul3A_135 = arith.constant 112 : i32
        %mul3A_136 = arith.muli %add3A_134, %mul3A_135 : i32
        %dma_start3A_137 = arith.constant 0 : i32
        %dma_start3A_138 = tpu.memref_slice %arg8[%mul3A_136, %dma_start3A_137] : memref<100000x128xf32, #tpu.memory_space<hbm>> -> memref<112x128xf32, #tpu.memory_space<hbm>>
        %dma_start3A_139 = arith.constant 0 : i32
        %dma_start3A_140 = tpu.memref_slice %arg8[%mul3A_136, %dma_start3A_139] : memref<100000x128xf32, #tpu.memory_space<hbm>> -> memref<112x128xf32, #tpu.memory_space<hbm>>
        tpu.enqueue_dma source(%arg14 : memref<112x128xf32, #tpu.memory_space<vmem>>) target(%dma_start3A_140 : memref<112x128xf32, #tpu.memory_space<hbm>>) target_semaphore(%arg26 : memref<!tpu.dma_semaphore, #tpu.memory_space<semaphore_mem>>)
      } else {
      }
    }
    %scan3A_62 = arith.constant 14 : i32
    %dma_wait3A_63 = arith.constant 0 : i32
    %dma_wait3A_64 = arith.constant 0 : i32
    %dma_wait3A_65 = tpu.memref_slice %arg8[%dma_wait3A_63, %dma_wait3A_64] : memref<100000x128xf32, #tpu.memory_space<hbm>> -> memref<112x128xf32, #tpu.memory_space<hbm>>
    %dma_wait3A_66 = arith.constant 0 : i32
    %dma_wait3A_67 = arith.constant 0 : i32
    %dma_wait3A_68 = tpu.memref_slice %arg8[%dma_wait3A_66, %dma_wait3A_67] : memref<100000x128xf32, #tpu.memory_space<hbm>> -> memref<112x128xf32, #tpu.memory_space<hbm>>
    tpu.wait_dma2 semaphore(%arg25 : memref<!tpu.dma_semaphore, #tpu.memory_space<semaphore_mem>>) src(%arg13 : memref<112x128xf32, #tpu.memory_space<vmem>>) dst(%dma_wait3A_68 : memref<112x128xf32, #tpu.memory_space<hbm>>)
    %dma_wait3A_69 = arith.constant 0 : i32
    %dma_wait3A_70 = arith.constant 0 : i32
    %dma_wait3A_71 = tpu.memref_slice %arg8[%dma_wait3A_69, %dma_wait3A_70] : memref<100000x128xf32, #tpu.memory_space<hbm>> -> memref<112x128xf32, #tpu.memory_space<hbm>>
    %dma_wait3A_72 = arith.constant 0 : i32
    %dma_wait3A_73 = arith.constant 0 : i32
    %dma_wait3A_74 = tpu.memref_slice %arg8[%dma_wait3A_72, %dma_wait3A_73] : memref<100000x128xf32, #tpu.memory_space<hbm>> -> memref<112x128xf32, #tpu.memory_space<hbm>>
    tpu.wait_dma2 semaphore(%arg26 : memref<!tpu.dma_semaphore, #tpu.memory_space<semaphore_mem>>) src(%arg14 : memref<112x128xf32, #tpu.memory_space<vmem>>) dst(%dma_wait3A_74 : memref<112x128xf32, #tpu.memory_space<hbm>>)
    %eq3A = arith.constant 31 : i32
    %eq3A_75 = arith.cmpi eq, %add3A, %eq3A : i32
    %convert_element_type3A = arith.extui %eq3A_75 : i1 to i32
    %cond3A = arith.constant 0 : i32
    %cond3A_76 = arith.cmpi ne, %convert_element_type3A, %cond3A : i32
    scf.if %cond3A_76 {
      %dma_start3A_77 = arith.constant 0 : i32
      %dma_start3A_78 = tpu.memref_slice %arg9[%dma_start3A_77] : memref<112xi32, #tpu.memory_space<vmem>> -> memref<96xi32, #tpu.memory_space<vmem>>
      %dma_start3A_79 = arith.constant 99904 : i32
      %dma_start3A_80 = tpu.memref_slice %arg6[%dma_start3A_79] : memref<100000xi32, #tpu.memory_space<hbm>> -> memref<96xi32, #tpu.memory_space<hbm>>
      %dma_start3A_81 = arith.constant 0 : i32
      %dma_start3A_82 = tpu.memref_slice %arg9[%dma_start3A_81] : memref<112xi32, #tpu.memory_space<vmem>> -> memref<96xi32, #tpu.memory_space<vmem>>
      %dma_start3A_83 = arith.constant 99904 : i32
      %dma_start3A_84 = tpu.memref_slice %arg6[%dma_start3A_83] : memref<100000xi32, #tpu.memory_space<hbm>> -> memref<96xi32, #tpu.memory_space<hbm>>
      tpu.enqueue_dma source(%dma_start3A_84 : memref<96xi32, #tpu.memory_space<hbm>>) target(%dma_start3A_82 : memref<96xi32, #tpu.memory_space<vmem>>) target_semaphore(%arg21 : memref<!tpu.dma_semaphore, #tpu.memory_space<semaphore_mem>>)
      %dma_start3A_85 = arith.constant 0 : i32
      %dma_start3A_86 = tpu.memref_slice %arg11[%dma_start3A_85] : memref<112xi32, #tpu.memory_space<vmem>> -> memref<96xi32, #tpu.memory_space<vmem>>
      %dma_start3A_87 = arith.constant 99904 : i32
      %dma_start3A_88 = tpu.memref_slice %arg7[%dma_start3A_87] : memref<100000xi32, #tpu.memory_space<hbm>> -> memref<96xi32, #tpu.memory_space<hbm>>
      %dma_start3A_89 = arith.constant 0 : i32
      %dma_start3A_90 = tpu.memref_slice %arg11[%dma_start3A_89] : memref<112xi32, #tpu.memory_space<vmem>> -> memref<96xi32, #tpu.memory_space<vmem>>
      %dma_start3A_91 = arith.constant 99904 : i32
      %dma_start3A_92 = tpu.memref_slice %arg7[%dma_start3A_91] : memref<100000xi32, #tpu.memory_space<hbm>> -> memref<96xi32, #tpu.memory_space<hbm>>
      tpu.enqueue_dma source(%dma_start3A_92 : memref<96xi32, #tpu.memory_space<hbm>>) target(%dma_start3A_90 : memref<96xi32, #tpu.memory_space<vmem>>) target_semaphore(%arg21 : memref<!tpu.dma_semaphore, #tpu.memory_space<semaphore_mem>>)
      %dma_wait3A_93 = arith.constant 0 : i32
      %dma_wait3A_94 = tpu.memref_slice %arg9[%dma_wait3A_93] : memref<112xi32, #tpu.memory_space<vmem>> -> memref<96xi32, #tpu.memory_space<vmem>>
      %dma_wait3A_95 = arith.constant 0 : i32
      %dma_wait3A_96 = tpu.memref_slice %arg6[%dma_wait3A_95] : memref<100000xi32, #tpu.memory_space<hbm>> -> memref<96xi32, #tpu.memory_space<hbm>>
      %dma_wait3A_97 = arith.constant 0 : i32
      %dma_wait3A_98 = tpu.memref_slice %arg9[%dma_wait3A_97] : memref<112xi32, #tpu.memory_space<vmem>> -> memref<96xi32, #tpu.memory_space<vmem>>
      %dma_wait3A_99 = arith.constant 0 : i32
      %dma_wait3A_100 = tpu.memref_slice %arg6[%dma_wait3A_99] : memref<100000xi32, #tpu.memory_space<hbm>> -> memref<96xi32, #tpu.memory_space<hbm>>
      tpu.wait_dma2 semaphore(%arg21 : memref<!tpu.dma_semaphore, #tpu.memory_space<semaphore_mem>>) src(%dma_wait3A_100 : memref<96xi32, #tpu.memory_space<hbm>>) dst(%dma_wait3A_98 : memref<96xi32, #tpu.memory_space<vmem>>)
      %dma_wait3A_101 = arith.constant 0 : i32
      %dma_wait3A_102 = tpu.memref_slice %arg11[%dma_wait3A_101] : memref<112xi32, #tpu.memory_space<vmem>> -> memref<96xi32, #tpu.memory_space<vmem>>
      %dma_wait3A_103 = arith.constant 0 : i32
      %dma_wait3A_104 = tpu.memref_slice %arg7[%dma_wait3A_103] : memref<100000xi32, #tpu.memory_space<hbm>> -> memref<96xi32, #tpu.memory_space<hbm>>
      %dma_wait3A_105 = arith.constant 0 : i32
      %dma_wait3A_106 = tpu.memref_slice %arg11[%dma_wait3A_105] : memref<112xi32, #tpu.memory_space<vmem>> -> memref<96xi32, #tpu.memory_space<vmem>>
      %dma_wait3A_107 = arith.constant 0 : i32
      %dma_wait3A_108 = tpu.memref_slice %arg7[%dma_wait3A_107] : memref<100000xi32, #tpu.memory_space<hbm>> -> memref<96xi32, #tpu.memory_space<hbm>>
      tpu.wait_dma2 semaphore(%arg21 : memref<!tpu.dma_semaphore, #tpu.memory_space<semaphore_mem>>) src(%dma_wait3A_108 : memref<96xi32, #tpu.memory_space<hbm>>) dst(%dma_wait3A_106 : memref<96xi32, #tpu.memory_space<vmem>>)
      %dma_start3A_109 = arith.constant 0 : i32
      %dma_start3A_110 = arith.constant 0 : i32
      %dma_start3A_111 = tpu.memref_slice %arg13[%dma_start3A_109, %dma_start3A_110] : memref<112x128xf32, #tpu.memory_space<vmem>> -> memref<96x128xf32, #tpu.memory_space<vmem>>
      %dma_start3A_112 = arith.constant 0 : i32
      %dma_start3A_113 = tpu.memref_slice %arg9[%dma_start3A_112] : memref<112xi32, #tpu.memory_space<vmem>> -> memref<96xi32, #tpu.memory_space<vmem>>
      %dma_start3A_114 = arith.constant 0 : i32
      %dma_start3A_115 = arith.constant 0 : i32
      %dma_start3A_116 = tpu.memref_slice %arg2[%dma_start3A_114, %dma_start3A_115] : memref<100000x128xf32, #tpu.memory_space<hbm>> -> memref<100000x128xf32, #tpu.memory_space<hbm>>
      tpu.enqueue_indirect_dma source(%dma_start3A_116 : memref<100000x128xf32, #tpu.memory_space<hbm>>) target(%dma_start3A_111 : memref<96x128xf32, #tpu.memory_space<vmem>>) offsets(%dma_start3A_113 : memref<96xi32, #tpu.memory_space<vmem>>) semaphore(%arg23 : memref<!tpu.dma_semaphore, #tpu.memory_space<semaphore_mem>>)
      %dma_start3A_117 = arith.constant 0 : i32
      %dma_start3A_118 = arith.constant 0 : i32
      %dma_start3A_119 = tpu.memref_slice %arg15[%dma_start3A_117, %dma_start3A_118] : memref<112x128xf32, #tpu.memory_space<vmem>> -> memref<96x128xf32, #tpu.memory_space<vmem>>
      %dma_start3A_120 = arith.constant 0 : i32
      %dma_start3A_121 = tpu.memref_slice %arg11[%dma_start3A_120] : memref<112xi32, #tpu.memory_space<vmem>> -> memref<96xi32, #tpu.memory_space<vmem>>
      %dma_start3A_122 = arith.constant 0 : i32
      %dma_start3A_123 = arith.constant 0 : i32
      %dma_start3A_124 = tpu.memref_slice %arg3[%dma_start3A_122, %dma_start3A_123] : memref<100000x128xf32, #tpu.memory_space<hbm>> -> memref<100000x128xf32, #tpu.memory_space<hbm>>
      tpu.enqueue_indirect_dma source(%dma_start3A_124 : memref<100000x128xf32, #tpu.memory_space<hbm>>) target(%dma_start3A_119 : memref<96x128xf32, #tpu.memory_space<vmem>>) offsets(%dma_start3A_121 : memref<96xi32, #tpu.memory_space<vmem>>) semaphore(%arg23 : memref<!tpu.dma_semaphore, #tpu.memory_space<semaphore_mem>>)
      %dma_start3A_125 = arith.constant 0 : i32
      %dma_start3A_126 = arith.constant 0 : i32
      %dma_start3A_127 = tpu.memref_slice %arg17[%dma_start3A_125, %dma_start3A_126] : memref<112x128xf32, #tpu.memory_space<vmem>> -> memref<96x128xf32, #tpu.memory_space<vmem>>
      %dma_start3A_128 = arith.constant 99904 : i32
      %dma_start3A_129 = arith.constant 0 : i32
      %dma_start3A_130 = tpu.memref_slice %arg4[%dma_start3A_128, %dma_start3A_129] : memref<100000x128xf32, #tpu.memory_space<hbm>> -> memref<96x128xf32, #tpu.memory_space<hbm>>
      %dma_start3A_131 = arith.constant 0 : i32
      %dma_start3A_132 = arith.constant 0 : i32
      %dma_start3A_133 = tpu.memref_slice %arg17[%dma_start3A_131, %dma_start3A_132] : memref<112x128xf32, #tpu.memory_space<vmem>> -> memref<96x128xf32, #tpu.memory_space<vmem>>
      %dma_start3A_134 = arith.constant 99904 : i32
      %dma_start3A_135 = arith.constant 0 : i32
      %dma_start3A_136 = tpu.memref_slice %arg4[%dma_start3A_134, %dma_start3A_135] : memref<100000x128xf32, #tpu.memory_space<hbm>> -> memref<96x128xf32, #tpu.memory_space<hbm>>
      tpu.enqueue_dma source(%dma_start3A_136 : memref<96x128xf32, #tpu.memory_space<hbm>>) target(%dma_start3A_133 : memref<96x128xf32, #tpu.memory_space<vmem>>) target_semaphore(%arg23 : memref<!tpu.dma_semaphore, #tpu.memory_space<semaphore_mem>>)
      %dma_start3A_137 = arith.constant 0 : i32
      %dma_start3A_138 = arith.constant 0 : i32
      %dma_start3A_139 = tpu.memref_slice %arg19[%dma_start3A_137, %dma_start3A_138] : memref<112x128xf32, #tpu.memory_space<vmem>> -> memref<96x128xf32, #tpu.memory_space<vmem>>
      %dma_start3A_140 = arith.constant 99904 : i32
      %dma_start3A_141 = arith.constant 0 : i32
      %dma_start3A_142 = tpu.memref_slice %arg5[%dma_start3A_140, %dma_start3A_141] : memref<100000x128xf32, #tpu.memory_space<hbm>> -> memref<96x128xf32, #tpu.memory_space<hbm>>
      %dma_start3A_143 = arith.constant 0 : i32
      %dma_start3A_144 = arith.constant 0 : i32
      %dma_start3A_145 = tpu.memref_slice %arg19[%dma_start3A_143, %dma_start3A_144] : memref<112x128xf32, #tpu.memory_space<vmem>> -> memref<96x128xf32, #tpu.memory_space<vmem>>
      %dma_start3A_146 = arith.constant 99904 : i32
      %dma_start3A_147 = arith.constant 0 : i32
      %dma_start3A_148 = tpu.memref_slice %arg5[%dma_start3A_146, %dma_start3A_147] : memref<100000x128xf32, #tpu.memory_space<hbm>> -> memref<96x128xf32, #tpu.memory_space<hbm>>
      tpu.enqueue_dma source(%dma_start3A_148 : memref<96x128xf32, #tpu.memory_space<hbm>>) target(%dma_start3A_145 : memref<96x128xf32, #tpu.memory_space<vmem>>) target_semaphore(%arg23 : memref<!tpu.dma_semaphore, #tpu.memory_space<semaphore_mem>>)
      %dma_wait3A_149 = arith.constant 0 : i32
      %dma_wait3A_150 = arith.constant 0 : i32
      %dma_wait3A_151 = tpu.memref_slice %arg13[%dma_wait3A_149, %dma_wait3A_150] : memref<112x128xf32, #tpu.memory_space<vmem>> -> memref<96x128xf32, #tpu.memory_space<vmem>>
      %dma_wait3A_152 = arith.constant 0 : i32
      %dma_wait3A_153 = tpu.memref_slice %arg9[%dma_wait3A_152] : memref<112xi32, #tpu.memory_space<vmem>> -> memref<96xi32, #tpu.memory_space<vmem>>
      %dma_wait3A_154 = arith.constant 0 : i32
      %dma_wait3A_155 = arith.constant 0 : i32
      %dma_wait3A_156 = tpu.memref_slice %arg2[%dma_wait3A_154, %dma_wait3A_155] : memref<100000x128xf32, #tpu.memory_space<hbm>> -> memref<100000x128xf32, #tpu.memory_space<hbm>>
      tpu.wait_indirect_dma semaphore(%arg23 : memref<!tpu.dma_semaphore, #tpu.memory_space<semaphore_mem>>) src(%dma_wait3A_156 : memref<100000x128xf32, #tpu.memory_space<hbm>>) dst(%dma_wait3A_151 : memref<96x128xf32, #tpu.memory_space<vmem>>)
      %dma_wait3A_157 = arith.constant 0 : i32
      %dma_wait3A_158 = arith.constant 0 : i32
      %dma_wait3A_159 = tpu.memref_slice %arg15[%dma_wait3A_157, %dma_wait3A_158] : memref<112x128xf32, #tpu.memory_space<vmem>> -> memref<96x128xf32, #tpu.memory_space<vmem>>
      %dma_wait3A_160 = arith.constant 0 : i32
      %dma_wait3A_161 = tpu.memref_slice %arg11[%dma_wait3A_160] : memref<112xi32, #tpu.memory_space<vmem>> -> memref<96xi32, #tpu.memory_space<vmem>>
      %dma_wait3A_162 = arith.constant 0 : i32
      %dma_wait3A_163 = arith.constant 0 : i32
      %dma_wait3A_164 = tpu.memref_slice %arg3[%dma_wait3A_162, %dma_wait3A_163] : memref<100000x128xf32, #tpu.memory_space<hbm>> -> memref<100000x128xf32, #tpu.memory_space<hbm>>
      tpu.wait_indirect_dma semaphore(%arg23 : memref<!tpu.dma_semaphore, #tpu.memory_space<semaphore_mem>>) src(%dma_wait3A_164 : memref<100000x128xf32, #tpu.memory_space<hbm>>) dst(%dma_wait3A_159 : memref<96x128xf32, #tpu.memory_space<vmem>>)
      %dma_wait3A_165 = arith.constant 0 : i32
      %dma_wait3A_166 = arith.constant 0 : i32
      %dma_wait3A_167 = tpu.memref_slice %arg17[%dma_wait3A_165, %dma_wait3A_166] : memref<112x128xf32, #tpu.memory_space<vmem>> -> memref<96x128xf32, #tpu.memory_space<vmem>>
      %dma_wait3A_168 = arith.constant 0 : i32
      %dma_wait3A_169 = arith.constant 0 : i32
      %dma_wait3A_170 = tpu.memref_slice %arg4[%dma_wait3A_168, %dma_wait3A_169] : memref<100000x128xf32, #tpu.memory_space<hbm>> -> memref<96x128xf32, #tpu.memory_space<hbm>>
      %dma_wait3A_171 = arith.constant 0 : i32
      %dma_wait3A_172 = arith.constant 0 : i32
      %dma_wait3A_173 = tpu.memref_slice %arg17[%dma_wait3A_171, %dma_wait3A_172] : memref<112x128xf32, #tpu.memory_space<vmem>> -> memref<96x128xf32, #tpu.memory_space<vmem>>
      %dma_wait3A_174 = arith.constant 0 : i32
      %dma_wait3A_175 = arith.constant 0 : i32
      %dma_wait3A_176 = tpu.memref_slice %arg4[%dma_wait3A_174, %dma_wait3A_175] : memref<100000x128xf32, #tpu.memory_space<hbm>> -> memref<96x128xf32, #tpu.memory_space<hbm>>
      tpu.wait_dma2 semaphore(%arg23 : memref<!tpu.dma_semaphore, #tpu.memory_space<semaphore_mem>>) src(%dma_wait3A_176 : memref<96x128xf32, #tpu.memory_space<hbm>>) dst(%dma_wait3A_173 : memref<96x128xf32, #tpu.memory_space<vmem>>)
      %dma_wait3A_177 = arith.constant 0 : i32
      %dma_wait3A_178 = arith.constant 0 : i32
      %dma_wait3A_179 = tpu.memref_slice %arg19[%dma_wait3A_177, %dma_wait3A_178] : memref<112x128xf32, #tpu.memory_space<vmem>> -> memref<96x128xf32, #tpu.memory_space<vmem>>
      %dma_wait3A_180 = arith.constant 0 : i32
      %dma_wait3A_181 = arith.constant 0 : i32
      %dma_wait3A_182 = tpu.memref_slice %arg5[%dma_wait3A_180, %dma_wait3A_181] : memref<100000x128xf32, #tpu.memory_space<hbm>> -> memref<96x128xf32, #tpu.memory_space<hbm>>
      %dma_wait3A_183 = arith.constant 0 : i32
      %dma_wait3A_184 = arith.constant 0 : i32
      %dma_wait3A_185 = tpu.memref_slice %arg19[%dma_wait3A_183, %dma_wait3A_184] : memref<112x128xf32, #tpu.memory_space<vmem>> -> memref<96x128xf32, #tpu.memory_space<vmem>>
      %dma_wait3A_186 = arith.constant 0 : i32
      %dma_wait3A_187 = arith.constant 0 : i32
      %dma_wait3A_188 = tpu.memref_slice %arg5[%dma_wait3A_186, %dma_wait3A_187] : memref<100000x128xf32, #tpu.memory_space<hbm>> -> memref<96x128xf32, #tpu.memory_space<hbm>>
      tpu.wait_dma2 semaphore(%arg23 : memref<!tpu.dma_semaphore, #tpu.memory_space<semaphore_mem>>) src(%dma_wait3A_188 : memref<96x128xf32, #tpu.memory_space<hbm>>) dst(%dma_wait3A_185 : memref<96x128xf32, #tpu.memory_space<vmem>>)
      %scan3A_189 = arith.constant 0 : i32
      %scan3A_190 = arith.constant 96 : i32
      %scan3A_191 = arith.addi %scan3A_189, %scan3A_190 : i32
      %scan3A_192 = arith.constant 1 : i32
      scf.for %scan3A_194 = %scan3A_189 to %scan3A_191 step %scan3A_192  : i32 {
        %mul3A_195 = arith.constant 1 : i32
        %mul3A_196 = arith.muli %scan3A_194, %mul3A_195 : i32
        %add3A_197 = arith.constant 0 : i32
        %add3A_198 = arith.addi %add3A_197, %mul3A_196 : i32
        %get3A = arith.index_cast %add3A_198 : i32 to index
        %get3A_199 = arith.constant 0 : index
        %get3A_200 = tpu.vector_load %arg13[%get3A, %get3A_199] {strides = array<i32>} : memref<112x128xf32, #tpu.memory_space<vmem>>, vector<1x16xf32>,
        %get3A_201 = vector.shape_cast %get3A_200 : vector<1x16xf32> to vector<16xf32>
        %get3A_202 = arith.index_cast %add3A_198 : i32 to index
        %get3A_203 = arith.constant 0 : index
        %get3A_204 = tpu.vector_load %arg15[%get3A_202, %get3A_203] {strides = array<i32>} : memref<112x128xf32, #tpu.memory_space<vmem>>, vector<1x16xf32>,
        %get3A_205 = vector.shape_cast %get3A_204 : vector<1x16xf32> to vector<16xf32>
        %add3A_206 = arith.addf %get3A_201, %get3A_205 : vector<16xf32>
        %get3A_207 = arith.index_cast %add3A_198 : i32 to index
        %get3A_208 = arith.constant 0 : index
        %get3A_209 = tpu.vector_load %arg17[%get3A_207, %get3A_208] {strides = array<i32>} : memref<112x128xf32, #tpu.memory_space<vmem>>, vector<1x16xf32>,
        %get3A_210 = vector.shape_cast %get3A_209 : vector<1x16xf32> to vector<16xf32>
        %add3A_211 = arith.addf %add3A_206, %get3A_210 : vector<16xf32>
        %get3A_212 = arith.index_cast %add3A_198 : i32 to index
        %get3A_213 = arith.constant 0 : index
        %get3A_214 = tpu.vector_load %arg19[%get3A_212, %get3A_213] {strides = array<i32>} : memref<112x128xf32, #tpu.memory_space<vmem>>, vector<1x16xf32>,
        %get3A_215 = vector.shape_cast %get3A_214 : vector<1x16xf32> to vector<16xf32>
        %max3A = arith.constant 0.000000e+00 : f32
        %max3A_216 = vector.broadcast %max3A : f32 to vector<16xf32>
        %max3A_217 = arith.maximumf %add3A_211, %max3A_216 : vector<16xf32>
        %add3A_218 = arith.addf %get3A_215, %max3A_217 : vector<16xf32>
        %swap3A = arith.index_cast %add3A_198 : i32 to index
        %swap3A_219 = arith.constant 0 : index
        %swap3A_220 = tpu.vector_load %arg13[%swap3A, %swap3A_219] {strides = array<i32>} : memref<112x128xf32, #tpu.memory_space<vmem>>, vector<1x16xf32>,
        %swap3A_221 = vector.shape_cast %swap3A_220 : vector<1x16xf32> to vector<16xf32>
        %swap3A_222 = vector.shape_cast %add3A_218 : vector<16xf32> to vector<1x16xf32>
        tpu.vector_store %arg13[%swap3A, %swap3A_219], %swap3A_222 {strides = array<i32>} : memref<112x128xf32, #tpu.memory_space<vmem>>, vector<1x16xf32>,
        %get3A_223 = arith.index_cast %add3A_198 : i32 to index
        %get3A_224 = arith.constant 16 : index
        %get3A_225 = tpu.vector_load %arg13[%get3A_223, %get3A_224] {strides = array<i32>} : memref<112x128xf32, #tpu.memory_space<vmem>>, vector<1x16xf32>,
        %get3A_226 = vector.shape_cast %get3A_225 : vector<1x16xf32> to vector<16xf32>
        %get3A_227 = arith.index_cast %add3A_198 : i32 to index
        %get3A_228 = arith.constant 16 : index
        %get3A_229 = tpu.vector_load %arg15[%get3A_227, %get3A_228] {strides = array<i32>} : memref<112x128xf32, #tpu.memory_space<vmem>>, vector<1x16xf32>,
        %get3A_230 = vector.shape_cast %get3A_229 : vector<1x16xf32> to vector<16xf32>
        %add3A_231 = arith.addf %get3A_226, %get3A_230 : vector<16xf32>
        %get3A_232 = arith.index_cast %add3A_198 : i32 to index
        %get3A_233 = arith.constant 16 : index
        %get3A_234 = tpu.vector_load %arg17[%get3A_232, %get3A_233] {strides = array<i32>} : memref<112x128xf32, #tpu.memory_space<vmem>>, vector<1x16xf32>,
        %get3A_235 = vector.shape_cast %get3A_234 : vector<1x16xf32> to vector<16xf32>
        %add3A_236 = arith.addf %add3A_231, %get3A_235 : vector<16xf32>
        %get3A_237 = arith.index_cast %add3A_198 : i32 to index
        %get3A_238 = arith.constant 16 : index
        %get3A_239 = tpu.vector_load %arg19[%get3A_237, %get3A_238] {strides = array<i32>} : memref<112x128xf32, #tpu.memory_space<vmem>>, vector<1x16xf32>,
        %get3A_240 = vector.shape_cast %get3A_239 : vector<1x16xf32> to vector<16xf32>
        %max3A_241 = arith.constant 0.000000e+00 : f32
        %max3A_242 = vector.broadcast %max3A_241 : f32 to vector<16xf32>
        %max3A_243 = arith.maximumf %add3A_236, %max3A_242 : vector<16xf32>
        %add3A_244 = arith.addf %get3A_240, %max3A_243 : vector<16xf32>
        %swap3A_245 = arith.index_cast %add3A_198 : i32 to index
        %swap3A_246 = arith.constant 16 : index
        %swap3A_247 = tpu.vector_load %arg13[%swap3A_245, %swap3A_246] {strides = array<i32>} : memref<112x128xf32, #tpu.memory_space<vmem>>, vector<1x16xf32>,
        %swap3A_248 = vector.shape_cast %swap3A_247 : vector<1x16xf32> to vector<16xf32>
        %swap3A_249 = vector.shape_cast %add3A_244 : vector<16xf32> to vector<1x16xf32>
        tpu.vector_store %arg13[%swap3A_245, %swap3A_246], %swap3A_249 {strides = array<i32>} : memref<112x128xf32, #tpu.memory_space<vmem>>, vector<1x16xf32>,
        %get3A_250 = arith.index_cast %add3A_198 : i32 to index
        %get3A_251 = arith.constant 32 : index
        %get3A_252 = tpu.vector_load %arg13[%get3A_250, %get3A_251] {strides = array<i32>} : memref<112x128xf32, #tpu.memory_space<vmem>>, vector<1x16xf32>,
        %get3A_253 = vector.shape_cast %get3A_252 : vector<1x16xf32> to vector<16xf32>
        %get3A_254 = arith.index_cast %add3A_198 : i32 to index
        %get3A_255 = arith.constant 32 : index
        %get3A_256 = tpu.vector_load %arg15[%get3A_254, %get3A_255] {strides = array<i32>} : memref<112x128xf32, #tpu.memory_space<vmem>>, vector<1x16xf32>,
        %get3A_257 = vector.shape_cast %get3A_256 : vector<1x16xf32> to vector<16xf32>
        %add3A_258 = arith.addf %get3A_253, %get3A_257 : vector<16xf32>
        %get3A_259 = arith.index_cast %add3A_198 : i32 to index
        %get3A_260 = arith.constant 32 : index
        %get3A_261 = tpu.vector_load %arg17[%get3A_259, %get3A_260] {strides = array<i32>} : memref<112x128xf32, #tpu.memory_space<vmem>>, vector<1x16xf32>,
        %get3A_262 = vector.shape_cast %get3A_261 : vector<1x16xf32> to vector<16xf32>
        %add3A_263 = arith.addf %add3A_258, %get3A_262 : vector<16xf32>
        %get3A_264 = arith.index_cast %add3A_198 : i32 to index
        %get3A_265 = arith.constant 32 : index
        %get3A_266 = tpu.vector_load %arg19[%get3A_264, %get3A_265] {strides = array<i32>} : memref<112x128xf32, #tpu.memory_space<vmem>>, vector<1x16xf32>,
        %get3A_267 = vector.shape_cast %get3A_266 : vector<1x16xf32> to vector<16xf32>
        %max3A_268 = arith.constant 0.000000e+00 : f32
        %max3A_269 = vector.broadcast %max3A_268 : f32 to vector<16xf32>
        %max3A_270 = arith.maximumf %add3A_263, %max3A_269 : vector<16xf32>
        %add3A_271 = arith.addf %get3A_267, %max3A_270 : vector<16xf32>
        %swap3A_272 = arith.index_cast %add3A_198 : i32 to index
        %swap3A_273 = arith.constant 32 : index
        %swap3A_274 = tpu.vector_load %arg13[%swap3A_272, %swap3A_273] {strides = array<i32>} : memref<112x128xf32, #tpu.memory_space<vmem>>, vector<1x16xf32>,
        %swap3A_275 = vector.shape_cast %swap3A_274 : vector<1x16xf32> to vector<16xf32>
        %swap3A_276 = vector.shape_cast %add3A_271 : vector<16xf32> to vector<1x16xf32>
        tpu.vector_store %arg13[%swap3A_272, %swap3A_273], %swap3A_276 {strides = array<i32>} : memref<112x128xf32, #tpu.memory_space<vmem>>, vector<1x16xf32>,
        %get3A_277 = arith.index_cast %add3A_198 : i32 to index
        %get3A_278 = arith.constant 48 : index
        %get3A_279 = tpu.vector_load %arg13[%get3A_277, %get3A_278] {strides = array<i32>} : memref<112x128xf32, #tpu.memory_space<vmem>>, vector<1x16xf32>,
        %get3A_280 = vector.shape_cast %get3A_279 : vector<1x16xf32> to vector<16xf32>
        %get3A_281 = arith.index_cast %add3A_198 : i32 to index
        %get3A_282 = arith.constant 48 : index
        %get3A_283 = tpu.vector_load %arg15[%get3A_281, %get3A_282] {strides = array<i32>} : memref<112x128xf32, #tpu.memory_space<vmem>>, vector<1x16xf32>,
        %get3A_284 = vector.shape_cast %get3A_283 : vector<1x16xf32> to vector<16xf32>
        %add3A_285 = arith.addf %get3A_280, %get3A_284 : vector<16xf32>
        %get3A_286 = arith.index_cast %add3A_198 : i32 to index
        %get3A_287 = arith.constant 48 : index
        %get3A_288 = tpu.vector_load %arg17[%get3A_286, %get3A_287] {strides = array<i32>} : memref<112x128xf32, #tpu.memory_space<vmem>>, vector<1x16xf32>,
        %get3A_289 = vector.shape_cast %get3A_288 : vector<1x16xf32> to vector<16xf32>
        %add3A_290 = arith.addf %add3A_285, %get3A_289 : vector<16xf32>
        %get3A_291 = arith.index_cast %add3A_198 : i32 to index
        %get3A_292 = arith.constant 48 : index
        %get3A_293 = tpu.vector_load %arg19[%get3A_291, %get3A_292] {strides = array<i32>} : memref<112x128xf32, #tpu.memory_space<vmem>>, vector<1x16xf32>,
        %get3A_294 = vector.shape_cast %get3A_293 : vector<1x16xf32> to vector<16xf32>
        %max3A_295 = arith.constant 0.000000e+00 : f32
        %max3A_296 = vector.broadcast %max3A_295 : f32 to vector<16xf32>
        %max3A_297 = arith.maximumf %add3A_290, %max3A_296 : vector<16xf32>
        %add3A_298 = arith.addf %get3A_294, %max3A_297 : vector<16xf32>
        %swap3A_299 = arith.index_cast %add3A_198 : i32 to index
        %swap3A_300 = arith.constant 48 : index
        %swap3A_301 = tpu.vector_load %arg13[%swap3A_299, %swap3A_300] {strides = array<i32>} : memref<112x128xf32, #tpu.memory_space<vmem>>, vector<1x16xf32>,
        %swap3A_302 = vector.shape_cast %swap3A_301 : vector<1x16xf32> to vector<16xf32>
        %swap3A_303 = vector.shape_cast %add3A_298 : vector<16xf32> to vector<1x16xf32>
        tpu.vector_store %arg13[%swap3A_299, %swap3A_300], %swap3A_303 {strides = array<i32>} : memref<112x128xf32, #tpu.memory_space<vmem>>, vector<1x16xf32>,
        %get3A_304 = arith.index_cast %add3A_198 : i32 to index
        %get3A_305 = arith.constant 64 : index
        %get3A_306 = tpu.vector_load %arg13[%get3A_304, %get3A_305] {strides = array<i32>} : memref<112x128xf32, #tpu.memory_space<vmem>>, vector<1x16xf32>,
        %get3A_307 = vector.shape_cast %get3A_306 : vector<1x16xf32> to vector<16xf32>
        %get3A_308 = arith.index_cast %add3A_198 : i32 to index
        %get3A_309 = arith.constant 64 : index
        %get3A_310 = tpu.vector_load %arg15[%get3A_308, %get3A_309] {strides = array<i32>} : memref<112x128xf32, #tpu.memory_space<vmem>>, vector<1x16xf32>,
        %get3A_311 = vector.shape_cast %get3A_310 : vector<1x16xf32> to vector<16xf32>
        %add3A_312 = arith.addf %get3A_307, %get3A_311 : vector<16xf32>
        %get3A_313 = arith.index_cast %add3A_198 : i32 to index
        %get3A_314 = arith.constant 64 : index
        %get3A_315 = tpu.vector_load %arg17[%get3A_313, %get3A_314] {strides = array<i32>} : memref<112x128xf32, #tpu.memory_space<vmem>>, vector<1x16xf32>,
        %get3A_316 = vector.shape_cast %get3A_315 : vector<1x16xf32> to vector<16xf32>
        %add3A_317 = arith.addf %add3A_312, %get3A_316 : vector<16xf32>
        %get3A_318 = arith.index_cast %add3A_198 : i32 to index
        %get3A_319 = arith.constant 64 : index
        %get3A_320 = tpu.vector_load %arg19[%get3A_318, %get3A_319] {strides = array<i32>} : memref<112x128xf32, #tpu.memory_space<vmem>>, vector<1x16xf32>,
        %get3A_321 = vector.shape_cast %get3A_320 : vector<1x16xf32> to vector<16xf32>
        %max3A_322 = arith.constant 0.000000e+00 : f32
        %max3A_323 = vector.broadcast %max3A_322 : f32 to vector<16xf32>
        %max3A_324 = arith.maximumf %add3A_317, %max3A_323 : vector<16xf32>
        %add3A_325 = arith.addf %get3A_321, %max3A_324 : vector<16xf32>
        %swap3A_326 = arith.index_cast %add3A_198 : i32 to index
        %swap3A_327 = arith.constant 64 : index
        %swap3A_328 = tpu.vector_load %arg13[%swap3A_326, %swap3A_327] {strides = array<i32>} : memref<112x128xf32, #tpu.memory_space<vmem>>, vector<1x16xf32>,
        %swap3A_329 = vector.shape_cast %swap3A_328 : vector<1x16xf32> to vector<16xf32>
        %swap3A_330 = vector.shape_cast %add3A_325 : vector<16xf32> to vector<1x16xf32>
        tpu.vector_store %arg13[%swap3A_326, %swap3A_327], %swap3A_330 {strides = array<i32>} : memref<112x128xf32, #tpu.memory_space<vmem>>, vector<1x16xf32>,
        %get3A_331 = arith.index_cast %add3A_198 : i32 to index
        %get3A_332 = arith.constant 80 : index
        %get3A_333 = tpu.vector_load %arg13[%get3A_331, %get3A_332] {strides = array<i32>} : memref<112x128xf32, #tpu.memory_space<vmem>>, vector<1x16xf32>,
        %get3A_334 = vector.shape_cast %get3A_333 : vector<1x16xf32> to vector<16xf32>
        %get3A_335 = arith.index_cast %add3A_198 : i32 to index
        %get3A_336 = arith.constant 80 : index
        %get3A_337 = tpu.vector_load %arg15[%get3A_335, %get3A_336] {strides = array<i32>} : memref<112x128xf32, #tpu.memory_space<vmem>>, vector<1x16xf32>,
        %get3A_338 = vector.shape_cast %get3A_337 : vector<1x16xf32> to vector<16xf32>
        %add3A_339 = arith.addf %get3A_334, %get3A_338 : vector<16xf32>
        %get3A_340 = arith.index_cast %add3A_198 : i32 to index
        %get3A_341 = arith.constant 80 : index
        %get3A_342 = tpu.vector_load %arg17[%get3A_340, %get3A_341] {strides = array<i32>} : memref<112x128xf32, #tpu.memory_space<vmem>>, vector<1x16xf32>,
        %get3A_343 = vector.shape_cast %get3A_342 : vector<1x16xf32> to vector<16xf32>
        %add3A_344 = arith.addf %add3A_339, %get3A_343 : vector<16xf32>
        %get3A_345 = arith.index_cast %add3A_198 : i32 to index
        %get3A_346 = arith.constant 80 : index
        %get3A_347 = tpu.vector_load %arg19[%get3A_345, %get3A_346] {strides = array<i32>} : memref<112x128xf32, #tpu.memory_space<vmem>>, vector<1x16xf32>,
        %get3A_348 = vector.shape_cast %get3A_347 : vector<1x16xf32> to vector<16xf32>
        %max3A_349 = arith.constant 0.000000e+00 : f32
        %max3A_350 = vector.broadcast %max3A_349 : f32 to vector<16xf32>
        %max3A_351 = arith.maximumf %add3A_344, %max3A_350 : vector<16xf32>
        %add3A_352 = arith.addf %get3A_348, %max3A_351 : vector<16xf32>
        %swap3A_353 = arith.index_cast %add3A_198 : i32 to index
        %swap3A_354 = arith.constant 80 : index
        %swap3A_355 = tpu.vector_load %arg13[%swap3A_353, %swap3A_354] {strides = array<i32>} : memref<112x128xf32, #tpu.memory_space<vmem>>, vector<1x16xf32>,
        %swap3A_356 = vector.shape_cast %swap3A_355 : vector<1x16xf32> to vector<16xf32>
        %swap3A_357 = vector.shape_cast %add3A_352 : vector<16xf32> to vector<1x16xf32>
        tpu.vector_store %arg13[%swap3A_353, %swap3A_354], %swap3A_357 {strides = array<i32>} : memref<112x128xf32, #tpu.memory_space<vmem>>, vector<1x16xf32>,
        %get3A_358 = arith.index_cast %add3A_198 : i32 to index
        %get3A_359 = arith.constant 96 : index
        %get3A_360 = tpu.vector_load %arg13[%get3A_358, %get3A_359] {strides = array<i32>} : memref<112x128xf32, #tpu.memory_space<vmem>>, vector<1x16xf32>,
        %get3A_361 = vector.shape_cast %get3A_360 : vector<1x16xf32> to vector<16xf32>
        %get3A_362 = arith.index_cast %add3A_198 : i32 to index
        %get3A_363 = arith.constant 96 : index
        %get3A_364 = tpu.vector_load %arg15[%get3A_362, %get3A_363] {strides = array<i32>} : memref<112x128xf32, #tpu.memory_space<vmem>>, vector<1x16xf32>,
        %get3A_365 = vector.shape_cast %get3A_364 : vector<1x16xf32> to vector<16xf32>
        %add3A_366 = arith.addf %get3A_361, %get3A_365 : vector<16xf32>
        %get3A_367 = arith.index_cast %add3A_198 : i32 to index
        %get3A_368 = arith.constant 96 : index
        %get3A_369 = tpu.vector_load %arg17[%get3A_367, %get3A_368] {strides = array<i32>} : memref<112x128xf32, #tpu.memory_space<vmem>>, vector<1x16xf32>,
        %get3A_370 = vector.shape_cast %get3A_369 : vector<1x16xf32> to vector<16xf32>
        %add3A_371 = arith.addf %add3A_366, %get3A_370 : vector<16xf32>
        %get3A_372 = arith.index_cast %add3A_198 : i32 to index
        %get3A_373 = arith.constant 96 : index
        %get3A_374 = tpu.vector_load %arg19[%get3A_372, %get3A_373] {strides = array<i32>} : memref<112x128xf32, #tpu.memory_space<vmem>>, vector<1x16xf32>,
        %get3A_375 = vector.shape_cast %get3A_374 : vector<1x16xf32> to vector<16xf32>
        %max3A_376 = arith.constant 0.000000e+00 : f32
        %max3A_377 = vector.broadcast %max3A_376 : f32 to vector<16xf32>
        %max3A_378 = arith.maximumf %add3A_371, %max3A_377 : vector<16xf32>
        %add3A_379 = arith.addf %get3A_375, %max3A_378 : vector<16xf32>
        %swap3A_380 = arith.index_cast %add3A_198 : i32 to index
        %swap3A_381 = arith.constant 96 : index
        %swap3A_382 = tpu.vector_load %arg13[%swap3A_380, %swap3A_381] {strides = array<i32>} : memref<112x128xf32, #tpu.memory_space<vmem>>, vector<1x16xf32>,
        %swap3A_383 = vector.shape_cast %swap3A_382 : vector<1x16xf32> to vector<16xf32>
        %swap3A_384 = vector.shape_cast %add3A_379 : vector<16xf32> to vector<1x16xf32>
        tpu.vector_store %arg13[%swap3A_380, %swap3A_381], %swap3A_384 {strides = array<i32>} : memref<112x128xf32, #tpu.memory_space<vmem>>, vector<1x16xf32>,
        %get3A_385 = arith.index_cast %add3A_198 : i32 to index
        %get3A_386 = arith.constant 112 : index
        %get3A_387 = tpu.vector_load %arg13[%get3A_385, %get3A_386] {strides = array<i32>} : memref<112x128xf32, #tpu.memory_space<vmem>>, vector<1x16xf32>,
        %get3A_388 = vector.shape_cast %get3A_387 : vector<1x16xf32> to vector<16xf32>
        %get3A_389 = arith.index_cast %add3A_198 : i32 to index
        %get3A_390 = arith.constant 112 : index
        %get3A_391 = tpu.vector_load %arg15[%get3A_389, %get3A_390] {strides = array<i32>} : memref<112x128xf32, #tpu.memory_space<vmem>>, vector<1x16xf32>,
        %get3A_392 = vector.shape_cast %get3A_391 : vector<1x16xf32> to vector<16xf32>
        %add3A_393 = arith.addf %get3A_388, %get3A_392 : vector<16xf32>
        %get3A_394 = arith.index_cast %add3A_198 : i32 to index
        %get3A_395 = arith.constant 112 : index
        %get3A_396 = tpu.vector_load %arg17[%get3A_394, %get3A_395] {strides = array<i32>} : memref<112x128xf32, #tpu.memory_space<vmem>>, vector<1x16xf32>,
        %get3A_397 = vector.shape_cast %get3A_396 : vector<1x16xf32> to vector<16xf32>
        %add3A_398 = arith.addf %add3A_393, %get3A_397 : vector<16xf32>
        %get3A_399 = arith.index_cast %add3A_198 : i32 to index
        %get3A_400 = arith.constant 112 : index
        %get3A_401 = tpu.vector_load %arg19[%get3A_399, %get3A_400] {strides = array<i32>} : memref<112x128xf32, #tpu.memory_space<vmem>>, vector<1x16xf32>,
        %get3A_402 = vector.shape_cast %get3A_401 : vector<1x16xf32> to vector<16xf32>
        %max3A_403 = arith.constant 0.000000e+00 : f32
        %max3A_404 = vector.broadcast %max3A_403 : f32 to vector<16xf32>
        %max3A_405 = arith.maximumf %add3A_398, %max3A_404 : vector<16xf32>
        %add3A_406 = arith.addf %get3A_402, %max3A_405 : vector<16xf32>
        %swap3A_407 = arith.index_cast %add3A_198 : i32 to index
        %swap3A_408 = arith.constant 112 : index
        %swap3A_409 = tpu.vector_load %arg13[%swap3A_407, %swap3A_408] {strides = array<i32>} : memref<112x128xf32, #tpu.memory_space<vmem>>, vector<1x16xf32>,
        %swap3A_410 = vector.shape_cast %swap3A_409 : vector<1x16xf32> to vector<16xf32>
        %swap3A_411 = vector.shape_cast %add3A_406 : vector<16xf32> to vector<1x16xf32>
        tpu.vector_store %arg13[%swap3A_407, %swap3A_408], %swap3A_411 {strides = array<i32>} : memref<112x128xf32, #tpu.memory_space<vmem>>, vector<1x16xf32>,
      }
      %scan3A_193 = arith.constant 96 : i32
      "tpu.region"() ({
        %run_scoped3A = tpu.sem_alloc : memref<!tpu.dma_semaphore, #tpu.memory_space<semaphore_mem>>
        %dma_start3A_194 = arith.constant 0 : i32
        %dma_start3A_195 = arith.constant 0 : i32
        %dma_start3A_196 = tpu.memref_slice %arg13[%dma_start3A_194, %dma_start3A_195] : memref<112x128xf32, #tpu.memory_space<vmem>> -> memref<96x128xf32, #tpu.memory_space<vmem>>
        %dma_start3A_197 = arith.constant 99904 : i32
        %dma_start3A_198 = arith.constant 0 : i32
        %dma_start3A_199 = tpu.memref_slice %arg8[%dma_start3A_197, %dma_start3A_198] : memref<100000x128xf32, #tpu.memory_space<hbm>> -> memref<96x128xf32, #tpu.memory_space<hbm>>
        %dma_start3A_200 = arith.constant 99904 : i32
        %dma_start3A_201 = arith.constant 0 : i32
        %dma_start3A_202 = tpu.memref_slice %arg8[%dma_start3A_200, %dma_start3A_201] : memref<100000x128xf32, #tpu.memory_space<hbm>> -> memref<96x128xf32, #tpu.memory_space<hbm>>
        %dma_start3A_203 = arith.constant 0 : i32
        %dma_start3A_204 = arith.constant 0 : i32
        %dma_start3A_205 = tpu.memref_slice %arg13[%dma_start3A_203, %dma_start3A_204] : memref<112x128xf32, #tpu.memory_space<vmem>> -> memref<96x128xf32, #tpu.memory_space<vmem>>
        tpu.enqueue_dma source(%dma_start3A_205 : memref<96x128xf32, #tpu.memory_space<vmem>>) target(%dma_start3A_202 : memref<96x128xf32, #tpu.memory_space<hbm>>) target_semaphore(%run_scoped3A : memref<!tpu.dma_semaphore, #tpu.memory_space<semaphore_mem>>)
        %dma_wait3A_206 = arith.constant 0 : i32
        %dma_wait3A_207 = arith.constant 0 : i32
        %dma_wait3A_208 = tpu.memref_slice %arg13[%dma_wait3A_206, %dma_wait3A_207] : memref<112x128xf32, #tpu.memory_space<vmem>> -> memref<96x128xf32, #tpu.memory_space<vmem>>
        %dma_wait3A_209 = arith.constant 99904 : i32
        %dma_wait3A_210 = arith.constant 0 : i32
        %dma_wait3A_211 = tpu.memref_slice %arg8[%dma_wait3A_209, %dma_wait3A_210] : memref<100000x128xf32, #tpu.memory_space<hbm>> -> memref<96x128xf32, #tpu.memory_space<hbm>>
        %dma_wait3A_212 = arith.constant 99904 : i32
        %dma_wait3A_213 = arith.constant 0 : i32
        %dma_wait3A_214 = tpu.memref_slice %arg8[%dma_wait3A_212, %dma_wait3A_213] : memref<100000x128xf32, #tpu.memory_space<hbm>> -> memref<96x128xf32, #tpu.memory_space<hbm>>
        %dma_wait3A_215 = arith.constant 0 : i32
        %dma_wait3A_216 = arith.constant 0 : i32
        %dma_wait3A_217 = tpu.memref_slice %arg13[%dma_wait3A_215, %dma_wait3A_216] : memref<112x128xf32, #tpu.memory_space<vmem>> -> memref<96x128xf32, #tpu.memory_space<vmem>>
        tpu.wait_dma2 semaphore(%run_scoped3A : memref<!tpu.dma_semaphore, #tpu.memory_space<semaphore_mem>>) src(%dma_wait3A_217 : memref<96x128xf32, #tpu.memory_space<vmem>>) dst(%dma_wait3A_214 : memref<96x128xf32, #tpu.memory_space<hbm>>)
        tpu.yield
      }) : () -> ()
    } else {
    }
    return
  }
}

#map = affine_map<(d0, d1) -> (0, 0)>
#map1 = affine_map<(d0, d1) -> (0)>
module attributes {stable_mosaic.version = 14 : i64} {
  func.func @k(%arg0: i32, %arg1: i32, %arg2: memref<100000x128xf32, #tpu.memory_space<hbm>>, %arg3: memref<100000x128xf32, #tpu.memory_space<hbm>>, %arg4: memref<100000x128xf32, #tpu.memory_space<hbm>>, %arg5: memref<100000x128xf32, #tpu.memory_space<hbm>>, %arg6: memref<100000xi32, #tpu.memory_space<hbm>>, %arg7: memref<100000xi32, #tpu.memory_space<hbm>>, %arg8: memref<100000x128xf32, #tpu.memory_space<hbm>>, %arg9: memref<112xi32, #tpu.memory_space<vmem>>, %arg10: memref<112xi32, #tpu.memory_space<vmem>>, %arg11: memref<112xi32, #tpu.memory_space<vmem>>, %arg12: memref<112xi32, #tpu.memory_space<vmem>>, %arg13: memref<112x128xf32, #tpu.memory_space<vmem>>, %arg14: memref<112x128xf32, #tpu.memory_space<vmem>>, %arg15: memref<112x128xf32, #tpu.memory_space<vmem>>, %arg16: memref<112x128xf32, #tpu.memory_space<vmem>>, %arg17: memref<112x128xf32, #tpu.memory_space<vmem>>, %arg18: memref<112x128xf32, #tpu.memory_space<vmem>>, %arg19: memref<112x128xf32, #tpu.memory_space<vmem>>, %arg20: memref<112x128xf32, #tpu.memory_space<vmem>>, %arg21: memref<!tpu.dma_semaphore, #tpu.memory_space<semaphore_mem>>, %arg22: memref<!tpu.dma_semaphore, #tpu.memory_space<semaphore_mem>>, %arg23: memref<!tpu.dma_semaphore, #tpu.memory_space<semaphore_mem>>, %arg24: memref<!tpu.dma_semaphore, #tpu.memory_space<semaphore_mem>>, %arg25: memref<!tpu.dma_semaphore, #tpu.memory_space<semaphore_mem>>, %arg26: memref<!tpu.dma_semaphore, #tpu.memory_space<semaphore_mem>>) attributes {dimension_semantics = [#tpu.dimension_semantics<core_parallel>, #tpu.dimension_semantics<subcore_parallel>], iteration_bounds = array<i64: 2, 16>, scalar_prefetch = 0 : i64, scratch_operands = 18 : i64, tpu.core_type = #tpu.core_type<sc_vector_subcore>, window_params = [{transform_indices = #map}, {transform_indices = #map}, {transform_indices = #map}, {transform_indices = #map}, {transform_indices = #map1}, {transform_indices = #map1}, {transform_indices = #map}]} {
    %mul3A = arith.constant 2 : i32
    %mul3A_0 = arith.muli %arg1, %mul3A : i32
    %add3A = arith.addi %mul3A_0, %arg0 : i32
    %sub3A = arith.constant 923 : i32
    %sub3A_1 = arith.subi %sub3A, %add3A : i32
    %jit3A = arith.constant 32 : i32
    %div3A = arith.divsi %sub3A_1, %jit3A : i32
    %sign3A = arith.constant 0 : i32
    %sign3A_2 = arith.cmpi sgt, %sub3A_1, %sign3A : i32
    %sign3A_3 = arith.extui %sign3A_2 : i1 to i32
    %sign3A_4 = arith.constant 0 : i32
    %sign3A_5 = arith.cmpi slt, %sub3A_1, %sign3A_4 : i32
    %sign3A_6 = arith.extui %sign3A_5 : i1 to i32
    %sign3A_7 = arith.subi %sign3A_3, %sign3A_6 : i32
    %sign3A_8 = arith.constant 0 : i32
    %sign3A_9 = arith.cmpi sgt, %jit3A, %sign3A_8 : i32
    %sign3A_10 = arith.extui %sign3A_9 : i1 to i32
    %sign3A_11 = arith.constant 0 : i32
    %sign3A_12 = arith.cmpi slt, %jit3A, %sign3A_11 : i32
    %sign3A_13 = arith.extui %sign3A_12 : i1 to i32
    %sign3A_14 = arith.subi %sign3A_10, %sign3A_13 : i32
    %ne3A = arith.cmpi ne, %sign3A_7, %sign3A_14 : i32
    %rem3A = arith.remsi %sub3A_1, %jit3A : i32
    %ne3A_15 = arith.constant 0 : i32
    %ne3A_16 = arith.cmpi ne, %rem3A, %ne3A_15 : i32
    %and3A = arith.andi %ne3A, %ne3A_16 : i1
    %sub3A_17 = arith.constant 1 : i32
    %sub3A_18 = arith.subi %div3A, %sub3A_17 : i32
    %select_n3A = arith.select %and3A, %sub3A_18, %div3A : i32
    %add3A_19 = arith.constant 0 : i32
    %add3A_20 = arith.addi %add3A, %add3A_19 : i32
    %mul3A_21 = arith.constant 112 : i32
    %mul3A_22 = arith.muli %add3A_20, %mul3A_21 : i32
    %dma_start3A = tpu.memref_slice %arg6[%mul3A_22] : memref<100000xi32, #tpu.memory_space<hbm>> -> memref<112xi32, #tpu.memory_space<hbm>>
    %dma_start3A_23 = tpu.memref_slice %arg6[%mul3A_22] : memref<100000xi32, #tpu.memory_space<hbm>> -> memref<112xi32, #tpu.memory_space<hbm>>
    tpu.enqueue_dma source(%dma_start3A_23 : memref<112xi32, #tpu.memory_space<hbm>>) target(%arg9 : memref<112xi32, #tpu.memory_space<vmem>>) target_semaphore(%arg21 : memref<!tpu.dma_semaphore, #tpu.memory_space<semaphore_mem>>)
    %dma_start3A_24 = tpu.memref_slice %arg7[%mul3A_22] : memref<100000xi32, #tpu.memory_space<hbm>> -> memref<112xi32, #tpu.memory_space<hbm>>
    %dma_start3A_25 = tpu.memref_slice %arg7[%mul3A_22] : memref<100000xi32, #tpu.memory_space<hbm>> -> memref<112xi32, #tpu.memory_space<hbm>>
    tpu.enqueue_dma source(%dma_start3A_25 : memref<112xi32, #tpu.memory_space<hbm>>) target(%arg11 : memref<112xi32, #tpu.memory_space<vmem>>) target_semaphore(%arg21 : memref<!tpu.dma_semaphore, #tpu.memory_space<semaphore_mem>>)
    %dma_wait3A = arith.constant 0 : i32
    %dma_wait3A_26 = tpu.memref_slice %arg6[%dma_wait3A] : memref<100000xi32, #tpu.memory_space<hbm>> -> memref<112xi32, #tpu.memory_space<hbm>>
    %dma_wait3A_27 = arith.constant 0 : i32
    %dma_wait3A_28 = tpu.memref_slice %arg6[%dma_wait3A_27] : memref<100000xi32, #tpu.memory_space<hbm>> -> memref<112xi32, #tpu.memory_space<hbm>>
    tpu.wait_dma2 semaphore(%arg21 : memref<!tpu.dma_semaphore, #tpu.memory_space<semaphore_mem>>) src(%dma_wait3A_28 : memref<112xi32, #tpu.memory_space<hbm>>) dst(%arg9 : memref<112xi32, #tpu.memory_space<vmem>>)
    %dma_wait3A_29 = arith.constant 0 : i32
    %dma_wait3A_30 = tpu.memref_slice %arg7[%dma_wait3A_29] : memref<100000xi32, #tpu.memory_space<hbm>> -> memref<112xi32, #tpu.memory_space<hbm>>
    %dma_wait3A_31 = arith.constant 0 : i32
    %dma_wait3A_32 = tpu.memref_slice %arg7[%dma_wait3A_31] : memref<100000xi32, #tpu.memory_space<hbm>> -> memref<112xi32, #tpu.memory_space<hbm>>
    tpu.wait_dma2 semaphore(%arg21 : memref<!tpu.dma_semaphore, #tpu.memory_space<semaphore_mem>>) src(%dma_wait3A_32 : memref<112xi32, #tpu.memory_space<hbm>>) dst(%arg11 : memref<112xi32, #tpu.memory_space<vmem>>)
    %add3A_33 = arith.constant 0 : i32
    %add3A_34 = arith.addi %add3A, %add3A_33 : i32
    %mul3A_35 = arith.constant 112 : i32
    %mul3A_36 = arith.muli %add3A_34, %mul3A_35 : i32
    %dma_start3A_37 = arith.constant 0 : i32
    %dma_start3A_38 = arith.constant 0 : i32
    %dma_start3A_39 = tpu.memref_slice %arg2[%dma_start3A_37, %dma_start3A_38] : memref<100000x128xf32, #tpu.memory_space<hbm>> -> memref<100000x128xf32, #tpu.memory_space<hbm>>
    tpu.enqueue_indirect_dma source(%dma_start3A_39 : memref<100000x128xf32, #tpu.memory_space<hbm>>) target(%arg13 : memref<112x128xf32, #tpu.memory_space<vmem>>) offsets(%arg9 : memref<112xi32, #tpu.memory_space<vmem>>) semaphore(%arg23 : memref<!tpu.dma_semaphore, #tpu.memory_space<semaphore_mem>>)
    %dma_start3A_40 = arith.constant 0 : i32
    %dma_start3A_41 = arith.constant 0 : i32
    %dma_start3A_42 = tpu.memref_slice %arg3[%dma_start3A_40, %dma_start3A_41] : memref<100000x128xf32, #tpu.memory_space<hbm>> -> memref<100000x128xf32, #tpu.memory_space<hbm>>
    tpu.enqueue_indirect_dma source(%dma_start3A_42 : memref<100000x128xf32, #tpu.memory_space<hbm>>) target(%arg15 : memref<112x128xf32, #tpu.memory_space<vmem>>) offsets(%arg11 : memref<112xi32, #tpu.memory_space<vmem>>) semaphore(%arg23 : memref<!tpu.dma_semaphore, #tpu.memory_space<semaphore_mem>>)
    %dma_start3A_43 = arith.constant 0 : i32
    %dma_start3A_44 = tpu.memref_slice %arg4[%mul3A_36, %dma_start3A_43] : memref<100000x128xf32, #tpu.memory_space<hbm>> -> memref<112x128xf32, #tpu.memory_space<hbm>>
    %dma_start3A_45 = arith.constant 0 : i32
    %dma_start3A_46 = tpu.memref_slice %arg4[%mul3A_36, %dma_start3A_45] : memref<100000x128xf32, #tpu.memory_space<hbm>> -> memref<112x128xf32, #tpu.memory_space<hbm>>
    tpu.enqueue_dma source(%dma_start3A_46 : memref<112x128xf32, #tpu.memory_space<hbm>>) target(%arg17 : memref<112x128xf32, #tpu.memory_space<vmem>>) target_semaphore(%arg23 : memref<!tpu.dma_semaphore, #tpu.memory_space<semaphore_mem>>)
    %dma_start3A_47 = arith.constant 0 : i32
    %dma_start3A_48 = tpu.memref_slice %arg5[%mul3A_36, %dma_start3A_47] : memref<100000x128xf32, #tpu.memory_space<hbm>> -> memref<112x128xf32, #tpu.memory_space<hbm>>
    %dma_start3A_49 = arith.constant 0 : i32
    %dma_start3A_50 = tpu.memref_slice %arg5[%mul3A_36, %dma_start3A_49] : memref<100000x128xf32, #tpu.memory_space<hbm>> -> memref<112x128xf32, #tpu.memory_space<hbm>>
    tpu.enqueue_dma source(%dma_start3A_50 : memref<112x128xf32, #tpu.memory_space<hbm>>) target(%arg19 : memref<112x128xf32, #tpu.memory_space<vmem>>) target_semaphore(%arg23 : memref<!tpu.dma_semaphore, #tpu.memory_space<semaphore_mem>>)
    %add3A_51 = arith.constant 32 : i32
    %add3A_52 = arith.addi %add3A, %add3A_51 : i32
    %mul3A_53 = arith.constant 112 : i32
    %mul3A_54 = arith.muli %add3A_52, %mul3A_53 : i32
    %dma_start3A_55 = tpu.memref_slice %arg6[%mul3A_54] : memref<100000xi32, #tpu.memory_space<hbm>> -> memref<112xi32, #tpu.memory_space<hbm>>
    %dma_start3A_56 = tpu.memref_slice %arg6[%mul3A_54] : memref<100000xi32, #tpu.memory_space<hbm>> -> memref<112xi32, #tpu.memory_space<hbm>>
    tpu.enqueue_dma source(%dma_start3A_56 : memref<112xi32, #tpu.memory_space<hbm>>) target(%arg10 : memref<112xi32, #tpu.memory_space<vmem>>) target_semaphore(%arg22 : memref<!tpu.dma_semaphore, #tpu.memory_space<semaphore_mem>>)
    %dma_start3A_57 = tpu.memref_slice %arg7[%mul3A_54] : memref<100000xi32, #tpu.memory_space<hbm>> -> memref<112xi32, #tpu.memory_space<hbm>>
    %dma_start3A_58 = tpu.memref_slice %arg7[%mul3A_54] : memref<100000xi32, #tpu.memory_space<hbm>> -> memref<112xi32, #tpu.memory_space<hbm>>
    tpu.enqueue_dma source(%dma_start3A_58 : memref<112xi32, #tpu.memory_space<hbm>>) target(%arg12 : memref<112xi32, #tpu.memory_space<vmem>>) target_semaphore(%arg22 : memref<!tpu.dma_semaphore, #tpu.memory_space<semaphore_mem>>)
    %scan3A = arith.constant 0 : i32
    %scan3A_59 = arith.constant 14 : i32
    %scan3A_60 = arith.addi %scan3A, %scan3A_59 : i32
    %scan3A_61 = arith.constant 1 : i32
    scf.for %scan3A_77 = %scan3A to %scan3A_60 step %scan3A_61  : i32 {
      %mul3A_78 = arith.constant 2 : i32
      %mul3A_79 = arith.muli %scan3A_77, %mul3A_78 : i32
      %add3A_80 = arith.constant 0 : i32
      %add3A_81 = arith.addi %add3A_80, %mul3A_79 : i32
      %add3A_82 = arith.constant 0 : i32
      %add3A_83 = arith.addi %add3A_81, %add3A_82 : i32
      %add3A_84 = arith.constant 0 : i32
      %add3A_85 = arith.addi %add3A_81, %add3A_84 : i32
      %lt3A = arith.cmpi slt, %add3A_85, %select_n3A : i32
      %convert_element_type3A_86 = arith.extui %lt3A : i1 to i32
      %cond3A_87 = arith.constant 0 : i32
      %cond3A_88 = arith.cmpi ne, %convert_element_type3A_86, %cond3A_87 : i32
      scf.if %cond3A_88 {
        %add3A_97 = arith.constant 1 : i32
        %add3A_98 = arith.addi %add3A_83, %add3A_97 : i32
        %lt3A_99 = arith.cmpi slt, %add3A_98, %select_n3A : i32
        %convert_element_type3A_100 = arith.extui %lt3A_99 : i1 to i32
        %cond3A_101 = arith.constant 0 : i32
        %cond3A_102 = arith.cmpi ne, %convert_element_type3A_100, %cond3A_101 : i32
        scf.if %cond3A_102 {
          %dma_wait3A_141 = arith.constant 0 : i32
          %dma_wait3A_142 = tpu.memref_slice %arg6[%dma_wait3A_141] : memref<100000xi32, #tpu.memory_space<hbm>> -> memref<112xi32, #tpu.memory_space<hbm>>
          %dma_wait3A_143 = arith.constant 0 : i32
          %dma_wait3A_144 = tpu.memref_slice %arg6[%dma_wait3A_143] : memref<100000xi32, #tpu.memory_space<hbm>> -> memref<112xi32, #tpu.memory_space<hbm>>
          tpu.wait_dma2 semaphore(%arg22 : memref<!tpu.dma_semaphore, #tpu.memory_space<semaphore_mem>>) src(%dma_wait3A_144 : memref<112xi32, #tpu.memory_space<hbm>>) dst(%arg10 : memref<112xi32, #tpu.memory_space<vmem>>)
          %dma_wait3A_145 = arith.constant 0 : i32
          %dma_wait3A_146 = tpu.memref_slice %arg7[%dma_wait3A_145] : memref<100000xi32, #tpu.memory_space<hbm>> -> memref<112xi32, #tpu.memory_space<hbm>>
          %dma_wait3A_147 = arith.constant 0 : i32
          %dma_wait3A_148 = tpu.memref_slice %arg7[%dma_wait3A_147] : memref<100000xi32, #tpu.memory_space<hbm>> -> memref<112xi32, #tpu.memory_space<hbm>>
          tpu.wait_dma2 semaphore(%arg22 : memref<!tpu.dma_semaphore, #tpu.memory_space<semaphore_mem>>) src(%dma_wait3A_148 : memref<112xi32, #tpu.memory_space<hbm>>) dst(%arg12 : memref<112xi32, #tpu.memory_space<vmem>>)
          %ge3A = arith.constant 1 : i32
          %ge3A_149 = arith.cmpi sge, %add3A_83, %ge3A : i32
          %convert_element_type3A_150 = arith.extui %ge3A_149 : i1 to i32
          %cond3A_151 = arith.constant 0 : i32
          %cond3A_152 = arith.cmpi ne, %convert_element_type3A_150, %cond3A_151 : i32
          scf.if %cond3A_152 {
            %dma_wait3A_174 = arith.constant 0 : i32
            %dma_wait3A_175 = arith.constant 0 : i32
            %dma_wait3A_176 = tpu.memref_slice %arg8[%dma_wait3A_174, %dma_wait3A_175] : memref<100000x128xf32, #tpu.memory_space<hbm>> -> memref<112x128xf32, #tpu.memory_space<hbm>>
            %dma_wait3A_177 = arith.constant 0 : i32
            %dma_wait3A_178 = arith.constant 0 : i32
            %dma_wait3A_179 = tpu.memref_slice %arg8[%dma_wait3A_177, %dma_wait3A_178] : memref<100000x128xf32, #tpu.memory_space<hbm>> -> memref<112x128xf32, #tpu.memory_space<hbm>>
            tpu.wait_dma2 semaphore(%arg26 : memref<!tpu.dma_semaphore, #tpu.memory_space<semaphore_mem>>) src(%arg14 : memref<112x128xf32, #tpu.memory_space<vmem>>) dst(%dma_wait3A_179 : memref<112x128xf32, #tpu.memory_space<hbm>>)
          } else {
          }
          %add3A_153 = arith.constant 1 : i32
          %add3A_154 = arith.addi %add3A_83, %add3A_153 : i32
          %mul3A_155 = arith.constant 32 : i32
          %mul3A_156 = arith.muli %add3A_154, %mul3A_155 : i32
          %add3A_157 = arith.addi %add3A, %mul3A_156 : i32
          %mul3A_158 = arith.constant 112 : i32
          %mul3A_159 = arith.muli %add3A_157, %mul3A_158 : i32
          %dma_start3A_160 = arith.constant 0 : i32
          %dma_start3A_161 = arith.constant 0 : i32
          %dma_start3A_162 = tpu.memref_slice %arg2[%dma_start3A_160, %dma_start3A_161] : memref<100000x128xf32, #tpu.memory_space<hbm>> -> memref<100000x128xf32, #tpu.memory_space<hbm>>
          tpu.enqueue_indirect_dma source(%dma_start3A_162 : memref<100000x128xf32, #tpu.memory_space<hbm>>) target(%arg14 : memref<112x128xf32, #tpu.memory_space<vmem>>) offsets(%arg10 : memref<112xi32, #tpu.memory_space<vmem>>) semaphore(%arg24 : memref<!tpu.dma_semaphore, #tpu.memory_space<semaphore_mem>>)
          %dma_start3A_163 = arith.constant 0 : i32
          %dma_start3A_164 = arith.constant 0 : i32
          %dma_start3A_165 = tpu.memref_slice %arg3[%dma_start3A_163, %dma_start3A_164] : memref<100000x128xf32, #tpu.memory_space<hbm>> -> memref<100000x128xf32, #tpu.memory_space<hbm>>
          tpu.enqueue_indirect_dma source(%dma_start3A_165 : memref<100000x128xf32, #tpu.memory_space<hbm>>) target(%arg16 : memref<112x128xf32, #tpu.memory_space<vmem>>) offsets(%arg12 : memref<112xi32, #tpu.memory_space<vmem>>) semaphore(%arg24 : memref<!tpu.dma_semaphore, #tpu.memory_space<semaphore_mem>>)
          %dma_start3A_166 = arith.constant 0 : i32
          %dma_start3A_167 = tpu.memref_slice %arg4[%mul3A_159, %dma_start3A_166] : memref<100000x128xf32, #tpu.memory_space<hbm>> -> memref<112x128xf32, #tpu.memory_space<hbm>>
          %dma_start3A_168 = arith.constant 0 : i32
          %dma_start3A_169 = tpu.memref_slice %arg4[%mul3A_159, %dma_start3A_168] : memref<100000x128xf32, #tpu.memory_space<hbm>> -> memref<112x128xf32, #tpu.memory_space<hbm>>
          tpu.enqueue_dma source(%dma_start3A_169 : memref<112x128xf32, #tpu.memory_space<hbm>>) target(%arg18 : memref<112x128xf32, #tpu.memory_space<vmem>>) target_semaphore(%arg24 : memref<!tpu.dma_semaphore, #tpu.memory_space<semaphore_mem>>)
          %dma_start3A_170 = arith.constant 0 : i32
          %dma_start3A_171 = tpu.memref_slice %arg5[%mul3A_159, %dma_start3A_170] : memref<100000x128xf32, #tpu.memory_space<hbm>> -> memref<112x128xf32, #tpu.memory_space<hbm>>
          %dma_start3A_172 = arith.constant 0 : i32
          %dma_start3A_173 = tpu.memref_slice %arg5[%mul3A_159, %dma_start3A_172] : memref<100000x128xf32, #tpu.memory_space<hbm>> -> memref<112x128xf32, #tpu.memory_space<hbm>>
          tpu.enqueue_dma source(%dma_start3A_173 : memref<112x128xf32, #tpu.memory_space<hbm>>) target(%arg20 : memref<112x128xf32, #tpu.memory_space<vmem>>) target_semaphore(%arg24 : memref<!tpu.dma_semaphore, #tpu.memory_space<semaphore_mem>>)
        } else {
        }
        %dma_wait3A_103 = arith.constant 0 : i32
        %dma_wait3A_104 = arith.constant 0 : i32
        %dma_wait3A_105 = tpu.memref_slice %arg2[%dma_wait3A_103, %dma_wait3A_104] : memref<100000x128xf32, #tpu.memory_space<hbm>> -> memref<100000x128xf32, #tpu.memory_space<hbm>>
        tpu.wait_indirect_dma semaphore(%arg23 : memref<!tpu.dma_semaphore, #tpu.memory_space<semaphore_mem>>) src(%dma_wait3A_105 : memref<100000x128xf32, #tpu.memory_space<hbm>>) dst(%arg13 : memref<112x128xf32, #tpu.memory_space<vmem>>)
        %dma_wait3A_106 = arith.constant 0 : i32
        %dma_wait3A_107 = arith.constant 0 : i32
        %dma_wait3A_108 = tpu.memref_slice %arg3[%dma_wait3A_106, %dma_wait3A_107] : memref<100000x128xf32, #tpu.memory_space<hbm>> -> memref<100000x128xf32, #tpu.memory_space<hbm>>
        tpu.wait_indirect_dma semaphore(%arg23 : memref<!tpu.dma_semaphore, #tpu.memory_space<semaphore_mem>>) src(%dma_wait3A_108 : memref<100000x128xf32, #tpu.memory_space<hbm>>) dst(%arg15 : memref<112x128xf32, #tpu.memory_space<vmem>>)
        %dma_wait3A_109 = arith.constant 0 : i32
        %dma_wait3A_110 = arith.constant 0 : i32
        %dma_wait3A_111 = tpu.memref_slice %arg4[%dma_wait3A_109, %dma_wait3A_110] : memref<100000x128xf32, #tpu.memory_space<hbm>> -> memref<112x128xf32, #tpu.memory_space<hbm>>
        %dma_wait3A_112 = arith.constant 0 : i32
        %dma_wait3A_113 = arith.constant 0 : i32
        %dma_wait3A_114 = tpu.memref_slice %arg4[%dma_wait3A_112, %dma_wait3A_113] : memref<100000x128xf32, #tpu.memory_space<hbm>> -> memref<112x128xf32, #tpu.memory_space<hbm>>
        tpu.wait_dma2 semaphore(%arg23 : memref<!tpu.dma_semaphore, #tpu.memory_space<semaphore_mem>>) src(%dma_wait3A_114 : memref<112x128xf32, #tpu.memory_space<hbm>>) dst(%arg17 : memref<112x128xf32, #tpu.memory_space<vmem>>)
        %dma_wait3A_115 = arith.constant 0 : i32
        %dma_wait3A_116 = arith.constant 0 : i32
        %dma_wait3A_117 = tpu.memref_slice %arg5[%dma_wait3A_115, %dma_wait3A_116] : memref<100000x128xf32, #tpu.memory_space<hbm>> -> memref<112x128xf32, #tpu.memory_space<hbm>>
        %dma_wait3A_118 = arith.constant 0 : i32
        %dma_wait3A_119 = arith.constant 0 : i32
        %dma_wait3A_120 = tpu.memref_slice %arg5[%dma_wait3A_118, %dma_wait3A_119] : memref<100000x128xf32, #tpu.memory_space<hbm>> -> memref<112x128xf32, #tpu.memory_space<hbm>>
        tpu.wait_dma2 semaphore(%arg23 : memref<!tpu.dma_semaphore, #tpu.memory_space<semaphore_mem>>) src(%dma_wait3A_120 : memref<112x128xf32, #tpu.memory_space<hbm>>) dst(%arg19 : memref<112x128xf32, #tpu.memory_space<vmem>>)
        %add3A_121 = arith.constant 2 : i32
        %add3A_122 = arith.addi %add3A_83, %add3A_121 : i32
        %lt3A_123 = arith.cmpi slt, %add3A_122, %select_n3A : i32
        %convert_element_type3A_124 = arith.extui %lt3A_123 : i1 to i32
        %cond3A_125 = arith.constant 0 : i32
        %cond3A_126 = arith.cmpi ne, %convert_element_type3A_124, %cond3A_125 : i32
        scf.if %cond3A_126 {
          %add3A_141 = arith.constant 2 : i32
          %add3A_142 = arith.addi %add3A_83, %add3A_141 : i32
          %mul3A_143 = arith.constant 32 : i32
          %mul3A_144 = arith.muli %add3A_142, %mul3A_143 : i32
          %add3A_145 = arith.addi %add3A, %mul3A_144 : i32
          %mul3A_146 = arith.constant 112 : i32
          %mul3A_147 = arith.muli %add3A_145, %mul3A_146 : i32
          %dma_start3A_148 = tpu.memref_slice %arg6[%mul3A_147] : memref<100000xi32, #tpu.memory_space<hbm>> -> memref<112xi32, #tpu.memory_space<hbm>>
          %dma_start3A_149 = tpu.memref_slice %arg6[%mul3A_147] : memref<100000xi32, #tpu.memory_space<hbm>> -> memref<112xi32, #tpu.memory_space<hbm>>
          tpu.enqueue_dma source(%dma_start3A_149 : memref<112xi32, #tpu.memory_space<hbm>>) target(%arg9 : memref<112xi32, #tpu.memory_space<vmem>>) target_semaphore(%arg21 : memref<!tpu.dma_semaphore, #tpu.memory_space<semaphore_mem>>)
          %dma_start3A_150 = tpu.memref_slice %arg7[%mul3A_147] : memref<100000xi32, #tpu.memory_space<hbm>> -> memref<112xi32, #tpu.memory_space<hbm>>
          %dma_start3A_151 = tpu.memref_slice %arg7[%mul3A_147] : memref<100000xi32, #tpu.memory_space<hbm>> -> memref<112xi32, #tpu.memory_space<hbm>>
          tpu.enqueue_dma source(%dma_start3A_151 : memref<112xi32, #tpu.memory_space<hbm>>) target(%arg11 : memref<112xi32, #tpu.memory_space<vmem>>) target_semaphore(%arg21 : memref<!tpu.dma_semaphore, #tpu.memory_space<semaphore_mem>>)
        } else {
        }
        %scan3A_127 = arith.constant 0 : i32
        %scan3A_128 = arith.constant 112 : i32
        %scan3A_129 = arith.addi %scan3A_127, %scan3A_128 : i32
        %scan3A_130 = arith.constant 1 : i32
        scf.for %scan3A_141 = %scan3A_127 to %scan3A_129 step %scan3A_130  : i32 {
          %mul3A_142 = arith.constant 1 : i32
          %mul3A_143 = arith.muli %scan3A_141, %mul3A_142 : i32
          %add3A_144 = arith.constant 0 : i32
          %add3A_145 = arith.addi %add3A_144, %mul3A_143 : i32
          %get3A = arith.index_cast %add3A_145 : i32 to index
          %get3A_146 = arith.constant 0 : index
          %get3A_147 = tpu.vector_load %arg13[%get3A, %get3A_146] {strides = array<i32>} : memref<112x128xf32, #tpu.memory_space<vmem>>, vector<1x16xf32>,
          %get3A_148 = vector.shape_cast %get3A_147 : vector<1x16xf32> to vector<16xf32>
          %get3A_149 = arith.index_cast %add3A_145 : i32 to index
          %get3A_150 = arith.constant 0 : index
          %get3A_151 = tpu.vector_load %arg15[%get3A_149, %get3A_150] {strides = array<i32>} : memref<112x128xf32, #tpu.memory_space<vmem>>, vector<1x16xf32>,
          %get3A_152 = vector.shape_cast %get3A_151 : vector<1x16xf32> to vector<16xf32>
          %add3A_153 = arith.addf %get3A_148, %get3A_152 : vector<16xf32>
          %get3A_154 = arith.index_cast %add3A_145 : i32 to index
          %get3A_155 = arith.constant 0 : index
          %get3A_156 = tpu.vector_load %arg17[%get3A_154, %get3A_155] {strides = array<i32>} : memref<112x128xf32, #tpu.memory_space<vmem>>, vector<1x16xf32>,
          %get3A_157 = vector.shape_cast %get3A_156 : vector<1x16xf32> to vector<16xf32>
          %add3A_158 = arith.addf %add3A_153, %get3A_157 : vector<16xf32>
          %get3A_159 = arith.index_cast %add3A_145 : i32 to index
          %get3A_160 = arith.constant 0 : index
          %get3A_161 = tpu.vector_load %arg19[%get3A_159, %get3A_160] {strides = array<i32>} : memref<112x128xf32, #tpu.memory_space<vmem>>, vector<1x16xf32>,
          %get3A_162 = vector.shape_cast %get3A_161 : vector<1x16xf32> to vector<16xf32>
          %max3A = arith.constant 0.000000e+00 : f32
          %max3A_163 = vector.broadcast %max3A : f32 to vector<16xf32>
          %max3A_164 = arith.maximumf %add3A_158, %max3A_163 : vector<16xf32>
          %add3A_165 = arith.addf %get3A_162, %max3A_164 : vector<16xf32>
          %swap3A = arith.index_cast %add3A_145 : i32 to index
          %swap3A_166 = arith.constant 0 : index
          %swap3A_167 = tpu.vector_load %arg13[%swap3A, %swap3A_166] {strides = array<i32>} : memref<112x128xf32, #tpu.memory_space<vmem>>, vector<1x16xf32>,
          %swap3A_168 = vector.shape_cast %swap3A_167 : vector<1x16xf32> to vector<16xf32>
          %swap3A_169 = vector.shape_cast %add3A_165 : vector<16xf32> to vector<1x16xf32>
          tpu.vector_store %arg13[%swap3A, %swap3A_166], %swap3A_169 {strides = array<i32>} : memref<112x128xf32, #tpu.memory_space<vmem>>, vector<1x16xf32>,
          %get3A_170 = arith.index_cast %add3A_145 : i32 to index
          %get3A_171 = arith.constant 16 : index
          %get3A_172 = tpu.vector_load %arg13[%get3A_170, %get3A_171] {strides = array<i32>} : memref<112x128xf32, #tpu.memory_space<vmem>>, vector<1x16xf32>,
          %get3A_173 = vector.shape_cast %get3A_172 : vector<1x16xf32> to vector<16xf32>
          %get3A_174 = arith.index_cast %add3A_145 : i32 to index
          %get3A_175 = arith.constant 16 : index
          %get3A_176 = tpu.vector_load %arg15[%get3A_174, %get3A_175] {strides = array<i32>} : memref<112x128xf32, #tpu.memory_space<vmem>>, vector<1x16xf32>,
          %get3A_177 = vector.shape_cast %get3A_176 : vector<1x16xf32> to vector<16xf32>
          %add3A_178 = arith.addf %get3A_173, %get3A_177 : vector<16xf32>
          %get3A_179 = arith.index_cast %add3A_145 : i32 to index
          %get3A_180 = arith.constant 16 : index
          %get3A_181 = tpu.vector_load %arg17[%get3A_179, %get3A_180] {strides = array<i32>} : memref<112x128xf32, #tpu.memory_space<vmem>>, vector<1x16xf32>,
          %get3A_182 = vector.shape_cast %get3A_181 : vector<1x16xf32> to vector<16xf32>
          %add3A_183 = arith.addf %add3A_178, %get3A_182 : vector<16xf32>
          %get3A_184 = arith.index_cast %add3A_145 : i32 to index
          %get3A_185 = arith.constant 16 : index
          %get3A_186 = tpu.vector_load %arg19[%get3A_184, %get3A_185] {strides = array<i32>} : memref<112x128xf32, #tpu.memory_space<vmem>>, vector<1x16xf32>,
          %get3A_187 = vector.shape_cast %get3A_186 : vector<1x16xf32> to vector<16xf32>
          %max3A_188 = arith.constant 0.000000e+00 : f32
          %max3A_189 = vector.broadcast %max3A_188 : f32 to vector<16xf32>
          %max3A_190 = arith.maximumf %add3A_183, %max3A_189 : vector<16xf32>
          %add3A_191 = arith.addf %get3A_187, %max3A_190 : vector<16xf32>
          %swap3A_192 = arith.index_cast %add3A_145 : i32 to index
          %swap3A_193 = arith.constant 16 : index
          %swap3A_194 = tpu.vector_load %arg13[%swap3A_192, %swap3A_193] {strides = array<i32>} : memref<112x128xf32, #tpu.memory_space<vmem>>, vector<1x16xf32>,
          %swap3A_195 = vector.shape_cast %swap3A_194 : vector<1x16xf32> to vector<16xf32>
          %swap3A_196 = vector.shape_cast %add3A_191 : vector<16xf32> to vector<1x16xf32>
          tpu.vector_store %arg13[%swap3A_192, %swap3A_193], %swap3A_196 {strides = array<i32>} : memref<112x128xf32, #tpu.memory_space<vmem>>, vector<1x16xf32>,
          %get3A_197 = arith.index_cast %add3A_145 : i32 to index
          %get3A_198 = arith.constant 32 : index
          %get3A_199 = tpu.vector_load %arg13[%get3A_197, %get3A_198] {strides = array<i32>} : memref<112x128xf32, #tpu.memory_space<vmem>>, vector<1x16xf32>,
          %get3A_200 = vector.shape_cast %get3A_199 : vector<1x16xf32> to vector<16xf32>
          %get3A_201 = arith.index_cast %add3A_145 : i32 to index
          %get3A_202 = arith.constant 32 : index
          %get3A_203 = tpu.vector_load %arg15[%get3A_201, %get3A_202] {strides = array<i32>} : memref<112x128xf32, #tpu.memory_space<vmem>>, vector<1x16xf32>,
          %get3A_204 = vector.shape_cast %get3A_203 : vector<1x16xf32> to vector<16xf32>
          %add3A_205 = arith.addf %get3A_200, %get3A_204 : vector<16xf32>
          %get3A_206 = arith.index_cast %add3A_145 : i32 to index
          %get3A_207 = arith.constant 32 : index
          %get3A_208 = tpu.vector_load %arg17[%get3A_206, %get3A_207] {strides = array<i32>} : memref<112x128xf32, #tpu.memory_space<vmem>>, vector<1x16xf32>,
          %get3A_209 = vector.shape_cast %get3A_208 : vector<1x16xf32> to vector<16xf32>
          %add3A_210 = arith.addf %add3A_205, %get3A_209 : vector<16xf32>
          %get3A_211 = arith.index_cast %add3A_145 : i32 to index
          %get3A_212 = arith.constant 32 : index
          %get3A_213 = tpu.vector_load %arg19[%get3A_211, %get3A_212] {strides = array<i32>} : memref<112x128xf32, #tpu.memory_space<vmem>>, vector<1x16xf32>,
          %get3A_214 = vector.shape_cast %get3A_213 : vector<1x16xf32> to vector<16xf32>
          %max3A_215 = arith.constant 0.000000e+00 : f32
          %max3A_216 = vector.broadcast %max3A_215 : f32 to vector<16xf32>
          %max3A_217 = arith.maximumf %add3A_210, %max3A_216 : vector<16xf32>
          %add3A_218 = arith.addf %get3A_214, %max3A_217 : vector<16xf32>
          %swap3A_219 = arith.index_cast %add3A_145 : i32 to index
          %swap3A_220 = arith.constant 32 : index
          %swap3A_221 = tpu.vector_load %arg13[%swap3A_219, %swap3A_220] {strides = array<i32>} : memref<112x128xf32, #tpu.memory_space<vmem>>, vector<1x16xf32>,
          %swap3A_222 = vector.shape_cast %swap3A_221 : vector<1x16xf32> to vector<16xf32>
          %swap3A_223 = vector.shape_cast %add3A_218 : vector<16xf32> to vector<1x16xf32>
          tpu.vector_store %arg13[%swap3A_219, %swap3A_220], %swap3A_223 {strides = array<i32>} : memref<112x128xf32, #tpu.memory_space<vmem>>, vector<1x16xf32>,
          %get3A_224 = arith.index_cast %add3A_145 : i32 to index
          %get3A_225 = arith.constant 48 : index
          %get3A_226 = tpu.vector_load %arg13[%get3A_224, %get3A_225] {strides = array<i32>} : memref<112x128xf32, #tpu.memory_space<vmem>>, vector<1x16xf32>,
          %get3A_227 = vector.shape_cast %get3A_226 : vector<1x16xf32> to vector<16xf32>
          %get3A_228 = arith.index_cast %add3A_145 : i32 to index
          %get3A_229 = arith.constant 48 : index
          %get3A_230 = tpu.vector_load %arg15[%get3A_228, %get3A_229] {strides = array<i32>} : memref<112x128xf32, #tpu.memory_space<vmem>>, vector<1x16xf32>,
          %get3A_231 = vector.shape_cast %get3A_230 : vector<1x16xf32> to vector<16xf32>
          %add3A_232 = arith.addf %get3A_227, %get3A_231 : vector<16xf32>
          %get3A_233 = arith.index_cast %add3A_145 : i32 to index
          %get3A_234 = arith.constant 48 : index
          %get3A_235 = tpu.vector_load %arg17[%get3A_233, %get3A_234] {strides = array<i32>} : memref<112x128xf32, #tpu.memory_space<vmem>>, vector<1x16xf32>,
          %get3A_236 = vector.shape_cast %get3A_235 : vector<1x16xf32> to vector<16xf32>
          %add3A_237 = arith.addf %add3A_232, %get3A_236 : vector<16xf32>
          %get3A_238 = arith.index_cast %add3A_145 : i32 to index
          %get3A_239 = arith.constant 48 : index
          %get3A_240 = tpu.vector_load %arg19[%get3A_238, %get3A_239] {strides = array<i32>} : memref<112x128xf32, #tpu.memory_space<vmem>>, vector<1x16xf32>,
          %get3A_241 = vector.shape_cast %get3A_240 : vector<1x16xf32> to vector<16xf32>
          %max3A_242 = arith.constant 0.000000e+00 : f32
          %max3A_243 = vector.broadcast %max3A_242 : f32 to vector<16xf32>
          %max3A_244 = arith.maximumf %add3A_237, %max3A_243 : vector<16xf32>
          %add3A_245 = arith.addf %get3A_241, %max3A_244 : vector<16xf32>
          %swap3A_246 = arith.index_cast %add3A_145 : i32 to index
          %swap3A_247 = arith.constant 48 : index
          %swap3A_248 = tpu.vector_load %arg13[%swap3A_246, %swap3A_247] {strides = array<i32>} : memref<112x128xf32, #tpu.memory_space<vmem>>, vector<1x16xf32>,
          %swap3A_249 = vector.shape_cast %swap3A_248 : vector<1x16xf32> to vector<16xf32>
          %swap3A_250 = vector.shape_cast %add3A_245 : vector<16xf32> to vector<1x16xf32>
          tpu.vector_store %arg13[%swap3A_246, %swap3A_247], %swap3A_250 {strides = array<i32>} : memref<112x128xf32, #tpu.memory_space<vmem>>, vector<1x16xf32>,
          %get3A_251 = arith.index_cast %add3A_145 : i32 to index
          %get3A_252 = arith.constant 64 : index
          %get3A_253 = tpu.vector_load %arg13[%get3A_251, %get3A_252] {strides = array<i32>} : memref<112x128xf32, #tpu.memory_space<vmem>>, vector<1x16xf32>,
          %get3A_254 = vector.shape_cast %get3A_253 : vector<1x16xf32> to vector<16xf32>
          %get3A_255 = arith.index_cast %add3A_145 : i32 to index
          %get3A_256 = arith.constant 64 : index
          %get3A_257 = tpu.vector_load %arg15[%get3A_255, %get3A_256] {strides = array<i32>} : memref<112x128xf32, #tpu.memory_space<vmem>>, vector<1x16xf32>,
          %get3A_258 = vector.shape_cast %get3A_257 : vector<1x16xf32> to vector<16xf32>
          %add3A_259 = arith.addf %get3A_254, %get3A_258 : vector<16xf32>
          %get3A_260 = arith.index_cast %add3A_145 : i32 to index
          %get3A_261 = arith.constant 64 : index
          %get3A_262 = tpu.vector_load %arg17[%get3A_260, %get3A_261] {strides = array<i32>} : memref<112x128xf32, #tpu.memory_space<vmem>>, vector<1x16xf32>,
          %get3A_263 = vector.shape_cast %get3A_262 : vector<1x16xf32> to vector<16xf32>
          %add3A_264 = arith.addf %add3A_259, %get3A_263 : vector<16xf32>
          %get3A_265 = arith.index_cast %add3A_145 : i32 to index
          %get3A_266 = arith.constant 64 : index
          %get3A_267 = tpu.vector_load %arg19[%get3A_265, %get3A_266] {strides = array<i32>} : memref<112x128xf32, #tpu.memory_space<vmem>>, vector<1x16xf32>,
          %get3A_268 = vector.shape_cast %get3A_267 : vector<1x16xf32> to vector<16xf32>
          %max3A_269 = arith.constant 0.000000e+00 : f32
          %max3A_270 = vector.broadcast %max3A_269 : f32 to vector<16xf32>
          %max3A_271 = arith.maximumf %add3A_264, %max3A_270 : vector<16xf32>
          %add3A_272 = arith.addf %get3A_268, %max3A_271 : vector<16xf32>
          %swap3A_273 = arith.index_cast %add3A_145 : i32 to index
          %swap3A_274 = arith.constant 64 : index
          %swap3A_275 = tpu.vector_load %arg13[%swap3A_273, %swap3A_274] {strides = array<i32>} : memref<112x128xf32, #tpu.memory_space<vmem>>, vector<1x16xf32>,
          %swap3A_276 = vector.shape_cast %swap3A_275 : vector<1x16xf32> to vector<16xf32>
          %swap3A_277 = vector.shape_cast %add3A_272 : vector<16xf32> to vector<1x16xf32>
          tpu.vector_store %arg13[%swap3A_273, %swap3A_274], %swap3A_277 {strides = array<i32>} : memref<112x128xf32, #tpu.memory_space<vmem>>, vector<1x16xf32>,
          %get3A_278 = arith.index_cast %add3A_145 : i32 to index
          %get3A_279 = arith.constant 80 : index
          %get3A_280 = tpu.vector_load %arg13[%get3A_278, %get3A_279] {strides = array<i32>} : memref<112x128xf32, #tpu.memory_space<vmem>>, vector<1x16xf32>,
          %get3A_281 = vector.shape_cast %get3A_280 : vector<1x16xf32> to vector<16xf32>
          %get3A_282 = arith.index_cast %add3A_145 : i32 to index
          %get3A_283 = arith.constant 80 : index
          %get3A_284 = tpu.vector_load %arg15[%get3A_282, %get3A_283] {strides = array<i32>} : memref<112x128xf32, #tpu.memory_space<vmem>>, vector<1x16xf32>,
          %get3A_285 = vector.shape_cast %get3A_284 : vector<1x16xf32> to vector<16xf32>
          %add3A_286 = arith.addf %get3A_281, %get3A_285 : vector<16xf32>
          %get3A_287 = arith.index_cast %add3A_145 : i32 to index
          %get3A_288 = arith.constant 80 : index
          %get3A_289 = tpu.vector_load %arg17[%get3A_287, %get3A_288] {strides = array<i32>} : memref<112x128xf32, #tpu.memory_space<vmem>>, vector<1x16xf32>,
          %get3A_290 = vector.shape_cast %get3A_289 : vector<1x16xf32> to vector<16xf32>
          %add3A_291 = arith.addf %add3A_286, %get3A_290 : vector<16xf32>
          %get3A_292 = arith.index_cast %add3A_145 : i32 to index
          %get3A_293 = arith.constant 80 : index
          %get3A_294 = tpu.vector_load %arg19[%get3A_292, %get3A_293] {strides = array<i32>} : memref<112x128xf32, #tpu.memory_space<vmem>>, vector<1x16xf32>,
          %get3A_295 = vector.shape_cast %get3A_294 : vector<1x16xf32> to vector<16xf32>
          %max3A_296 = arith.constant 0.000000e+00 : f32
          %max3A_297 = vector.broadcast %max3A_296 : f32 to vector<16xf32>
          %max3A_298 = arith.maximumf %add3A_291, %max3A_297 : vector<16xf32>
          %add3A_299 = arith.addf %get3A_295, %max3A_298 : vector<16xf32>
          %swap3A_300 = arith.index_cast %add3A_145 : i32 to index
          %swap3A_301 = arith.constant 80 : index
          %swap3A_302 = tpu.vector_load %arg13[%swap3A_300, %swap3A_301] {strides = array<i32>} : memref<112x128xf32, #tpu.memory_space<vmem>>, vector<1x16xf32>,
          %swap3A_303 = vector.shape_cast %swap3A_302 : vector<1x16xf32> to vector<16xf32>
          %swap3A_304 = vector.shape_cast %add3A_299 : vector<16xf32> to vector<1x16xf32>
          tpu.vector_store %arg13[%swap3A_300, %swap3A_301], %swap3A_304 {strides = array<i32>} : memref<112x128xf32, #tpu.memory_space<vmem>>, vector<1x16xf32>,
          %get3A_305 = arith.index_cast %add3A_145 : i32 to index
          %get3A_306 = arith.constant 96 : index
          %get3A_307 = tpu.vector_load %arg13[%get3A_305, %get3A_306] {strides = array<i32>} : memref<112x128xf32, #tpu.memory_space<vmem>>, vector<1x16xf32>,
          %get3A_308 = vector.shape_cast %get3A_307 : vector<1x16xf32> to vector<16xf32>
          %get3A_309 = arith.index_cast %add3A_145 : i32 to index
          %get3A_310 = arith.constant 96 : index
          %get3A_311 = tpu.vector_load %arg15[%get3A_309, %get3A_310] {strides = array<i32>} : memref<112x128xf32, #tpu.memory_space<vmem>>, vector<1x16xf32>,
          %get3A_312 = vector.shape_cast %get3A_311 : vector<1x16xf32> to vector<16xf32>
          %add3A_313 = arith.addf %get3A_308, %get3A_312 : vector<16xf32>
          %get3A_314 = arith.index_cast %add3A_145 : i32 to index
          %get3A_315 = arith.constant 96 : index
          %get3A_316 = tpu.vector_load %arg17[%get3A_314, %get3A_315] {strides = array<i32>} : memref<112x128xf32, #tpu.memory_space<vmem>>, vector<1x16xf32>,
          %get3A_317 = vector.shape_cast %get3A_316 : vector<1x16xf32> to vector<16xf32>
          %add3A_318 = arith.addf %add3A_313, %get3A_317 : vector<16xf32>
          %get3A_319 = arith.index_cast %add3A_145 : i32 to index
          %get3A_320 = arith.constant 96 : index
          %get3A_321 = tpu.vector_load %arg19[%get3A_319, %get3A_320] {strides = array<i32>} : memref<112x128xf32, #tpu.memory_space<vmem>>, vector<1x16xf32>,
          %get3A_322 = vector.shape_cast %get3A_321 : vector<1x16xf32> to vector<16xf32>
          %max3A_323 = arith.constant 0.000000e+00 : f32
          %max3A_324 = vector.broadcast %max3A_323 : f32 to vector<16xf32>
          %max3A_325 = arith.maximumf %add3A_318, %max3A_324 : vector<16xf32>
          %add3A_326 = arith.addf %get3A_322, %max3A_325 : vector<16xf32>
          %swap3A_327 = arith.index_cast %add3A_145 : i32 to index
          %swap3A_328 = arith.constant 96 : index
          %swap3A_329 = tpu.vector_load %arg13[%swap3A_327, %swap3A_328] {strides = array<i32>} : memref<112x128xf32, #tpu.memory_space<vmem>>, vector<1x16xf32>,
          %swap3A_330 = vector.shape_cast %swap3A_329 : vector<1x16xf32> to vector<16xf32>
          %swap3A_331 = vector.shape_cast %add3A_326 : vector<16xf32> to vector<1x16xf32>
          tpu.vector_store %arg13[%swap3A_327, %swap3A_328], %swap3A_331 {strides = array<i32>} : memref<112x128xf32, #tpu.memory_space<vmem>>, vector<1x16xf32>,
          %get3A_332 = arith.index_cast %add3A_145 : i32 to index
          %get3A_333 = arith.constant 112 : index
          %get3A_334 = tpu.vector_load %arg13[%get3A_332, %get3A_333] {strides = array<i32>} : memref<112x128xf32, #tpu.memory_space<vmem>>, vector<1x16xf32>,
          %get3A_335 = vector.shape_cast %get3A_334 : vector<1x16xf32> to vector<16xf32>
          %get3A_336 = arith.index_cast %add3A_145 : i32 to index
          %get3A_337 = arith.constant 112 : index
          %get3A_338 = tpu.vector_load %arg15[%get3A_336, %get3A_337] {strides = array<i32>} : memref<112x128xf32, #tpu.memory_space<vmem>>, vector<1x16xf32>,
          %get3A_339 = vector.shape_cast %get3A_338 : vector<1x16xf32> to vector<16xf32>
          %add3A_340 = arith.addf %get3A_335, %get3A_339 : vector<16xf32>
          %get3A_341 = arith.index_cast %add3A_145 : i32 to index
          %get3A_342 = arith.constant 112 : index
          %get3A_343 = tpu.vector_load %arg17[%get3A_341, %get3A_342] {strides = array<i32>} : memref<112x128xf32, #tpu.memory_space<vmem>>, vector<1x16xf32>,
          %get3A_344 = vector.shape_cast %get3A_343 : vector<1x16xf32> to vector<16xf32>
          %add3A_345 = arith.addf %add3A_340, %get3A_344 : vector<16xf32>
          %get3A_346 = arith.index_cast %add3A_145 : i32 to index
          %get3A_347 = arith.constant 112 : index
          %get3A_348 = tpu.vector_load %arg19[%get3A_346, %get3A_347] {strides = array<i32>} : memref<112x128xf32, #tpu.memory_space<vmem>>, vector<1x16xf32>,
          %get3A_349 = vector.shape_cast %get3A_348 : vector<1x16xf32> to vector<16xf32>
          %max3A_350 = arith.constant 0.000000e+00 : f32
          %max3A_351 = vector.broadcast %max3A_350 : f32 to vector<16xf32>
          %max3A_352 = arith.maximumf %add3A_345, %max3A_351 : vector<16xf32>
          %add3A_353 = arith.addf %get3A_349, %max3A_352 : vector<16xf32>
          %swap3A_354 = arith.index_cast %add3A_145 : i32 to index
          %swap3A_355 = arith.constant 112 : index
          %swap3A_356 = tpu.vector_load %arg13[%swap3A_354, %swap3A_355] {strides = array<i32>} : memref<112x128xf32, #tpu.memory_space<vmem>>, vector<1x16xf32>,
          %swap3A_357 = vector.shape_cast %swap3A_356 : vector<1x16xf32> to vector<16xf32>
          %swap3A_358 = vector.shape_cast %add3A_353 : vector<16xf32> to vector<1x16xf32>
          tpu.vector_store %arg13[%swap3A_354, %swap3A_355], %swap3A_358 {strides = array<i32>} : memref<112x128xf32, #tpu.memory_space<vmem>>, vector<1x16xf32>,
        }
        %scan3A_131 = arith.constant 112 : i32
        %mul3A_132 = arith.constant 32 : i32
        %mul3A_133 = arith.muli %add3A_83, %mul3A_132 : i32
        %add3A_134 = arith.addi %add3A, %mul3A_133 : i32
        %mul3A_135 = arith.constant 112 : i32
        %mul3A_136 = arith.muli %add3A_134, %mul3A_135 : i32
        %dma_start3A_137 = arith.constant 0 : i32
        %dma_start3A_138 = tpu.memref_slice %arg8[%mul3A_136, %dma_start3A_137] : memref<100000x128xf32, #tpu.memory_space<hbm>> -> memref<112x128xf32, #tpu.memory_space<hbm>>
        %dma_start3A_139 = arith.constant 0 : i32
        %dma_start3A_140 = tpu.memref_slice %arg8[%mul3A_136, %dma_start3A_139] : memref<100000x128xf32, #tpu.memory_space<hbm>> -> memref<112x128xf32, #tpu.memory_space<hbm>>
        tpu.enqueue_dma source(%arg13 : memref<112x128xf32, #tpu.memory_space<vmem>>) target(%dma_start3A_140 : memref<112x128xf32, #tpu.memory_space<hbm>>) target_semaphore(%arg25 : memref<!tpu.dma_semaphore, #tpu.memory_space<semaphore_mem>>)
      } else {
      }
      %add3A_89 = arith.constant 1 : i32
      %add3A_90 = arith.addi %add3A_81, %add3A_89 : i32
      %add3A_91 = arith.constant 1 : i32
      %add3A_92 = arith.addi %add3A_81, %add3A_91 : i32
      %lt3A_93 = arith.cmpi slt, %add3A_92, %select_n3A : i32
      %convert_element_type3A_94 = arith.extui %lt3A_93 : i1 to i32
      %cond3A_95 = arith.constant 0 : i32
      %cond3A_96 = arith.cmpi ne, %convert_element_type3A_94, %cond3A_95 : i32
      scf.if %cond3A_96 {
        %add3A_97 = arith.constant 1 : i32
        %add3A_98 = arith.addi %add3A_90, %add3A_97 : i32
        %lt3A_99 = arith.cmpi slt, %add3A_98, %select_n3A : i32
        %convert_element_type3A_100 = arith.extui %lt3A_99 : i1 to i32
        %cond3A_101 = arith.constant 0 : i32
        %cond3A_102 = arith.cmpi ne, %convert_element_type3A_100, %cond3A_101 : i32
        scf.if %cond3A_102 {
          %dma_wait3A_141 = arith.constant 0 : i32
          %dma_wait3A_142 = tpu.memref_slice %arg6[%dma_wait3A_141] : memref<100000xi32, #tpu.memory_space<hbm>> -> memref<112xi32, #tpu.memory_space<hbm>>
          %dma_wait3A_143 = arith.constant 0 : i32
          %dma_wait3A_144 = tpu.memref_slice %arg6[%dma_wait3A_143] : memref<100000xi32, #tpu.memory_space<hbm>> -> memref<112xi32, #tpu.memory_space<hbm>>
          tpu.wait_dma2 semaphore(%arg21 : memref<!tpu.dma_semaphore, #tpu.memory_space<semaphore_mem>>) src(%dma_wait3A_144 : memref<112xi32, #tpu.memory_space<hbm>>) dst(%arg9 : memref<112xi32, #tpu.memory_space<vmem>>)
          %dma_wait3A_145 = arith.constant 0 : i32
          %dma_wait3A_146 = tpu.memref_slice %arg7[%dma_wait3A_145] : memref<100000xi32, #tpu.memory_space<hbm>> -> memref<112xi32, #tpu.memory_space<hbm>>
          %dma_wait3A_147 = arith.constant 0 : i32
          %dma_wait3A_148 = tpu.memref_slice %arg7[%dma_wait3A_147] : memref<100000xi32, #tpu.memory_space<hbm>> -> memref<112xi32, #tpu.memory_space<hbm>>
          tpu.wait_dma2 semaphore(%arg21 : memref<!tpu.dma_semaphore, #tpu.memory_space<semaphore_mem>>) src(%dma_wait3A_148 : memref<112xi32, #tpu.memory_space<hbm>>) dst(%arg11 : memref<112xi32, #tpu.memory_space<vmem>>)
          %ge3A = arith.constant 1 : i32
          %ge3A_149 = arith.cmpi sge, %add3A_90, %ge3A : i32
          %convert_element_type3A_150 = arith.extui %ge3A_149 : i1 to i32
          %cond3A_151 = arith.constant 0 : i32
          %cond3A_152 = arith.cmpi ne, %convert_element_type3A_150, %cond3A_151 : i32
          scf.if %cond3A_152 {
            %dma_wait3A_174 = arith.constant 0 : i32
            %dma_wait3A_175 = arith.constant 0 : i32
            %dma_wait3A_176 = tpu.memref_slice %arg8[%dma_wait3A_174, %dma_wait3A_175] : memref<100000x128xf32, #tpu.memory_space<hbm>> -> memref<112x128xf32, #tpu.memory_space<hbm>>
            %dma_wait3A_177 = arith.constant 0 : i32
            %dma_wait3A_178 = arith.constant 0 : i32
            %dma_wait3A_179 = tpu.memref_slice %arg8[%dma_wait3A_177, %dma_wait3A_178] : memref<100000x128xf32, #tpu.memory_space<hbm>> -> memref<112x128xf32, #tpu.memory_space<hbm>>
            tpu.wait_dma2 semaphore(%arg25 : memref<!tpu.dma_semaphore, #tpu.memory_space<semaphore_mem>>) src(%arg13 : memref<112x128xf32, #tpu.memory_space<vmem>>) dst(%dma_wait3A_179 : memref<112x128xf32, #tpu.memory_space<hbm>>)
          } else {
          }
          %add3A_153 = arith.constant 1 : i32
          %add3A_154 = arith.addi %add3A_90, %add3A_153 : i32
          %mul3A_155 = arith.constant 32 : i32
          %mul3A_156 = arith.muli %add3A_154, %mul3A_155 : i32
          %add3A_157 = arith.addi %add3A, %mul3A_156 : i32
          %mul3A_158 = arith.constant 112 : i32
          %mul3A_159 = arith.muli %add3A_157, %mul3A_158 : i32
          %dma_start3A_160 = arith.constant 0 : i32
          %dma_start3A_161 = arith.constant 0 : i32
          %dma_start3A_162 = tpu.memref_slice %arg2[%dma_start3A_160, %dma_start3A_161] : memref<100000x128xf32, #tpu.memory_space<hbm>> -> memref<100000x128xf32, #tpu.memory_space<hbm>>
          tpu.enqueue_indirect_dma source(%dma_start3A_162 : memref<100000x128xf32, #tpu.memory_space<hbm>>) target(%arg13 : memref<112x128xf32, #tpu.memory_space<vmem>>) offsets(%arg9 : memref<112xi32, #tpu.memory_space<vmem>>) semaphore(%arg23 : memref<!tpu.dma_semaphore, #tpu.memory_space<semaphore_mem>>)
          %dma_start3A_163 = arith.constant 0 : i32
          %dma_start3A_164 = arith.constant 0 : i32
          %dma_start3A_165 = tpu.memref_slice %arg3[%dma_start3A_163, %dma_start3A_164] : memref<100000x128xf32, #tpu.memory_space<hbm>> -> memref<100000x128xf32, #tpu.memory_space<hbm>>
          tpu.enqueue_indirect_dma source(%dma_start3A_165 : memref<100000x128xf32, #tpu.memory_space<hbm>>) target(%arg15 : memref<112x128xf32, #tpu.memory_space<vmem>>) offsets(%arg11 : memref<112xi32, #tpu.memory_space<vmem>>) semaphore(%arg23 : memref<!tpu.dma_semaphore, #tpu.memory_space<semaphore_mem>>)
          %dma_start3A_166 = arith.constant 0 : i32
          %dma_start3A_167 = tpu.memref_slice %arg4[%mul3A_159, %dma_start3A_166] : memref<100000x128xf32, #tpu.memory_space<hbm>> -> memref<112x128xf32, #tpu.memory_space<hbm>>
          %dma_start3A_168 = arith.constant 0 : i32
          %dma_start3A_169 = tpu.memref_slice %arg4[%mul3A_159, %dma_start3A_168] : memref<100000x128xf32, #tpu.memory_space<hbm>> -> memref<112x128xf32, #tpu.memory_space<hbm>>
          tpu.enqueue_dma source(%dma_start3A_169 : memref<112x128xf32, #tpu.memory_space<hbm>>) target(%arg17 : memref<112x128xf32, #tpu.memory_space<vmem>>) target_semaphore(%arg23 : memref<!tpu.dma_semaphore, #tpu.memory_space<semaphore_mem>>)
          %dma_start3A_170 = arith.constant 0 : i32
          %dma_start3A_171 = tpu.memref_slice %arg5[%mul3A_159, %dma_start3A_170] : memref<100000x128xf32, #tpu.memory_space<hbm>> -> memref<112x128xf32, #tpu.memory_space<hbm>>
          %dma_start3A_172 = arith.constant 0 : i32
          %dma_start3A_173 = tpu.memref_slice %arg5[%mul3A_159, %dma_start3A_172] : memref<100000x128xf32, #tpu.memory_space<hbm>> -> memref<112x128xf32, #tpu.memory_space<hbm>>
          tpu.enqueue_dma source(%dma_start3A_173 : memref<112x128xf32, #tpu.memory_space<hbm>>) target(%arg19 : memref<112x128xf32, #tpu.memory_space<vmem>>) target_semaphore(%arg23 : memref<!tpu.dma_semaphore, #tpu.memory_space<semaphore_mem>>)
        } else {
        }
        %dma_wait3A_103 = arith.constant 0 : i32
        %dma_wait3A_104 = arith.constant 0 : i32
        %dma_wait3A_105 = tpu.memref_slice %arg2[%dma_wait3A_103, %dma_wait3A_104] : memref<100000x128xf32, #tpu.memory_space<hbm>> -> memref<100000x128xf32, #tpu.memory_space<hbm>>
        tpu.wait_indirect_dma semaphore(%arg24 : memref<!tpu.dma_semaphore, #tpu.memory_space<semaphore_mem>>) src(%dma_wait3A_105 : memref<100000x128xf32, #tpu.memory_space<hbm>>) dst(%arg14 : memref<112x128xf32, #tpu.memory_space<vmem>>)
        %dma_wait3A_106 = arith.constant 0 : i32
        %dma_wait3A_107 = arith.constant 0 : i32
        %dma_wait3A_108 = tpu.memref_slice %arg3[%dma_wait3A_106, %dma_wait3A_107] : memref<100000x128xf32, #tpu.memory_space<hbm>> -> memref<100000x128xf32, #tpu.memory_space<hbm>>
        tpu.wait_indirect_dma semaphore(%arg24 : memref<!tpu.dma_semaphore, #tpu.memory_space<semaphore_mem>>) src(%dma_wait3A_108 : memref<100000x128xf32, #tpu.memory_space<hbm>>) dst(%arg16 : memref<112x128xf32, #tpu.memory_space<vmem>>)
        %dma_wait3A_109 = arith.constant 0 : i32
        %dma_wait3A_110 = arith.constant 0 : i32
        %dma_wait3A_111 = tpu.memref_slice %arg4[%dma_wait3A_109, %dma_wait3A_110] : memref<100000x128xf32, #tpu.memory_space<hbm>> -> memref<112x128xf32, #tpu.memory_space<hbm>>
        %dma_wait3A_112 = arith.constant 0 : i32
        %dma_wait3A_113 = arith.constant 0 : i32
        %dma_wait3A_114 = tpu.memref_slice %arg4[%dma_wait3A_112, %dma_wait3A_113] : memref<100000x128xf32, #tpu.memory_space<hbm>> -> memref<112x128xf32, #tpu.memory_space<hbm>>
        tpu.wait_dma2 semaphore(%arg24 : memref<!tpu.dma_semaphore, #tpu.memory_space<semaphore_mem>>) src(%dma_wait3A_114 : memref<112x128xf32, #tpu.memory_space<hbm>>) dst(%arg18 : memref<112x128xf32, #tpu.memory_space<vmem>>)
        %dma_wait3A_115 = arith.constant 0 : i32
        %dma_wait3A_116 = arith.constant 0 : i32
        %dma_wait3A_117 = tpu.memref_slice %arg5[%dma_wait3A_115, %dma_wait3A_116] : memref<100000x128xf32, #tpu.memory_space<hbm>> -> memref<112x128xf32, #tpu.memory_space<hbm>>
        %dma_wait3A_118 = arith.constant 0 : i32
        %dma_wait3A_119 = arith.constant 0 : i32
        %dma_wait3A_120 = tpu.memref_slice %arg5[%dma_wait3A_118, %dma_wait3A_119] : memref<100000x128xf32, #tpu.memory_space<hbm>> -> memref<112x128xf32, #tpu.memory_space<hbm>>
        tpu.wait_dma2 semaphore(%arg24 : memref<!tpu.dma_semaphore, #tpu.memory_space<semaphore_mem>>) src(%dma_wait3A_120 : memref<112x128xf32, #tpu.memory_space<hbm>>) dst(%arg20 : memref<112x128xf32, #tpu.memory_space<vmem>>)
        %add3A_121 = arith.constant 2 : i32
        %add3A_122 = arith.addi %add3A_90, %add3A_121 : i32
        %lt3A_123 = arith.cmpi slt, %add3A_122, %select_n3A : i32
        %convert_element_type3A_124 = arith.extui %lt3A_123 : i1 to i32
        %cond3A_125 = arith.constant 0 : i32
        %cond3A_126 = arith.cmpi ne, %convert_element_type3A_124, %cond3A_125 : i32
        scf.if %cond3A_126 {
          %add3A_141 = arith.constant 2 : i32
          %add3A_142 = arith.addi %add3A_90, %add3A_141 : i32
          %mul3A_143 = arith.constant 32 : i32
          %mul3A_144 = arith.muli %add3A_142, %mul3A_143 : i32
          %add3A_145 = arith.addi %add3A, %mul3A_144 : i32
          %mul3A_146 = arith.constant 112 : i32
          %mul3A_147 = arith.muli %add3A_145, %mul3A_146 : i32
          %dma_start3A_148 = tpu.memref_slice %arg6[%mul3A_147] : memref<100000xi32, #tpu.memory_space<hbm>> -> memref<112xi32, #tpu.memory_space<hbm>>
          %dma_start3A_149 = tpu.memref_slice %arg6[%mul3A_147] : memref<100000xi32, #tpu.memory_space<hbm>> -> memref<112xi32, #tpu.memory_space<hbm>>
          tpu.enqueue_dma source(%dma_start3A_149 : memref<112xi32, #tpu.memory_space<hbm>>) target(%arg10 : memref<112xi32, #tpu.memory_space<vmem>>) target_semaphore(%arg22 : memref<!tpu.dma_semaphore, #tpu.memory_space<semaphore_mem>>)
          %dma_start3A_150 = tpu.memref_slice %arg7[%mul3A_147] : memref<100000xi32, #tpu.memory_space<hbm>> -> memref<112xi32, #tpu.memory_space<hbm>>
          %dma_start3A_151 = tpu.memref_slice %arg7[%mul3A_147] : memref<100000xi32, #tpu.memory_space<hbm>> -> memref<112xi32, #tpu.memory_space<hbm>>
          tpu.enqueue_dma source(%dma_start3A_151 : memref<112xi32, #tpu.memory_space<hbm>>) target(%arg12 : memref<112xi32, #tpu.memory_space<vmem>>) target_semaphore(%arg22 : memref<!tpu.dma_semaphore, #tpu.memory_space<semaphore_mem>>)
        } else {
        }
        %scan3A_127 = arith.constant 0 : i32
        %scan3A_128 = arith.constant 112 : i32
        %scan3A_129 = arith.addi %scan3A_127, %scan3A_128 : i32
        %scan3A_130 = arith.constant 1 : i32
        scf.for %scan3A_141 = %scan3A_127 to %scan3A_129 step %scan3A_130  : i32 {
          %mul3A_142 = arith.constant 1 : i32
          %mul3A_143 = arith.muli %scan3A_141, %mul3A_142 : i32
          %add3A_144 = arith.constant 0 : i32
          %add3A_145 = arith.addi %add3A_144, %mul3A_143 : i32
          %get3A = arith.index_cast %add3A_145 : i32 to index
          %get3A_146 = arith.constant 0 : index
          %get3A_147 = tpu.vector_load %arg14[%get3A, %get3A_146] {strides = array<i32>} : memref<112x128xf32, #tpu.memory_space<vmem>>, vector<1x16xf32>,
          %get3A_148 = vector.shape_cast %get3A_147 : vector<1x16xf32> to vector<16xf32>
          %get3A_149 = arith.index_cast %add3A_145 : i32 to index
          %get3A_150 = arith.constant 0 : index
          %get3A_151 = tpu.vector_load %arg16[%get3A_149, %get3A_150] {strides = array<i32>} : memref<112x128xf32, #tpu.memory_space<vmem>>, vector<1x16xf32>,
          %get3A_152 = vector.shape_cast %get3A_151 : vector<1x16xf32> to vector<16xf32>
          %add3A_153 = arith.addf %get3A_148, %get3A_152 : vector<16xf32>
          %get3A_154 = arith.index_cast %add3A_145 : i32 to index
          %get3A_155 = arith.constant 0 : index
          %get3A_156 = tpu.vector_load %arg18[%get3A_154, %get3A_155] {strides = array<i32>} : memref<112x128xf32, #tpu.memory_space<vmem>>, vector<1x16xf32>,
          %get3A_157 = vector.shape_cast %get3A_156 : vector<1x16xf32> to vector<16xf32>
          %add3A_158 = arith.addf %add3A_153, %get3A_157 : vector<16xf32>
          %get3A_159 = arith.index_cast %add3A_145 : i32 to index
          %get3A_160 = arith.constant 0 : index
          %get3A_161 = tpu.vector_load %arg20[%get3A_159, %get3A_160] {strides = array<i32>} : memref<112x128xf32, #tpu.memory_space<vmem>>, vector<1x16xf32>,
          %get3A_162 = vector.shape_cast %get3A_161 : vector<1x16xf32> to vector<16xf32>
          %max3A = arith.constant 0.000000e+00 : f32
          %max3A_163 = vector.broadcast %max3A : f32 to vector<16xf32>
          %max3A_164 = arith.maximumf %add3A_158, %max3A_163 : vector<16xf32>
          %add3A_165 = arith.addf %get3A_162, %max3A_164 : vector<16xf32>
          %swap3A = arith.index_cast %add3A_145 : i32 to index
          %swap3A_166 = arith.constant 0 : index
          %swap3A_167 = tpu.vector_load %arg14[%swap3A, %swap3A_166] {strides = array<i32>} : memref<112x128xf32, #tpu.memory_space<vmem>>, vector<1x16xf32>,
          %swap3A_168 = vector.shape_cast %swap3A_167 : vector<1x16xf32> to vector<16xf32>
          %swap3A_169 = vector.shape_cast %add3A_165 : vector<16xf32> to vector<1x16xf32>
          tpu.vector_store %arg14[%swap3A, %swap3A_166], %swap3A_169 {strides = array<i32>} : memref<112x128xf32, #tpu.memory_space<vmem>>, vector<1x16xf32>,
          %get3A_170 = arith.index_cast %add3A_145 : i32 to index
          %get3A_171 = arith.constant 16 : index
          %get3A_172 = tpu.vector_load %arg14[%get3A_170, %get3A_171] {strides = array<i32>} : memref<112x128xf32, #tpu.memory_space<vmem>>, vector<1x16xf32>,
          %get3A_173 = vector.shape_cast %get3A_172 : vector<1x16xf32> to vector<16xf32>
          %get3A_174 = arith.index_cast %add3A_145 : i32 to index
          %get3A_175 = arith.constant 16 : index
          %get3A_176 = tpu.vector_load %arg16[%get3A_174, %get3A_175] {strides = array<i32>} : memref<112x128xf32, #tpu.memory_space<vmem>>, vector<1x16xf32>,
          %get3A_177 = vector.shape_cast %get3A_176 : vector<1x16xf32> to vector<16xf32>
          %add3A_178 = arith.addf %get3A_173, %get3A_177 : vector<16xf32>
          %get3A_179 = arith.index_cast %add3A_145 : i32 to index
          %get3A_180 = arith.constant 16 : index
          %get3A_181 = tpu.vector_load %arg18[%get3A_179, %get3A_180] {strides = array<i32>} : memref<112x128xf32, #tpu.memory_space<vmem>>, vector<1x16xf32>,
          %get3A_182 = vector.shape_cast %get3A_181 : vector<1x16xf32> to vector<16xf32>
          %add3A_183 = arith.addf %add3A_178, %get3A_182 : vector<16xf32>
          %get3A_184 = arith.index_cast %add3A_145 : i32 to index
          %get3A_185 = arith.constant 16 : index
          %get3A_186 = tpu.vector_load %arg20[%get3A_184, %get3A_185] {strides = array<i32>} : memref<112x128xf32, #tpu.memory_space<vmem>>, vector<1x16xf32>,
          %get3A_187 = vector.shape_cast %get3A_186 : vector<1x16xf32> to vector<16xf32>
          %max3A_188 = arith.constant 0.000000e+00 : f32
          %max3A_189 = vector.broadcast %max3A_188 : f32 to vector<16xf32>
          %max3A_190 = arith.maximumf %add3A_183, %max3A_189 : vector<16xf32>
          %add3A_191 = arith.addf %get3A_187, %max3A_190 : vector<16xf32>
          %swap3A_192 = arith.index_cast %add3A_145 : i32 to index
          %swap3A_193 = arith.constant 16 : index
          %swap3A_194 = tpu.vector_load %arg14[%swap3A_192, %swap3A_193] {strides = array<i32>} : memref<112x128xf32, #tpu.memory_space<vmem>>, vector<1x16xf32>,
          %swap3A_195 = vector.shape_cast %swap3A_194 : vector<1x16xf32> to vector<16xf32>
          %swap3A_196 = vector.shape_cast %add3A_191 : vector<16xf32> to vector<1x16xf32>
          tpu.vector_store %arg14[%swap3A_192, %swap3A_193], %swap3A_196 {strides = array<i32>} : memref<112x128xf32, #tpu.memory_space<vmem>>, vector<1x16xf32>,
          %get3A_197 = arith.index_cast %add3A_145 : i32 to index
          %get3A_198 = arith.constant 32 : index
          %get3A_199 = tpu.vector_load %arg14[%get3A_197, %get3A_198] {strides = array<i32>} : memref<112x128xf32, #tpu.memory_space<vmem>>, vector<1x16xf32>,
          %get3A_200 = vector.shape_cast %get3A_199 : vector<1x16xf32> to vector<16xf32>
          %get3A_201 = arith.index_cast %add3A_145 : i32 to index
          %get3A_202 = arith.constant 32 : index
          %get3A_203 = tpu.vector_load %arg16[%get3A_201, %get3A_202] {strides = array<i32>} : memref<112x128xf32, #tpu.memory_space<vmem>>, vector<1x16xf32>,
          %get3A_204 = vector.shape_cast %get3A_203 : vector<1x16xf32> to vector<16xf32>
          %add3A_205 = arith.addf %get3A_200, %get3A_204 : vector<16xf32>
          %get3A_206 = arith.index_cast %add3A_145 : i32 to index
          %get3A_207 = arith.constant 32 : index
          %get3A_208 = tpu.vector_load %arg18[%get3A_206, %get3A_207] {strides = array<i32>} : memref<112x128xf32, #tpu.memory_space<vmem>>, vector<1x16xf32>,
          %get3A_209 = vector.shape_cast %get3A_208 : vector<1x16xf32> to vector<16xf32>
          %add3A_210 = arith.addf %add3A_205, %get3A_209 : vector<16xf32>
          %get3A_211 = arith.index_cast %add3A_145 : i32 to index
          %get3A_212 = arith.constant 32 : index
          %get3A_213 = tpu.vector_load %arg20[%get3A_211, %get3A_212] {strides = array<i32>} : memref<112x128xf32, #tpu.memory_space<vmem>>, vector<1x16xf32>,
          %get3A_214 = vector.shape_cast %get3A_213 : vector<1x16xf32> to vector<16xf32>
          %max3A_215 = arith.constant 0.000000e+00 : f32
          %max3A_216 = vector.broadcast %max3A_215 : f32 to vector<16xf32>
          %max3A_217 = arith.maximumf %add3A_210, %max3A_216 : vector<16xf32>
          %add3A_218 = arith.addf %get3A_214, %max3A_217 : vector<16xf32>
          %swap3A_219 = arith.index_cast %add3A_145 : i32 to index
          %swap3A_220 = arith.constant 32 : index
          %swap3A_221 = tpu.vector_load %arg14[%swap3A_219, %swap3A_220] {strides = array<i32>} : memref<112x128xf32, #tpu.memory_space<vmem>>, vector<1x16xf32>,
          %swap3A_222 = vector.shape_cast %swap3A_221 : vector<1x16xf32> to vector<16xf32>
          %swap3A_223 = vector.shape_cast %add3A_218 : vector<16xf32> to vector<1x16xf32>
          tpu.vector_store %arg14[%swap3A_219, %swap3A_220], %swap3A_223 {strides = array<i32>} : memref<112x128xf32, #tpu.memory_space<vmem>>, vector<1x16xf32>,
          %get3A_224 = arith.index_cast %add3A_145 : i32 to index
          %get3A_225 = arith.constant 48 : index
          %get3A_226 = tpu.vector_load %arg14[%get3A_224, %get3A_225] {strides = array<i32>} : memref<112x128xf32, #tpu.memory_space<vmem>>, vector<1x16xf32>,
          %get3A_227 = vector.shape_cast %get3A_226 : vector<1x16xf32> to vector<16xf32>
          %get3A_228 = arith.index_cast %add3A_145 : i32 to index
          %get3A_229 = arith.constant 48 : index
          %get3A_230 = tpu.vector_load %arg16[%get3A_228, %get3A_229] {strides = array<i32>} : memref<112x128xf32, #tpu.memory_space<vmem>>, vector<1x16xf32>,
          %get3A_231 = vector.shape_cast %get3A_230 : vector<1x16xf32> to vector<16xf32>
          %add3A_232 = arith.addf %get3A_227, %get3A_231 : vector<16xf32>
          %get3A_233 = arith.index_cast %add3A_145 : i32 to index
          %get3A_234 = arith.constant 48 : index
          %get3A_235 = tpu.vector_load %arg18[%get3A_233, %get3A_234] {strides = array<i32>} : memref<112x128xf32, #tpu.memory_space<vmem>>, vector<1x16xf32>,
          %get3A_236 = vector.shape_cast %get3A_235 : vector<1x16xf32> to vector<16xf32>
          %add3A_237 = arith.addf %add3A_232, %get3A_236 : vector<16xf32>
          %get3A_238 = arith.index_cast %add3A_145 : i32 to index
          %get3A_239 = arith.constant 48 : index
          %get3A_240 = tpu.vector_load %arg20[%get3A_238, %get3A_239] {strides = array<i32>} : memref<112x128xf32, #tpu.memory_space<vmem>>, vector<1x16xf32>,
          %get3A_241 = vector.shape_cast %get3A_240 : vector<1x16xf32> to vector<16xf32>
          %max3A_242 = arith.constant 0.000000e+00 : f32
          %max3A_243 = vector.broadcast %max3A_242 : f32 to vector<16xf32>
          %max3A_244 = arith.maximumf %add3A_237, %max3A_243 : vector<16xf32>
          %add3A_245 = arith.addf %get3A_241, %max3A_244 : vector<16xf32>
          %swap3A_246 = arith.index_cast %add3A_145 : i32 to index
          %swap3A_247 = arith.constant 48 : index
          %swap3A_248 = tpu.vector_load %arg14[%swap3A_246, %swap3A_247] {strides = array<i32>} : memref<112x128xf32, #tpu.memory_space<vmem>>, vector<1x16xf32>,
          %swap3A_249 = vector.shape_cast %swap3A_248 : vector<1x16xf32> to vector<16xf32>
          %swap3A_250 = vector.shape_cast %add3A_245 : vector<16xf32> to vector<1x16xf32>
          tpu.vector_store %arg14[%swap3A_246, %swap3A_247], %swap3A_250 {strides = array<i32>} : memref<112x128xf32, #tpu.memory_space<vmem>>, vector<1x16xf32>,
          %get3A_251 = arith.index_cast %add3A_145 : i32 to index
          %get3A_252 = arith.constant 64 : index
          %get3A_253 = tpu.vector_load %arg14[%get3A_251, %get3A_252] {strides = array<i32>} : memref<112x128xf32, #tpu.memory_space<vmem>>, vector<1x16xf32>,
          %get3A_254 = vector.shape_cast %get3A_253 : vector<1x16xf32> to vector<16xf32>
          %get3A_255 = arith.index_cast %add3A_145 : i32 to index
          %get3A_256 = arith.constant 64 : index
          %get3A_257 = tpu.vector_load %arg16[%get3A_255, %get3A_256] {strides = array<i32>} : memref<112x128xf32, #tpu.memory_space<vmem>>, vector<1x16xf32>,
          %get3A_258 = vector.shape_cast %get3A_257 : vector<1x16xf32> to vector<16xf32>
          %add3A_259 = arith.addf %get3A_254, %get3A_258 : vector<16xf32>
          %get3A_260 = arith.index_cast %add3A_145 : i32 to index
          %get3A_261 = arith.constant 64 : index
          %get3A_262 = tpu.vector_load %arg18[%get3A_260, %get3A_261] {strides = array<i32>} : memref<112x128xf32, #tpu.memory_space<vmem>>, vector<1x16xf32>,
          %get3A_263 = vector.shape_cast %get3A_262 : vector<1x16xf32> to vector<16xf32>
          %add3A_264 = arith.addf %add3A_259, %get3A_263 : vector<16xf32>
          %get3A_265 = arith.index_cast %add3A_145 : i32 to index
          %get3A_266 = arith.constant 64 : index
          %get3A_267 = tpu.vector_load %arg20[%get3A_265, %get3A_266] {strides = array<i32>} : memref<112x128xf32, #tpu.memory_space<vmem>>, vector<1x16xf32>,
          %get3A_268 = vector.shape_cast %get3A_267 : vector<1x16xf32> to vector<16xf32>
          %max3A_269 = arith.constant 0.000000e+00 : f32
          %max3A_270 = vector.broadcast %max3A_269 : f32 to vector<16xf32>
          %max3A_271 = arith.maximumf %add3A_264, %max3A_270 : vector<16xf32>
          %add3A_272 = arith.addf %get3A_268, %max3A_271 : vector<16xf32>
          %swap3A_273 = arith.index_cast %add3A_145 : i32 to index
          %swap3A_274 = arith.constant 64 : index
          %swap3A_275 = tpu.vector_load %arg14[%swap3A_273, %swap3A_274] {strides = array<i32>} : memref<112x128xf32, #tpu.memory_space<vmem>>, vector<1x16xf32>,
          %swap3A_276 = vector.shape_cast %swap3A_275 : vector<1x16xf32> to vector<16xf32>
          %swap3A_277 = vector.shape_cast %add3A_272 : vector<16xf32> to vector<1x16xf32>
          tpu.vector_store %arg14[%swap3A_273, %swap3A_274], %swap3A_277 {strides = array<i32>} : memref<112x128xf32, #tpu.memory_space<vmem>>, vector<1x16xf32>,
          %get3A_278 = arith.index_cast %add3A_145 : i32 to index
          %get3A_279 = arith.constant 80 : index
          %get3A_280 = tpu.vector_load %arg14[%get3A_278, %get3A_279] {strides = array<i32>} : memref<112x128xf32, #tpu.memory_space<vmem>>, vector<1x16xf32>,
          %get3A_281 = vector.shape_cast %get3A_280 : vector<1x16xf32> to vector<16xf32>
          %get3A_282 = arith.index_cast %add3A_145 : i32 to index
          %get3A_283 = arith.constant 80 : index
          %get3A_284 = tpu.vector_load %arg16[%get3A_282, %get3A_283] {strides = array<i32>} : memref<112x128xf32, #tpu.memory_space<vmem>>, vector<1x16xf32>,
          %get3A_285 = vector.shape_cast %get3A_284 : vector<1x16xf32> to vector<16xf32>
          %add3A_286 = arith.addf %get3A_281, %get3A_285 : vector<16xf32>
          %get3A_287 = arith.index_cast %add3A_145 : i32 to index
          %get3A_288 = arith.constant 80 : index
          %get3A_289 = tpu.vector_load %arg18[%get3A_287, %get3A_288] {strides = array<i32>} : memref<112x128xf32, #tpu.memory_space<vmem>>, vector<1x16xf32>,
          %get3A_290 = vector.shape_cast %get3A_289 : vector<1x16xf32> to vector<16xf32>
          %add3A_291 = arith.addf %add3A_286, %get3A_290 : vector<16xf32>
          %get3A_292 = arith.index_cast %add3A_145 : i32 to index
          %get3A_293 = arith.constant 80 : index
          %get3A_294 = tpu.vector_load %arg20[%get3A_292, %get3A_293] {strides = array<i32>} : memref<112x128xf32, #tpu.memory_space<vmem>>, vector<1x16xf32>,
          %get3A_295 = vector.shape_cast %get3A_294 : vector<1x16xf32> to vector<16xf32>
          %max3A_296 = arith.constant 0.000000e+00 : f32
          %max3A_297 = vector.broadcast %max3A_296 : f32 to vector<16xf32>
          %max3A_298 = arith.maximumf %add3A_291, %max3A_297 : vector<16xf32>
          %add3A_299 = arith.addf %get3A_295, %max3A_298 : vector<16xf32>
          %swap3A_300 = arith.index_cast %add3A_145 : i32 to index
          %swap3A_301 = arith.constant 80 : index
          %swap3A_302 = tpu.vector_load %arg14[%swap3A_300, %swap3A_301] {strides = array<i32>} : memref<112x128xf32, #tpu.memory_space<vmem>>, vector<1x16xf32>,
          %swap3A_303 = vector.shape_cast %swap3A_302 : vector<1x16xf32> to vector<16xf32>
          %swap3A_304 = vector.shape_cast %add3A_299 : vector<16xf32> to vector<1x16xf32>
          tpu.vector_store %arg14[%swap3A_300, %swap3A_301], %swap3A_304 {strides = array<i32>} : memref<112x128xf32, #tpu.memory_space<vmem>>, vector<1x16xf32>,
          %get3A_305 = arith.index_cast %add3A_145 : i32 to index
          %get3A_306 = arith.constant 96 : index
          %get3A_307 = tpu.vector_load %arg14[%get3A_305, %get3A_306] {strides = array<i32>} : memref<112x128xf32, #tpu.memory_space<vmem>>, vector<1x16xf32>,
          %get3A_308 = vector.shape_cast %get3A_307 : vector<1x16xf32> to vector<16xf32>
          %get3A_309 = arith.index_cast %add3A_145 : i32 to index
          %get3A_310 = arith.constant 96 : index
          %get3A_311 = tpu.vector_load %arg16[%get3A_309, %get3A_310] {strides = array<i32>} : memref<112x128xf32, #tpu.memory_space<vmem>>, vector<1x16xf32>,
          %get3A_312 = vector.shape_cast %get3A_311 : vector<1x16xf32> to vector<16xf32>
          %add3A_313 = arith.addf %get3A_308, %get3A_312 : vector<16xf32>
          %get3A_314 = arith.index_cast %add3A_145 : i32 to index
          %get3A_315 = arith.constant 96 : index
          %get3A_316 = tpu.vector_load %arg18[%get3A_314, %get3A_315] {strides = array<i32>} : memref<112x128xf32, #tpu.memory_space<vmem>>, vector<1x16xf32>,
          %get3A_317 = vector.shape_cast %get3A_316 : vector<1x16xf32> to vector<16xf32>
          %add3A_318 = arith.addf %add3A_313, %get3A_317 : vector<16xf32>
          %get3A_319 = arith.index_cast %add3A_145 : i32 to index
          %get3A_320 = arith.constant 96 : index
          %get3A_321 = tpu.vector_load %arg20[%get3A_319, %get3A_320] {strides = array<i32>} : memref<112x128xf32, #tpu.memory_space<vmem>>, vector<1x16xf32>,
          %get3A_322 = vector.shape_cast %get3A_321 : vector<1x16xf32> to vector<16xf32>
          %max3A_323 = arith.constant 0.000000e+00 : f32
          %max3A_324 = vector.broadcast %max3A_323 : f32 to vector<16xf32>
          %max3A_325 = arith.maximumf %add3A_318, %max3A_324 : vector<16xf32>
          %add3A_326 = arith.addf %get3A_322, %max3A_325 : vector<16xf32>
          %swap3A_327 = arith.index_cast %add3A_145 : i32 to index
          %swap3A_328 = arith.constant 96 : index
          %swap3A_329 = tpu.vector_load %arg14[%swap3A_327, %swap3A_328] {strides = array<i32>} : memref<112x128xf32, #tpu.memory_space<vmem>>, vector<1x16xf32>,
          %swap3A_330 = vector.shape_cast %swap3A_329 : vector<1x16xf32> to vector<16xf32>
          %swap3A_331 = vector.shape_cast %add3A_326 : vector<16xf32> to vector<1x16xf32>
          tpu.vector_store %arg14[%swap3A_327, %swap3A_328], %swap3A_331 {strides = array<i32>} : memref<112x128xf32, #tpu.memory_space<vmem>>, vector<1x16xf32>,
          %get3A_332 = arith.index_cast %add3A_145 : i32 to index
          %get3A_333 = arith.constant 112 : index
          %get3A_334 = tpu.vector_load %arg14[%get3A_332, %get3A_333] {strides = array<i32>} : memref<112x128xf32, #tpu.memory_space<vmem>>, vector<1x16xf32>,
          %get3A_335 = vector.shape_cast %get3A_334 : vector<1x16xf32> to vector<16xf32>
          %get3A_336 = arith.index_cast %add3A_145 : i32 to index
          %get3A_337 = arith.constant 112 : index
          %get3A_338 = tpu.vector_load %arg16[%get3A_336, %get3A_337] {strides = array<i32>} : memref<112x128xf32, #tpu.memory_space<vmem>>, vector<1x16xf32>,
          %get3A_339 = vector.shape_cast %get3A_338 : vector<1x16xf32> to vector<16xf32>
          %add3A_340 = arith.addf %get3A_335, %get3A_339 : vector<16xf32>
          %get3A_341 = arith.index_cast %add3A_145 : i32 to index
          %get3A_342 = arith.constant 112 : index
          %get3A_343 = tpu.vector_load %arg18[%get3A_341, %get3A_342] {strides = array<i32>} : memref<112x128xf32, #tpu.memory_space<vmem>>, vector<1x16xf32>,
          %get3A_344 = vector.shape_cast %get3A_343 : vector<1x16xf32> to vector<16xf32>
          %add3A_345 = arith.addf %add3A_340, %get3A_344 : vector<16xf32>
          %get3A_346 = arith.index_cast %add3A_145 : i32 to index
          %get3A_347 = arith.constant 112 : index
          %get3A_348 = tpu.vector_load %arg20[%get3A_346, %get3A_347] {strides = array<i32>} : memref<112x128xf32, #tpu.memory_space<vmem>>, vector<1x16xf32>,
          %get3A_349 = vector.shape_cast %get3A_348 : vector<1x16xf32> to vector<16xf32>
          %max3A_350 = arith.constant 0.000000e+00 : f32
          %max3A_351 = vector.broadcast %max3A_350 : f32 to vector<16xf32>
          %max3A_352 = arith.maximumf %add3A_345, %max3A_351 : vector<16xf32>
          %add3A_353 = arith.addf %get3A_349, %max3A_352 : vector<16xf32>
          %swap3A_354 = arith.index_cast %add3A_145 : i32 to index
          %swap3A_355 = arith.constant 112 : index
          %swap3A_356 = tpu.vector_load %arg14[%swap3A_354, %swap3A_355] {strides = array<i32>} : memref<112x128xf32, #tpu.memory_space<vmem>>, vector<1x16xf32>,
          %swap3A_357 = vector.shape_cast %swap3A_356 : vector<1x16xf32> to vector<16xf32>
          %swap3A_358 = vector.shape_cast %add3A_353 : vector<16xf32> to vector<1x16xf32>
          tpu.vector_store %arg14[%swap3A_354, %swap3A_355], %swap3A_358 {strides = array<i32>} : memref<112x128xf32, #tpu.memory_space<vmem>>, vector<1x16xf32>,
        }
        %scan3A_131 = arith.constant 112 : i32
        %mul3A_132 = arith.constant 32 : i32
        %mul3A_133 = arith.muli %add3A_90, %mul3A_132 : i32
        %add3A_134 = arith.addi %add3A, %mul3A_133 : i32
        %mul3A_135 = arith.constant 112 : i32
        %mul3A_136 = arith.muli %add3A_134, %mul3A_135 : i32
        %dma_start3A_137 = arith.constant 0 : i32
        %dma_start3A_138 = tpu.memref_slice %arg8[%mul3A_136, %dma_start3A_137] : memref<100000x128xf32, #tpu.memory_space<hbm>> -> memref<112x128xf32, #tpu.memory_space<hbm>>
        %dma_start3A_139 = arith.constant 0 : i32
        %dma_start3A_140 = tpu.memref_slice %arg8[%mul3A_136, %dma_start3A_139] : memref<100000x128xf32, #tpu.memory_space<hbm>> -> memref<112x128xf32, #tpu.memory_space<hbm>>
        tpu.enqueue_dma source(%arg14 : memref<112x128xf32, #tpu.memory_space<vmem>>) target(%dma_start3A_140 : memref<112x128xf32, #tpu.memory_space<hbm>>) target_semaphore(%arg26 : memref<!tpu.dma_semaphore, #tpu.memory_space<semaphore_mem>>)
      } else {
      }
    }
    %scan3A_62 = arith.constant 14 : i32
    %dma_wait3A_63 = arith.constant 0 : i32
    %dma_wait3A_64 = arith.constant 0 : i32
    %dma_wait3A_65 = tpu.memref_slice %arg8[%dma_wait3A_63, %dma_wait3A_64] : memref<100000x128xf32, #tpu.memory_space<hbm>> -> memref<112x128xf32, #tpu.memory_space<hbm>>
    %dma_wait3A_66 = arith.constant 0 : i32
    %dma_wait3A_67 = arith.constant 0 : i32
    %dma_wait3A_68 = tpu.memref_slice %arg8[%dma_wait3A_66, %dma_wait3A_67] : memref<100000x128xf32, #tpu.memory_space<hbm>> -> memref<112x128xf32, #tpu.memory_space<hbm>>
    tpu.wait_dma2 semaphore(%arg25 : memref<!tpu.dma_semaphore, #tpu.memory_space<semaphore_mem>>) src(%arg13 : memref<112x128xf32, #tpu.memory_space<vmem>>) dst(%dma_wait3A_68 : memref<112x128xf32, #tpu.memory_space<hbm>>)
    %dma_wait3A_69 = arith.constant 0 : i32
    %dma_wait3A_70 = arith.constant 0 : i32
    %dma_wait3A_71 = tpu.memref_slice %arg8[%dma_wait3A_69, %dma_wait3A_70] : memref<100000x128xf32, #tpu.memory_space<hbm>> -> memref<112x128xf32, #tpu.memory_space<hbm>>
    %dma_wait3A_72 = arith.constant 0 : i32
    %dma_wait3A_73 = arith.constant 0 : i32
    %dma_wait3A_74 = tpu.memref_slice %arg8[%dma_wait3A_72, %dma_wait3A_73] : memref<100000x128xf32, #tpu.memory_space<hbm>> -> memref<112x128xf32, #tpu.memory_space<hbm>>
    tpu.wait_dma2 semaphore(%arg26 : memref<!tpu.dma_semaphore, #tpu.memory_space<semaphore_mem>>) src(%arg14 : memref<112x128xf32, #tpu.memory_space<vmem>>) dst(%dma_wait3A_74 : memref<112x128xf32, #tpu.memory_space<hbm>>)
    %eq3A = arith.constant 31 : i32
    %eq3A_75 = arith.cmpi eq, %add3A, %eq3A : i32
    %convert_element_type3A = arith.extui %eq3A_75 : i1 to i32
    %cond3A = arith.constant 0 : i32
    %cond3A_76 = arith.cmpi ne, %convert_element_type3A, %cond3A : i32
    scf.if %cond3A_76 {
      %dma_start3A_77 = arith.constant 0 : i32
      %dma_start3A_78 = tpu.memref_slice %arg9[%dma_start3A_77] : memref<112xi32, #tpu.memory_space<vmem>> -> memref<96xi32, #tpu.memory_space<vmem>>
      %dma_start3A_79 = arith.constant 99904 : i32
      %dma_start3A_80 = tpu.memref_slice %arg6[%dma_start3A_79] : memref<100000xi32, #tpu.memory_space<hbm>> -> memref<96xi32, #tpu.memory_space<hbm>>
      %dma_start3A_81 = arith.constant 0 : i32
      %dma_start3A_82 = tpu.memref_slice %arg9[%dma_start3A_81] : memref<112xi32, #tpu.memory_space<vmem>> -> memref<96xi32, #tpu.memory_space<vmem>>
      %dma_start3A_83 = arith.constant 99904 : i32
      %dma_start3A_84 = tpu.memref_slice %arg6[%dma_start3A_83] : memref<100000xi32, #tpu.memory_space<hbm>> -> memref<96xi32, #tpu.memory_space<hbm>>
      tpu.enqueue_dma source(%dma_start3A_84 : memref<96xi32, #tpu.memory_space<hbm>>) target(%dma_start3A_82 : memref<96xi32, #tpu.memory_space<vmem>>) target_semaphore(%arg21 : memref<!tpu.dma_semaphore, #tpu.memory_space<semaphore_mem>>)
      %dma_start3A_85 = arith.constant 0 : i32
      %dma_start3A_86 = tpu.memref_slice %arg11[%dma_start3A_85] : memref<112xi32, #tpu.memory_space<vmem>> -> memref<96xi32, #tpu.memory_space<vmem>>
      %dma_start3A_87 = arith.constant 99904 : i32
      %dma_start3A_88 = tpu.memref_slice %arg7[%dma_start3A_87] : memref<100000xi32, #tpu.memory_space<hbm>> -> memref<96xi32, #tpu.memory_space<hbm>>
      %dma_start3A_89 = arith.constant 0 : i32
      %dma_start3A_90 = tpu.memref_slice %arg11[%dma_start3A_89] : memref<112xi32, #tpu.memory_space<vmem>> -> memref<96xi32, #tpu.memory_space<vmem>>
      %dma_start3A_91 = arith.constant 99904 : i32
      %dma_start3A_92 = tpu.memref_slice %arg7[%dma_start3A_91] : memref<100000xi32, #tpu.memory_space<hbm>> -> memref<96xi32, #tpu.memory_space<hbm>>
      tpu.enqueue_dma source(%dma_start3A_92 : memref<96xi32, #tpu.memory_space<hbm>>) target(%dma_start3A_90 : memref<96xi32, #tpu.memory_space<vmem>>) target_semaphore(%arg21 : memref<!tpu.dma_semaphore, #tpu.memory_space<semaphore_mem>>)
      %dma_wait3A_93 = arith.constant 0 : i32
      %dma_wait3A_94 = tpu.memref_slice %arg9[%dma_wait3A_93] : memref<112xi32, #tpu.memory_space<vmem>> -> memref<96xi32, #tpu.memory_space<vmem>>
      %dma_wait3A_95 = arith.constant 0 : i32
      %dma_wait3A_96 = tpu.memref_slice %arg6[%dma_wait3A_95] : memref<100000xi32, #tpu.memory_space<hbm>> -> memref<96xi32, #tpu.memory_space<hbm>>
      %dma_wait3A_97 = arith.constant 0 : i32
      %dma_wait3A_98 = tpu.memref_slice %arg9[%dma_wait3A_97] : memref<112xi32, #tpu.memory_space<vmem>> -> memref<96xi32, #tpu.memory_space<vmem>>
      %dma_wait3A_99 = arith.constant 0 : i32
      %dma_wait3A_100 = tpu.memref_slice %arg6[%dma_wait3A_99] : memref<100000xi32, #tpu.memory_space<hbm>> -> memref<96xi32, #tpu.memory_space<hbm>>
      tpu.wait_dma2 semaphore(%arg21 : memref<!tpu.dma_semaphore, #tpu.memory_space<semaphore_mem>>) src(%dma_wait3A_100 : memref<96xi32, #tpu.memory_space<hbm>>) dst(%dma_wait3A_98 : memref<96xi32, #tpu.memory_space<vmem>>)
      %dma_wait3A_101 = arith.constant 0 : i32
      %dma_wait3A_102 = tpu.memref_slice %arg11[%dma_wait3A_101] : memref<112xi32, #tpu.memory_space<vmem>> -> memref<96xi32, #tpu.memory_space<vmem>>
      %dma_wait3A_103 = arith.constant 0 : i32
      %dma_wait3A_104 = tpu.memref_slice %arg7[%dma_wait3A_103] : memref<100000xi32, #tpu.memory_space<hbm>> -> memref<96xi32, #tpu.memory_space<hbm>>
      %dma_wait3A_105 = arith.constant 0 : i32
      %dma_wait3A_106 = tpu.memref_slice %arg11[%dma_wait3A_105] : memref<112xi32, #tpu.memory_space<vmem>> -> memref<96xi32, #tpu.memory_space<vmem>>
      %dma_wait3A_107 = arith.constant 0 : i32
      %dma_wait3A_108 = tpu.memref_slice %arg7[%dma_wait3A_107] : memref<100000xi32, #tpu.memory_space<hbm>> -> memref<96xi32, #tpu.memory_space<hbm>>
      tpu.wait_dma2 semaphore(%arg21 : memref<!tpu.dma_semaphore, #tpu.memory_space<semaphore_mem>>) src(%dma_wait3A_108 : memref<96xi32, #tpu.memory_space<hbm>>) dst(%dma_wait3A_106 : memref<96xi32, #tpu.memory_space<vmem>>)
      %dma_start3A_109 = arith.constant 0 : i32
      %dma_start3A_110 = arith.constant 0 : i32
      %dma_start3A_111 = tpu.memref_slice %arg13[%dma_start3A_109, %dma_start3A_110] : memref<112x128xf32, #tpu.memory_space<vmem>> -> memref<96x128xf32, #tpu.memory_space<vmem>>
      %dma_start3A_112 = arith.constant 0 : i32
      %dma_start3A_113 = tpu.memref_slice %arg9[%dma_start3A_112] : memref<112xi32, #tpu.memory_space<vmem>> -> memref<96xi32, #tpu.memory_space<vmem>>
      %dma_start3A_114 = arith.constant 0 : i32
      %dma_start3A_115 = arith.constant 0 : i32
      %dma_start3A_116 = tpu.memref_slice %arg2[%dma_start3A_114, %dma_start3A_115] : memref<100000x128xf32, #tpu.memory_space<hbm>> -> memref<100000x128xf32, #tpu.memory_space<hbm>>
      tpu.enqueue_indirect_dma source(%dma_start3A_116 : memref<100000x128xf32, #tpu.memory_space<hbm>>) target(%dma_start3A_111 : memref<96x128xf32, #tpu.memory_space<vmem>>) offsets(%dma_start3A_113 : memref<96xi32, #tpu.memory_space<vmem>>) semaphore(%arg23 : memref<!tpu.dma_semaphore, #tpu.memory_space<semaphore_mem>>)
      %dma_start3A_117 = arith.constant 0 : i32
      %dma_start3A_118 = arith.constant 0 : i32
      %dma_start3A_119 = tpu.memref_slice %arg15[%dma_start3A_117, %dma_start3A_118] : memref<112x128xf32, #tpu.memory_space<vmem>> -> memref<96x128xf32, #tpu.memory_space<vmem>>
      %dma_start3A_120 = arith.constant 0 : i32
      %dma_start3A_121 = tpu.memref_slice %arg11[%dma_start3A_120] : memref<112xi32, #tpu.memory_space<vmem>> -> memref<96xi32, #tpu.memory_space<vmem>>
      %dma_start3A_122 = arith.constant 0 : i32
      %dma_start3A_123 = arith.constant 0 : i32
      %dma_start3A_124 = tpu.memref_slice %arg3[%dma_start3A_122, %dma_start3A_123] : memref<100000x128xf32, #tpu.memory_space<hbm>> -> memref<100000x128xf32, #tpu.memory_space<hbm>>
      tpu.enqueue_indirect_dma source(%dma_start3A_124 : memref<100000x128xf32, #tpu.memory_space<hbm>>) target(%dma_start3A_119 : memref<96x128xf32, #tpu.memory_space<vmem>>) offsets(%dma_start3A_121 : memref<96xi32, #tpu.memory_space<vmem>>) semaphore(%arg23 : memref<!tpu.dma_semaphore, #tpu.memory_space<semaphore_mem>>)
      %dma_start3A_125 = arith.constant 0 : i32
      %dma_start3A_126 = arith.constant 0 : i32
      %dma_start3A_127 = tpu.memref_slice %arg17[%dma_start3A_125, %dma_start3A_126] : memref<112x128xf32, #tpu.memory_space<vmem>> -> memref<96x128xf32, #tpu.memory_space<vmem>>
      %dma_start3A_128 = arith.constant 99904 : i32
      %dma_start3A_129 = arith.constant 0 : i32
      %dma_start3A_130 = tpu.memref_slice %arg4[%dma_start3A_128, %dma_start3A_129] : memref<100000x128xf32, #tpu.memory_space<hbm>> -> memref<96x128xf32, #tpu.memory_space<hbm>>
      %dma_start3A_131 = arith.constant 0 : i32
      %dma_start3A_132 = arith.constant 0 : i32
      %dma_start3A_133 = tpu.memref_slice %arg17[%dma_start3A_131, %dma_start3A_132] : memref<112x128xf32, #tpu.memory_space<vmem>> -> memref<96x128xf32, #tpu.memory_space<vmem>>
      %dma_start3A_134 = arith.constant 99904 : i32
      %dma_start3A_135 = arith.constant 0 : i32
      %dma_start3A_136 = tpu.memref_slice %arg4[%dma_start3A_134, %dma_start3A_135] : memref<100000x128xf32, #tpu.memory_space<hbm>> -> memref<96x128xf32, #tpu.memory_space<hbm>>
      tpu.enqueue_dma source(%dma_start3A_136 : memref<96x128xf32, #tpu.memory_space<hbm>>) target(%dma_start3A_133 : memref<96x128xf32, #tpu.memory_space<vmem>>) target_semaphore(%arg23 : memref<!tpu.dma_semaphore, #tpu.memory_space<semaphore_mem>>)
      %dma_start3A_137 = arith.constant 0 : i32
      %dma_start3A_138 = arith.constant 0 : i32
      %dma_start3A_139 = tpu.memref_slice %arg19[%dma_start3A_137, %dma_start3A_138] : memref<112x128xf32, #tpu.memory_space<vmem>> -> memref<96x128xf32, #tpu.memory_space<vmem>>
      %dma_start3A_140 = arith.constant 99904 : i32
      %dma_start3A_141 = arith.constant 0 : i32
      %dma_start3A_142 = tpu.memref_slice %arg5[%dma_start3A_140, %dma_start3A_141] : memref<100000x128xf32, #tpu.memory_space<hbm>> -> memref<96x128xf32, #tpu.memory_space<hbm>>
      %dma_start3A_143 = arith.constant 0 : i32
      %dma_start3A_144 = arith.constant 0 : i32
      %dma_start3A_145 = tpu.memref_slice %arg19[%dma_start3A_143, %dma_start3A_144] : memref<112x128xf32, #tpu.memory_space<vmem>> -> memref<96x128xf32, #tpu.memory_space<vmem>>
      %dma_start3A_146 = arith.constant 99904 : i32
      %dma_start3A_147 = arith.constant 0 : i32
      %dma_start3A_148 = tpu.memref_slice %arg5[%dma_start3A_146, %dma_start3A_147] : memref<100000x128xf32, #tpu.memory_space<hbm>> -> memref<96x128xf32, #tpu.memory_space<hbm>>
      tpu.enqueue_dma source(%dma_start3A_148 : memref<96x128xf32, #tpu.memory_space<hbm>>) target(%dma_start3A_145 : memref<96x128xf32, #tpu.memory_space<vmem>>) target_semaphore(%arg23 : memref<!tpu.dma_semaphore, #tpu.memory_space<semaphore_mem>>)
      %dma_wait3A_149 = arith.constant 0 : i32
      %dma_wait3A_150 = arith.constant 0 : i32
      %dma_wait3A_151 = tpu.memref_slice %arg13[%dma_wait3A_149, %dma_wait3A_150] : memref<112x128xf32, #tpu.memory_space<vmem>> -> memref<96x128xf32, #tpu.memory_space<vmem>>
      %dma_wait3A_152 = arith.constant 0 : i32
      %dma_wait3A_153 = tpu.memref_slice %arg9[%dma_wait3A_152] : memref<112xi32, #tpu.memory_space<vmem>> -> memref<96xi32, #tpu.memory_space<vmem>>
      %dma_wait3A_154 = arith.constant 0 : i32
      %dma_wait3A_155 = arith.constant 0 : i32
      %dma_wait3A_156 = tpu.memref_slice %arg2[%dma_wait3A_154, %dma_wait3A_155] : memref<100000x128xf32, #tpu.memory_space<hbm>> -> memref<100000x128xf32, #tpu.memory_space<hbm>>
      tpu.wait_indirect_dma semaphore(%arg23 : memref<!tpu.dma_semaphore, #tpu.memory_space<semaphore_mem>>) src(%dma_wait3A_156 : memref<100000x128xf32, #tpu.memory_space<hbm>>) dst(%dma_wait3A_151 : memref<96x128xf32, #tpu.memory_space<vmem>>)
      %dma_wait3A_157 = arith.constant 0 : i32
      %dma_wait3A_158 = arith.constant 0 : i32
      %dma_wait3A_159 = tpu.memref_slice %arg15[%dma_wait3A_157, %dma_wait3A_158] : memref<112x128xf32, #tpu.memory_space<vmem>> -> memref<96x128xf32, #tpu.memory_space<vmem>>
      %dma_wait3A_160 = arith.constant 0 : i32
      %dma_wait3A_161 = tpu.memref_slice %arg11[%dma_wait3A_160] : memref<112xi32, #tpu.memory_space<vmem>> -> memref<96xi32, #tpu.memory_space<vmem>>
      %dma_wait3A_162 = arith.constant 0 : i32
      %dma_wait3A_163 = arith.constant 0 : i32
      %dma_wait3A_164 = tpu.memref_slice %arg3[%dma_wait3A_162, %dma_wait3A_163] : memref<100000x128xf32, #tpu.memory_space<hbm>> -> memref<100000x128xf32, #tpu.memory_space<hbm>>
      tpu.wait_indirect_dma semaphore(%arg23 : memref<!tpu.dma_semaphore, #tpu.memory_space<semaphore_mem>>) src(%dma_wait3A_164 : memref<100000x128xf32, #tpu.memory_space<hbm>>) dst(%dma_wait3A_159 : memref<96x128xf32, #tpu.memory_space<vmem>>)
      %dma_wait3A_165 = arith.constant 0 : i32
      %dma_wait3A_166 = arith.constant 0 : i32
      %dma_wait3A_167 = tpu.memref_slice %arg17[%dma_wait3A_165, %dma_wait3A_166] : memref<112x128xf32, #tpu.memory_space<vmem>> -> memref<96x128xf32, #tpu.memory_space<vmem>>
      %dma_wait3A_168 = arith.constant 0 : i32
      %dma_wait3A_169 = arith.constant 0 : i32
      %dma_wait3A_170 = tpu.memref_slice %arg4[%dma_wait3A_168, %dma_wait3A_169] : memref<100000x128xf32, #tpu.memory_space<hbm>> -> memref<96x128xf32, #tpu.memory_space<hbm>>
      %dma_wait3A_171 = arith.constant 0 : i32
      %dma_wait3A_172 = arith.constant 0 : i32
      %dma_wait3A_173 = tpu.memref_slice %arg17[%dma_wait3A_171, %dma_wait3A_172] : memref<112x128xf32, #tpu.memory_space<vmem>> -> memref<96x128xf32, #tpu.memory_space<vmem>>
      %dma_wait3A_174 = arith.constant 0 : i32
      %dma_wait3A_175 = arith.constant 0 : i32
      %dma_wait3A_176 = tpu.memref_slice %arg4[%dma_wait3A_174, %dma_wait3A_175] : memref<100000x128xf32, #tpu.memory_space<hbm>> -> memref<96x128xf32, #tpu.memory_space<hbm>>
      tpu.wait_dma2 semaphore(%arg23 : memref<!tpu.dma_semaphore, #tpu.memory_space<semaphore_mem>>) src(%dma_wait3A_176 : memref<96x128xf32, #tpu.memory_space<hbm>>) dst(%dma_wait3A_173 : memref<96x128xf32, #tpu.memory_space<vmem>>)
      %dma_wait3A_177 = arith.constant 0 : i32
      %dma_wait3A_178 = arith.constant 0 : i32
      %dma_wait3A_179 = tpu.memref_slice %arg19[%dma_wait3A_177, %dma_wait3A_178] : memref<112x128xf32, #tpu.memory_space<vmem>> -> memref<96x128xf32, #tpu.memory_space<vmem>>
      %dma_wait3A_180 = arith.constant 0 : i32
      %dma_wait3A_181 = arith.constant 0 : i32
      %dma_wait3A_182 = tpu.memref_slice %arg5[%dma_wait3A_180, %dma_wait3A_181] : memref<100000x128xf32, #tpu.memory_space<hbm>> -> memref<96x128xf32, #tpu.memory_space<hbm>>
      %dma_wait3A_183 = arith.constant 0 : i32
      %dma_wait3A_184 = arith.constant 0 : i32
      %dma_wait3A_185 = tpu.memref_slice %arg19[%dma_wait3A_183, %dma_wait3A_184] : memref<112x128xf32, #tpu.memory_space<vmem>> -> memref<96x128xf32, #tpu.memory_space<vmem>>
      %dma_wait3A_186 = arith.constant 0 : i32
      %dma_wait3A_187 = arith.constant 0 : i32
      %dma_wait3A_188 = tpu.memref_slice %arg5[%dma_wait3A_186, %dma_wait3A_187] : memref<100000x128xf32, #tpu.memory_space<hbm>> -> memref<96x128xf32, #tpu.memory_space<hbm>>
      tpu.wait_dma2 semaphore(%arg23 : memref<!tpu.dma_semaphore, #tpu.memory_space<semaphore_mem>>) src(%dma_wait3A_188 : memref<96x128xf32, #tpu.memory_space<hbm>>) dst(%dma_wait3A_185 : memref<96x128xf32, #tpu.memory_space<vmem>>)
      %scan3A_189 = arith.constant 0 : i32
      %scan3A_190 = arith.constant 96 : i32
      %scan3A_191 = arith.addi %scan3A_189, %scan3A_190 : i32
      %scan3A_192 = arith.constant 1 : i32
      scf.for %scan3A_194 = %scan3A_189 to %scan3A_191 step %scan3A_192  : i32 {
        %mul3A_195 = arith.constant 1 : i32
        %mul3A_196 = arith.muli %scan3A_194, %mul3A_195 : i32
        %add3A_197 = arith.constant 0 : i32
        %add3A_198 = arith.addi %add3A_197, %mul3A_196 : i32
        %get3A = arith.index_cast %add3A_198 : i32 to index
        %get3A_199 = arith.constant 0 : index
        %get3A_200 = tpu.vector_load %arg13[%get3A, %get3A_199] {strides = array<i32>} : memref<112x128xf32, #tpu.memory_space<vmem>>, vector<1x16xf32>,
        %get3A_201 = vector.shape_cast %get3A_200 : vector<1x16xf32> to vector<16xf32>
        %get3A_202 = arith.index_cast %add3A_198 : i32 to index
        %get3A_203 = arith.constant 0 : index
        %get3A_204 = tpu.vector_load %arg15[%get3A_202, %get3A_203] {strides = array<i32>} : memref<112x128xf32, #tpu.memory_space<vmem>>, vector<1x16xf32>,
        %get3A_205 = vector.shape_cast %get3A_204 : vector<1x16xf32> to vector<16xf32>
        %add3A_206 = arith.addf %get3A_201, %get3A_205 : vector<16xf32>
        %get3A_207 = arith.index_cast %add3A_198 : i32 to index
        %get3A_208 = arith.constant 0 : index
        %get3A_209 = tpu.vector_load %arg17[%get3A_207, %get3A_208] {strides = array<i32>} : memref<112x128xf32, #tpu.memory_space<vmem>>, vector<1x16xf32>,
        %get3A_210 = vector.shape_cast %get3A_209 : vector<1x16xf32> to vector<16xf32>
        %add3A_211 = arith.addf %add3A_206, %get3A_210 : vector<16xf32>
        %get3A_212 = arith.index_cast %add3A_198 : i32 to index
        %get3A_213 = arith.constant 0 : index
        %get3A_214 = tpu.vector_load %arg19[%get3A_212, %get3A_213] {strides = array<i32>} : memref<112x128xf32, #tpu.memory_space<vmem>>, vector<1x16xf32>,
        %get3A_215 = vector.shape_cast %get3A_214 : vector<1x16xf32> to vector<16xf32>
        %max3A = arith.constant 0.000000e+00 : f32
        %max3A_216 = vector.broadcast %max3A : f32 to vector<16xf32>
        %max3A_217 = arith.maximumf %add3A_211, %max3A_216 : vector<16xf32>
        %add3A_218 = arith.addf %get3A_215, %max3A_217 : vector<16xf32>
        %swap3A = arith.index_cast %add3A_198 : i32 to index
        %swap3A_219 = arith.constant 0 : index
        %swap3A_220 = tpu.vector_load %arg13[%swap3A, %swap3A_219] {strides = array<i32>} : memref<112x128xf32, #tpu.memory_space<vmem>>, vector<1x16xf32>,
        %swap3A_221 = vector.shape_cast %swap3A_220 : vector<1x16xf32> to vector<16xf32>
        %swap3A_222 = vector.shape_cast %add3A_218 : vector<16xf32> to vector<1x16xf32>
        tpu.vector_store %arg13[%swap3A, %swap3A_219], %swap3A_222 {strides = array<i32>} : memref<112x128xf32, #tpu.memory_space<vmem>>, vector<1x16xf32>,
        %get3A_223 = arith.index_cast %add3A_198 : i32 to index
        %get3A_224 = arith.constant 16 : index
        %get3A_225 = tpu.vector_load %arg13[%get3A_223, %get3A_224] {strides = array<i32>} : memref<112x128xf32, #tpu.memory_space<vmem>>, vector<1x16xf32>,
        %get3A_226 = vector.shape_cast %get3A_225 : vector<1x16xf32> to vector<16xf32>
        %get3A_227 = arith.index_cast %add3A_198 : i32 to index
        %get3A_228 = arith.constant 16 : index
        %get3A_229 = tpu.vector_load %arg15[%get3A_227, %get3A_228] {strides = array<i32>} : memref<112x128xf32, #tpu.memory_space<vmem>>, vector<1x16xf32>,
        %get3A_230 = vector.shape_cast %get3A_229 : vector<1x16xf32> to vector<16xf32>
        %add3A_231 = arith.addf %get3A_226, %get3A_230 : vector<16xf32>
        %get3A_232 = arith.index_cast %add3A_198 : i32 to index
        %get3A_233 = arith.constant 16 : index
        %get3A_234 = tpu.vector_load %arg17[%get3A_232, %get3A_233] {strides = array<i32>} : memref<112x128xf32, #tpu.memory_space<vmem>>, vector<1x16xf32>,
        %get3A_235 = vector.shape_cast %get3A_234 : vector<1x16xf32> to vector<16xf32>
        %add3A_236 = arith.addf %add3A_231, %get3A_235 : vector<16xf32>
        %get3A_237 = arith.index_cast %add3A_198 : i32 to index
        %get3A_238 = arith.constant 16 : index
        %get3A_239 = tpu.vector_load %arg19[%get3A_237, %get3A_238] {strides = array<i32>} : memref<112x128xf32, #tpu.memory_space<vmem>>, vector<1x16xf32>,
        %get3A_240 = vector.shape_cast %get3A_239 : vector<1x16xf32> to vector<16xf32>
        %max3A_241 = arith.constant 0.000000e+00 : f32
        %max3A_242 = vector.broadcast %max3A_241 : f32 to vector<16xf32>
        %max3A_243 = arith.maximumf %add3A_236, %max3A_242 : vector<16xf32>
        %add3A_244 = arith.addf %get3A_240, %max3A_243 : vector<16xf32>
        %swap3A_245 = arith.index_cast %add3A_198 : i32 to index
        %swap3A_246 = arith.constant 16 : index
        %swap3A_247 = tpu.vector_load %arg13[%swap3A_245, %swap3A_246] {strides = array<i32>} : memref<112x128xf32, #tpu.memory_space<vmem>>, vector<1x16xf32>,
        %swap3A_248 = vector.shape_cast %swap3A_247 : vector<1x16xf32> to vector<16xf32>
        %swap3A_249 = vector.shape_cast %add3A_244 : vector<16xf32> to vector<1x16xf32>
        tpu.vector_store %arg13[%swap3A_245, %swap3A_246], %swap3A_249 {strides = array<i32>} : memref<112x128xf32, #tpu.memory_space<vmem>>, vector<1x16xf32>,
        %get3A_250 = arith.index_cast %add3A_198 : i32 to index
        %get3A_251 = arith.constant 32 : index
        %get3A_252 = tpu.vector_load %arg13[%get3A_250, %get3A_251] {strides = array<i32>} : memref<112x128xf32, #tpu.memory_space<vmem>>, vector<1x16xf32>,
        %get3A_253 = vector.shape_cast %get3A_252 : vector<1x16xf32> to vector<16xf32>
        %get3A_254 = arith.index_cast %add3A_198 : i32 to index
        %get3A_255 = arith.constant 32 : index
        %get3A_256 = tpu.vector_load %arg15[%get3A_254, %get3A_255] {strides = array<i32>} : memref<112x128xf32, #tpu.memory_space<vmem>>, vector<1x16xf32>,
        %get3A_257 = vector.shape_cast %get3A_256 : vector<1x16xf32> to vector<16xf32>
        %add3A_258 = arith.addf %get3A_253, %get3A_257 : vector<16xf32>
        %get3A_259 = arith.index_cast %add3A_198 : i32 to index
        %get3A_260 = arith.constant 32 : index
        %get3A_261 = tpu.vector_load %arg17[%get3A_259, %get3A_260] {strides = array<i32>} : memref<112x128xf32, #tpu.memory_space<vmem>>, vector<1x16xf32>,
        %get3A_262 = vector.shape_cast %get3A_261 : vector<1x16xf32> to vector<16xf32>
        %add3A_263 = arith.addf %add3A_258, %get3A_262 : vector<16xf32>
        %get3A_264 = arith.index_cast %add3A_198 : i32 to index
        %get3A_265 = arith.constant 32 : index
        %get3A_266 = tpu.vector_load %arg19[%get3A_264, %get3A_265] {strides = array<i32>} : memref<112x128xf32, #tpu.memory_space<vmem>>, vector<1x16xf32>,
        %get3A_267 = vector.shape_cast %get3A_266 : vector<1x16xf32> to vector<16xf32>
        %max3A_268 = arith.constant 0.000000e+00 : f32
        %max3A_269 = vector.broadcast %max3A_268 : f32 to vector<16xf32>
        %max3A_270 = arith.maximumf %add3A_263, %max3A_269 : vector<16xf32>
        %add3A_271 = arith.addf %get3A_267, %max3A_270 : vector<16xf32>
        %swap3A_272 = arith.index_cast %add3A_198 : i32 to index
        %swap3A_273 = arith.constant 32 : index
        %swap3A_274 = tpu.vector_load %arg13[%swap3A_272, %swap3A_273] {strides = array<i32>} : memref<112x128xf32, #tpu.memory_space<vmem>>, vector<1x16xf32>,
        %swap3A_275 = vector.shape_cast %swap3A_274 : vector<1x16xf32> to vector<16xf32>
        %swap3A_276 = vector.shape_cast %add3A_271 : vector<16xf32> to vector<1x16xf32>
        tpu.vector_store %arg13[%swap3A_272, %swap3A_273], %swap3A_276 {strides = array<i32>} : memref<112x128xf32, #tpu.memory_space<vmem>>, vector<1x16xf32>,
        %get3A_277 = arith.index_cast %add3A_198 : i32 to index
        %get3A_278 = arith.constant 48 : index
        %get3A_279 = tpu.vector_load %arg13[%get3A_277, %get3A_278] {strides = array<i32>} : memref<112x128xf32, #tpu.memory_space<vmem>>, vector<1x16xf32>,
        %get3A_280 = vector.shape_cast %get3A_279 : vector<1x16xf32> to vector<16xf32>
        %get3A_281 = arith.index_cast %add3A_198 : i32 to index
        %get3A_282 = arith.constant 48 : index
        %get3A_283 = tpu.vector_load %arg15[%get3A_281, %get3A_282] {strides = array<i32>} : memref<112x128xf32, #tpu.memory_space<vmem>>, vector<1x16xf32>,
        %get3A_284 = vector.shape_cast %get3A_283 : vector<1x16xf32> to vector<16xf32>
        %add3A_285 = arith.addf %get3A_280, %get3A_284 : vector<16xf32>
        %get3A_286 = arith.index_cast %add3A_198 : i32 to index
        %get3A_287 = arith.constant 48 : index
        %get3A_288 = tpu.vector_load %arg17[%get3A_286, %get3A_287] {strides = array<i32>} : memref<112x128xf32, #tpu.memory_space<vmem>>, vector<1x16xf32>,
        %get3A_289 = vector.shape_cast %get3A_288 : vector<1x16xf32> to vector<16xf32>
        %add3A_290 = arith.addf %add3A_285, %get3A_289 : vector<16xf32>
        %get3A_291 = arith.index_cast %add3A_198 : i32 to index
        %get3A_292 = arith.constant 48 : index
        %get3A_293 = tpu.vector_load %arg19[%get3A_291, %get3A_292] {strides = array<i32>} : memref<112x128xf32, #tpu.memory_space<vmem>>, vector<1x16xf32>,
        %get3A_294 = vector.shape_cast %get3A_293 : vector<1x16xf32> to vector<16xf32>
        %max3A_295 = arith.constant 0.000000e+00 : f32
        %max3A_296 = vector.broadcast %max3A_295 : f32 to vector<16xf32>
        %max3A_297 = arith.maximumf %add3A_290, %max3A_296 : vector<16xf32>
        %add3A_298 = arith.addf %get3A_294, %max3A_297 : vector<16xf32>
        %swap3A_299 = arith.index_cast %add3A_198 : i32 to index
        %swap3A_300 = arith.constant 48 : index
        %swap3A_301 = tpu.vector_load %arg13[%swap3A_299, %swap3A_300] {strides = array<i32>} : memref<112x128xf32, #tpu.memory_space<vmem>>, vector<1x16xf32>,
        %swap3A_302 = vector.shape_cast %swap3A_301 : vector<1x16xf32> to vector<16xf32>
        %swap3A_303 = vector.shape_cast %add3A_298 : vector<16xf32> to vector<1x16xf32>
        tpu.vector_store %arg13[%swap3A_299, %swap3A_300], %swap3A_303 {strides = array<i32>} : memref<112x128xf32, #tpu.memory_space<vmem>>, vector<1x16xf32>,
        %get3A_304 = arith.index_cast %add3A_198 : i32 to index
        %get3A_305 = arith.constant 64 : index
        %get3A_306 = tpu.vector_load %arg13[%get3A_304, %get3A_305] {strides = array<i32>} : memref<112x128xf32, #tpu.memory_space<vmem>>, vector<1x16xf32>,
        %get3A_307 = vector.shape_cast %get3A_306 : vector<1x16xf32> to vector<16xf32>
        %get3A_308 = arith.index_cast %add3A_198 : i32 to index
        %get3A_309 = arith.constant 64 : index
        %get3A_310 = tpu.vector_load %arg15[%get3A_308, %get3A_309] {strides = array<i32>} : memref<112x128xf32, #tpu.memory_space<vmem>>, vector<1x16xf32>,
        %get3A_311 = vector.shape_cast %get3A_310 : vector<1x16xf32> to vector<16xf32>
        %add3A_312 = arith.addf %get3A_307, %get3A_311 : vector<16xf32>
        %get3A_313 = arith.index_cast %add3A_198 : i32 to index
        %get3A_314 = arith.constant 64 : index
        %get3A_315 = tpu.vector_load %arg17[%get3A_313, %get3A_314] {strides = array<i32>} : memref<112x128xf32, #tpu.memory_space<vmem>>, vector<1x16xf32>,
        %get3A_316 = vector.shape_cast %get3A_315 : vector<1x16xf32> to vector<16xf32>
        %add3A_317 = arith.addf %add3A_312, %get3A_316 : vector<16xf32>
        %get3A_318 = arith.index_cast %add3A_198 : i32 to index
        %get3A_319 = arith.constant 64 : index
        %get3A_320 = tpu.vector_load %arg19[%get3A_318, %get3A_319] {strides = array<i32>} : memref<112x128xf32, #tpu.memory_space<vmem>>, vector<1x16xf32>,
        %get3A_321 = vector.shape_cast %get3A_320 : vector<1x16xf32> to vector<16xf32>
        %max3A_322 = arith.constant 0.000000e+00 : f32
        %max3A_323 = vector.broadcast %max3A_322 : f32 to vector<16xf32>
        %max3A_324 = arith.maximumf %add3A_317, %max3A_323 : vector<16xf32>
        %add3A_325 = arith.addf %get3A_321, %max3A_324 : vector<16xf32>
        %swap3A_326 = arith.index_cast %add3A_198 : i32 to index
        %swap3A_327 = arith.constant 64 : index
        %swap3A_328 = tpu.vector_load %arg13[%swap3A_326, %swap3A_327] {strides = array<i32>} : memref<112x128xf32, #tpu.memory_space<vmem>>, vector<1x16xf32>,
        %swap3A_329 = vector.shape_cast %swap3A_328 : vector<1x16xf32> to vector<16xf32>
        %swap3A_330 = vector.shape_cast %add3A_325 : vector<16xf32> to vector<1x16xf32>
        tpu.vector_store %arg13[%swap3A_326, %swap3A_327], %swap3A_330 {strides = array<i32>} : memref<112x128xf32, #tpu.memory_space<vmem>>, vector<1x16xf32>,
        %get3A_331 = arith.index_cast %add3A_198 : i32 to index
        %get3A_332 = arith.constant 80 : index
        %get3A_333 = tpu.vector_load %arg13[%get3A_331, %get3A_332] {strides = array<i32>} : memref<112x128xf32, #tpu.memory_space<vmem>>, vector<1x16xf32>,
        %get3A_334 = vector.shape_cast %get3A_333 : vector<1x16xf32> to vector<16xf32>
        %get3A_335 = arith.index_cast %add3A_198 : i32 to index
        %get3A_336 = arith.constant 80 : index
        %get3A_337 = tpu.vector_load %arg15[%get3A_335, %get3A_336] {strides = array<i32>} : memref<112x128xf32, #tpu.memory_space<vmem>>, vector<1x16xf32>,
        %get3A_338 = vector.shape_cast %get3A_337 : vector<1x16xf32> to vector<16xf32>
        %add3A_339 = arith.addf %get3A_334, %get3A_338 : vector<16xf32>
        %get3A_340 = arith.index_cast %add3A_198 : i32 to index
        %get3A_341 = arith.constant 80 : index
        %get3A_342 = tpu.vector_load %arg17[%get3A_340, %get3A_341] {strides = array<i32>} : memref<112x128xf32, #tpu.memory_space<vmem>>, vector<1x16xf32>,
        %get3A_343 = vector.shape_cast %get3A_342 : vector<1x16xf32> to vector<16xf32>
        %add3A_344 = arith.addf %add3A_339, %get3A_343 : vector<16xf32>
        %get3A_345 = arith.index_cast %add3A_198 : i32 to index
        %get3A_346 = arith.constant 80 : index
        %get3A_347 = tpu.vector_load %arg19[%get3A_345, %get3A_346] {strides = array<i32>} : memref<112x128xf32, #tpu.memory_space<vmem>>, vector<1x16xf32>,
        %get3A_348 = vector.shape_cast %get3A_347 : vector<1x16xf32> to vector<16xf32>
        %max3A_349 = arith.constant 0.000000e+00 : f32
        %max3A_350 = vector.broadcast %max3A_349 : f32 to vector<16xf32>
        %max3A_351 = arith.maximumf %add3A_344, %max3A_350 : vector<16xf32>
        %add3A_352 = arith.addf %get3A_348, %max3A_351 : vector<16xf32>
        %swap3A_353 = arith.index_cast %add3A_198 : i32 to index
        %swap3A_354 = arith.constant 80 : index
        %swap3A_355 = tpu.vector_load %arg13[%swap3A_353, %swap3A_354] {strides = array<i32>} : memref<112x128xf32, #tpu.memory_space<vmem>>, vector<1x16xf32>,
        %swap3A_356 = vector.shape_cast %swap3A_355 : vector<1x16xf32> to vector<16xf32>
        %swap3A_357 = vector.shape_cast %add3A_352 : vector<16xf32> to vector<1x16xf32>
        tpu.vector_store %arg13[%swap3A_353, %swap3A_354], %swap3A_357 {strides = array<i32>} : memref<112x128xf32, #tpu.memory_space<vmem>>, vector<1x16xf32>,
        %get3A_358 = arith.index_cast %add3A_198 : i32 to index
        %get3A_359 = arith.constant 96 : index
        %get3A_360 = tpu.vector_load %arg13[%get3A_358, %get3A_359] {strides = array<i32>} : memref<112x128xf32, #tpu.memory_space<vmem>>, vector<1x16xf32>,
        %get3A_361 = vector.shape_cast %get3A_360 : vector<1x16xf32> to vector<16xf32>
        %get3A_362 = arith.index_cast %add3A_198 : i32 to index
        %get3A_363 = arith.constant 96 : index
        %get3A_364 = tpu.vector_load %arg15[%get3A_362, %get3A_363] {strides = array<i32>} : memref<112x128xf32, #tpu.memory_space<vmem>>, vector<1x16xf32>,
        %get3A_365 = vector.shape_cast %get3A_364 : vector<1x16xf32> to vector<16xf32>
        %add3A_366 = arith.addf %get3A_361, %get3A_365 : vector<16xf32>
        %get3A_367 = arith.index_cast %add3A_198 : i32 to index
        %get3A_368 = arith.constant 96 : index
        %get3A_369 = tpu.vector_load %arg17[%get3A_367, %get3A_368] {strides = array<i32>} : memref<112x128xf32, #tpu.memory_space<vmem>>, vector<1x16xf32>,
        %get3A_370 = vector.shape_cast %get3A_369 : vector<1x16xf32> to vector<16xf32>
        %add3A_371 = arith.addf %add3A_366, %get3A_370 : vector<16xf32>
        %get3A_372 = arith.index_cast %add3A_198 : i32 to index
        %get3A_373 = arith.constant 96 : index
        %get3A_374 = tpu.vector_load %arg19[%get3A_372, %get3A_373] {strides = array<i32>} : memref<112x128xf32, #tpu.memory_space<vmem>>, vector<1x16xf32>,
        %get3A_375 = vector.shape_cast %get3A_374 : vector<1x16xf32> to vector<16xf32>
        %max3A_376 = arith.constant 0.000000e+00 : f32
        %max3A_377 = vector.broadcast %max3A_376 : f32 to vector<16xf32>
        %max3A_378 = arith.maximumf %add3A_371, %max3A_377 : vector<16xf32>
        %add3A_379 = arith.addf %get3A_375, %max3A_378 : vector<16xf32>
        %swap3A_380 = arith.index_cast %add3A_198 : i32 to index
        %swap3A_381 = arith.constant 96 : index
        %swap3A_382 = tpu.vector_load %arg13[%swap3A_380, %swap3A_381] {strides = array<i32>} : memref<112x128xf32, #tpu.memory_space<vmem>>, vector<1x16xf32>,
        %swap3A_383 = vector.shape_cast %swap3A_382 : vector<1x16xf32> to vector<16xf32>
        %swap3A_384 = vector.shape_cast %add3A_379 : vector<16xf32> to vector<1x16xf32>
        tpu.vector_store %arg13[%swap3A_380, %swap3A_381], %swap3A_384 {strides = array<i32>} : memref<112x128xf32, #tpu.memory_space<vmem>>, vector<1x16xf32>,
        %get3A_385 = arith.index_cast %add3A_198 : i32 to index
        %get3A_386 = arith.constant 112 : index
        %get3A_387 = tpu.vector_load %arg13[%get3A_385, %get3A_386] {strides = array<i32>} : memref<112x128xf32, #tpu.memory_space<vmem>>, vector<1x16xf32>,
        %get3A_388 = vector.shape_cast %get3A_387 : vector<1x16xf32> to vector<16xf32>
        %get3A_389 = arith.index_cast %add3A_198 : i32 to index
        %get3A_390 = arith.constant 112 : index
        %get3A_391 = tpu.vector_load %arg15[%get3A_389, %get3A_390] {strides = array<i32>} : memref<112x128xf32, #tpu.memory_space<vmem>>, vector<1x16xf32>,
        %get3A_392 = vector.shape_cast %get3A_391 : vector<1x16xf32> to vector<16xf32>
        %add3A_393 = arith.addf %get3A_388, %get3A_392 : vector<16xf32>
        %get3A_394 = arith.index_cast %add3A_198 : i32 to index
        %get3A_395 = arith.constant 112 : index
        %get3A_396 = tpu.vector_load %arg17[%get3A_394, %get3A_395] {strides = array<i32>} : memref<112x128xf32, #tpu.memory_space<vmem>>, vector<1x16xf32>,
        %get3A_397 = vector.shape_cast %get3A_396 : vector<1x16xf32> to vector<16xf32>
        %add3A_398 = arith.addf %add3A_393, %get3A_397 : vector<16xf32>
        %get3A_399 = arith.index_cast %add3A_198 : i32 to index
        %get3A_400 = arith.constant 112 : index
        %get3A_401 = tpu.vector_load %arg19[%get3A_399, %get3A_400] {strides = array<i32>} : memref<112x128xf32, #tpu.memory_space<vmem>>, vector<1x16xf32>,
        %get3A_402 = vector.shape_cast %get3A_401 : vector<1x16xf32> to vector<16xf32>
        %max3A_403 = arith.constant 0.000000e+00 : f32
        %max3A_404 = vector.broadcast %max3A_403 : f32 to vector<16xf32>
        %max3A_405 = arith.maximumf %add3A_398, %max3A_404 : vector<16xf32>
        %add3A_406 = arith.addf %get3A_402, %max3A_405 : vector<16xf32>
        %swap3A_407 = arith.index_cast %add3A_198 : i32 to index
        %swap3A_408 = arith.constant 112 : index
        %swap3A_409 = tpu.vector_load %arg13[%swap3A_407, %swap3A_408] {strides = array<i32>} : memref<112x128xf32, #tpu.memory_space<vmem>>, vector<1x16xf32>,
        %swap3A_410 = vector.shape_cast %swap3A_409 : vector<1x16xf32> to vector<16xf32>
        %swap3A_411 = vector.shape_cast %add3A_406 : vector<16xf32> to vector<1x16xf32>
        tpu.vector_store %arg13[%swap3A_407, %swap3A_408], %swap3A_411 {strides = array<i32>} : memref<112x128xf32, #tpu.memory_space<vmem>>, vector<1x16xf32>,
      }
      %scan3A_193 = arith.constant 96 : i32
      "tpu.region"() ({
        %run_scoped3A = tpu.sem_alloc : memref<!tpu.dma_semaphore, #tpu.memory_space<semaphore_mem>>
        %dma_start3A_194 = arith.constant 0 : i32
        %dma_start3A_195 = arith.constant 0 : i32
        %dma_start3A_196 = tpu.memref_slice %arg13[%dma_start3A_194, %dma_start3A_195] : memref<112x128xf32, #tpu.memory_space<vmem>> -> memref<96x128xf32, #tpu.memory_space<vmem>>
        %dma_start3A_197 = arith.constant 99904 : i32
        %dma_start3A_198 = arith.constant 0 : i32
        %dma_start3A_199 = tpu.memref_slice %arg8[%dma_start3A_197, %dma_start3A_198] : memref<100000x128xf32, #tpu.memory_space<hbm>> -> memref<96x128xf32, #tpu.memory_space<hbm>>
        %dma_start3A_200 = arith.constant 99904 : i32
        %dma_start3A_201 = arith.constant 0 : i32
        %dma_start3A_202 = tpu.memref_slice %arg8[%dma_start3A_200, %dma_start3A_201] : memref<100000x128xf32, #tpu.memory_space<hbm>> -> memref<96x128xf32, #tpu.memory_space<hbm>>
        %dma_start3A_203 = arith.constant 0 : i32
        %dma_start3A_204 = arith.constant 0 : i32
        %dma_start3A_205 = tpu.memref_slice %arg13[%dma_start3A_203, %dma_start3A_204] : memref<112x128xf32, #tpu.memory_space<vmem>> -> memref<96x128xf32, #tpu.memory_space<vmem>>
        tpu.enqueue_dma source(%dma_start3A_205 : memref<96x128xf32, #tpu.memory_space<vmem>>) target(%dma_start3A_202 : memref<96x128xf32, #tpu.memory_space<hbm>>) target_semaphore(%run_scoped3A : memref<!tpu.dma_semaphore, #tpu.memory_space<semaphore_mem>>)
        %dma_wait3A_206 = arith.constant 0 : i32
        %dma_wait3A_207 = arith.constant 0 : i32
        %dma_wait3A_208 = tpu.memref_slice %arg13[%dma_wait3A_206, %dma_wait3A_207] : memref<112x128xf32, #tpu.memory_space<vmem>> -> memref<96x128xf32, #tpu.memory_space<vmem>>
        %dma_wait3A_209 = arith.constant 99904 : i32
        %dma_wait3A_210 = arith.constant 0 : i32
        %dma_wait3A_211 = tpu.memref_slice %arg8[%dma_wait3A_209, %dma_wait3A_210] : memref<100000x128xf32, #tpu.memory_space<hbm>> -> memref<96x128xf32, #tpu.memory_space<hbm>>
        %dma_wait3A_212 = arith.constant 99904 : i32
        %dma_wait3A_213 = arith.constant 0 : i32
        %dma_wait3A_214 = tpu.memref_slice %arg8[%dma_wait3A_212, %dma_wait3A_213] : memref<100000x128xf32, #tpu.memory_space<hbm>> -> memref<96x128xf32, #tpu.memory_space<hbm>>
        %dma_wait3A_215 = arith.constant 0 : i32
        %dma_wait3A_216 = arith.constant 0 : i32
        %dma_wait3A_217 = tpu.memref_slice %arg13[%dma_wait3A_215, %dma_wait3A_216] : memref<112x128xf32, #tpu.memory_space<vmem>> -> memref<96x128xf32, #tpu.memory_space<vmem>>
        tpu.wait_dma2 semaphore(%run_scoped3A : memref<!tpu.dma_semaphore, #tpu.memory_space<semaphore_mem>>) src(%dma_wait3A_217 : memref<96x128xf32, #tpu.memory_space<vmem>>) dst(%dma_wait3A_214 : memref<96x128xf32, #tpu.memory_space<hbm>>)
        tpu.yield
      }) : () -> ()
    } else {
    }
    return
  }
}

#map = affine_map<(d0, d1) -> (0, 0)>
#map1 = affine_map<(d0, d1) -> (0)>
module attributes {stable_mosaic.version = 14 : i64} {
  func.func @k(%arg0: i32, %arg1: i32, %arg2: memref<100000x128xf32, #tpu.memory_space<hbm>>, %arg3: memref<100000x128xf32, #tpu.memory_space<hbm>>, %arg4: memref<100000x128xf32, #tpu.memory_space<hbm>>, %arg5: memref<100000x128xf32, #tpu.memory_space<hbm>>, %arg6: memref<100000xi32, #tpu.memory_space<hbm>>, %arg7: memref<100000xi32, #tpu.memory_space<hbm>>, %arg8: memref<100000x128xf32, #tpu.memory_space<hbm>>, %arg9: memref<112xi32, #tpu.memory_space<vmem>>, %arg10: memref<112xi32, #tpu.memory_space<vmem>>, %arg11: memref<112xi32, #tpu.memory_space<vmem>>, %arg12: memref<112xi32, #tpu.memory_space<vmem>>, %arg13: memref<112x128xf32, #tpu.memory_space<vmem>>, %arg14: memref<112x128xf32, #tpu.memory_space<vmem>>, %arg15: memref<112x128xf32, #tpu.memory_space<vmem>>, %arg16: memref<112x128xf32, #tpu.memory_space<vmem>>, %arg17: memref<112x128xf32, #tpu.memory_space<vmem>>, %arg18: memref<112x128xf32, #tpu.memory_space<vmem>>, %arg19: memref<112x128xf32, #tpu.memory_space<vmem>>, %arg20: memref<112x128xf32, #tpu.memory_space<vmem>>, %arg21: memref<!tpu.dma_semaphore, #tpu.memory_space<semaphore_mem>>, %arg22: memref<!tpu.dma_semaphore, #tpu.memory_space<semaphore_mem>>, %arg23: memref<!tpu.dma_semaphore, #tpu.memory_space<semaphore_mem>>, %arg24: memref<!tpu.dma_semaphore, #tpu.memory_space<semaphore_mem>>, %arg25: memref<!tpu.dma_semaphore, #tpu.memory_space<semaphore_mem>>, %arg26: memref<!tpu.dma_semaphore, #tpu.memory_space<semaphore_mem>>) attributes {dimension_semantics = [#tpu.dimension_semantics<core_parallel>, #tpu.dimension_semantics<subcore_parallel>], iteration_bounds = array<i64: 2, 16>, scalar_prefetch = 0 : i64, scratch_operands = 18 : i64, tpu.core_type = #tpu.core_type<sc_vector_subcore>, window_params = [{transform_indices = #map}, {transform_indices = #map}, {transform_indices = #map}, {transform_indices = #map}, {transform_indices = #map1}, {transform_indices = #map1}, {transform_indices = #map}]} {
    %mul3A = arith.constant 2 : i32
    %mul3A_0 = arith.muli %arg1, %mul3A : i32
    %add3A = arith.addi %mul3A_0, %arg0 : i32
    %sub3A = arith.constant 923 : i32
    %sub3A_1 = arith.subi %sub3A, %add3A : i32
    %jit3A = arith.constant 32 : i32
    %div3A = arith.divsi %sub3A_1, %jit3A : i32
    %sign3A = arith.constant 0 : i32
    %sign3A_2 = arith.cmpi sgt, %sub3A_1, %sign3A : i32
    %sign3A_3 = arith.extui %sign3A_2 : i1 to i32
    %sign3A_4 = arith.constant 0 : i32
    %sign3A_5 = arith.cmpi slt, %sub3A_1, %sign3A_4 : i32
    %sign3A_6 = arith.extui %sign3A_5 : i1 to i32
    %sign3A_7 = arith.subi %sign3A_3, %sign3A_6 : i32
    %sign3A_8 = arith.constant 0 : i32
    %sign3A_9 = arith.cmpi sgt, %jit3A, %sign3A_8 : i32
    %sign3A_10 = arith.extui %sign3A_9 : i1 to i32
    %sign3A_11 = arith.constant 0 : i32
    %sign3A_12 = arith.cmpi slt, %jit3A, %sign3A_11 : i32
    %sign3A_13 = arith.extui %sign3A_12 : i1 to i32
    %sign3A_14 = arith.subi %sign3A_10, %sign3A_13 : i32
    %ne3A = arith.cmpi ne, %sign3A_7, %sign3A_14 : i32
    %rem3A = arith.remsi %sub3A_1, %jit3A : i32
    %ne3A_15 = arith.constant 0 : i32
    %ne3A_16 = arith.cmpi ne, %rem3A, %ne3A_15 : i32
    %and3A = arith.andi %ne3A, %ne3A_16 : i1
    %sub3A_17 = arith.constant 1 : i32
    %sub3A_18 = arith.subi %div3A, %sub3A_17 : i32
    %select_n3A = arith.select %and3A, %sub3A_18, %div3A : i32
    %add3A_19 = arith.constant 0 : i32
    %add3A_20 = arith.addi %add3A, %add3A_19 : i32
    %mul3A_21 = arith.constant 112 : i32
    %mul3A_22 = arith.muli %add3A_20, %mul3A_21 : i32
    %dma_start3A = tpu.memref_slice %arg6[%mul3A_22] : memref<100000xi32, #tpu.memory_space<hbm>> -> memref<112xi32, #tpu.memory_space<hbm>>
    %dma_start3A_23 = tpu.memref_slice %arg6[%mul3A_22] : memref<100000xi32, #tpu.memory_space<hbm>> -> memref<112xi32, #tpu.memory_space<hbm>>
    tpu.enqueue_dma source(%dma_start3A_23 : memref<112xi32, #tpu.memory_space<hbm>>) target(%arg9 : memref<112xi32, #tpu.memory_space<vmem>>) target_semaphore(%arg21 : memref<!tpu.dma_semaphore, #tpu.memory_space<semaphore_mem>>)
    %dma_start3A_24 = tpu.memref_slice %arg7[%mul3A_22] : memref<100000xi32, #tpu.memory_space<hbm>> -> memref<112xi32, #tpu.memory_space<hbm>>
    %dma_start3A_25 = tpu.memref_slice %arg7[%mul3A_22] : memref<100000xi32, #tpu.memory_space<hbm>> -> memref<112xi32, #tpu.memory_space<hbm>>
    tpu.enqueue_dma source(%dma_start3A_25 : memref<112xi32, #tpu.memory_space<hbm>>) target(%arg11 : memref<112xi32, #tpu.memory_space<vmem>>) target_semaphore(%arg21 : memref<!tpu.dma_semaphore, #tpu.memory_space<semaphore_mem>>)
    %dma_wait3A = arith.constant 0 : i32
    %dma_wait3A_26 = tpu.memref_slice %arg6[%dma_wait3A] : memref<100000xi32, #tpu.memory_space<hbm>> -> memref<112xi32, #tpu.memory_space<hbm>>
    %dma_wait3A_27 = arith.constant 0 : i32
    %dma_wait3A_28 = tpu.memref_slice %arg6[%dma_wait3A_27] : memref<100000xi32, #tpu.memory_space<hbm>> -> memref<112xi32, #tpu.memory_space<hbm>>
    tpu.wait_dma2 semaphore(%arg21 : memref<!tpu.dma_semaphore, #tpu.memory_space<semaphore_mem>>) src(%dma_wait3A_28 : memref<112xi32, #tpu.memory_space<hbm>>) dst(%arg9 : memref<112xi32, #tpu.memory_space<vmem>>)
    %dma_wait3A_29 = arith.constant 0 : i32
    %dma_wait3A_30 = tpu.memref_slice %arg7[%dma_wait3A_29] : memref<100000xi32, #tpu.memory_space<hbm>> -> memref<112xi32, #tpu.memory_space<hbm>>
    %dma_wait3A_31 = arith.constant 0 : i32
    %dma_wait3A_32 = tpu.memref_slice %arg7[%dma_wait3A_31] : memref<100000xi32, #tpu.memory_space<hbm>> -> memref<112xi32, #tpu.memory_space<hbm>>
    tpu.wait_dma2 semaphore(%arg21 : memref<!tpu.dma_semaphore, #tpu.memory_space<semaphore_mem>>) src(%dma_wait3A_32 : memref<112xi32, #tpu.memory_space<hbm>>) dst(%arg11 : memref<112xi32, #tpu.memory_space<vmem>>)
    %add3A_33 = arith.constant 0 : i32
    %add3A_34 = arith.addi %add3A, %add3A_33 : i32
    %mul3A_35 = arith.constant 112 : i32
    %mul3A_36 = arith.muli %add3A_34, %mul3A_35 : i32
    %dma_start3A_37 = arith.constant 0 : i32
    %dma_start3A_38 = arith.constant 0 : i32
    %dma_start3A_39 = tpu.memref_slice %arg2[%dma_start3A_37, %dma_start3A_38] : memref<100000x128xf32, #tpu.memory_space<hbm>> -> memref<100000x128xf32, #tpu.memory_space<hbm>>
    tpu.enqueue_indirect_dma source(%dma_start3A_39 : memref<100000x128xf32, #tpu.memory_space<hbm>>) target(%arg13 : memref<112x128xf32, #tpu.memory_space<vmem>>) offsets(%arg9 : memref<112xi32, #tpu.memory_space<vmem>>) semaphore(%arg23 : memref<!tpu.dma_semaphore, #tpu.memory_space<semaphore_mem>>)
    %dma_start3A_40 = arith.constant 0 : i32
    %dma_start3A_41 = arith.constant 0 : i32
    %dma_start3A_42 = tpu.memref_slice %arg3[%dma_start3A_40, %dma_start3A_41] : memref<100000x128xf32, #tpu.memory_space<hbm>> -> memref<100000x128xf32, #tpu.memory_space<hbm>>
    tpu.enqueue_indirect_dma source(%dma_start3A_42 : memref<100000x128xf32, #tpu.memory_space<hbm>>) target(%arg15 : memref<112x128xf32, #tpu.memory_space<vmem>>) offsets(%arg11 : memref<112xi32, #tpu.memory_space<vmem>>) semaphore(%arg23 : memref<!tpu.dma_semaphore, #tpu.memory_space<semaphore_mem>>)
    %dma_start3A_43 = arith.constant 0 : i32
    %dma_start3A_44 = tpu.memref_slice %arg4[%mul3A_36, %dma_start3A_43] : memref<100000x128xf32, #tpu.memory_space<hbm>> -> memref<112x128xf32, #tpu.memory_space<hbm>>
    %dma_start3A_45 = arith.constant 0 : i32
    %dma_start3A_46 = tpu.memref_slice %arg4[%mul3A_36, %dma_start3A_45] : memref<100000x128xf32, #tpu.memory_space<hbm>> -> memref<112x128xf32, #tpu.memory_space<hbm>>
    tpu.enqueue_dma source(%dma_start3A_46 : memref<112x128xf32, #tpu.memory_space<hbm>>) target(%arg17 : memref<112x128xf32, #tpu.memory_space<vmem>>) target_semaphore(%arg23 : memref<!tpu.dma_semaphore, #tpu.memory_space<semaphore_mem>>)
    %dma_start3A_47 = arith.constant 0 : i32
    %dma_start3A_48 = tpu.memref_slice %arg5[%mul3A_36, %dma_start3A_47] : memref<100000x128xf32, #tpu.memory_space<hbm>> -> memref<112x128xf32, #tpu.memory_space<hbm>>
    %dma_start3A_49 = arith.constant 0 : i32
    %dma_start3A_50 = tpu.memref_slice %arg5[%mul3A_36, %dma_start3A_49] : memref<100000x128xf32, #tpu.memory_space<hbm>> -> memref<112x128xf32, #tpu.memory_space<hbm>>
    tpu.enqueue_dma source(%dma_start3A_50 : memref<112x128xf32, #tpu.memory_space<hbm>>) target(%arg19 : memref<112x128xf32, #tpu.memory_space<vmem>>) target_semaphore(%arg23 : memref<!tpu.dma_semaphore, #tpu.memory_space<semaphore_mem>>)
    %add3A_51 = arith.constant 32 : i32
    %add3A_52 = arith.addi %add3A, %add3A_51 : i32
    %mul3A_53 = arith.constant 112 : i32
    %mul3A_54 = arith.muli %add3A_52, %mul3A_53 : i32
    %dma_start3A_55 = tpu.memref_slice %arg6[%mul3A_54] : memref<100000xi32, #tpu.memory_space<hbm>> -> memref<112xi32, #tpu.memory_space<hbm>>
    %dma_start3A_56 = tpu.memref_slice %arg6[%mul3A_54] : memref<100000xi32, #tpu.memory_space<hbm>> -> memref<112xi32, #tpu.memory_space<hbm>>
    tpu.enqueue_dma source(%dma_start3A_56 : memref<112xi32, #tpu.memory_space<hbm>>) target(%arg10 : memref<112xi32, #tpu.memory_space<vmem>>) target_semaphore(%arg22 : memref<!tpu.dma_semaphore, #tpu.memory_space<semaphore_mem>>)
    %dma_start3A_57 = tpu.memref_slice %arg7[%mul3A_54] : memref<100000xi32, #tpu.memory_space<hbm>> -> memref<112xi32, #tpu.memory_space<hbm>>
    %dma_start3A_58 = tpu.memref_slice %arg7[%mul3A_54] : memref<100000xi32, #tpu.memory_space<hbm>> -> memref<112xi32, #tpu.memory_space<hbm>>
    tpu.enqueue_dma source(%dma_start3A_58 : memref<112xi32, #tpu.memory_space<hbm>>) target(%arg12 : memref<112xi32, #tpu.memory_space<vmem>>) target_semaphore(%arg22 : memref<!tpu.dma_semaphore, #tpu.memory_space<semaphore_mem>>)
    %scan3A = arith.constant 0 : i32
    %scan3A_59 = arith.constant 14 : i32
    %scan3A_60 = arith.addi %scan3A, %scan3A_59 : i32
    %scan3A_61 = arith.constant 1 : i32
    scf.for %scan3A_77 = %scan3A to %scan3A_60 step %scan3A_61  : i32 {
      %mul3A_78 = arith.constant 2 : i32
      %mul3A_79 = arith.muli %scan3A_77, %mul3A_78 : i32
      %add3A_80 = arith.constant 0 : i32
      %add3A_81 = arith.addi %add3A_80, %mul3A_79 : i32
      %add3A_82 = arith.constant 0 : i32
      %add3A_83 = arith.addi %add3A_81, %add3A_82 : i32
      %add3A_84 = arith.constant 0 : i32
      %add3A_85 = arith.addi %add3A_81, %add3A_84 : i32
      %lt3A = arith.cmpi slt, %add3A_85, %select_n3A : i32
      %convert_element_type3A_86 = arith.extui %lt3A : i1 to i32
      %cond3A_87 = arith.constant 0 : i32
      %cond3A_88 = arith.cmpi ne, %convert_element_type3A_86, %cond3A_87 : i32
      scf.if %cond3A_88 {
        %add3A_97 = arith.constant 1 : i32
        %add3A_98 = arith.addi %add3A_83, %add3A_97 : i32
        %lt3A_99 = arith.cmpi slt, %add3A_98, %select_n3A : i32
        %convert_element_type3A_100 = arith.extui %lt3A_99 : i1 to i32
        %cond3A_101 = arith.constant 0 : i32
        %cond3A_102 = arith.cmpi ne, %convert_element_type3A_100, %cond3A_101 : i32
        scf.if %cond3A_102 {
          %dma_wait3A_141 = arith.constant 0 : i32
          %dma_wait3A_142 = tpu.memref_slice %arg6[%dma_wait3A_141] : memref<100000xi32, #tpu.memory_space<hbm>> -> memref<112xi32, #tpu.memory_space<hbm>>
          %dma_wait3A_143 = arith.constant 0 : i32
          %dma_wait3A_144 = tpu.memref_slice %arg6[%dma_wait3A_143] : memref<100000xi32, #tpu.memory_space<hbm>> -> memref<112xi32, #tpu.memory_space<hbm>>
          tpu.wait_dma2 semaphore(%arg22 : memref<!tpu.dma_semaphore, #tpu.memory_space<semaphore_mem>>) src(%dma_wait3A_144 : memref<112xi32, #tpu.memory_space<hbm>>) dst(%arg10 : memref<112xi32, #tpu.memory_space<vmem>>)
          %dma_wait3A_145 = arith.constant 0 : i32
          %dma_wait3A_146 = tpu.memref_slice %arg7[%dma_wait3A_145] : memref<100000xi32, #tpu.memory_space<hbm>> -> memref<112xi32, #tpu.memory_space<hbm>>
          %dma_wait3A_147 = arith.constant 0 : i32
          %dma_wait3A_148 = tpu.memref_slice %arg7[%dma_wait3A_147] : memref<100000xi32, #tpu.memory_space<hbm>> -> memref<112xi32, #tpu.memory_space<hbm>>
          tpu.wait_dma2 semaphore(%arg22 : memref<!tpu.dma_semaphore, #tpu.memory_space<semaphore_mem>>) src(%dma_wait3A_148 : memref<112xi32, #tpu.memory_space<hbm>>) dst(%arg12 : memref<112xi32, #tpu.memory_space<vmem>>)
          %ge3A = arith.constant 1 : i32
          %ge3A_149 = arith.cmpi sge, %add3A_83, %ge3A : i32
          %convert_element_type3A_150 = arith.extui %ge3A_149 : i1 to i32
          %cond3A_151 = arith.constant 0 : i32
          %cond3A_152 = arith.cmpi ne, %convert_element_type3A_150, %cond3A_151 : i32
          scf.if %cond3A_152 {
            %dma_wait3A_174 = arith.constant 0 : i32
            %dma_wait3A_175 = arith.constant 0 : i32
            %dma_wait3A_176 = tpu.memref_slice %arg8[%dma_wait3A_174, %dma_wait3A_175] : memref<100000x128xf32, #tpu.memory_space<hbm>> -> memref<112x128xf32, #tpu.memory_space<hbm>>
            %dma_wait3A_177 = arith.constant 0 : i32
            %dma_wait3A_178 = arith.constant 0 : i32
            %dma_wait3A_179 = tpu.memref_slice %arg8[%dma_wait3A_177, %dma_wait3A_178] : memref<100000x128xf32, #tpu.memory_space<hbm>> -> memref<112x128xf32, #tpu.memory_space<hbm>>
            tpu.wait_dma2 semaphore(%arg26 : memref<!tpu.dma_semaphore, #tpu.memory_space<semaphore_mem>>) src(%arg14 : memref<112x128xf32, #tpu.memory_space<vmem>>) dst(%dma_wait3A_179 : memref<112x128xf32, #tpu.memory_space<hbm>>)
          } else {
          }
          %add3A_153 = arith.constant 1 : i32
          %add3A_154 = arith.addi %add3A_83, %add3A_153 : i32
          %mul3A_155 = arith.constant 32 : i32
          %mul3A_156 = arith.muli %add3A_154, %mul3A_155 : i32
          %add3A_157 = arith.addi %add3A, %mul3A_156 : i32
          %mul3A_158 = arith.constant 112 : i32
          %mul3A_159 = arith.muli %add3A_157, %mul3A_158 : i32
          %dma_start3A_160 = arith.constant 0 : i32
          %dma_start3A_161 = arith.constant 0 : i32
          %dma_start3A_162 = tpu.memref_slice %arg2[%dma_start3A_160, %dma_start3A_161] : memref<100000x128xf32, #tpu.memory_space<hbm>> -> memref<100000x128xf32, #tpu.memory_space<hbm>>
          tpu.enqueue_indirect_dma source(%dma_start3A_162 : memref<100000x128xf32, #tpu.memory_space<hbm>>) target(%arg14 : memref<112x128xf32, #tpu.memory_space<vmem>>) offsets(%arg10 : memref<112xi32, #tpu.memory_space<vmem>>) semaphore(%arg24 : memref<!tpu.dma_semaphore, #tpu.memory_space<semaphore_mem>>)
          %dma_start3A_163 = arith.constant 0 : i32
          %dma_start3A_164 = arith.constant 0 : i32
          %dma_start3A_165 = tpu.memref_slice %arg3[%dma_start3A_163, %dma_start3A_164] : memref<100000x128xf32, #tpu.memory_space<hbm>> -> memref<100000x128xf32, #tpu.memory_space<hbm>>
          tpu.enqueue_indirect_dma source(%dma_start3A_165 : memref<100000x128xf32, #tpu.memory_space<hbm>>) target(%arg16 : memref<112x128xf32, #tpu.memory_space<vmem>>) offsets(%arg12 : memref<112xi32, #tpu.memory_space<vmem>>) semaphore(%arg24 : memref<!tpu.dma_semaphore, #tpu.memory_space<semaphore_mem>>)
          %dma_start3A_166 = arith.constant 0 : i32
          %dma_start3A_167 = tpu.memref_slice %arg4[%mul3A_159, %dma_start3A_166] : memref<100000x128xf32, #tpu.memory_space<hbm>> -> memref<112x128xf32, #tpu.memory_space<hbm>>
          %dma_start3A_168 = arith.constant 0 : i32
          %dma_start3A_169 = tpu.memref_slice %arg4[%mul3A_159, %dma_start3A_168] : memref<100000x128xf32, #tpu.memory_space<hbm>> -> memref<112x128xf32, #tpu.memory_space<hbm>>
          tpu.enqueue_dma source(%dma_start3A_169 : memref<112x128xf32, #tpu.memory_space<hbm>>) target(%arg18 : memref<112x128xf32, #tpu.memory_space<vmem>>) target_semaphore(%arg24 : memref<!tpu.dma_semaphore, #tpu.memory_space<semaphore_mem>>)
          %dma_start3A_170 = arith.constant 0 : i32
          %dma_start3A_171 = tpu.memref_slice %arg5[%mul3A_159, %dma_start3A_170] : memref<100000x128xf32, #tpu.memory_space<hbm>> -> memref<112x128xf32, #tpu.memory_space<hbm>>
          %dma_start3A_172 = arith.constant 0 : i32
          %dma_start3A_173 = tpu.memref_slice %arg5[%mul3A_159, %dma_start3A_172] : memref<100000x128xf32, #tpu.memory_space<hbm>> -> memref<112x128xf32, #tpu.memory_space<hbm>>
          tpu.enqueue_dma source(%dma_start3A_173 : memref<112x128xf32, #tpu.memory_space<hbm>>) target(%arg20 : memref<112x128xf32, #tpu.memory_space<vmem>>) target_semaphore(%arg24 : memref<!tpu.dma_semaphore, #tpu.memory_space<semaphore_mem>>)
        } else {
        }
        %dma_wait3A_103 = arith.constant 0 : i32
        %dma_wait3A_104 = arith.constant 0 : i32
        %dma_wait3A_105 = tpu.memref_slice %arg2[%dma_wait3A_103, %dma_wait3A_104] : memref<100000x128xf32, #tpu.memory_space<hbm>> -> memref<100000x128xf32, #tpu.memory_space<hbm>>
        tpu.wait_indirect_dma semaphore(%arg23 : memref<!tpu.dma_semaphore, #tpu.memory_space<semaphore_mem>>) src(%dma_wait3A_105 : memref<100000x128xf32, #tpu.memory_space<hbm>>) dst(%arg13 : memref<112x128xf32, #tpu.memory_space<vmem>>)
        %dma_wait3A_106 = arith.constant 0 : i32
        %dma_wait3A_107 = arith.constant 0 : i32
        %dma_wait3A_108 = tpu.memref_slice %arg3[%dma_wait3A_106, %dma_wait3A_107] : memref<100000x128xf32, #tpu.memory_space<hbm>> -> memref<100000x128xf32, #tpu.memory_space<hbm>>
        tpu.wait_indirect_dma semaphore(%arg23 : memref<!tpu.dma_semaphore, #tpu.memory_space<semaphore_mem>>) src(%dma_wait3A_108 : memref<100000x128xf32, #tpu.memory_space<hbm>>) dst(%arg15 : memref<112x128xf32, #tpu.memory_space<vmem>>)
        %dma_wait3A_109 = arith.constant 0 : i32
        %dma_wait3A_110 = arith.constant 0 : i32
        %dma_wait3A_111 = tpu.memref_slice %arg4[%dma_wait3A_109, %dma_wait3A_110] : memref<100000x128xf32, #tpu.memory_space<hbm>> -> memref<112x128xf32, #tpu.memory_space<hbm>>
        %dma_wait3A_112 = arith.constant 0 : i32
        %dma_wait3A_113 = arith.constant 0 : i32
        %dma_wait3A_114 = tpu.memref_slice %arg4[%dma_wait3A_112, %dma_wait3A_113] : memref<100000x128xf32, #tpu.memory_space<hbm>> -> memref<112x128xf32, #tpu.memory_space<hbm>>
        tpu.wait_dma2 semaphore(%arg23 : memref<!tpu.dma_semaphore, #tpu.memory_space<semaphore_mem>>) src(%dma_wait3A_114 : memref<112x128xf32, #tpu.memory_space<hbm>>) dst(%arg17 : memref<112x128xf32, #tpu.memory_space<vmem>>)
        %dma_wait3A_115 = arith.constant 0 : i32
        %dma_wait3A_116 = arith.constant 0 : i32
        %dma_wait3A_117 = tpu.memref_slice %arg5[%dma_wait3A_115, %dma_wait3A_116] : memref<100000x128xf32, #tpu.memory_space<hbm>> -> memref<112x128xf32, #tpu.memory_space<hbm>>
        %dma_wait3A_118 = arith.constant 0 : i32
        %dma_wait3A_119 = arith.constant 0 : i32
        %dma_wait3A_120 = tpu.memref_slice %arg5[%dma_wait3A_118, %dma_wait3A_119] : memref<100000x128xf32, #tpu.memory_space<hbm>> -> memref<112x128xf32, #tpu.memory_space<hbm>>
        tpu.wait_dma2 semaphore(%arg23 : memref<!tpu.dma_semaphore, #tpu.memory_space<semaphore_mem>>) src(%dma_wait3A_120 : memref<112x128xf32, #tpu.memory_space<hbm>>) dst(%arg19 : memref<112x128xf32, #tpu.memory_space<vmem>>)
        %add3A_121 = arith.constant 2 : i32
        %add3A_122 = arith.addi %add3A_83, %add3A_121 : i32
        %lt3A_123 = arith.cmpi slt, %add3A_122, %select_n3A : i32
        %convert_element_type3A_124 = arith.extui %lt3A_123 : i1 to i32
        %cond3A_125 = arith.constant 0 : i32
        %cond3A_126 = arith.cmpi ne, %convert_element_type3A_124, %cond3A_125 : i32
        scf.if %cond3A_126 {
          %add3A_141 = arith.constant 2 : i32
          %add3A_142 = arith.addi %add3A_83, %add3A_141 : i32
          %mul3A_143 = arith.constant 32 : i32
          %mul3A_144 = arith.muli %add3A_142, %mul3A_143 : i32
          %add3A_145 = arith.addi %add3A, %mul3A_144 : i32
          %mul3A_146 = arith.constant 112 : i32
          %mul3A_147 = arith.muli %add3A_145, %mul3A_146 : i32
          %dma_start3A_148 = tpu.memref_slice %arg6[%mul3A_147] : memref<100000xi32, #tpu.memory_space<hbm>> -> memref<112xi32, #tpu.memory_space<hbm>>
          %dma_start3A_149 = tpu.memref_slice %arg6[%mul3A_147] : memref<100000xi32, #tpu.memory_space<hbm>> -> memref<112xi32, #tpu.memory_space<hbm>>
          tpu.enqueue_dma source(%dma_start3A_149 : memref<112xi32, #tpu.memory_space<hbm>>) target(%arg9 : memref<112xi32, #tpu.memory_space<vmem>>) target_semaphore(%arg21 : memref<!tpu.dma_semaphore, #tpu.memory_space<semaphore_mem>>)
          %dma_start3A_150 = tpu.memref_slice %arg7[%mul3A_147] : memref<100000xi32, #tpu.memory_space<hbm>> -> memref<112xi32, #tpu.memory_space<hbm>>
          %dma_start3A_151 = tpu.memref_slice %arg7[%mul3A_147] : memref<100000xi32, #tpu.memory_space<hbm>> -> memref<112xi32, #tpu.memory_space<hbm>>
          tpu.enqueue_dma source(%dma_start3A_151 : memref<112xi32, #tpu.memory_space<hbm>>) target(%arg11 : memref<112xi32, #tpu.memory_space<vmem>>) target_semaphore(%arg21 : memref<!tpu.dma_semaphore, #tpu.memory_space<semaphore_mem>>)
        } else {
        }
        %scan3A_127 = arith.constant 0 : i32
        %scan3A_128 = arith.constant 112 : i32
        %scan3A_129 = arith.addi %scan3A_127, %scan3A_128 : i32
        %scan3A_130 = arith.constant 1 : i32
        scf.for %scan3A_141 = %scan3A_127 to %scan3A_129 step %scan3A_130  : i32 {
          %mul3A_142 = arith.constant 1 : i32
          %mul3A_143 = arith.muli %scan3A_141, %mul3A_142 : i32
          %add3A_144 = arith.constant 0 : i32
          %add3A_145 = arith.addi %add3A_144, %mul3A_143 : i32
          %get3A = arith.index_cast %add3A_145 : i32 to index
          %get3A_146 = arith.constant 0 : index
          %get3A_147 = tpu.vector_load %arg13[%get3A, %get3A_146] {strides = array<i32>} : memref<112x128xf32, #tpu.memory_space<vmem>>, vector<1x16xf32>,
          %get3A_148 = vector.shape_cast %get3A_147 : vector<1x16xf32> to vector<16xf32>
          %get3A_149 = arith.index_cast %add3A_145 : i32 to index
          %get3A_150 = arith.constant 0 : index
          %get3A_151 = tpu.vector_load %arg15[%get3A_149, %get3A_150] {strides = array<i32>} : memref<112x128xf32, #tpu.memory_space<vmem>>, vector<1x16xf32>,
          %get3A_152 = vector.shape_cast %get3A_151 : vector<1x16xf32> to vector<16xf32>
          %add3A_153 = arith.addf %get3A_148, %get3A_152 : vector<16xf32>
          %get3A_154 = arith.index_cast %add3A_145 : i32 to index
          %get3A_155 = arith.constant 0 : index
          %get3A_156 = tpu.vector_load %arg17[%get3A_154, %get3A_155] {strides = array<i32>} : memref<112x128xf32, #tpu.memory_space<vmem>>, vector<1x16xf32>,
          %get3A_157 = vector.shape_cast %get3A_156 : vector<1x16xf32> to vector<16xf32>
          %add3A_158 = arith.addf %add3A_153, %get3A_157 : vector<16xf32>
          %get3A_159 = arith.index_cast %add3A_145 : i32 to index
          %get3A_160 = arith.constant 0 : index
          %get3A_161 = tpu.vector_load %arg19[%get3A_159, %get3A_160] {strides = array<i32>} : memref<112x128xf32, #tpu.memory_space<vmem>>, vector<1x16xf32>,
          %get3A_162 = vector.shape_cast %get3A_161 : vector<1x16xf32> to vector<16xf32>
          %max3A = arith.constant 0.000000e+00 : f32
          %max3A_163 = vector.broadcast %max3A : f32 to vector<16xf32>
          %max3A_164 = arith.maximumf %add3A_158, %max3A_163 : vector<16xf32>
          %add3A_165 = arith.addf %get3A_162, %max3A_164 : vector<16xf32>
          %swap3A = arith.index_cast %add3A_145 : i32 to index
          %swap3A_166 = arith.constant 0 : index
          %swap3A_167 = tpu.vector_load %arg13[%swap3A, %swap3A_166] {strides = array<i32>} : memref<112x128xf32, #tpu.memory_space<vmem>>, vector<1x16xf32>,
          %swap3A_168 = vector.shape_cast %swap3A_167 : vector<1x16xf32> to vector<16xf32>
          %swap3A_169 = vector.shape_cast %add3A_165 : vector<16xf32> to vector<1x16xf32>
          tpu.vector_store %arg13[%swap3A, %swap3A_166], %swap3A_169 {strides = array<i32>} : memref<112x128xf32, #tpu.memory_space<vmem>>, vector<1x16xf32>,
          %get3A_170 = arith.index_cast %add3A_145 : i32 to index
          %get3A_171 = arith.constant 16 : index
          %get3A_172 = tpu.vector_load %arg13[%get3A_170, %get3A_171] {strides = array<i32>} : memref<112x128xf32, #tpu.memory_space<vmem>>, vector<1x16xf32>,
          %get3A_173 = vector.shape_cast %get3A_172 : vector<1x16xf32> to vector<16xf32>
          %get3A_174 = arith.index_cast %add3A_145 : i32 to index
          %get3A_175 = arith.constant 16 : index
          %get3A_176 = tpu.vector_load %arg15[%get3A_174, %get3A_175] {strides = array<i32>} : memref<112x128xf32, #tpu.memory_space<vmem>>, vector<1x16xf32>,
          %get3A_177 = vector.shape_cast %get3A_176 : vector<1x16xf32> to vector<16xf32>
          %add3A_178 = arith.addf %get3A_173, %get3A_177 : vector<16xf32>
          %get3A_179 = arith.index_cast %add3A_145 : i32 to index
          %get3A_180 = arith.constant 16 : index
          %get3A_181 = tpu.vector_load %arg17[%get3A_179, %get3A_180] {strides = array<i32>} : memref<112x128xf32, #tpu.memory_space<vmem>>, vector<1x16xf32>,
          %get3A_182 = vector.shape_cast %get3A_181 : vector<1x16xf32> to vector<16xf32>
          %add3A_183 = arith.addf %add3A_178, %get3A_182 : vector<16xf32>
          %get3A_184 = arith.index_cast %add3A_145 : i32 to index
          %get3A_185 = arith.constant 16 : index
          %get3A_186 = tpu.vector_load %arg19[%get3A_184, %get3A_185] {strides = array<i32>} : memref<112x128xf32, #tpu.memory_space<vmem>>, vector<1x16xf32>,
          %get3A_187 = vector.shape_cast %get3A_186 : vector<1x16xf32> to vector<16xf32>
          %max3A_188 = arith.constant 0.000000e+00 : f32
          %max3A_189 = vector.broadcast %max3A_188 : f32 to vector<16xf32>
          %max3A_190 = arith.maximumf %add3A_183, %max3A_189 : vector<16xf32>
          %add3A_191 = arith.addf %get3A_187, %max3A_190 : vector<16xf32>
          %swap3A_192 = arith.index_cast %add3A_145 : i32 to index
          %swap3A_193 = arith.constant 16 : index
          %swap3A_194 = tpu.vector_load %arg13[%swap3A_192, %swap3A_193] {strides = array<i32>} : memref<112x128xf32, #tpu.memory_space<vmem>>, vector<1x16xf32>,
          %swap3A_195 = vector.shape_cast %swap3A_194 : vector<1x16xf32> to vector<16xf32>
          %swap3A_196 = vector.shape_cast %add3A_191 : vector<16xf32> to vector<1x16xf32>
          tpu.vector_store %arg13[%swap3A_192, %swap3A_193], %swap3A_196 {strides = array<i32>} : memref<112x128xf32, #tpu.memory_space<vmem>>, vector<1x16xf32>,
          %get3A_197 = arith.index_cast %add3A_145 : i32 to index
          %get3A_198 = arith.constant 32 : index
          %get3A_199 = tpu.vector_load %arg13[%get3A_197, %get3A_198] {strides = array<i32>} : memref<112x128xf32, #tpu.memory_space<vmem>>, vector<1x16xf32>,
          %get3A_200 = vector.shape_cast %get3A_199 : vector<1x16xf32> to vector<16xf32>
          %get3A_201 = arith.index_cast %add3A_145 : i32 to index
          %get3A_202 = arith.constant 32 : index
          %get3A_203 = tpu.vector_load %arg15[%get3A_201, %get3A_202] {strides = array<i32>} : memref<112x128xf32, #tpu.memory_space<vmem>>, vector<1x16xf32>,
          %get3A_204 = vector.shape_cast %get3A_203 : vector<1x16xf32> to vector<16xf32>
          %add3A_205 = arith.addf %get3A_200, %get3A_204 : vector<16xf32>
          %get3A_206 = arith.index_cast %add3A_145 : i32 to index
          %get3A_207 = arith.constant 32 : index
          %get3A_208 = tpu.vector_load %arg17[%get3A_206, %get3A_207] {strides = array<i32>} : memref<112x128xf32, #tpu.memory_space<vmem>>, vector<1x16xf32>,
          %get3A_209 = vector.shape_cast %get3A_208 : vector<1x16xf32> to vector<16xf32>
          %add3A_210 = arith.addf %add3A_205, %get3A_209 : vector<16xf32>
          %get3A_211 = arith.index_cast %add3A_145 : i32 to index
          %get3A_212 = arith.constant 32 : index
          %get3A_213 = tpu.vector_load %arg19[%get3A_211, %get3A_212] {strides = array<i32>} : memref<112x128xf32, #tpu.memory_space<vmem>>, vector<1x16xf32>,
          %get3A_214 = vector.shape_cast %get3A_213 : vector<1x16xf32> to vector<16xf32>
          %max3A_215 = arith.constant 0.000000e+00 : f32
          %max3A_216 = vector.broadcast %max3A_215 : f32 to vector<16xf32>
          %max3A_217 = arith.maximumf %add3A_210, %max3A_216 : vector<16xf32>
          %add3A_218 = arith.addf %get3A_214, %max3A_217 : vector<16xf32>
          %swap3A_219 = arith.index_cast %add3A_145 : i32 to index
          %swap3A_220 = arith.constant 32 : index
          %swap3A_221 = tpu.vector_load %arg13[%swap3A_219, %swap3A_220] {strides = array<i32>} : memref<112x128xf32, #tpu.memory_space<vmem>>, vector<1x16xf32>,
          %swap3A_222 = vector.shape_cast %swap3A_221 : vector<1x16xf32> to vector<16xf32>
          %swap3A_223 = vector.shape_cast %add3A_218 : vector<16xf32> to vector<1x16xf32>
          tpu.vector_store %arg13[%swap3A_219, %swap3A_220], %swap3A_223 {strides = array<i32>} : memref<112x128xf32, #tpu.memory_space<vmem>>, vector<1x16xf32>,
          %get3A_224 = arith.index_cast %add3A_145 : i32 to index
          %get3A_225 = arith.constant 48 : index
          %get3A_226 = tpu.vector_load %arg13[%get3A_224, %get3A_225] {strides = array<i32>} : memref<112x128xf32, #tpu.memory_space<vmem>>, vector<1x16xf32>,
          %get3A_227 = vector.shape_cast %get3A_226 : vector<1x16xf32> to vector<16xf32>
          %get3A_228 = arith.index_cast %add3A_145 : i32 to index
          %get3A_229 = arith.constant 48 : index
          %get3A_230 = tpu.vector_load %arg15[%get3A_228, %get3A_229] {strides = array<i32>} : memref<112x128xf32, #tpu.memory_space<vmem>>, vector<1x16xf32>,
          %get3A_231 = vector.shape_cast %get3A_230 : vector<1x16xf32> to vector<16xf32>
          %add3A_232 = arith.addf %get3A_227, %get3A_231 : vector<16xf32>
          %get3A_233 = arith.index_cast %add3A_145 : i32 to index
          %get3A_234 = arith.constant 48 : index
          %get3A_235 = tpu.vector_load %arg17[%get3A_233, %get3A_234] {strides = array<i32>} : memref<112x128xf32, #tpu.memory_space<vmem>>, vector<1x16xf32>,
          %get3A_236 = vector.shape_cast %get3A_235 : vector<1x16xf32> to vector<16xf32>
          %add3A_237 = arith.addf %add3A_232, %get3A_236 : vector<16xf32>
          %get3A_238 = arith.index_cast %add3A_145 : i32 to index
          %get3A_239 = arith.constant 48 : index
          %get3A_240 = tpu.vector_load %arg19[%get3A_238, %get3A_239] {strides = array<i32>} : memref<112x128xf32, #tpu.memory_space<vmem>>, vector<1x16xf32>,
          %get3A_241 = vector.shape_cast %get3A_240 : vector<1x16xf32> to vector<16xf32>
          %max3A_242 = arith.constant 0.000000e+00 : f32
          %max3A_243 = vector.broadcast %max3A_242 : f32 to vector<16xf32>
          %max3A_244 = arith.maximumf %add3A_237, %max3A_243 : vector<16xf32>
          %add3A_245 = arith.addf %get3A_241, %max3A_244 : vector<16xf32>
          %swap3A_246 = arith.index_cast %add3A_145 : i32 to index
          %swap3A_247 = arith.constant 48 : index
          %swap3A_248 = tpu.vector_load %arg13[%swap3A_246, %swap3A_247] {strides = array<i32>} : memref<112x128xf32, #tpu.memory_space<vmem>>, vector<1x16xf32>,
          %swap3A_249 = vector.shape_cast %swap3A_248 : vector<1x16xf32> to vector<16xf32>
          %swap3A_250 = vector.shape_cast %add3A_245 : vector<16xf32> to vector<1x16xf32>
          tpu.vector_store %arg13[%swap3A_246, %swap3A_247], %swap3A_250 {strides = array<i32>} : memref<112x128xf32, #tpu.memory_space<vmem>>, vector<1x16xf32>,
          %get3A_251 = arith.index_cast %add3A_145 : i32 to index
          %get3A_252 = arith.constant 64 : index
          %get3A_253 = tpu.vector_load %arg13[%get3A_251, %get3A_252] {strides = array<i32>} : memref<112x128xf32, #tpu.memory_space<vmem>>, vector<1x16xf32>,
          %get3A_254 = vector.shape_cast %get3A_253 : vector<1x16xf32> to vector<16xf32>
          %get3A_255 = arith.index_cast %add3A_145 : i32 to index
          %get3A_256 = arith.constant 64 : index
          %get3A_257 = tpu.vector_load %arg15[%get3A_255, %get3A_256] {strides = array<i32>} : memref<112x128xf32, #tpu.memory_space<vmem>>, vector<1x16xf32>,
          %get3A_258 = vector.shape_cast %get3A_257 : vector<1x16xf32> to vector<16xf32>
          %add3A_259 = arith.addf %get3A_254, %get3A_258 : vector<16xf32>
          %get3A_260 = arith.index_cast %add3A_145 : i32 to index
          %get3A_261 = arith.constant 64 : index
          %get3A_262 = tpu.vector_load %arg17[%get3A_260, %get3A_261] {strides = array<i32>} : memref<112x128xf32, #tpu.memory_space<vmem>>, vector<1x16xf32>,
          %get3A_263 = vector.shape_cast %get3A_262 : vector<1x16xf32> to vector<16xf32>
          %add3A_264 = arith.addf %add3A_259, %get3A_263 : vector<16xf32>
          %get3A_265 = arith.index_cast %add3A_145 : i32 to index
          %get3A_266 = arith.constant 64 : index
          %get3A_267 = tpu.vector_load %arg19[%get3A_265, %get3A_266] {strides = array<i32>} : memref<112x128xf32, #tpu.memory_space<vmem>>, vector<1x16xf32>,
          %get3A_268 = vector.shape_cast %get3A_267 : vector<1x16xf32> to vector<16xf32>
          %max3A_269 = arith.constant 0.000000e+00 : f32
          %max3A_270 = vector.broadcast %max3A_269 : f32 to vector<16xf32>
          %max3A_271 = arith.maximumf %add3A_264, %max3A_270 : vector<16xf32>
          %add3A_272 = arith.addf %get3A_268, %max3A_271 : vector<16xf32>
          %swap3A_273 = arith.index_cast %add3A_145 : i32 to index
          %swap3A_274 = arith.constant 64 : index
          %swap3A_275 = tpu.vector_load %arg13[%swap3A_273, %swap3A_274] {strides = array<i32>} : memref<112x128xf32, #tpu.memory_space<vmem>>, vector<1x16xf32>,
          %swap3A_276 = vector.shape_cast %swap3A_275 : vector<1x16xf32> to vector<16xf32>
          %swap3A_277 = vector.shape_cast %add3A_272 : vector<16xf32> to vector<1x16xf32>
          tpu.vector_store %arg13[%swap3A_273, %swap3A_274], %swap3A_277 {strides = array<i32>} : memref<112x128xf32, #tpu.memory_space<vmem>>, vector<1x16xf32>,
          %get3A_278 = arith.index_cast %add3A_145 : i32 to index
          %get3A_279 = arith.constant 80 : index
          %get3A_280 = tpu.vector_load %arg13[%get3A_278, %get3A_279] {strides = array<i32>} : memref<112x128xf32, #tpu.memory_space<vmem>>, vector<1x16xf32>,
          %get3A_281 = vector.shape_cast %get3A_280 : vector<1x16xf32> to vector<16xf32>
          %get3A_282 = arith.index_cast %add3A_145 : i32 to index
          %get3A_283 = arith.constant 80 : index
          %get3A_284 = tpu.vector_load %arg15[%get3A_282, %get3A_283] {strides = array<i32>} : memref<112x128xf32, #tpu.memory_space<vmem>>, vector<1x16xf32>,
          %get3A_285 = vector.shape_cast %get3A_284 : vector<1x16xf32> to vector<16xf32>
          %add3A_286 = arith.addf %get3A_281, %get3A_285 : vector<16xf32>
          %get3A_287 = arith.index_cast %add3A_145 : i32 to index
          %get3A_288 = arith.constant 80 : index
          %get3A_289 = tpu.vector_load %arg17[%get3A_287, %get3A_288] {strides = array<i32>} : memref<112x128xf32, #tpu.memory_space<vmem>>, vector<1x16xf32>,
          %get3A_290 = vector.shape_cast %get3A_289 : vector<1x16xf32> to vector<16xf32>
          %add3A_291 = arith.addf %add3A_286, %get3A_290 : vector<16xf32>
          %get3A_292 = arith.index_cast %add3A_145 : i32 to index
          %get3A_293 = arith.constant 80 : index
          %get3A_294 = tpu.vector_load %arg19[%get3A_292, %get3A_293] {strides = array<i32>} : memref<112x128xf32, #tpu.memory_space<vmem>>, vector<1x16xf32>,
          %get3A_295 = vector.shape_cast %get3A_294 : vector<1x16xf32> to vector<16xf32>
          %max3A_296 = arith.constant 0.000000e+00 : f32
          %max3A_297 = vector.broadcast %max3A_296 : f32 to vector<16xf32>
          %max3A_298 = arith.maximumf %add3A_291, %max3A_297 : vector<16xf32>
          %add3A_299 = arith.addf %get3A_295, %max3A_298 : vector<16xf32>
          %swap3A_300 = arith.index_cast %add3A_145 : i32 to index
          %swap3A_301 = arith.constant 80 : index
          %swap3A_302 = tpu.vector_load %arg13[%swap3A_300, %swap3A_301] {strides = array<i32>} : memref<112x128xf32, #tpu.memory_space<vmem>>, vector<1x16xf32>,
          %swap3A_303 = vector.shape_cast %swap3A_302 : vector<1x16xf32> to vector<16xf32>
          %swap3A_304 = vector.shape_cast %add3A_299 : vector<16xf32> to vector<1x16xf32>
          tpu.vector_store %arg13[%swap3A_300, %swap3A_301], %swap3A_304 {strides = array<i32>} : memref<112x128xf32, #tpu.memory_space<vmem>>, vector<1x16xf32>,
          %get3A_305 = arith.index_cast %add3A_145 : i32 to index
          %get3A_306 = arith.constant 96 : index
          %get3A_307 = tpu.vector_load %arg13[%get3A_305, %get3A_306] {strides = array<i32>} : memref<112x128xf32, #tpu.memory_space<vmem>>, vector<1x16xf32>,
          %get3A_308 = vector.shape_cast %get3A_307 : vector<1x16xf32> to vector<16xf32>
          %get3A_309 = arith.index_cast %add3A_145 : i32 to index
          %get3A_310 = arith.constant 96 : index
          %get3A_311 = tpu.vector_load %arg15[%get3A_309, %get3A_310] {strides = array<i32>} : memref<112x128xf32, #tpu.memory_space<vmem>>, vector<1x16xf32>,
          %get3A_312 = vector.shape_cast %get3A_311 : vector<1x16xf32> to vector<16xf32>
          %add3A_313 = arith.addf %get3A_308, %get3A_312 : vector<16xf32>
          %get3A_314 = arith.index_cast %add3A_145 : i32 to index
          %get3A_315 = arith.constant 96 : index
          %get3A_316 = tpu.vector_load %arg17[%get3A_314, %get3A_315] {strides = array<i32>} : memref<112x128xf32, #tpu.memory_space<vmem>>, vector<1x16xf32>,
          %get3A_317 = vector.shape_cast %get3A_316 : vector<1x16xf32> to vector<16xf32>
          %add3A_318 = arith.addf %add3A_313, %get3A_317 : vector<16xf32>
          %get3A_319 = arith.index_cast %add3A_145 : i32 to index
          %get3A_320 = arith.constant 96 : index
          %get3A_321 = tpu.vector_load %arg19[%get3A_319, %get3A_320] {strides = array<i32>} : memref<112x128xf32, #tpu.memory_space<vmem>>, vector<1x16xf32>,
          %get3A_322 = vector.shape_cast %get3A_321 : vector<1x16xf32> to vector<16xf32>
          %max3A_323 = arith.constant 0.000000e+00 : f32
          %max3A_324 = vector.broadcast %max3A_323 : f32 to vector<16xf32>
          %max3A_325 = arith.maximumf %add3A_318, %max3A_324 : vector<16xf32>
          %add3A_326 = arith.addf %get3A_322, %max3A_325 : vector<16xf32>
          %swap3A_327 = arith.index_cast %add3A_145 : i32 to index
          %swap3A_328 = arith.constant 96 : index
          %swap3A_329 = tpu.vector_load %arg13[%swap3A_327, %swap3A_328] {strides = array<i32>} : memref<112x128xf32, #tpu.memory_space<vmem>>, vector<1x16xf32>,
          %swap3A_330 = vector.shape_cast %swap3A_329 : vector<1x16xf32> to vector<16xf32>
          %swap3A_331 = vector.shape_cast %add3A_326 : vector<16xf32> to vector<1x16xf32>
          tpu.vector_store %arg13[%swap3A_327, %swap3A_328], %swap3A_331 {strides = array<i32>} : memref<112x128xf32, #tpu.memory_space<vmem>>, vector<1x16xf32>,
          %get3A_332 = arith.index_cast %add3A_145 : i32 to index
          %get3A_333 = arith.constant 112 : index
          %get3A_334 = tpu.vector_load %arg13[%get3A_332, %get3A_333] {strides = array<i32>} : memref<112x128xf32, #tpu.memory_space<vmem>>, vector<1x16xf32>,
          %get3A_335 = vector.shape_cast %get3A_334 : vector<1x16xf32> to vector<16xf32>
          %get3A_336 = arith.index_cast %add3A_145 : i32 to index
          %get3A_337 = arith.constant 112 : index
          %get3A_338 = tpu.vector_load %arg15[%get3A_336, %get3A_337] {strides = array<i32>} : memref<112x128xf32, #tpu.memory_space<vmem>>, vector<1x16xf32>,
          %get3A_339 = vector.shape_cast %get3A_338 : vector<1x16xf32> to vector<16xf32>
          %add3A_340 = arith.addf %get3A_335, %get3A_339 : vector<16xf32>
          %get3A_341 = arith.index_cast %add3A_145 : i32 to index
          %get3A_342 = arith.constant 112 : index
          %get3A_343 = tpu.vector_load %arg17[%get3A_341, %get3A_342] {strides = array<i32>} : memref<112x128xf32, #tpu.memory_space<vmem>>, vector<1x16xf32>,
          %get3A_344 = vector.shape_cast %get3A_343 : vector<1x16xf32> to vector<16xf32>
          %add3A_345 = arith.addf %add3A_340, %get3A_344 : vector<16xf32>
          %get3A_346 = arith.index_cast %add3A_145 : i32 to index
          %get3A_347 = arith.constant 112 : index
          %get3A_348 = tpu.vector_load %arg19[%get3A_346, %get3A_347] {strides = array<i32>} : memref<112x128xf32, #tpu.memory_space<vmem>>, vector<1x16xf32>,
          %get3A_349 = vector.shape_cast %get3A_348 : vector<1x16xf32> to vector<16xf32>
          %max3A_350 = arith.constant 0.000000e+00 : f32
          %max3A_351 = vector.broadcast %max3A_350 : f32 to vector<16xf32>
          %max3A_352 = arith.maximumf %add3A_345, %max3A_351 : vector<16xf32>
          %add3A_353 = arith.addf %get3A_349, %max3A_352 : vector<16xf32>
          %swap3A_354 = arith.index_cast %add3A_145 : i32 to index
          %swap3A_355 = arith.constant 112 : index
          %swap3A_356 = tpu.vector_load %arg13[%swap3A_354, %swap3A_355] {strides = array<i32>} : memref<112x128xf32, #tpu.memory_space<vmem>>, vector<1x16xf32>,
          %swap3A_357 = vector.shape_cast %swap3A_356 : vector<1x16xf32> to vector<16xf32>
          %swap3A_358 = vector.shape_cast %add3A_353 : vector<16xf32> to vector<1x16xf32>
          tpu.vector_store %arg13[%swap3A_354, %swap3A_355], %swap3A_358 {strides = array<i32>} : memref<112x128xf32, #tpu.memory_space<vmem>>, vector<1x16xf32>,
        }
        %scan3A_131 = arith.constant 112 : i32
        %mul3A_132 = arith.constant 32 : i32
        %mul3A_133 = arith.muli %add3A_83, %mul3A_132 : i32
        %add3A_134 = arith.addi %add3A, %mul3A_133 : i32
        %mul3A_135 = arith.constant 112 : i32
        %mul3A_136 = arith.muli %add3A_134, %mul3A_135 : i32
        %dma_start3A_137 = arith.constant 0 : i32
        %dma_start3A_138 = tpu.memref_slice %arg8[%mul3A_136, %dma_start3A_137] : memref<100000x128xf32, #tpu.memory_space<hbm>> -> memref<112x128xf32, #tpu.memory_space<hbm>>
        %dma_start3A_139 = arith.constant 0 : i32
        %dma_start3A_140 = tpu.memref_slice %arg8[%mul3A_136, %dma_start3A_139] : memref<100000x128xf32, #tpu.memory_space<hbm>> -> memref<112x128xf32, #tpu.memory_space<hbm>>
        tpu.enqueue_dma source(%arg13 : memref<112x128xf32, #tpu.memory_space<vmem>>) target(%dma_start3A_140 : memref<112x128xf32, #tpu.memory_space<hbm>>) target_semaphore(%arg25 : memref<!tpu.dma_semaphore, #tpu.memory_space<semaphore_mem>>)
      } else {
      }
      %add3A_89 = arith.constant 1 : i32
      %add3A_90 = arith.addi %add3A_81, %add3A_89 : i32
      %add3A_91 = arith.constant 1 : i32
      %add3A_92 = arith.addi %add3A_81, %add3A_91 : i32
      %lt3A_93 = arith.cmpi slt, %add3A_92, %select_n3A : i32
      %convert_element_type3A_94 = arith.extui %lt3A_93 : i1 to i32
      %cond3A_95 = arith.constant 0 : i32
      %cond3A_96 = arith.cmpi ne, %convert_element_type3A_94, %cond3A_95 : i32
      scf.if %cond3A_96 {
        %add3A_97 = arith.constant 1 : i32
        %add3A_98 = arith.addi %add3A_90, %add3A_97 : i32
        %lt3A_99 = arith.cmpi slt, %add3A_98, %select_n3A : i32
        %convert_element_type3A_100 = arith.extui %lt3A_99 : i1 to i32
        %cond3A_101 = arith.constant 0 : i32
        %cond3A_102 = arith.cmpi ne, %convert_element_type3A_100, %cond3A_101 : i32
        scf.if %cond3A_102 {
          %dma_wait3A_141 = arith.constant 0 : i32
          %dma_wait3A_142 = tpu.memref_slice %arg6[%dma_wait3A_141] : memref<100000xi32, #tpu.memory_space<hbm>> -> memref<112xi32, #tpu.memory_space<hbm>>
          %dma_wait3A_143 = arith.constant 0 : i32
          %dma_wait3A_144 = tpu.memref_slice %arg6[%dma_wait3A_143] : memref<100000xi32, #tpu.memory_space<hbm>> -> memref<112xi32, #tpu.memory_space<hbm>>
          tpu.wait_dma2 semaphore(%arg21 : memref<!tpu.dma_semaphore, #tpu.memory_space<semaphore_mem>>) src(%dma_wait3A_144 : memref<112xi32, #tpu.memory_space<hbm>>) dst(%arg9 : memref<112xi32, #tpu.memory_space<vmem>>)
          %dma_wait3A_145 = arith.constant 0 : i32
          %dma_wait3A_146 = tpu.memref_slice %arg7[%dma_wait3A_145] : memref<100000xi32, #tpu.memory_space<hbm>> -> memref<112xi32, #tpu.memory_space<hbm>>
          %dma_wait3A_147 = arith.constant 0 : i32
          %dma_wait3A_148 = tpu.memref_slice %arg7[%dma_wait3A_147] : memref<100000xi32, #tpu.memory_space<hbm>> -> memref<112xi32, #tpu.memory_space<hbm>>
          tpu.wait_dma2 semaphore(%arg21 : memref<!tpu.dma_semaphore, #tpu.memory_space<semaphore_mem>>) src(%dma_wait3A_148 : memref<112xi32, #tpu.memory_space<hbm>>) dst(%arg11 : memref<112xi32, #tpu.memory_space<vmem>>)
          %ge3A = arith.constant 1 : i32
          %ge3A_149 = arith.cmpi sge, %add3A_90, %ge3A : i32
          %convert_element_type3A_150 = arith.extui %ge3A_149 : i1 to i32
          %cond3A_151 = arith.constant 0 : i32
          %cond3A_152 = arith.cmpi ne, %convert_element_type3A_150, %cond3A_151 : i32
          scf.if %cond3A_152 {
            %dma_wait3A_174 = arith.constant 0 : i32
            %dma_wait3A_175 = arith.constant 0 : i32
            %dma_wait3A_176 = tpu.memref_slice %arg8[%dma_wait3A_174, %dma_wait3A_175] : memref<100000x128xf32, #tpu.memory_space<hbm>> -> memref<112x128xf32, #tpu.memory_space<hbm>>
            %dma_wait3A_177 = arith.constant 0 : i32
            %dma_wait3A_178 = arith.constant 0 : i32
            %dma_wait3A_179 = tpu.memref_slice %arg8[%dma_wait3A_177, %dma_wait3A_178] : memref<100000x128xf32, #tpu.memory_space<hbm>> -> memref<112x128xf32, #tpu.memory_space<hbm>>
            tpu.wait_dma2 semaphore(%arg25 : memref<!tpu.dma_semaphore, #tpu.memory_space<semaphore_mem>>) src(%arg13 : memref<112x128xf32, #tpu.memory_space<vmem>>) dst(%dma_wait3A_179 : memref<112x128xf32, #tpu.memory_space<hbm>>)
          } else {
          }
          %add3A_153 = arith.constant 1 : i32
          %add3A_154 = arith.addi %add3A_90, %add3A_153 : i32
          %mul3A_155 = arith.constant 32 : i32
          %mul3A_156 = arith.muli %add3A_154, %mul3A_155 : i32
          %add3A_157 = arith.addi %add3A, %mul3A_156 : i32
          %mul3A_158 = arith.constant 112 : i32
          %mul3A_159 = arith.muli %add3A_157, %mul3A_158 : i32
          %dma_start3A_160 = arith.constant 0 : i32
          %dma_start3A_161 = arith.constant 0 : i32
          %dma_start3A_162 = tpu.memref_slice %arg2[%dma_start3A_160, %dma_start3A_161] : memref<100000x128xf32, #tpu.memory_space<hbm>> -> memref<100000x128xf32, #tpu.memory_space<hbm>>
          tpu.enqueue_indirect_dma source(%dma_start3A_162 : memref<100000x128xf32, #tpu.memory_space<hbm>>) target(%arg13 : memref<112x128xf32, #tpu.memory_space<vmem>>) offsets(%arg9 : memref<112xi32, #tpu.memory_space<vmem>>) semaphore(%arg23 : memref<!tpu.dma_semaphore, #tpu.memory_space<semaphore_mem>>)
          %dma_start3A_163 = arith.constant 0 : i32
          %dma_start3A_164 = arith.constant 0 : i32
          %dma_start3A_165 = tpu.memref_slice %arg3[%dma_start3A_163, %dma_start3A_164] : memref<100000x128xf32, #tpu.memory_space<hbm>> -> memref<100000x128xf32, #tpu.memory_space<hbm>>
          tpu.enqueue_indirect_dma source(%dma_start3A_165 : memref<100000x128xf32, #tpu.memory_space<hbm>>) target(%arg15 : memref<112x128xf32, #tpu.memory_space<vmem>>) offsets(%arg11 : memref<112xi32, #tpu.memory_space<vmem>>) semaphore(%arg23 : memref<!tpu.dma_semaphore, #tpu.memory_space<semaphore_mem>>)
          %dma_start3A_166 = arith.constant 0 : i32
          %dma_start3A_167 = tpu.memref_slice %arg4[%mul3A_159, %dma_start3A_166] : memref<100000x128xf32, #tpu.memory_space<hbm>> -> memref<112x128xf32, #tpu.memory_space<hbm>>
          %dma_start3A_168 = arith.constant 0 : i32
          %dma_start3A_169 = tpu.memref_slice %arg4[%mul3A_159, %dma_start3A_168] : memref<100000x128xf32, #tpu.memory_space<hbm>> -> memref<112x128xf32, #tpu.memory_space<hbm>>
          tpu.enqueue_dma source(%dma_start3A_169 : memref<112x128xf32, #tpu.memory_space<hbm>>) target(%arg17 : memref<112x128xf32, #tpu.memory_space<vmem>>) target_semaphore(%arg23 : memref<!tpu.dma_semaphore, #tpu.memory_space<semaphore_mem>>)
          %dma_start3A_170 = arith.constant 0 : i32
          %dma_start3A_171 = tpu.memref_slice %arg5[%mul3A_159, %dma_start3A_170] : memref<100000x128xf32, #tpu.memory_space<hbm>> -> memref<112x128xf32, #tpu.memory_space<hbm>>
          %dma_start3A_172 = arith.constant 0 : i32
          %dma_start3A_173 = tpu.memref_slice %arg5[%mul3A_159, %dma_start3A_172] : memref<100000x128xf32, #tpu.memory_space<hbm>> -> memref<112x128xf32, #tpu.memory_space<hbm>>
          tpu.enqueue_dma source(%dma_start3A_173 : memref<112x128xf32, #tpu.memory_space<hbm>>) target(%arg19 : memref<112x128xf32, #tpu.memory_space<vmem>>) target_semaphore(%arg23 : memref<!tpu.dma_semaphore, #tpu.memory_space<semaphore_mem>>)
        } else {
        }
        %dma_wait3A_103 = arith.constant 0 : i32
        %dma_wait3A_104 = arith.constant 0 : i32
        %dma_wait3A_105 = tpu.memref_slice %arg2[%dma_wait3A_103, %dma_wait3A_104] : memref<100000x128xf32, #tpu.memory_space<hbm>> -> memref<100000x128xf32, #tpu.memory_space<hbm>>
        tpu.wait_indirect_dma semaphore(%arg24 : memref<!tpu.dma_semaphore, #tpu.memory_space<semaphore_mem>>) src(%dma_wait3A_105 : memref<100000x128xf32, #tpu.memory_space<hbm>>) dst(%arg14 : memref<112x128xf32, #tpu.memory_space<vmem>>)
        %dma_wait3A_106 = arith.constant 0 : i32
        %dma_wait3A_107 = arith.constant 0 : i32
        %dma_wait3A_108 = tpu.memref_slice %arg3[%dma_wait3A_106, %dma_wait3A_107] : memref<100000x128xf32, #tpu.memory_space<hbm>> -> memref<100000x128xf32, #tpu.memory_space<hbm>>
        tpu.wait_indirect_dma semaphore(%arg24 : memref<!tpu.dma_semaphore, #tpu.memory_space<semaphore_mem>>) src(%dma_wait3A_108 : memref<100000x128xf32, #tpu.memory_space<hbm>>) dst(%arg16 : memref<112x128xf32, #tpu.memory_space<vmem>>)
        %dma_wait3A_109 = arith.constant 0 : i32
        %dma_wait3A_110 = arith.constant 0 : i32
        %dma_wait3A_111 = tpu.memref_slice %arg4[%dma_wait3A_109, %dma_wait3A_110] : memref<100000x128xf32, #tpu.memory_space<hbm>> -> memref<112x128xf32, #tpu.memory_space<hbm>>
        %dma_wait3A_112 = arith.constant 0 : i32
        %dma_wait3A_113 = arith.constant 0 : i32
        %dma_wait3A_114 = tpu.memref_slice %arg4[%dma_wait3A_112, %dma_wait3A_113] : memref<100000x128xf32, #tpu.memory_space<hbm>> -> memref<112x128xf32, #tpu.memory_space<hbm>>
        tpu.wait_dma2 semaphore(%arg24 : memref<!tpu.dma_semaphore, #tpu.memory_space<semaphore_mem>>) src(%dma_wait3A_114 : memref<112x128xf32, #tpu.memory_space<hbm>>) dst(%arg18 : memref<112x128xf32, #tpu.memory_space<vmem>>)
        %dma_wait3A_115 = arith.constant 0 : i32
        %dma_wait3A_116 = arith.constant 0 : i32
        %dma_wait3A_117 = tpu.memref_slice %arg5[%dma_wait3A_115, %dma_wait3A_116] : memref<100000x128xf32, #tpu.memory_space<hbm>> -> memref<112x128xf32, #tpu.memory_space<hbm>>
        %dma_wait3A_118 = arith.constant 0 : i32
        %dma_wait3A_119 = arith.constant 0 : i32
        %dma_wait3A_120 = tpu.memref_slice %arg5[%dma_wait3A_118, %dma_wait3A_119] : memref<100000x128xf32, #tpu.memory_space<hbm>> -> memref<112x128xf32, #tpu.memory_space<hbm>>
        tpu.wait_dma2 semaphore(%arg24 : memref<!tpu.dma_semaphore, #tpu.memory_space<semaphore_mem>>) src(%dma_wait3A_120 : memref<112x128xf32, #tpu.memory_space<hbm>>) dst(%arg20 : memref<112x128xf32, #tpu.memory_space<vmem>>)
        %add3A_121 = arith.constant 2 : i32
        %add3A_122 = arith.addi %add3A_90, %add3A_121 : i32
        %lt3A_123 = arith.cmpi slt, %add3A_122, %select_n3A : i32
        %convert_element_type3A_124 = arith.extui %lt3A_123 : i1 to i32
        %cond3A_125 = arith.constant 0 : i32
        %cond3A_126 = arith.cmpi ne, %convert_element_type3A_124, %cond3A_125 : i32
        scf.if %cond3A_126 {
          %add3A_141 = arith.constant 2 : i32
          %add3A_142 = arith.addi %add3A_90, %add3A_141 : i32
          %mul3A_143 = arith.constant 32 : i32
          %mul3A_144 = arith.muli %add3A_142, %mul3A_143 : i32
          %add3A_145 = arith.addi %add3A, %mul3A_144 : i32
          %mul3A_146 = arith.constant 112 : i32
          %mul3A_147 = arith.muli %add3A_145, %mul3A_146 : i32
          %dma_start3A_148 = tpu.memref_slice %arg6[%mul3A_147] : memref<100000xi32, #tpu.memory_space<hbm>> -> memref<112xi32, #tpu.memory_space<hbm>>
          %dma_start3A_149 = tpu.memref_slice %arg6[%mul3A_147] : memref<100000xi32, #tpu.memory_space<hbm>> -> memref<112xi32, #tpu.memory_space<hbm>>
          tpu.enqueue_dma source(%dma_start3A_149 : memref<112xi32, #tpu.memory_space<hbm>>) target(%arg10 : memref<112xi32, #tpu.memory_space<vmem>>) target_semaphore(%arg22 : memref<!tpu.dma_semaphore, #tpu.memory_space<semaphore_mem>>)
          %dma_start3A_150 = tpu.memref_slice %arg7[%mul3A_147] : memref<100000xi32, #tpu.memory_space<hbm>> -> memref<112xi32, #tpu.memory_space<hbm>>
          %dma_start3A_151 = tpu.memref_slice %arg7[%mul3A_147] : memref<100000xi32, #tpu.memory_space<hbm>> -> memref<112xi32, #tpu.memory_space<hbm>>
          tpu.enqueue_dma source(%dma_start3A_151 : memref<112xi32, #tpu.memory_space<hbm>>) target(%arg12 : memref<112xi32, #tpu.memory_space<vmem>>) target_semaphore(%arg22 : memref<!tpu.dma_semaphore, #tpu.memory_space<semaphore_mem>>)
        } else {
        }
        %scan3A_127 = arith.constant 0 : i32
        %scan3A_128 = arith.constant 112 : i32
        %scan3A_129 = arith.addi %scan3A_127, %scan3A_128 : i32
        %scan3A_130 = arith.constant 1 : i32
        scf.for %scan3A_141 = %scan3A_127 to %scan3A_129 step %scan3A_130  : i32 {
          %mul3A_142 = arith.constant 1 : i32
          %mul3A_143 = arith.muli %scan3A_141, %mul3A_142 : i32
          %add3A_144 = arith.constant 0 : i32
          %add3A_145 = arith.addi %add3A_144, %mul3A_143 : i32
          %get3A = arith.index_cast %add3A_145 : i32 to index
          %get3A_146 = arith.constant 0 : index
          %get3A_147 = tpu.vector_load %arg14[%get3A, %get3A_146] {strides = array<i32>} : memref<112x128xf32, #tpu.memory_space<vmem>>, vector<1x16xf32>,
          %get3A_148 = vector.shape_cast %get3A_147 : vector<1x16xf32> to vector<16xf32>
          %get3A_149 = arith.index_cast %add3A_145 : i32 to index
          %get3A_150 = arith.constant 0 : index
          %get3A_151 = tpu.vector_load %arg16[%get3A_149, %get3A_150] {strides = array<i32>} : memref<112x128xf32, #tpu.memory_space<vmem>>, vector<1x16xf32>,
          %get3A_152 = vector.shape_cast %get3A_151 : vector<1x16xf32> to vector<16xf32>
          %add3A_153 = arith.addf %get3A_148, %get3A_152 : vector<16xf32>
          %get3A_154 = arith.index_cast %add3A_145 : i32 to index
          %get3A_155 = arith.constant 0 : index
          %get3A_156 = tpu.vector_load %arg18[%get3A_154, %get3A_155] {strides = array<i32>} : memref<112x128xf32, #tpu.memory_space<vmem>>, vector<1x16xf32>,
          %get3A_157 = vector.shape_cast %get3A_156 : vector<1x16xf32> to vector<16xf32>
          %add3A_158 = arith.addf %add3A_153, %get3A_157 : vector<16xf32>
          %get3A_159 = arith.index_cast %add3A_145 : i32 to index
          %get3A_160 = arith.constant 0 : index
          %get3A_161 = tpu.vector_load %arg20[%get3A_159, %get3A_160] {strides = array<i32>} : memref<112x128xf32, #tpu.memory_space<vmem>>, vector<1x16xf32>,
          %get3A_162 = vector.shape_cast %get3A_161 : vector<1x16xf32> to vector<16xf32>
          %max3A = arith.constant 0.000000e+00 : f32
          %max3A_163 = vector.broadcast %max3A : f32 to vector<16xf32>
          %max3A_164 = arith.maximumf %add3A_158, %max3A_163 : vector<16xf32>
          %add3A_165 = arith.addf %get3A_162, %max3A_164 : vector<16xf32>
          %swap3A = arith.index_cast %add3A_145 : i32 to index
          %swap3A_166 = arith.constant 0 : index
          %swap3A_167 = tpu.vector_load %arg14[%swap3A, %swap3A_166] {strides = array<i32>} : memref<112x128xf32, #tpu.memory_space<vmem>>, vector<1x16xf32>,
          %swap3A_168 = vector.shape_cast %swap3A_167 : vector<1x16xf32> to vector<16xf32>
          %swap3A_169 = vector.shape_cast %add3A_165 : vector<16xf32> to vector<1x16xf32>
          tpu.vector_store %arg14[%swap3A, %swap3A_166], %swap3A_169 {strides = array<i32>} : memref<112x128xf32, #tpu.memory_space<vmem>>, vector<1x16xf32>,
          %get3A_170 = arith.index_cast %add3A_145 : i32 to index
          %get3A_171 = arith.constant 16 : index
          %get3A_172 = tpu.vector_load %arg14[%get3A_170, %get3A_171] {strides = array<i32>} : memref<112x128xf32, #tpu.memory_space<vmem>>, vector<1x16xf32>,
          %get3A_173 = vector.shape_cast %get3A_172 : vector<1x16xf32> to vector<16xf32>
          %get3A_174 = arith.index_cast %add3A_145 : i32 to index
          %get3A_175 = arith.constant 16 : index
          %get3A_176 = tpu.vector_load %arg16[%get3A_174, %get3A_175] {strides = array<i32>} : memref<112x128xf32, #tpu.memory_space<vmem>>, vector<1x16xf32>,
          %get3A_177 = vector.shape_cast %get3A_176 : vector<1x16xf32> to vector<16xf32>
          %add3A_178 = arith.addf %get3A_173, %get3A_177 : vector<16xf32>
          %get3A_179 = arith.index_cast %add3A_145 : i32 to index
          %get3A_180 = arith.constant 16 : index
          %get3A_181 = tpu.vector_load %arg18[%get3A_179, %get3A_180] {strides = array<i32>} : memref<112x128xf32, #tpu.memory_space<vmem>>, vector<1x16xf32>,
          %get3A_182 = vector.shape_cast %get3A_181 : vector<1x16xf32> to vector<16xf32>
          %add3A_183 = arith.addf %add3A_178, %get3A_182 : vector<16xf32>
          %get3A_184 = arith.index_cast %add3A_145 : i32 to index
          %get3A_185 = arith.constant 16 : index
          %get3A_186 = tpu.vector_load %arg20[%get3A_184, %get3A_185] {strides = array<i32>} : memref<112x128xf32, #tpu.memory_space<vmem>>, vector<1x16xf32>,
          %get3A_187 = vector.shape_cast %get3A_186 : vector<1x16xf32> to vector<16xf32>
          %max3A_188 = arith.constant 0.000000e+00 : f32
          %max3A_189 = vector.broadcast %max3A_188 : f32 to vector<16xf32>
          %max3A_190 = arith.maximumf %add3A_183, %max3A_189 : vector<16xf32>
          %add3A_191 = arith.addf %get3A_187, %max3A_190 : vector<16xf32>
          %swap3A_192 = arith.index_cast %add3A_145 : i32 to index
          %swap3A_193 = arith.constant 16 : index
          %swap3A_194 = tpu.vector_load %arg14[%swap3A_192, %swap3A_193] {strides = array<i32>} : memref<112x128xf32, #tpu.memory_space<vmem>>, vector<1x16xf32>,
          %swap3A_195 = vector.shape_cast %swap3A_194 : vector<1x16xf32> to vector<16xf32>
          %swap3A_196 = vector.shape_cast %add3A_191 : vector<16xf32> to vector<1x16xf32>
          tpu.vector_store %arg14[%swap3A_192, %swap3A_193], %swap3A_196 {strides = array<i32>} : memref<112x128xf32, #tpu.memory_space<vmem>>, vector<1x16xf32>,
          %get3A_197 = arith.index_cast %add3A_145 : i32 to index
          %get3A_198 = arith.constant 32 : index
          %get3A_199 = tpu.vector_load %arg14[%get3A_197, %get3A_198] {strides = array<i32>} : memref<112x128xf32, #tpu.memory_space<vmem>>, vector<1x16xf32>,
          %get3A_200 = vector.shape_cast %get3A_199 : vector<1x16xf32> to vector<16xf32>
          %get3A_201 = arith.index_cast %add3A_145 : i32 to index
          %get3A_202 = arith.constant 32 : index
          %get3A_203 = tpu.vector_load %arg16[%get3A_201, %get3A_202] {strides = array<i32>} : memref<112x128xf32, #tpu.memory_space<vmem>>, vector<1x16xf32>,
          %get3A_204 = vector.shape_cast %get3A_203 : vector<1x16xf32> to vector<16xf32>
          %add3A_205 = arith.addf %get3A_200, %get3A_204 : vector<16xf32>
          %get3A_206 = arith.index_cast %add3A_145 : i32 to index
          %get3A_207 = arith.constant 32 : index
          %get3A_208 = tpu.vector_load %arg18[%get3A_206, %get3A_207] {strides = array<i32>} : memref<112x128xf32, #tpu.memory_space<vmem>>, vector<1x16xf32>,
          %get3A_209 = vector.shape_cast %get3A_208 : vector<1x16xf32> to vector<16xf32>
          %add3A_210 = arith.addf %add3A_205, %get3A_209 : vector<16xf32>
          %get3A_211 = arith.index_cast %add3A_145 : i32 to index
          %get3A_212 = arith.constant 32 : index
          %get3A_213 = tpu.vector_load %arg20[%get3A_211, %get3A_212] {strides = array<i32>} : memref<112x128xf32, #tpu.memory_space<vmem>>, vector<1x16xf32>,
          %get3A_214 = vector.shape_cast %get3A_213 : vector<1x16xf32> to vector<16xf32>
          %max3A_215 = arith.constant 0.000000e+00 : f32
          %max3A_216 = vector.broadcast %max3A_215 : f32 to vector<16xf32>
          %max3A_217 = arith.maximumf %add3A_210, %max3A_216 : vector<16xf32>
          %add3A_218 = arith.addf %get3A_214, %max3A_217 : vector<16xf32>
          %swap3A_219 = arith.index_cast %add3A_145 : i32 to index
          %swap3A_220 = arith.constant 32 : index
          %swap3A_221 = tpu.vector_load %arg14[%swap3A_219, %swap3A_220] {strides = array<i32>} : memref<112x128xf32, #tpu.memory_space<vmem>>, vector<1x16xf32>,
          %swap3A_222 = vector.shape_cast %swap3A_221 : vector<1x16xf32> to vector<16xf32>
          %swap3A_223 = vector.shape_cast %add3A_218 : vector<16xf32> to vector<1x16xf32>
          tpu.vector_store %arg14[%swap3A_219, %swap3A_220], %swap3A_223 {strides = array<i32>} : memref<112x128xf32, #tpu.memory_space<vmem>>, vector<1x16xf32>,
          %get3A_224 = arith.index_cast %add3A_145 : i32 to index
          %get3A_225 = arith.constant 48 : index
          %get3A_226 = tpu.vector_load %arg14[%get3A_224, %get3A_225] {strides = array<i32>} : memref<112x128xf32, #tpu.memory_space<vmem>>, vector<1x16xf32>,
          %get3A_227 = vector.shape_cast %get3A_226 : vector<1x16xf32> to vector<16xf32>
          %get3A_228 = arith.index_cast %add3A_145 : i32 to index
          %get3A_229 = arith.constant 48 : index
          %get3A_230 = tpu.vector_load %arg16[%get3A_228, %get3A_229] {strides = array<i32>} : memref<112x128xf32, #tpu.memory_space<vmem>>, vector<1x16xf32>,
          %get3A_231 = vector.shape_cast %get3A_230 : vector<1x16xf32> to vector<16xf32>
          %add3A_232 = arith.addf %get3A_227, %get3A_231 : vector<16xf32>
          %get3A_233 = arith.index_cast %add3A_145 : i32 to index
          %get3A_234 = arith.constant 48 : index
          %get3A_235 = tpu.vector_load %arg18[%get3A_233, %get3A_234] {strides = array<i32>} : memref<112x128xf32, #tpu.memory_space<vmem>>, vector<1x16xf32>,
          %get3A_236 = vector.shape_cast %get3A_235 : vector<1x16xf32> to vector<16xf32>
          %add3A_237 = arith.addf %add3A_232, %get3A_236 : vector<16xf32>
          %get3A_238 = arith.index_cast %add3A_145 : i32 to index
          %get3A_239 = arith.constant 48 : index
          %get3A_240 = tpu.vector_load %arg20[%get3A_238, %get3A_239] {strides = array<i32>} : memref<112x128xf32, #tpu.memory_space<vmem>>, vector<1x16xf32>,
          %get3A_241 = vector.shape_cast %get3A_240 : vector<1x16xf32> to vector<16xf32>
          %max3A_242 = arith.constant 0.000000e+00 : f32
          %max3A_243 = vector.broadcast %max3A_242 : f32 to vector<16xf32>
          %max3A_244 = arith.maximumf %add3A_237, %max3A_243 : vector<16xf32>
          %add3A_245 = arith.addf %get3A_241, %max3A_244 : vector<16xf32>
          %swap3A_246 = arith.index_cast %add3A_145 : i32 to index
          %swap3A_247 = arith.constant 48 : index
          %swap3A_248 = tpu.vector_load %arg14[%swap3A_246, %swap3A_247] {strides = array<i32>} : memref<112x128xf32, #tpu.memory_space<vmem>>, vector<1x16xf32>,
          %swap3A_249 = vector.shape_cast %swap3A_248 : vector<1x16xf32> to vector<16xf32>
          %swap3A_250 = vector.shape_cast %add3A_245 : vector<16xf32> to vector<1x16xf32>
          tpu.vector_store %arg14[%swap3A_246, %swap3A_247], %swap3A_250 {strides = array<i32>} : memref<112x128xf32, #tpu.memory_space<vmem>>, vector<1x16xf32>,
          %get3A_251 = arith.index_cast %add3A_145 : i32 to index
          %get3A_252 = arith.constant 64 : index
          %get3A_253 = tpu.vector_load %arg14[%get3A_251, %get3A_252] {strides = array<i32>} : memref<112x128xf32, #tpu.memory_space<vmem>>, vector<1x16xf32>,
          %get3A_254 = vector.shape_cast %get3A_253 : vector<1x16xf32> to vector<16xf32>
          %get3A_255 = arith.index_cast %add3A_145 : i32 to index
          %get3A_256 = arith.constant 64 : index
          %get3A_257 = tpu.vector_load %arg16[%get3A_255, %get3A_256] {strides = array<i32>} : memref<112x128xf32, #tpu.memory_space<vmem>>, vector<1x16xf32>,
          %get3A_258 = vector.shape_cast %get3A_257 : vector<1x16xf32> to vector<16xf32>
          %add3A_259 = arith.addf %get3A_254, %get3A_258 : vector<16xf32>
          %get3A_260 = arith.index_cast %add3A_145 : i32 to index
          %get3A_261 = arith.constant 64 : index
          %get3A_262 = tpu.vector_load %arg18[%get3A_260, %get3A_261] {strides = array<i32>} : memref<112x128xf32, #tpu.memory_space<vmem>>, vector<1x16xf32>,
          %get3A_263 = vector.shape_cast %get3A_262 : vector<1x16xf32> to vector<16xf32>
          %add3A_264 = arith.addf %add3A_259, %get3A_263 : vector<16xf32>
          %get3A_265 = arith.index_cast %add3A_145 : i32 to index
          %get3A_266 = arith.constant 64 : index
          %get3A_267 = tpu.vector_load %arg20[%get3A_265, %get3A_266] {strides = array<i32>} : memref<112x128xf32, #tpu.memory_space<vmem>>, vector<1x16xf32>,
          %get3A_268 = vector.shape_cast %get3A_267 : vector<1x16xf32> to vector<16xf32>
          %max3A_269 = arith.constant 0.000000e+00 : f32
          %max3A_270 = vector.broadcast %max3A_269 : f32 to vector<16xf32>
          %max3A_271 = arith.maximumf %add3A_264, %max3A_270 : vector<16xf32>
          %add3A_272 = arith.addf %get3A_268, %max3A_271 : vector<16xf32>
          %swap3A_273 = arith.index_cast %add3A_145 : i32 to index
          %swap3A_274 = arith.constant 64 : index
          %swap3A_275 = tpu.vector_load %arg14[%swap3A_273, %swap3A_274] {strides = array<i32>} : memref<112x128xf32, #tpu.memory_space<vmem>>, vector<1x16xf32>,
          %swap3A_276 = vector.shape_cast %swap3A_275 : vector<1x16xf32> to vector<16xf32>
          %swap3A_277 = vector.shape_cast %add3A_272 : vector<16xf32> to vector<1x16xf32>
          tpu.vector_store %arg14[%swap3A_273, %swap3A_274], %swap3A_277 {strides = array<i32>} : memref<112x128xf32, #tpu.memory_space<vmem>>, vector<1x16xf32>,
          %get3A_278 = arith.index_cast %add3A_145 : i32 to index
          %get3A_279 = arith.constant 80 : index
          %get3A_280 = tpu.vector_load %arg14[%get3A_278, %get3A_279] {strides = array<i32>} : memref<112x128xf32, #tpu.memory_space<vmem>>, vector<1x16xf32>,
          %get3A_281 = vector.shape_cast %get3A_280 : vector<1x16xf32> to vector<16xf32>
          %get3A_282 = arith.index_cast %add3A_145 : i32 to index
          %get3A_283 = arith.constant 80 : index
          %get3A_284 = tpu.vector_load %arg16[%get3A_282, %get3A_283] {strides = array<i32>} : memref<112x128xf32, #tpu.memory_space<vmem>>, vector<1x16xf32>,
          %get3A_285 = vector.shape_cast %get3A_284 : vector<1x16xf32> to vector<16xf32>
          %add3A_286 = arith.addf %get3A_281, %get3A_285 : vector<16xf32>
          %get3A_287 = arith.index_cast %add3A_145 : i32 to index
          %get3A_288 = arith.constant 80 : index
          %get3A_289 = tpu.vector_load %arg18[%get3A_287, %get3A_288] {strides = array<i32>} : memref<112x128xf32, #tpu.memory_space<vmem>>, vector<1x16xf32>,
          %get3A_290 = vector.shape_cast %get3A_289 : vector<1x16xf32> to vector<16xf32>
          %add3A_291 = arith.addf %add3A_286, %get3A_290 : vector<16xf32>
          %get3A_292 = arith.index_cast %add3A_145 : i32 to index
          %get3A_293 = arith.constant 80 : index
          %get3A_294 = tpu.vector_load %arg20[%get3A_292, %get3A_293] {strides = array<i32>} : memref<112x128xf32, #tpu.memory_space<vmem>>, vector<1x16xf32>,
          %get3A_295 = vector.shape_cast %get3A_294 : vector<1x16xf32> to vector<16xf32>
          %max3A_296 = arith.constant 0.000000e+00 : f32
          %max3A_297 = vector.broadcast %max3A_296 : f32 to vector<16xf32>
          %max3A_298 = arith.maximumf %add3A_291, %max3A_297 : vector<16xf32>
          %add3A_299 = arith.addf %get3A_295, %max3A_298 : vector<16xf32>
          %swap3A_300 = arith.index_cast %add3A_145 : i32 to index
          %swap3A_301 = arith.constant 80 : index
          %swap3A_302 = tpu.vector_load %arg14[%swap3A_300, %swap3A_301] {strides = array<i32>} : memref<112x128xf32, #tpu.memory_space<vmem>>, vector<1x16xf32>,
          %swap3A_303 = vector.shape_cast %swap3A_302 : vector<1x16xf32> to vector<16xf32>
          %swap3A_304 = vector.shape_cast %add3A_299 : vector<16xf32> to vector<1x16xf32>
          tpu.vector_store %arg14[%swap3A_300, %swap3A_301], %swap3A_304 {strides = array<i32>} : memref<112x128xf32, #tpu.memory_space<vmem>>, vector<1x16xf32>,
          %get3A_305 = arith.index_cast %add3A_145 : i32 to index
          %get3A_306 = arith.constant 96 : index
          %get3A_307 = tpu.vector_load %arg14[%get3A_305, %get3A_306] {strides = array<i32>} : memref<112x128xf32, #tpu.memory_space<vmem>>, vector<1x16xf32>,
          %get3A_308 = vector.shape_cast %get3A_307 : vector<1x16xf32> to vector<16xf32>
          %get3A_309 = arith.index_cast %add3A_145 : i32 to index
          %get3A_310 = arith.constant 96 : index
          %get3A_311 = tpu.vector_load %arg16[%get3A_309, %get3A_310] {strides = array<i32>} : memref<112x128xf32, #tpu.memory_space<vmem>>, vector<1x16xf32>,
          %get3A_312 = vector.shape_cast %get3A_311 : vector<1x16xf32> to vector<16xf32>
          %add3A_313 = arith.addf %get3A_308, %get3A_312 : vector<16xf32>
          %get3A_314 = arith.index_cast %add3A_145 : i32 to index
          %get3A_315 = arith.constant 96 : index
          %get3A_316 = tpu.vector_load %arg18[%get3A_314, %get3A_315] {strides = array<i32>} : memref<112x128xf32, #tpu.memory_space<vmem>>, vector<1x16xf32>,
          %get3A_317 = vector.shape_cast %get3A_316 : vector<1x16xf32> to vector<16xf32>
          %add3A_318 = arith.addf %add3A_313, %get3A_317 : vector<16xf32>
          %get3A_319 = arith.index_cast %add3A_145 : i32 to index
          %get3A_320 = arith.constant 96 : index
          %get3A_321 = tpu.vector_load %arg20[%get3A_319, %get3A_320] {strides = array<i32>} : memref<112x128xf32, #tpu.memory_space<vmem>>, vector<1x16xf32>,
          %get3A_322 = vector.shape_cast %get3A_321 : vector<1x16xf32> to vector<16xf32>
          %max3A_323 = arith.constant 0.000000e+00 : f32
          %max3A_324 = vector.broadcast %max3A_323 : f32 to vector<16xf32>
          %max3A_325 = arith.maximumf %add3A_318, %max3A_324 : vector<16xf32>
          %add3A_326 = arith.addf %get3A_322, %max3A_325 : vector<16xf32>
          %swap3A_327 = arith.index_cast %add3A_145 : i32 to index
          %swap3A_328 = arith.constant 96 : index
          %swap3A_329 = tpu.vector_load %arg14[%swap3A_327, %swap3A_328] {strides = array<i32>} : memref<112x128xf32, #tpu.memory_space<vmem>>, vector<1x16xf32>,
          %swap3A_330 = vector.shape_cast %swap3A_329 : vector<1x16xf32> to vector<16xf32>
          %swap3A_331 = vector.shape_cast %add3A_326 : vector<16xf32> to vector<1x16xf32>
          tpu.vector_store %arg14[%swap3A_327, %swap3A_328], %swap3A_331 {strides = array<i32>} : memref<112x128xf32, #tpu.memory_space<vmem>>, vector<1x16xf32>,
          %get3A_332 = arith.index_cast %add3A_145 : i32 to index
          %get3A_333 = arith.constant 112 : index
          %get3A_334 = tpu.vector_load %arg14[%get3A_332, %get3A_333] {strides = array<i32>} : memref<112x128xf32, #tpu.memory_space<vmem>>, vector<1x16xf32>,
          %get3A_335 = vector.shape_cast %get3A_334 : vector<1x16xf32> to vector<16xf32>
          %get3A_336 = arith.index_cast %add3A_145 : i32 to index
          %get3A_337 = arith.constant 112 : index
          %get3A_338 = tpu.vector_load %arg16[%get3A_336, %get3A_337] {strides = array<i32>} : memref<112x128xf32, #tpu.memory_space<vmem>>, vector<1x16xf32>,
          %get3A_339 = vector.shape_cast %get3A_338 : vector<1x16xf32> to vector<16xf32>
          %add3A_340 = arith.addf %get3A_335, %get3A_339 : vector<16xf32>
          %get3A_341 = arith.index_cast %add3A_145 : i32 to index
          %get3A_342 = arith.constant 112 : index
          %get3A_343 = tpu.vector_load %arg18[%get3A_341, %get3A_342] {strides = array<i32>} : memref<112x128xf32, #tpu.memory_space<vmem>>, vector<1x16xf32>,
          %get3A_344 = vector.shape_cast %get3A_343 : vector<1x16xf32> to vector<16xf32>
          %add3A_345 = arith.addf %add3A_340, %get3A_344 : vector<16xf32>
          %get3A_346 = arith.index_cast %add3A_145 : i32 to index
          %get3A_347 = arith.constant 112 : index
          %get3A_348 = tpu.vector_load %arg20[%get3A_346, %get3A_347] {strides = array<i32>} : memref<112x128xf32, #tpu.memory_space<vmem>>, vector<1x16xf32>,
          %get3A_349 = vector.shape_cast %get3A_348 : vector<1x16xf32> to vector<16xf32>
          %max3A_350 = arith.constant 0.000000e+00 : f32
          %max3A_351 = vector.broadcast %max3A_350 : f32 to vector<16xf32>
          %max3A_352 = arith.maximumf %add3A_345, %max3A_351 : vector<16xf32>
          %add3A_353 = arith.addf %get3A_349, %max3A_352 : vector<16xf32>
          %swap3A_354 = arith.index_cast %add3A_145 : i32 to index
          %swap3A_355 = arith.constant 112 : index
          %swap3A_356 = tpu.vector_load %arg14[%swap3A_354, %swap3A_355] {strides = array<i32>} : memref<112x128xf32, #tpu.memory_space<vmem>>, vector<1x16xf32>,
          %swap3A_357 = vector.shape_cast %swap3A_356 : vector<1x16xf32> to vector<16xf32>
          %swap3A_358 = vector.shape_cast %add3A_353 : vector<16xf32> to vector<1x16xf32>
          tpu.vector_store %arg14[%swap3A_354, %swap3A_355], %swap3A_358 {strides = array<i32>} : memref<112x128xf32, #tpu.memory_space<vmem>>, vector<1x16xf32>,
        }
        %scan3A_131 = arith.constant 112 : i32
        %mul3A_132 = arith.constant 32 : i32
        %mul3A_133 = arith.muli %add3A_90, %mul3A_132 : i32
        %add3A_134 = arith.addi %add3A, %mul3A_133 : i32
        %mul3A_135 = arith.constant 112 : i32
        %mul3A_136 = arith.muli %add3A_134, %mul3A_135 : i32
        %dma_start3A_137 = arith.constant 0 : i32
        %dma_start3A_138 = tpu.memref_slice %arg8[%mul3A_136, %dma_start3A_137] : memref<100000x128xf32, #tpu.memory_space<hbm>> -> memref<112x128xf32, #tpu.memory_space<hbm>>
        %dma_start3A_139 = arith.constant 0 : i32
        %dma_start3A_140 = tpu.memref_slice %arg8[%mul3A_136, %dma_start3A_139] : memref<100000x128xf32, #tpu.memory_space<hbm>> -> memref<112x128xf32, #tpu.memory_space<hbm>>
        tpu.enqueue_dma source(%arg14 : memref<112x128xf32, #tpu.memory_space<vmem>>) target(%dma_start3A_140 : memref<112x128xf32, #tpu.memory_space<hbm>>) target_semaphore(%arg26 : memref<!tpu.dma_semaphore, #tpu.memory_space<semaphore_mem>>)
      } else {
      }
    }
    %scan3A_62 = arith.constant 14 : i32
    %dma_wait3A_63 = arith.constant 0 : i32
    %dma_wait3A_64 = arith.constant 0 : i32
    %dma_wait3A_65 = tpu.memref_slice %arg8[%dma_wait3A_63, %dma_wait3A_64] : memref<100000x128xf32, #tpu.memory_space<hbm>> -> memref<112x128xf32, #tpu.memory_space<hbm>>
    %dma_wait3A_66 = arith.constant 0 : i32
    %dma_wait3A_67 = arith.constant 0 : i32
    %dma_wait3A_68 = tpu.memref_slice %arg8[%dma_wait3A_66, %dma_wait3A_67] : memref<100000x128xf32, #tpu.memory_space<hbm>> -> memref<112x128xf32, #tpu.memory_space<hbm>>
    tpu.wait_dma2 semaphore(%arg25 : memref<!tpu.dma_semaphore, #tpu.memory_space<semaphore_mem>>) src(%arg13 : memref<112x128xf32, #tpu.memory_space<vmem>>) dst(%dma_wait3A_68 : memref<112x128xf32, #tpu.memory_space<hbm>>)
    %dma_wait3A_69 = arith.constant 0 : i32
    %dma_wait3A_70 = arith.constant 0 : i32
    %dma_wait3A_71 = tpu.memref_slice %arg8[%dma_wait3A_69, %dma_wait3A_70] : memref<100000x128xf32, #tpu.memory_space<hbm>> -> memref<112x128xf32, #tpu.memory_space<hbm>>
    %dma_wait3A_72 = arith.constant 0 : i32
    %dma_wait3A_73 = arith.constant 0 : i32
    %dma_wait3A_74 = tpu.memref_slice %arg8[%dma_wait3A_72, %dma_wait3A_73] : memref<100000x128xf32, #tpu.memory_space<hbm>> -> memref<112x128xf32, #tpu.memory_space<hbm>>
    tpu.wait_dma2 semaphore(%arg26 : memref<!tpu.dma_semaphore, #tpu.memory_space<semaphore_mem>>) src(%arg14 : memref<112x128xf32, #tpu.memory_space<vmem>>) dst(%dma_wait3A_74 : memref<112x128xf32, #tpu.memory_space<hbm>>)
    %eq3A = arith.constant 31 : i32
    %eq3A_75 = arith.cmpi eq, %add3A, %eq3A : i32
    %convert_element_type3A = arith.extui %eq3A_75 : i1 to i32
    %cond3A = arith.constant 0 : i32
    %cond3A_76 = arith.cmpi ne, %convert_element_type3A, %cond3A : i32
    scf.if %cond3A_76 {
      %dma_start3A_77 = arith.constant 0 : i32
      %dma_start3A_78 = tpu.memref_slice %arg9[%dma_start3A_77] : memref<112xi32, #tpu.memory_space<vmem>> -> memref<96xi32, #tpu.memory_space<vmem>>
      %dma_start3A_79 = arith.constant 99904 : i32
      %dma_start3A_80 = tpu.memref_slice %arg6[%dma_start3A_79] : memref<100000xi32, #tpu.memory_space<hbm>> -> memref<96xi32, #tpu.memory_space<hbm>>
      %dma_start3A_81 = arith.constant 0 : i32
      %dma_start3A_82 = tpu.memref_slice %arg9[%dma_start3A_81] : memref<112xi32, #tpu.memory_space<vmem>> -> memref<96xi32, #tpu.memory_space<vmem>>
      %dma_start3A_83 = arith.constant 99904 : i32
      %dma_start3A_84 = tpu.memref_slice %arg6[%dma_start3A_83] : memref<100000xi32, #tpu.memory_space<hbm>> -> memref<96xi32, #tpu.memory_space<hbm>>
      tpu.enqueue_dma source(%dma_start3A_84 : memref<96xi32, #tpu.memory_space<hbm>>) target(%dma_start3A_82 : memref<96xi32, #tpu.memory_space<vmem>>) target_semaphore(%arg21 : memref<!tpu.dma_semaphore, #tpu.memory_space<semaphore_mem>>)
      %dma_start3A_85 = arith.constant 0 : i32
      %dma_start3A_86 = tpu.memref_slice %arg11[%dma_start3A_85] : memref<112xi32, #tpu.memory_space<vmem>> -> memref<96xi32, #tpu.memory_space<vmem>>
      %dma_start3A_87 = arith.constant 99904 : i32
      %dma_start3A_88 = tpu.memref_slice %arg7[%dma_start3A_87] : memref<100000xi32, #tpu.memory_space<hbm>> -> memref<96xi32, #tpu.memory_space<hbm>>
      %dma_start3A_89 = arith.constant 0 : i32
      %dma_start3A_90 = tpu.memref_slice %arg11[%dma_start3A_89] : memref<112xi32, #tpu.memory_space<vmem>> -> memref<96xi32, #tpu.memory_space<vmem>>
      %dma_start3A_91 = arith.constant 99904 : i32
      %dma_start3A_92 = tpu.memref_slice %arg7[%dma_start3A_91] : memref<100000xi32, #tpu.memory_space<hbm>> -> memref<96xi32, #tpu.memory_space<hbm>>
      tpu.enqueue_dma source(%dma_start3A_92 : memref<96xi32, #tpu.memory_space<hbm>>) target(%dma_start3A_90 : memref<96xi32, #tpu.memory_space<vmem>>) target_semaphore(%arg21 : memref<!tpu.dma_semaphore, #tpu.memory_space<semaphore_mem>>)
      %dma_wait3A_93 = arith.constant 0 : i32
      %dma_wait3A_94 = tpu.memref_slice %arg9[%dma_wait3A_93] : memref<112xi32, #tpu.memory_space<vmem>> -> memref<96xi32, #tpu.memory_space<vmem>>
      %dma_wait3A_95 = arith.constant 0 : i32
      %dma_wait3A_96 = tpu.memref_slice %arg6[%dma_wait3A_95] : memref<100000xi32, #tpu.memory_space<hbm>> -> memref<96xi32, #tpu.memory_space<hbm>>
      %dma_wait3A_97 = arith.constant 0 : i32
      %dma_wait3A_98 = tpu.memref_slice %arg9[%dma_wait3A_97] : memref<112xi32, #tpu.memory_space<vmem>> -> memref<96xi32, #tpu.memory_space<vmem>>
      %dma_wait3A_99 = arith.constant 0 : i32
      %dma_wait3A_100 = tpu.memref_slice %arg6[%dma_wait3A_99] : memref<100000xi32, #tpu.memory_space<hbm>> -> memref<96xi32, #tpu.memory_space<hbm>>
      tpu.wait_dma2 semaphore(%arg21 : memref<!tpu.dma_semaphore, #tpu.memory_space<semaphore_mem>>) src(%dma_wait3A_100 : memref<96xi32, #tpu.memory_space<hbm>>) dst(%dma_wait3A_98 : memref<96xi32, #tpu.memory_space<vmem>>)
      %dma_wait3A_101 = arith.constant 0 : i32
      %dma_wait3A_102 = tpu.memref_slice %arg11[%dma_wait3A_101] : memref<112xi32, #tpu.memory_space<vmem>> -> memref<96xi32, #tpu.memory_space<vmem>>
      %dma_wait3A_103 = arith.constant 0 : i32
      %dma_wait3A_104 = tpu.memref_slice %arg7[%dma_wait3A_103] : memref<100000xi32, #tpu.memory_space<hbm>> -> memref<96xi32, #tpu.memory_space<hbm>>
      %dma_wait3A_105 = arith.constant 0 : i32
      %dma_wait3A_106 = tpu.memref_slice %arg11[%dma_wait3A_105] : memref<112xi32, #tpu.memory_space<vmem>> -> memref<96xi32, #tpu.memory_space<vmem>>
      %dma_wait3A_107 = arith.constant 0 : i32
      %dma_wait3A_108 = tpu.memref_slice %arg7[%dma_wait3A_107] : memref<100000xi32, #tpu.memory_space<hbm>> -> memref<96xi32, #tpu.memory_space<hbm>>
      tpu.wait_dma2 semaphore(%arg21 : memref<!tpu.dma_semaphore, #tpu.memory_space<semaphore_mem>>) src(%dma_wait3A_108 : memref<96xi32, #tpu.memory_space<hbm>>) dst(%dma_wait3A_106 : memref<96xi32, #tpu.memory_space<vmem>>)
      %dma_start3A_109 = arith.constant 0 : i32
      %dma_start3A_110 = arith.constant 0 : i32
      %dma_start3A_111 = tpu.memref_slice %arg13[%dma_start3A_109, %dma_start3A_110] : memref<112x128xf32, #tpu.memory_space<vmem>> -> memref<96x128xf32, #tpu.memory_space<vmem>>
      %dma_start3A_112 = arith.constant 0 : i32
      %dma_start3A_113 = tpu.memref_slice %arg9[%dma_start3A_112] : memref<112xi32, #tpu.memory_space<vmem>> -> memref<96xi32, #tpu.memory_space<vmem>>
      %dma_start3A_114 = arith.constant 0 : i32
      %dma_start3A_115 = arith.constant 0 : i32
      %dma_start3A_116 = tpu.memref_slice %arg2[%dma_start3A_114, %dma_start3A_115] : memref<100000x128xf32, #tpu.memory_space<hbm>> -> memref<100000x128xf32, #tpu.memory_space<hbm>>
      tpu.enqueue_indirect_dma source(%dma_start3A_116 : memref<100000x128xf32, #tpu.memory_space<hbm>>) target(%dma_start3A_111 : memref<96x128xf32, #tpu.memory_space<vmem>>) offsets(%dma_start3A_113 : memref<96xi32, #tpu.memory_space<vmem>>) semaphore(%arg23 : memref<!tpu.dma_semaphore, #tpu.memory_space<semaphore_mem>>)
      %dma_start3A_117 = arith.constant 0 : i32
      %dma_start3A_118 = arith.constant 0 : i32
      %dma_start3A_119 = tpu.memref_slice %arg15[%dma_start3A_117, %dma_start3A_118] : memref<112x128xf32, #tpu.memory_space<vmem>> -> memref<96x128xf32, #tpu.memory_space<vmem>>
      %dma_start3A_120 = arith.constant 0 : i32
      %dma_start3A_121 = tpu.memref_slice %arg11[%dma_start3A_120] : memref<112xi32, #tpu.memory_space<vmem>> -> memref<96xi32, #tpu.memory_space<vmem>>
      %dma_start3A_122 = arith.constant 0 : i32
      %dma_start3A_123 = arith.constant 0 : i32
      %dma_start3A_124 = tpu.memref_slice %arg3[%dma_start3A_122, %dma_start3A_123] : memref<100000x128xf32, #tpu.memory_space<hbm>> -> memref<100000x128xf32, #tpu.memory_space<hbm>>
      tpu.enqueue_indirect_dma source(%dma_start3A_124 : memref<100000x128xf32, #tpu.memory_space<hbm>>) target(%dma_start3A_119 : memref<96x128xf32, #tpu.memory_space<vmem>>) offsets(%dma_start3A_121 : memref<96xi32, #tpu.memory_space<vmem>>) semaphore(%arg23 : memref<!tpu.dma_semaphore, #tpu.memory_space<semaphore_mem>>)
      %dma_start3A_125 = arith.constant 0 : i32
      %dma_start3A_126 = arith.constant 0 : i32
      %dma_start3A_127 = tpu.memref_slice %arg17[%dma_start3A_125, %dma_start3A_126] : memref<112x128xf32, #tpu.memory_space<vmem>> -> memref<96x128xf32, #tpu.memory_space<vmem>>
      %dma_start3A_128 = arith.constant 99904 : i32
      %dma_start3A_129 = arith.constant 0 : i32
      %dma_start3A_130 = tpu.memref_slice %arg4[%dma_start3A_128, %dma_start3A_129] : memref<100000x128xf32, #tpu.memory_space<hbm>> -> memref<96x128xf32, #tpu.memory_space<hbm>>
      %dma_start3A_131 = arith.constant 0 : i32
      %dma_start3A_132 = arith.constant 0 : i32
      %dma_start3A_133 = tpu.memref_slice %arg17[%dma_start3A_131, %dma_start3A_132] : memref<112x128xf32, #tpu.memory_space<vmem>> -> memref<96x128xf32, #tpu.memory_space<vmem>>
      %dma_start3A_134 = arith.constant 99904 : i32
      %dma_start3A_135 = arith.constant 0 : i32
      %dma_start3A_136 = tpu.memref_slice %arg4[%dma_start3A_134, %dma_start3A_135] : memref<100000x128xf32, #tpu.memory_space<hbm>> -> memref<96x128xf32, #tpu.memory_space<hbm>>
      tpu.enqueue_dma source(%dma_start3A_136 : memref<96x128xf32, #tpu.memory_space<hbm>>) target(%dma_start3A_133 : memref<96x128xf32, #tpu.memory_space<vmem>>) target_semaphore(%arg23 : memref<!tpu.dma_semaphore, #tpu.memory_space<semaphore_mem>>)
      %dma_start3A_137 = arith.constant 0 : i32
      %dma_start3A_138 = arith.constant 0 : i32
      %dma_start3A_139 = tpu.memref_slice %arg19[%dma_start3A_137, %dma_start3A_138] : memref<112x128xf32, #tpu.memory_space<vmem>> -> memref<96x128xf32, #tpu.memory_space<vmem>>
      %dma_start3A_140 = arith.constant 99904 : i32
      %dma_start3A_141 = arith.constant 0 : i32
      %dma_start3A_142 = tpu.memref_slice %arg5[%dma_start3A_140, %dma_start3A_141] : memref<100000x128xf32, #tpu.memory_space<hbm>> -> memref<96x128xf32, #tpu.memory_space<hbm>>
      %dma_start3A_143 = arith.constant 0 : i32
      %dma_start3A_144 = arith.constant 0 : i32
      %dma_start3A_145 = tpu.memref_slice %arg19[%dma_start3A_143, %dma_start3A_144] : memref<112x128xf32, #tpu.memory_space<vmem>> -> memref<96x128xf32, #tpu.memory_space<vmem>>
      %dma_start3A_146 = arith.constant 99904 : i32
      %dma_start3A_147 = arith.constant 0 : i32
      %dma_start3A_148 = tpu.memref_slice %arg5[%dma_start3A_146, %dma_start3A_147] : memref<100000x128xf32, #tpu.memory_space<hbm>> -> memref<96x128xf32, #tpu.memory_space<hbm>>
      tpu.enqueue_dma source(%dma_start3A_148 : memref<96x128xf32, #tpu.memory_space<hbm>>) target(%dma_start3A_145 : memref<96x128xf32, #tpu.memory_space<vmem>>) target_semaphore(%arg23 : memref<!tpu.dma_semaphore, #tpu.memory_space<semaphore_mem>>)
      %dma_wait3A_149 = arith.constant 0 : i32
      %dma_wait3A_150 = arith.constant 0 : i32
      %dma_wait3A_151 = tpu.memref_slice %arg13[%dma_wait3A_149, %dma_wait3A_150] : memref<112x128xf32, #tpu.memory_space<vmem>> -> memref<96x128xf32, #tpu.memory_space<vmem>>
      %dma_wait3A_152 = arith.constant 0 : i32
      %dma_wait3A_153 = tpu.memref_slice %arg9[%dma_wait3A_152] : memref<112xi32, #tpu.memory_space<vmem>> -> memref<96xi32, #tpu.memory_space<vmem>>
      %dma_wait3A_154 = arith.constant 0 : i32
      %dma_wait3A_155 = arith.constant 0 : i32
      %dma_wait3A_156 = tpu.memref_slice %arg2[%dma_wait3A_154, %dma_wait3A_155] : memref<100000x128xf32, #tpu.memory_space<hbm>> -> memref<100000x128xf32, #tpu.memory_space<hbm>>
      tpu.wait_indirect_dma semaphore(%arg23 : memref<!tpu.dma_semaphore, #tpu.memory_space<semaphore_mem>>) src(%dma_wait3A_156 : memref<100000x128xf32, #tpu.memory_space<hbm>>) dst(%dma_wait3A_151 : memref<96x128xf32, #tpu.memory_space<vmem>>)
      %dma_wait3A_157 = arith.constant 0 : i32
      %dma_wait3A_158 = arith.constant 0 : i32
      %dma_wait3A_159 = tpu.memref_slice %arg15[%dma_wait3A_157, %dma_wait3A_158] : memref<112x128xf32, #tpu.memory_space<vmem>> -> memref<96x128xf32, #tpu.memory_space<vmem>>
      %dma_wait3A_160 = arith.constant 0 : i32
      %dma_wait3A_161 = tpu.memref_slice %arg11[%dma_wait3A_160] : memref<112xi32, #tpu.memory_space<vmem>> -> memref<96xi32, #tpu.memory_space<vmem>>
      %dma_wait3A_162 = arith.constant 0 : i32
      %dma_wait3A_163 = arith.constant 0 : i32
      %dma_wait3A_164 = tpu.memref_slice %arg3[%dma_wait3A_162, %dma_wait3A_163] : memref<100000x128xf32, #tpu.memory_space<hbm>> -> memref<100000x128xf32, #tpu.memory_space<hbm>>
      tpu.wait_indirect_dma semaphore(%arg23 : memref<!tpu.dma_semaphore, #tpu.memory_space<semaphore_mem>>) src(%dma_wait3A_164 : memref<100000x128xf32, #tpu.memory_space<hbm>>) dst(%dma_wait3A_159 : memref<96x128xf32, #tpu.memory_space<vmem>>)
      %dma_wait3A_165 = arith.constant 0 : i32
      %dma_wait3A_166 = arith.constant 0 : i32
      %dma_wait3A_167 = tpu.memref_slice %arg17[%dma_wait3A_165, %dma_wait3A_166] : memref<112x128xf32, #tpu.memory_space<vmem>> -> memref<96x128xf32, #tpu.memory_space<vmem>>
      %dma_wait3A_168 = arith.constant 0 : i32
      %dma_wait3A_169 = arith.constant 0 : i32
      %dma_wait3A_170 = tpu.memref_slice %arg4[%dma_wait3A_168, %dma_wait3A_169] : memref<100000x128xf32, #tpu.memory_space<hbm>> -> memref<96x128xf32, #tpu.memory_space<hbm>>
      %dma_wait3A_171 = arith.constant 0 : i32
      %dma_wait3A_172 = arith.constant 0 : i32
      %dma_wait3A_173 = tpu.memref_slice %arg17[%dma_wait3A_171, %dma_wait3A_172] : memref<112x128xf32, #tpu.memory_space<vmem>> -> memref<96x128xf32, #tpu.memory_space<vmem>>
      %dma_wait3A_174 = arith.constant 0 : i32
      %dma_wait3A_175 = arith.constant 0 : i32
      %dma_wait3A_176 = tpu.memref_slice %arg4[%dma_wait3A_174, %dma_wait3A_175] : memref<100000x128xf32, #tpu.memory_space<hbm>> -> memref<96x128xf32, #tpu.memory_space<hbm>>
      tpu.wait_dma2 semaphore(%arg23 : memref<!tpu.dma_semaphore, #tpu.memory_space<semaphore_mem>>) src(%dma_wait3A_176 : memref<96x128xf32, #tpu.memory_space<hbm>>) dst(%dma_wait3A_173 : memref<96x128xf32, #tpu.memory_space<vmem>>)
      %dma_wait3A_177 = arith.constant 0 : i32
      %dma_wait3A_178 = arith.constant 0 : i32
      %dma_wait3A_179 = tpu.memref_slice %arg19[%dma_wait3A_177, %dma_wait3A_178] : memref<112x128xf32, #tpu.memory_space<vmem>> -> memref<96x128xf32, #tpu.memory_space<vmem>>
      %dma_wait3A_180 = arith.constant 0 : i32
      %dma_wait3A_181 = arith.constant 0 : i32
      %dma_wait3A_182 = tpu.memref_slice %arg5[%dma_wait3A_180, %dma_wait3A_181] : memref<100000x128xf32, #tpu.memory_space<hbm>> -> memref<96x128xf32, #tpu.memory_space<hbm>>
      %dma_wait3A_183 = arith.constant 0 : i32
      %dma_wait3A_184 = arith.constant 0 : i32
      %dma_wait3A_185 = tpu.memref_slice %arg19[%dma_wait3A_183, %dma_wait3A_184] : memref<112x128xf32, #tpu.memory_space<vmem>> -> memref<96x128xf32, #tpu.memory_space<vmem>>
      %dma_wait3A_186 = arith.constant 0 : i32
      %dma_wait3A_187 = arith.constant 0 : i32
      %dma_wait3A_188 = tpu.memref_slice %arg5[%dma_wait3A_186, %dma_wait3A_187] : memref<100000x128xf32, #tpu.memory_space<hbm>> -> memref<96x128xf32, #tpu.memory_space<hbm>>
      tpu.wait_dma2 semaphore(%arg23 : memref<!tpu.dma_semaphore, #tpu.memory_space<semaphore_mem>>) src(%dma_wait3A_188 : memref<96x128xf32, #tpu.memory_space<hbm>>) dst(%dma_wait3A_185 : memref<96x128xf32, #tpu.memory_space<vmem>>)
      %scan3A_189 = arith.constant 0 : i32
      %scan3A_190 = arith.constant 96 : i32
      %scan3A_191 = arith.addi %scan3A_189, %scan3A_190 : i32
      %scan3A_192 = arith.constant 1 : i32
      scf.for %scan3A_194 = %scan3A_189 to %scan3A_191 step %scan3A_192  : i32 {
        %mul3A_195 = arith.constant 1 : i32
        %mul3A_196 = arith.muli %scan3A_194, %mul3A_195 : i32
        %add3A_197 = arith.constant 0 : i32
        %add3A_198 = arith.addi %add3A_197, %mul3A_196 : i32
        %get3A = arith.index_cast %add3A_198 : i32 to index
        %get3A_199 = arith.constant 0 : index
        %get3A_200 = tpu.vector_load %arg13[%get3A, %get3A_199] {strides = array<i32>} : memref<112x128xf32, #tpu.memory_space<vmem>>, vector<1x16xf32>,
        %get3A_201 = vector.shape_cast %get3A_200 : vector<1x16xf32> to vector<16xf32>
        %get3A_202 = arith.index_cast %add3A_198 : i32 to index
        %get3A_203 = arith.constant 0 : index
        %get3A_204 = tpu.vector_load %arg15[%get3A_202, %get3A_203] {strides = array<i32>} : memref<112x128xf32, #tpu.memory_space<vmem>>, vector<1x16xf32>,
        %get3A_205 = vector.shape_cast %get3A_204 : vector<1x16xf32> to vector<16xf32>
        %add3A_206 = arith.addf %get3A_201, %get3A_205 : vector<16xf32>
        %get3A_207 = arith.index_cast %add3A_198 : i32 to index
        %get3A_208 = arith.constant 0 : index
        %get3A_209 = tpu.vector_load %arg17[%get3A_207, %get3A_208] {strides = array<i32>} : memref<112x128xf32, #tpu.memory_space<vmem>>, vector<1x16xf32>,
        %get3A_210 = vector.shape_cast %get3A_209 : vector<1x16xf32> to vector<16xf32>
        %add3A_211 = arith.addf %add3A_206, %get3A_210 : vector<16xf32>
        %get3A_212 = arith.index_cast %add3A_198 : i32 to index
        %get3A_213 = arith.constant 0 : index
        %get3A_214 = tpu.vector_load %arg19[%get3A_212, %get3A_213] {strides = array<i32>} : memref<112x128xf32, #tpu.memory_space<vmem>>, vector<1x16xf32>,
        %get3A_215 = vector.shape_cast %get3A_214 : vector<1x16xf32> to vector<16xf32>
        %max3A = arith.constant 0.000000e+00 : f32
        %max3A_216 = vector.broadcast %max3A : f32 to vector<16xf32>
        %max3A_217 = arith.maximumf %add3A_211, %max3A_216 : vector<16xf32>
        %add3A_218 = arith.addf %get3A_215, %max3A_217 : vector<16xf32>
        %swap3A = arith.index_cast %add3A_198 : i32 to index
        %swap3A_219 = arith.constant 0 : index
        %swap3A_220 = tpu.vector_load %arg13[%swap3A, %swap3A_219] {strides = array<i32>} : memref<112x128xf32, #tpu.memory_space<vmem>>, vector<1x16xf32>,
        %swap3A_221 = vector.shape_cast %swap3A_220 : vector<1x16xf32> to vector<16xf32>
        %swap3A_222 = vector.shape_cast %add3A_218 : vector<16xf32> to vector<1x16xf32>
        tpu.vector_store %arg13[%swap3A, %swap3A_219], %swap3A_222 {strides = array<i32>} : memref<112x128xf32, #tpu.memory_space<vmem>>, vector<1x16xf32>,
        %get3A_223 = arith.index_cast %add3A_198 : i32 to index
        %get3A_224 = arith.constant 16 : index
        %get3A_225 = tpu.vector_load %arg13[%get3A_223, %get3A_224] {strides = array<i32>} : memref<112x128xf32, #tpu.memory_space<vmem>>, vector<1x16xf32>,
        %get3A_226 = vector.shape_cast %get3A_225 : vector<1x16xf32> to vector<16xf32>
        %get3A_227 = arith.index_cast %add3A_198 : i32 to index
        %get3A_228 = arith.constant 16 : index
        %get3A_229 = tpu.vector_load %arg15[%get3A_227, %get3A_228] {strides = array<i32>} : memref<112x128xf32, #tpu.memory_space<vmem>>, vector<1x16xf32>,
        %get3A_230 = vector.shape_cast %get3A_229 : vector<1x16xf32> to vector<16xf32>
        %add3A_231 = arith.addf %get3A_226, %get3A_230 : vector<16xf32>
        %get3A_232 = arith.index_cast %add3A_198 : i32 to index
        %get3A_233 = arith.constant 16 : index
        %get3A_234 = tpu.vector_load %arg17[%get3A_232, %get3A_233] {strides = array<i32>} : memref<112x128xf32, #tpu.memory_space<vmem>>, vector<1x16xf32>,
        %get3A_235 = vector.shape_cast %get3A_234 : vector<1x16xf32> to vector<16xf32>
        %add3A_236 = arith.addf %add3A_231, %get3A_235 : vector<16xf32>
        %get3A_237 = arith.index_cast %add3A_198 : i32 to index
        %get3A_238 = arith.constant 16 : index
        %get3A_239 = tpu.vector_load %arg19[%get3A_237, %get3A_238] {strides = array<i32>} : memref<112x128xf32, #tpu.memory_space<vmem>>, vector<1x16xf32>,
        %get3A_240 = vector.shape_cast %get3A_239 : vector<1x16xf32> to vector<16xf32>
        %max3A_241 = arith.constant 0.000000e+00 : f32
        %max3A_242 = vector.broadcast %max3A_241 : f32 to vector<16xf32>
        %max3A_243 = arith.maximumf %add3A_236, %max3A_242 : vector<16xf32>
        %add3A_244 = arith.addf %get3A_240, %max3A_243 : vector<16xf32>
        %swap3A_245 = arith.index_cast %add3A_198 : i32 to index
        %swap3A_246 = arith.constant 16 : index
        %swap3A_247 = tpu.vector_load %arg13[%swap3A_245, %swap3A_246] {strides = array<i32>} : memref<112x128xf32, #tpu.memory_space<vmem>>, vector<1x16xf32>,
        %swap3A_248 = vector.shape_cast %swap3A_247 : vector<1x16xf32> to vector<16xf32>
        %swap3A_249 = vector.shape_cast %add3A_244 : vector<16xf32> to vector<1x16xf32>
        tpu.vector_store %arg13[%swap3A_245, %swap3A_246], %swap3A_249 {strides = array<i32>} : memref<112x128xf32, #tpu.memory_space<vmem>>, vector<1x16xf32>,
        %get3A_250 = arith.index_cast %add3A_198 : i32 to index
        %get3A_251 = arith.constant 32 : index
        %get3A_252 = tpu.vector_load %arg13[%get3A_250, %get3A_251] {strides = array<i32>} : memref<112x128xf32, #tpu.memory_space<vmem>>, vector<1x16xf32>,
        %get3A_253 = vector.shape_cast %get3A_252 : vector<1x16xf32> to vector<16xf32>
        %get3A_254 = arith.index_cast %add3A_198 : i32 to index
        %get3A_255 = arith.constant 32 : index
        %get3A_256 = tpu.vector_load %arg15[%get3A_254, %get3A_255] {strides = array<i32>} : memref<112x128xf32, #tpu.memory_space<vmem>>, vector<1x16xf32>,
        %get3A_257 = vector.shape_cast %get3A_256 : vector<1x16xf32> to vector<16xf32>
        %add3A_258 = arith.addf %get3A_253, %get3A_257 : vector<16xf32>
        %get3A_259 = arith.index_cast %add3A_198 : i32 to index
        %get3A_260 = arith.constant 32 : index
        %get3A_261 = tpu.vector_load %arg17[%get3A_259, %get3A_260] {strides = array<i32>} : memref<112x128xf32, #tpu.memory_space<vmem>>, vector<1x16xf32>,
        %get3A_262 = vector.shape_cast %get3A_261 : vector<1x16xf32> to vector<16xf32>
        %add3A_263 = arith.addf %add3A_258, %get3A_262 : vector<16xf32>
        %get3A_264 = arith.index_cast %add3A_198 : i32 to index
        %get3A_265 = arith.constant 32 : index
        %get3A_266 = tpu.vector_load %arg19[%get3A_264, %get3A_265] {strides = array<i32>} : memref<112x128xf32, #tpu.memory_space<vmem>>, vector<1x16xf32>,
        %get3A_267 = vector.shape_cast %get3A_266 : vector<1x16xf32> to vector<16xf32>
        %max3A_268 = arith.constant 0.000000e+00 : f32
        %max3A_269 = vector.broadcast %max3A_268 : f32 to vector<16xf32>
        %max3A_270 = arith.maximumf %add3A_263, %max3A_269 : vector<16xf32>
        %add3A_271 = arith.addf %get3A_267, %max3A_270 : vector<16xf32>
        %swap3A_272 = arith.index_cast %add3A_198 : i32 to index
        %swap3A_273 = arith.constant 32 : index
        %swap3A_274 = tpu.vector_load %arg13[%swap3A_272, %swap3A_273] {strides = array<i32>} : memref<112x128xf32, #tpu.memory_space<vmem>>, vector<1x16xf32>,
        %swap3A_275 = vector.shape_cast %swap3A_274 : vector<1x16xf32> to vector<16xf32>
        %swap3A_276 = vector.shape_cast %add3A_271 : vector<16xf32> to vector<1x16xf32>
        tpu.vector_store %arg13[%swap3A_272, %swap3A_273], %swap3A_276 {strides = array<i32>} : memref<112x128xf32, #tpu.memory_space<vmem>>, vector<1x16xf32>,
        %get3A_277 = arith.index_cast %add3A_198 : i32 to index
        %get3A_278 = arith.constant 48 : index
        %get3A_279 = tpu.vector_load %arg13[%get3A_277, %get3A_278] {strides = array<i32>} : memref<112x128xf32, #tpu.memory_space<vmem>>, vector<1x16xf32>,
        %get3A_280 = vector.shape_cast %get3A_279 : vector<1x16xf32> to vector<16xf32>
        %get3A_281 = arith.index_cast %add3A_198 : i32 to index
        %get3A_282 = arith.constant 48 : index
        %get3A_283 = tpu.vector_load %arg15[%get3A_281, %get3A_282] {strides = array<i32>} : memref<112x128xf32, #tpu.memory_space<vmem>>, vector<1x16xf32>,
        %get3A_284 = vector.shape_cast %get3A_283 : vector<1x16xf32> to vector<16xf32>
        %add3A_285 = arith.addf %get3A_280, %get3A_284 : vector<16xf32>
        %get3A_286 = arith.index_cast %add3A_198 : i32 to index
        %get3A_287 = arith.constant 48 : index
        %get3A_288 = tpu.vector_load %arg17[%get3A_286, %get3A_287] {strides = array<i32>} : memref<112x128xf32, #tpu.memory_space<vmem>>, vector<1x16xf32>,
        %get3A_289 = vector.shape_cast %get3A_288 : vector<1x16xf32> to vector<16xf32>
        %add3A_290 = arith.addf %add3A_285, %get3A_289 : vector<16xf32>
        %get3A_291 = arith.index_cast %add3A_198 : i32 to index
        %get3A_292 = arith.constant 48 : index
        %get3A_293 = tpu.vector_load %arg19[%get3A_291, %get3A_292] {strides = array<i32>} : memref<112x128xf32, #tpu.memory_space<vmem>>, vector<1x16xf32>,
        %get3A_294 = vector.shape_cast %get3A_293 : vector<1x16xf32> to vector<16xf32>
        %max3A_295 = arith.constant 0.000000e+00 : f32
        %max3A_296 = vector.broadcast %max3A_295 : f32 to vector<16xf32>
        %max3A_297 = arith.maximumf %add3A_290, %max3A_296 : vector<16xf32>
        %add3A_298 = arith.addf %get3A_294, %max3A_297 : vector<16xf32>
        %swap3A_299 = arith.index_cast %add3A_198 : i32 to index
        %swap3A_300 = arith.constant 48 : index
        %swap3A_301 = tpu.vector_load %arg13[%swap3A_299, %swap3A_300] {strides = array<i32>} : memref<112x128xf32, #tpu.memory_space<vmem>>, vector<1x16xf32>,
        %swap3A_302 = vector.shape_cast %swap3A_301 : vector<1x16xf32> to vector<16xf32>
        %swap3A_303 = vector.shape_cast %add3A_298 : vector<16xf32> to vector<1x16xf32>
        tpu.vector_store %arg13[%swap3A_299, %swap3A_300], %swap3A_303 {strides = array<i32>} : memref<112x128xf32, #tpu.memory_space<vmem>>, vector<1x16xf32>,
        %get3A_304 = arith.index_cast %add3A_198 : i32 to index
        %get3A_305 = arith.constant 64 : index
        %get3A_306 = tpu.vector_load %arg13[%get3A_304, %get3A_305] {strides = array<i32>} : memref<112x128xf32, #tpu.memory_space<vmem>>, vector<1x16xf32>,
        %get3A_307 = vector.shape_cast %get3A_306 : vector<1x16xf32> to vector<16xf32>
        %get3A_308 = arith.index_cast %add3A_198 : i32 to index
        %get3A_309 = arith.constant 64 : index
        %get3A_310 = tpu.vector_load %arg15[%get3A_308, %get3A_309] {strides = array<i32>} : memref<112x128xf32, #tpu.memory_space<vmem>>, vector<1x16xf32>,
        %get3A_311 = vector.shape_cast %get3A_310 : vector<1x16xf32> to vector<16xf32>
        %add3A_312 = arith.addf %get3A_307, %get3A_311 : vector<16xf32>
        %get3A_313 = arith.index_cast %add3A_198 : i32 to index
        %get3A_314 = arith.constant 64 : index
        %get3A_315 = tpu.vector_load %arg17[%get3A_313, %get3A_314] {strides = array<i32>} : memref<112x128xf32, #tpu.memory_space<vmem>>, vector<1x16xf32>,
        %get3A_316 = vector.shape_cast %get3A_315 : vector<1x16xf32> to vector<16xf32>
        %add3A_317 = arith.addf %add3A_312, %get3A_316 : vector<16xf32>
        %get3A_318 = arith.index_cast %add3A_198 : i32 to index
        %get3A_319 = arith.constant 64 : index
        %get3A_320 = tpu.vector_load %arg19[%get3A_318, %get3A_319] {strides = array<i32>} : memref<112x128xf32, #tpu.memory_space<vmem>>, vector<1x16xf32>,
        %get3A_321 = vector.shape_cast %get3A_320 : vector<1x16xf32> to vector<16xf32>
        %max3A_322 = arith.constant 0.000000e+00 : f32
        %max3A_323 = vector.broadcast %max3A_322 : f32 to vector<16xf32>
        %max3A_324 = arith.maximumf %add3A_317, %max3A_323 : vector<16xf32>
        %add3A_325 = arith.addf %get3A_321, %max3A_324 : vector<16xf32>
        %swap3A_326 = arith.index_cast %add3A_198 : i32 to index
        %swap3A_327 = arith.constant 64 : index
        %swap3A_328 = tpu.vector_load %arg13[%swap3A_326, %swap3A_327] {strides = array<i32>} : memref<112x128xf32, #tpu.memory_space<vmem>>, vector<1x16xf32>,
        %swap3A_329 = vector.shape_cast %swap3A_328 : vector<1x16xf32> to vector<16xf32>
        %swap3A_330 = vector.shape_cast %add3A_325 : vector<16xf32> to vector<1x16xf32>
        tpu.vector_store %arg13[%swap3A_326, %swap3A_327], %swap3A_330 {strides = array<i32>} : memref<112x128xf32, #tpu.memory_space<vmem>>, vector<1x16xf32>,
        %get3A_331 = arith.index_cast %add3A_198 : i32 to index
        %get3A_332 = arith.constant 80 : index
        %get3A_333 = tpu.vector_load %arg13[%get3A_331, %get3A_332] {strides = array<i32>} : memref<112x128xf32, #tpu.memory_space<vmem>>, vector<1x16xf32>,
        %get3A_334 = vector.shape_cast %get3A_333 : vector<1x16xf32> to vector<16xf32>
        %get3A_335 = arith.index_cast %add3A_198 : i32 to index
        %get3A_336 = arith.constant 80 : index
        %get3A_337 = tpu.vector_load %arg15[%get3A_335, %get3A_336] {strides = array<i32>} : memref<112x128xf32, #tpu.memory_space<vmem>>, vector<1x16xf32>,
        %get3A_338 = vector.shape_cast %get3A_337 : vector<1x16xf32> to vector<16xf32>
        %add3A_339 = arith.addf %get3A_334, %get3A_338 : vector<16xf32>
        %get3A_340 = arith.index_cast %add3A_198 : i32 to index
        %get3A_341 = arith.constant 80 : index
        %get3A_342 = tpu.vector_load %arg17[%get3A_340, %get3A_341] {strides = array<i32>} : memref<112x128xf32, #tpu.memory_space<vmem>>, vector<1x16xf32>,
        %get3A_343 = vector.shape_cast %get3A_342 : vector<1x16xf32> to vector<16xf32>
        %add3A_344 = arith.addf %add3A_339, %get3A_343 : vector<16xf32>
        %get3A_345 = arith.index_cast %add3A_198 : i32 to index
        %get3A_346 = arith.constant 80 : index
        %get3A_347 = tpu.vector_load %arg19[%get3A_345, %get3A_346] {strides = array<i32>} : memref<112x128xf32, #tpu.memory_space<vmem>>, vector<1x16xf32>,
        %get3A_348 = vector.shape_cast %get3A_347 : vector<1x16xf32> to vector<16xf32>
        %max3A_349 = arith.constant 0.000000e+00 : f32
        %max3A_350 = vector.broadcast %max3A_349 : f32 to vector<16xf32>
        %max3A_351 = arith.maximumf %add3A_344, %max3A_350 : vector<16xf32>
        %add3A_352 = arith.addf %get3A_348, %max3A_351 : vector<16xf32>
        %swap3A_353 = arith.index_cast %add3A_198 : i32 to index
        %swap3A_354 = arith.constant 80 : index
        %swap3A_355 = tpu.vector_load %arg13[%swap3A_353, %swap3A_354] {strides = array<i32>} : memref<112x128xf32, #tpu.memory_space<vmem>>, vector<1x16xf32>,
        %swap3A_356 = vector.shape_cast %swap3A_355 : vector<1x16xf32> to vector<16xf32>
        %swap3A_357 = vector.shape_cast %add3A_352 : vector<16xf32> to vector<1x16xf32>
        tpu.vector_store %arg13[%swap3A_353, %swap3A_354], %swap3A_357 {strides = array<i32>} : memref<112x128xf32, #tpu.memory_space<vmem>>, vector<1x16xf32>,
        %get3A_358 = arith.index_cast %add3A_198 : i32 to index
        %get3A_359 = arith.constant 96 : index
        %get3A_360 = tpu.vector_load %arg13[%get3A_358, %get3A_359] {strides = array<i32>} : memref<112x128xf32, #tpu.memory_space<vmem>>, vector<1x16xf32>,
        %get3A_361 = vector.shape_cast %get3A_360 : vector<1x16xf32> to vector<16xf32>
        %get3A_362 = arith.index_cast %add3A_198 : i32 to index
        %get3A_363 = arith.constant 96 : index
        %get3A_364 = tpu.vector_load %arg15[%get3A_362, %get3A_363] {strides = array<i32>} : memref<112x128xf32, #tpu.memory_space<vmem>>, vector<1x16xf32>,
        %get3A_365 = vector.shape_cast %get3A_364 : vector<1x16xf32> to vector<16xf32>
        %add3A_366 = arith.addf %get3A_361, %get3A_365 : vector<16xf32>
        %get3A_367 = arith.index_cast %add3A_198 : i32 to index
        %get3A_368 = arith.constant 96 : index
        %get3A_369 = tpu.vector_load %arg17[%get3A_367, %get3A_368] {strides = array<i32>} : memref<112x128xf32, #tpu.memory_space<vmem>>, vector<1x16xf32>,
        %get3A_370 = vector.shape_cast %get3A_369 : vector<1x16xf32> to vector<16xf32>
        %add3A_371 = arith.addf %add3A_366, %get3A_370 : vector<16xf32>
        %get3A_372 = arith.index_cast %add3A_198 : i32 to index
        %get3A_373 = arith.constant 96 : index
        %get3A_374 = tpu.vector_load %arg19[%get3A_372, %get3A_373] {strides = array<i32>} : memref<112x128xf32, #tpu.memory_space<vmem>>, vector<1x16xf32>,
        %get3A_375 = vector.shape_cast %get3A_374 : vector<1x16xf32> to vector<16xf32>
        %max3A_376 = arith.constant 0.000000e+00 : f32
        %max3A_377 = vector.broadcast %max3A_376 : f32 to vector<16xf32>
        %max3A_378 = arith.maximumf %add3A_371, %max3A_377 : vector<16xf32>
        %add3A_379 = arith.addf %get3A_375, %max3A_378 : vector<16xf32>
        %swap3A_380 = arith.index_cast %add3A_198 : i32 to index
        %swap3A_381 = arith.constant 96 : index
        %swap3A_382 = tpu.vector_load %arg13[%swap3A_380, %swap3A_381] {strides = array<i32>} : memref<112x128xf32, #tpu.memory_space<vmem>>, vector<1x16xf32>,
        %swap3A_383 = vector.shape_cast %swap3A_382 : vector<1x16xf32> to vector<16xf32>
        %swap3A_384 = vector.shape_cast %add3A_379 : vector<16xf32> to vector<1x16xf32>
        tpu.vector_store %arg13[%swap3A_380, %swap3A_381], %swap3A_384 {strides = array<i32>} : memref<112x128xf32, #tpu.memory_space<vmem>>, vector<1x16xf32>,
        %get3A_385 = arith.index_cast %add3A_198 : i32 to index
        %get3A_386 = arith.constant 112 : index
        %get3A_387 = tpu.vector_load %arg13[%get3A_385, %get3A_386] {strides = array<i32>} : memref<112x128xf32, #tpu.memory_space<vmem>>, vector<1x16xf32>,
        %get3A_388 = vector.shape_cast %get3A_387 : vector<1x16xf32> to vector<16xf32>
        %get3A_389 = arith.index_cast %add3A_198 : i32 to index
        %get3A_390 = arith.constant 112 : index
        %get3A_391 = tpu.vector_load %arg15[%get3A_389, %get3A_390] {strides = array<i32>} : memref<112x128xf32, #tpu.memory_space<vmem>>, vector<1x16xf32>,
        %get3A_392 = vector.shape_cast %get3A_391 : vector<1x16xf32> to vector<16xf32>
        %add3A_393 = arith.addf %get3A_388, %get3A_392 : vector<16xf32>
        %get3A_394 = arith.index_cast %add3A_198 : i32 to index
        %get3A_395 = arith.constant 112 : index
        %get3A_396 = tpu.vector_load %arg17[%get3A_394, %get3A_395] {strides = array<i32>} : memref<112x128xf32, #tpu.memory_space<vmem>>, vector<1x16xf32>,
        %get3A_397 = vector.shape_cast %get3A_396 : vector<1x16xf32> to vector<16xf32>
        %add3A_398 = arith.addf %add3A_393, %get3A_397 : vector<16xf32>
        %get3A_399 = arith.index_cast %add3A_198 : i32 to index
        %get3A_400 = arith.constant 112 : index
        %get3A_401 = tpu.vector_load %arg19[%get3A_399, %get3A_400] {strides = array<i32>} : memref<112x128xf32, #tpu.memory_space<vmem>>, vector<1x16xf32>,
        %get3A_402 = vector.shape_cast %get3A_401 : vector<1x16xf32> to vector<16xf32>
        %max3A_403 = arith.constant 0.000000e+00 : f32
        %max3A_404 = vector.broadcast %max3A_403 : f32 to vector<16xf32>
        %max3A_405 = arith.maximumf %add3A_398, %max3A_404 : vector<16xf32>
        %add3A_406 = arith.addf %get3A_402, %max3A_405 : vector<16xf32>
        %swap3A_407 = arith.index_cast %add3A_198 : i32 to index
        %swap3A_408 = arith.constant 112 : index
        %swap3A_409 = tpu.vector_load %arg13[%swap3A_407, %swap3A_408] {strides = array<i32>} : memref<112x128xf32, #tpu.memory_space<vmem>>, vector<1x16xf32>,
        %swap3A_410 = vector.shape_cast %swap3A_409 : vector<1x16xf32> to vector<16xf32>
        %swap3A_411 = vector.shape_cast %add3A_406 : vector<16xf32> to vector<1x16xf32>
        tpu.vector_store %arg13[%swap3A_407, %swap3A_408], %swap3A_411 {strides = array<i32>} : memref<112x128xf32, #tpu.memory_space<vmem>>, vector<1x16xf32>,
      }
      %scan3A_193 = arith.constant 96 : i32
      "tpu.region"() ({
        %run_scoped3A = tpu.sem_alloc : memref<!tpu.dma_semaphore, #tpu.memory_space<semaphore_mem>>
        %dma_start3A_194 = arith.constant 0 : i32
        %dma_start3A_195 = arith.constant 0 : i32
        %dma_start3A_196 = tpu.memref_slice %arg13[%dma_start3A_194, %dma_start3A_195] : memref<112x128xf32, #tpu.memory_space<vmem>> -> memref<96x128xf32, #tpu.memory_space<vmem>>
        %dma_start3A_197 = arith.constant 99904 : i32
        %dma_start3A_198 = arith.constant 0 : i32
        %dma_start3A_199 = tpu.memref_slice %arg8[%dma_start3A_197, %dma_start3A_198] : memref<100000x128xf32, #tpu.memory_space<hbm>> -> memref<96x128xf32, #tpu.memory_space<hbm>>
        %dma_start3A_200 = arith.constant 99904 : i32
        %dma_start3A_201 = arith.constant 0 : i32
        %dma_start3A_202 = tpu.memref_slice %arg8[%dma_start3A_200, %dma_start3A_201] : memref<100000x128xf32, #tpu.memory_space<hbm>> -> memref<96x128xf32, #tpu.memory_space<hbm>>
        %dma_start3A_203 = arith.constant 0 : i32
        %dma_start3A_204 = arith.constant 0 : i32
        %dma_start3A_205 = tpu.memref_slice %arg13[%dma_start3A_203, %dma_start3A_204] : memref<112x128xf32, #tpu.memory_space<vmem>> -> memref<96x128xf32, #tpu.memory_space<vmem>>
        tpu.enqueue_dma source(%dma_start3A_205 : memref<96x128xf32, #tpu.memory_space<vmem>>) target(%dma_start3A_202 : memref<96x128xf32, #tpu.memory_space<hbm>>) target_semaphore(%run_scoped3A : memref<!tpu.dma_semaphore, #tpu.memory_space<semaphore_mem>>)
        %dma_wait3A_206 = arith.constant 0 : i32
        %dma_wait3A_207 = arith.constant 0 : i32
        %dma_wait3A_208 = tpu.memref_slice %arg13[%dma_wait3A_206, %dma_wait3A_207] : memref<112x128xf32, #tpu.memory_space<vmem>> -> memref<96x128xf32, #tpu.memory_space<vmem>>
        %dma_wait3A_209 = arith.constant 99904 : i32
        %dma_wait3A_210 = arith.constant 0 : i32
        %dma_wait3A_211 = tpu.memref_slice %arg8[%dma_wait3A_209, %dma_wait3A_210] : memref<100000x128xf32, #tpu.memory_space<hbm>> -> memref<96x128xf32, #tpu.memory_space<hbm>>
        %dma_wait3A_212 = arith.constant 99904 : i32
        %dma_wait3A_213 = arith.constant 0 : i32
        %dma_wait3A_214 = tpu.memref_slice %arg8[%dma_wait3A_212, %dma_wait3A_213] : memref<100000x128xf32, #tpu.memory_space<hbm>> -> memref<96x128xf32, #tpu.memory_space<hbm>>
        %dma_wait3A_215 = arith.constant 0 : i32
        %dma_wait3A_216 = arith.constant 0 : i32
        %dma_wait3A_217 = tpu.memref_slice %arg13[%dma_wait3A_215, %dma_wait3A_216] : memref<112x128xf32, #tpu.memory_space<vmem>> -> memref<96x128xf32, #tpu.memory_space<vmem>>
        tpu.wait_dma2 semaphore(%run_scoped3A : memref<!tpu.dma_semaphore, #tpu.memory_space<semaphore_mem>>) src(%dma_wait3A_217 : memref<96x128xf32, #tpu.memory_space<vmem>>) dst(%dma_wait3A_214 : memref<96x128xf32, #tpu.memory_space<hbm>>)
        tpu.yield
      }) : () -> ()
    } else {
    }
    return
  }
}

module attributes {stable_mosaic.version = 14 : i64} {
  func.func @body(%arg0: i32, %arg1: memref<2000x128xf32, #tpu.memory_space<vmem>>, %arg2: memref<128x128xf32, #tpu.memory_space<vmem>>, %arg3: memref<128x128xf32, #tpu.memory_space<vmem>>, %arg4: memref<2000x128xf32, #tpu.memory_space<vmem>>, %arg5: memref<2000x128xf32, #tpu.memory_space<vmem>>) attributes {dimension_semantics = [#tpu.dimension_semantics<parallel>], iteration_bounds = array<i64: 50>, scalar_prefetch = 0 : i64, scratch_operands = 0 : i64, tpu.core_type = #tpu.core_type<tc>, window_params = [{transform_indices = @transform_0, window_bounds = array<i64: 2000, 128>}, {pipeline_mode = #tpu.pipeline_mode<synchronous>, transform_indices = @transform_1, window_bounds = array<i64: 128, 128>}, {pipeline_mode = #tpu.pipeline_mode<synchronous>, transform_indices = @transform_2, window_bounds = array<i64: 128, 128>}, {transform_indices = @transform_3, window_bounds = array<i64: 2000, 128>}, {transform_indices = @transform_4, window_bounds = array<i64: 2000, 128>}]} {
    %get3A = arith.constant 0 : index
    %get3A_0 = arith.constant 0 : index
    %get3A_1 = vector.load %arg1[%get3A, %get3A_0] : memref<2000x128xf32, #tpu.memory_space<vmem>>, vector<2000x128xf32>
    %convert_element_type3A = arith.truncf %get3A_1 : vector<2000x128xf32> to vector<2000x128xbf16>
    %get3A_2 = arith.constant 0 : index
    %get3A_3 = arith.constant 0 : index
    %get3A_4 = vector.load %arg2[%get3A_2, %get3A_3] : memref<128x128xf32, #tpu.memory_space<vmem>>, vector<128x128xf32>
    %convert_element_type3A_5 = arith.truncf %get3A_4 : vector<128x128xf32> to vector<128x128xbf16>
    %dot_general3A = arith.constant dense<0.000000e+00> : vector<2000x128xf32>
    %dot_general3A_6 = tpu.matmul %convert_element_type3A, %convert_element_type3A_5, %dot_general3A {dimension_numbers = #tpu.dot_dimension_numbers<[1], [0], [0], [1], [0, 0, 1, 1], [], []>, transpose_lhs_hint = false} : vector<2000x128xbf16>, vector<128x128xbf16>, vector<2000x128xf32> -> vector<2000x128xf32>
    %swap3A = arith.constant 0 : index
    %swap3A_7 = arith.constant 0 : index
    %swap3A_8 = vector.load %arg4[%swap3A, %swap3A_7] : memref<2000x128xf32, #tpu.memory_space<vmem>>, vector<2000x128xf32>
    tpu.vector_store %arg4[%swap3A, %swap3A_7], %dot_general3A_6 {strides = array<i32>} : memref<2000x128xf32, #tpu.memory_space<vmem>>, vector<2000x128xf32>,
    %get3A_9 = arith.constant 0 : index
    %get3A_10 = arith.constant 0 : index
    %get3A_11 = vector.load %arg3[%get3A_9, %get3A_10] : memref<128x128xf32, #tpu.memory_space<vmem>>, vector<128x128xf32>
    %convert_element_type3A_12 = arith.truncf %get3A_11 : vector<128x128xf32> to vector<128x128xbf16>
    %dot_general3A_13 = arith.constant dense<0.000000e+00> : vector<2000x128xf32>
    %dot_general3A_14 = tpu.matmul %convert_element_type3A, %convert_element_type3A_12, %dot_general3A_13 {dimension_numbers = #tpu.dot_dimension_numbers<[1], [0], [0], [1], [0, 0, 1, 1], [], []>, transpose_lhs_hint = false} : vector<2000x128xbf16>, vector<128x128xbf16>, vector<2000x128xf32> -> vector<2000x128xf32>
    %swap3A_15 = arith.constant 0 : index
    %swap3A_16 = arith.constant 0 : index
    %swap3A_17 = vector.load %arg5[%swap3A_15, %swap3A_16] : memref<2000x128xf32, #tpu.memory_space<vmem>>, vector<2000x128xf32>
    tpu.vector_store %arg5[%swap3A_15, %swap3A_16], %dot_general3A_14 {strides = array<i32>} : memref<2000x128xf32, #tpu.memory_space<vmem>>, vector<2000x128xf32>,
    return
  }
  func.func @transform_0(%arg0: i32) -> (i32, i32) {
    %c0_i32 = arith.constant 0 : i32
    %c0_i32_0 = arith.constant 0 : i32
    return %arg0, %c0_i32 : i32, i32
  }
  func.func @transform_1(%arg0: i32) -> (i32, i32) {
    %c0_i32 = arith.constant 0 : i32
    %c0_i32_0 = arith.constant 0 : i32
    %c0_i32_1 = arith.constant 0 : i32
    return %c0_i32, %c0_i32_0 : i32, i32
  }
  func.func @transform_2(%arg0: i32) -> (i32, i32) {
    %c0_i32 = arith.constant 0 : i32
    %c0_i32_0 = arith.constant 0 : i32
    %c0_i32_1 = arith.constant 0 : i32
    return %c0_i32, %c0_i32_0 : i32, i32
  }
  func.func @transform_3(%arg0: i32) -> (i32, i32) {
    %c0_i32 = arith.constant 0 : i32
    %c0_i32_0 = arith.constant 0 : i32
    return %arg0, %c0_i32 : i32, i32
  }
  func.func @transform_4(%arg0: i32) -> (i32, i32) {
    %c0_i32 = arith.constant 0 : i32
    %c0_i32_0 = arith.constant 0 : i32
    return %arg0, %c0_i32 : i32, i32
  }
}

module attributes {stable_mosaic.version = 14 : i64} {
  func.func @body(%arg0: i32, %arg1: memref<2000x128xf32, #tpu.memory_space<vmem>>, %arg2: memref<2000x16xf32, #tpu.memory_space<vmem>>, %arg3: memref<128x128xf32, #tpu.memory_space<vmem>>, %arg4: memref<1x128xf32, #tpu.memory_space<vmem>>, %arg5: memref<128x128xf32, #tpu.memory_space<vmem>>, %arg6: memref<128x128xf32, #tpu.memory_space<vmem>>, %arg7: memref<3x128x128xf32, #tpu.memory_space<vmem>>, %arg8: memref<16x128xf32, #tpu.memory_space<vmem>>, %arg9: memref<1x128xf32, #tpu.memory_space<vmem>>, %arg10: memref<3x1x128xf32, #tpu.memory_space<vmem>>, %arg11: memref<2000x128xf32, #tpu.memory_space<vmem>>, %arg12: memref<2000x128xf32, #tpu.memory_space<vmem>>, %arg13: memref<2000x128xf32, #tpu.memory_space<vmem>>, %arg14: memref<2000x128xf32, #tpu.memory_space<vmem>>, %arg15: memref<2000x128xf32, #tpu.memory_space<vmem>>, %arg16: memref<2000x128xf32, #tpu.memory_space<vmem>>) attributes {dimension_semantics = [#tpu.dimension_semantics<parallel>], iteration_bounds = array<i64: 50>, scalar_prefetch = 0 : i64, scratch_operands = 0 : i64, tpu.core_type = #tpu.core_type<tc>, window_params = [{transform_indices = @transform_0, window_bounds = array<i64: 2000, 128>}, {transform_indices = @transform_1, window_bounds = array<i64: 2000, 16>}, {pipeline_mode = #tpu.pipeline_mode<synchronous>, transform_indices = @transform_2, window_bounds = array<i64: 128, 128>}, {pipeline_mode = #tpu.pipeline_mode<synchronous>, transform_indices = @transform_3, window_bounds = array<i64: 1, 128>}, {pipeline_mode = #tpu.pipeline_mode<synchronous>, transform_indices = @transform_4, window_bounds = array<i64: 128, 128>}, {pipeline_mode = #tpu.pipeline_mode<synchronous>, transform_indices = @transform_5, window_bounds = array<i64: 128, 128>}, {pipeline_mode = #tpu.pipeline_mode<synchronous>, transform_indices = @transform_6, window_bounds = array<i64: 3, 128, 128>}, {pipeline_mode = #tpu.pipeline_mode<synchronous>, transform_indices = @transform_7, window_bounds = array<i64: 16, 128>}, {pipeline_mode = #tpu.pipeline_mode<synchronous>, transform_indices = @transform_8, window_bounds = array<i64: 1, 128>}, {pipeline_mode = #tpu.pipeline_mode<synchronous>, transform_indices = @transform_9, window_bounds = array<i64: 3, 1, 128>}, {transform_indices = @transform_10, window_bounds = array<i64: 2000, 128>}, {transform_indices = @transform_11, window_bounds = array<i64: 2000, 128>}, {transform_indices = @transform_12, window_bounds = array<i64: 2000, 128>}, {transform_indices = @transform_13, window_bounds = array<i64: 2000, 128>}, {transform_indices = @transform_14, window_bounds = array<i64: 2000, 128>}, {transform_indices = @transform_15, window_bounds = array<i64: 2000, 128>}]} {
    %get3A = arith.constant 0 : index
    %get3A_0 = arith.constant 0 : index
    %get3A_1 = vector.load %arg1[%get3A, %get3A_0] : memref<2000x128xf32, #tpu.memory_space<vmem>>, vector<2000x128xf32>
    %convert_element_type3A = arith.truncf %get3A_1 : vector<2000x128xf32> to vector<2000x128xbf16>
    %get3A_2 = arith.constant 0 : index
    %get3A_3 = arith.constant 0 : index
    %get3A_4 = vector.load %arg3[%get3A_2, %get3A_3] : memref<128x128xf32, #tpu.memory_space<vmem>>, vector<128x128xf32>
    %convert_element_type3A_5 = arith.truncf %get3A_4 : vector<128x128xf32> to vector<128x128xbf16>
    %dot_general3A = arith.constant dense<0.000000e+00> : vector<2000x128xf32>
    %dot_general3A_6 = tpu.matmul %convert_element_type3A, %convert_element_type3A_5, %dot_general3A {dimension_numbers = #tpu.dot_dimension_numbers<[1], [0], [0], [1], [0, 0, 1, 1], [], []>, transpose_lhs_hint = false} : vector<2000x128xbf16>, vector<128x128xbf16>, vector<2000x128xf32> -> vector<2000x128xf32>
    %get3A_7 = arith.constant 0 : index
    %get3A_8 = arith.constant 0 : index
    %get3A_9 = vector.load %arg4[%get3A_7, %get3A_8] : memref<1x128xf32, #tpu.memory_space<vmem>>, vector<1x128xf32>
    %add3A = vector.broadcast %get3A_9 : vector<1x128xf32> to vector<2000x128xf32>
    %add3A_10 = arith.addf %dot_general3A_6, %add3A : vector<2000x128xf32>
    %convert_element_type3A_11 = arith.truncf %add3A_10 : vector<2000x128xf32> to vector<2000x128xbf16>
    %swap3A = arith.constant 0 : index
    %swap3A_12 = arith.constant 0 : index
    %swap3A_13 = vector.load %arg11[%swap3A, %swap3A_12] : memref<2000x128xf32, #tpu.memory_space<vmem>>, vector<2000x128xf32>
    tpu.vector_store %arg11[%swap3A, %swap3A_12], %add3A_10 {strides = array<i32>} : memref<2000x128xf32, #tpu.memory_space<vmem>>, vector<2000x128xf32>,
    %get3A_14 = arith.constant 0 : index
    %get3A_15 = arith.constant 0 : index
    %get3A_16 = vector.load %arg5[%get3A_14, %get3A_15] : memref<128x128xf32, #tpu.memory_space<vmem>>, vector<128x128xf32>
    %convert_element_type3A_17 = arith.truncf %get3A_16 : vector<128x128xf32> to vector<128x128xbf16>
    %dot_general3A_18 = arith.constant dense<0.000000e+00> : vector<2000x128xf32>
    %dot_general3A_19 = tpu.matmul %convert_element_type3A_11, %convert_element_type3A_17, %dot_general3A_18 {dimension_numbers = #tpu.dot_dimension_numbers<[1], [0], [0], [1], [0, 0, 1, 1], [], []>, transpose_lhs_hint = false} : vector<2000x128xbf16>, vector<128x128xbf16>, vector<2000x128xf32> -> vector<2000x128xf32>
    %swap3A_20 = arith.constant 0 : index
    %swap3A_21 = arith.constant 0 : index
    %swap3A_22 = vector.load %arg12[%swap3A_20, %swap3A_21] : memref<2000x128xf32, #tpu.memory_space<vmem>>, vector<2000x128xf32>
    tpu.vector_store %arg12[%swap3A_20, %swap3A_21], %dot_general3A_19 {strides = array<i32>} : memref<2000x128xf32, #tpu.memory_space<vmem>>, vector<2000x128xf32>,
    %get3A_23 = arith.constant 0 : index
    %get3A_24 = arith.constant 0 : index
    %get3A_25 = vector.load %arg6[%get3A_23, %get3A_24] : memref<128x128xf32, #tpu.memory_space<vmem>>, vector<128x128xf32>
    %convert_element_type3A_26 = arith.truncf %get3A_25 : vector<128x128xf32> to vector<128x128xbf16>
    %dot_general3A_27 = arith.constant dense<0.000000e+00> : vector<2000x128xf32>
    %dot_general3A_28 = tpu.matmul %convert_element_type3A_11, %convert_element_type3A_26, %dot_general3A_27 {dimension_numbers = #tpu.dot_dimension_numbers<[1], [0], [0], [1], [0, 0, 1, 1], [], []>, transpose_lhs_hint = false} : vector<2000x128xbf16>, vector<128x128xbf16>, vector<2000x128xf32> -> vector<2000x128xf32>
    %swap3A_29 = arith.constant 0 : index
    %swap3A_30 = arith.constant 0 : index
    %swap3A_31 = vector.load %arg13[%swap3A_29, %swap3A_30] : memref<2000x128xf32, #tpu.memory_space<vmem>>, vector<2000x128xf32>
    tpu.vector_store %arg13[%swap3A_29, %swap3A_30], %dot_general3A_28 {strides = array<i32>} : memref<2000x128xf32, #tpu.memory_space<vmem>>, vector<2000x128xf32>,
    %get3A_32 = arith.constant 0 : index
    %get3A_33 = arith.constant 0 : index
    %get3A_34 = vector.load %arg2[%get3A_32, %get3A_33] : memref<2000x16xf32, #tpu.memory_space<vmem>>, vector<2000x16xf32>
    %convert_element_type3A_35 = arith.truncf %get3A_34 : vector<2000x16xf32> to vector<2000x16xbf16>
    %get3A_36 = arith.constant 0 : index
    %get3A_37 = arith.constant 0 : index
    %get3A_38 = arith.constant 0 : index
    %get3A_39 = vector.load %arg7[%get3A_36, %get3A_37, %get3A_38] : memref<3x128x128xf32, #tpu.memory_space<vmem>>, vector<1x128x128xf32>
    %get3A_40 = vector.shape_cast %get3A_39 : vector<1x128x128xf32> to vector<128x128xf32>
    %get3A_41 = arith.constant 0 : index
    %get3A_42 = arith.constant 0 : index
    %get3A_43 = vector.load %arg8[%get3A_41, %get3A_42] : memref<16x128xf32, #tpu.memory_space<vmem>>, vector<16x128xf32>
    %dot_general3A_44 = arith.constant dense<0.000000e+00> : vector<16x128xf32>
    %dot_general3A_45 = tpu.matmul %get3A_43, %get3A_40, %dot_general3A_44 {dimension_numbers = #tpu.dot_dimension_numbers<[1], [0], [0], [1], [0, 0, 1, 1], [], []>, transpose_lhs_hint = false} : vector<16x128xf32>, vector<128x128xf32>, vector<16x128xf32> -> vector<16x128xf32>
    %get3A_46 = arith.constant 0 : index
    %get3A_47 = arith.constant 0 : index
    %get3A_48 = vector.load %arg9[%get3A_46, %get3A_47] : memref<1x128xf32, #tpu.memory_space<vmem>>, vector<1x128xf32>
    %dot_general3A_49 = arith.constant dense<0.000000e+00> : vector<1x128xf32>
    %dot_general3A_50 = tpu.matmul %get3A_48, %get3A_40, %dot_general3A_49 {dimension_numbers = #tpu.dot_dimension_numbers<[1], [0], [0], [1], [0, 0, 1, 1], [], []>, transpose_lhs_hint = false} : vector<1x128xf32>, vector<128x128xf32>, vector<1x128xf32> -> vector<1x128xf32>
    %get3A_51 = arith.constant 0 : index
    %get3A_52 = arith.constant 0 : index
    %get3A_53 = arith.constant 0 : index
    %get3A_54 = vector.load %arg10[%get3A_51, %get3A_52, %get3A_53] : memref<3x1x128xf32, #tpu.memory_space<vmem>>, vector<1x1x128xf32>
    %get3A_55 = vector.shape_cast %get3A_54 : vector<1x1x128xf32> to vector<1x128xf32>
    %add3A_56 = arith.addf %dot_general3A_50, %get3A_55 : vector<1x128xf32>
    %convert_element_type3A_57 = arith.truncf %dot_general3A_45 : vector<16x128xf32> to vector<16x128xbf16>
    %dot_general3A_58 = arith.constant dense<0.000000e+00> : vector<2000x128xf32>
    %dot_general3A_59 = tpu.matmul %convert_element_type3A_35, %convert_element_type3A_57, %dot_general3A_58 {dimension_numbers = #tpu.dot_dimension_numbers<[1], [0], [0], [1], [0, 0, 1, 1], [], []>, transpose_lhs_hint = false} : vector<2000x16xbf16>, vector<16x128xbf16>, vector<2000x128xf32> -> vector<2000x128xf32>
    %add3A_60 = vector.broadcast %add3A_56 : vector<1x128xf32> to vector<2000x128xf32>
    %add3A_61 = arith.addf %dot_general3A_59, %add3A_60 : vector<2000x128xf32>
    %swap3A_62 = arith.constant 0 : index
    %swap3A_63 = arith.constant 0 : index
    %swap3A_64 = vector.load %arg14[%swap3A_62, %swap3A_63] : memref<2000x128xf32, #tpu.memory_space<vmem>>, vector<2000x128xf32>
    tpu.vector_store %arg14[%swap3A_62, %swap3A_63], %add3A_61 {strides = array<i32>} : memref<2000x128xf32, #tpu.memory_space<vmem>>, vector<2000x128xf32>,
    %get3A_65 = arith.constant 1 : index
    %get3A_66 = arith.constant 0 : index
    %get3A_67 = arith.constant 0 : index
    %get3A_68 = vector.load %arg7[%get3A_65, %get3A_66, %get3A_67] : memref<3x128x128xf32, #tpu.memory_space<vmem>>, vector<1x128x128xf32>
    %get3A_69 = vector.shape_cast %get3A_68 : vector<1x128x128xf32> to vector<128x128xf32>
    %get3A_70 = arith.constant 0 : index
    %get3A_71 = arith.constant 0 : index
    %get3A_72 = vector.load %arg8[%get3A_70, %get3A_71] : memref<16x128xf32, #tpu.memory_space<vmem>>, vector<16x128xf32>
    %dot_general3A_73 = arith.constant dense<0.000000e+00> : vector<16x128xf32>
    %dot_general3A_74 = tpu.matmul %get3A_72, %get3A_69, %dot_general3A_73 {dimension_numbers = #tpu.dot_dimension_numbers<[1], [0], [0], [1], [0, 0, 1, 1], [], []>, transpose_lhs_hint = false} : vector<16x128xf32>, vector<128x128xf32>, vector<16x128xf32> -> vector<16x128xf32>
    %get3A_75 = arith.constant 0 : index
    %get3A_76 = arith.constant 0 : index
    %get3A_77 = vector.load %arg9[%get3A_75, %get3A_76] : memref<1x128xf32, #tpu.memory_space<vmem>>, vector<1x128xf32>
    %dot_general3A_78 = arith.constant dense<0.000000e+00> : vector<1x128xf32>
    %dot_general3A_79 = tpu.matmul %get3A_77, %get3A_69, %dot_general3A_78 {dimension_numbers = #tpu.dot_dimension_numbers<[1], [0], [0], [1], [0, 0, 1, 1], [], []>, transpose_lhs_hint = false} : vector<1x128xf32>, vector<128x128xf32>, vector<1x128xf32> -> vector<1x128xf32>
    %get3A_80 = arith.constant 1 : index
    %get3A_81 = arith.constant 0 : index
    %get3A_82 = arith.constant 0 : index
    %get3A_83 = vector.load %arg10[%get3A_80, %get3A_81, %get3A_82] : memref<3x1x128xf32, #tpu.memory_space<vmem>>, vector<1x1x128xf32>
    %get3A_84 = vector.shape_cast %get3A_83 : vector<1x1x128xf32> to vector<1x128xf32>
    %add3A_85 = arith.addf %dot_general3A_79, %get3A_84 : vector<1x128xf32>
    %convert_element_type3A_86 = arith.truncf %dot_general3A_74 : vector<16x128xf32> to vector<16x128xbf16>
    %dot_general3A_87 = arith.constant dense<0.000000e+00> : vector<2000x128xf32>
    %dot_general3A_88 = tpu.matmul %convert_element_type3A_35, %convert_element_type3A_86, %dot_general3A_87 {dimension_numbers = #tpu.dot_dimension_numbers<[1], [0], [0], [1], [0, 0, 1, 1], [], []>, transpose_lhs_hint = false} : vector<2000x16xbf16>, vector<16x128xbf16>, vector<2000x128xf32> -> vector<2000x128xf32>
    %add3A_89 = vector.broadcast %add3A_85 : vector<1x128xf32> to vector<2000x128xf32>
    %add3A_90 = arith.addf %dot_general3A_88, %add3A_89 : vector<2000x128xf32>
    %swap3A_91 = arith.constant 0 : index
    %swap3A_92 = arith.constant 0 : index
    %swap3A_93 = vector.load %arg15[%swap3A_91, %swap3A_92] : memref<2000x128xf32, #tpu.memory_space<vmem>>, vector<2000x128xf32>
    tpu.vector_store %arg15[%swap3A_91, %swap3A_92], %add3A_90 {strides = array<i32>} : memref<2000x128xf32, #tpu.memory_space<vmem>>, vector<2000x128xf32>,
    %get3A_94 = arith.constant 2 : index
    %get3A_95 = arith.constant 0 : index
    %get3A_96 = arith.constant 0 : index
    %get3A_97 = vector.load %arg7[%get3A_94, %get3A_95, %get3A_96] : memref<3x128x128xf32, #tpu.memory_space<vmem>>, vector<1x128x128xf32>
    %get3A_98 = vector.shape_cast %get3A_97 : vector<1x128x128xf32> to vector<128x128xf32>
    %get3A_99 = arith.constant 0 : index
    %get3A_100 = arith.constant 0 : index
    %get3A_101 = vector.load %arg8[%get3A_99, %get3A_100] : memref<16x128xf32, #tpu.memory_space<vmem>>, vector<16x128xf32>
    %dot_general3A_102 = arith.constant dense<0.000000e+00> : vector<16x128xf32>
    %dot_general3A_103 = tpu.matmul %get3A_101, %get3A_98, %dot_general3A_102 {dimension_numbers = #tpu.dot_dimension_numbers<[1], [0], [0], [1], [0, 0, 1, 1], [], []>, transpose_lhs_hint = false} : vector<16x128xf32>, vector<128x128xf32>, vector<16x128xf32> -> vector<16x128xf32>
    %get3A_104 = arith.constant 0 : index
    %get3A_105 = arith.constant 0 : index
    %get3A_106 = vector.load %arg9[%get3A_104, %get3A_105] : memref<1x128xf32, #tpu.memory_space<vmem>>, vector<1x128xf32>
    %dot_general3A_107 = arith.constant dense<0.000000e+00> : vector<1x128xf32>
    %dot_general3A_108 = tpu.matmul %get3A_106, %get3A_98, %dot_general3A_107 {dimension_numbers = #tpu.dot_dimension_numbers<[1], [0], [0], [1], [0, 0, 1, 1], [], []>, transpose_lhs_hint = false} : vector<1x128xf32>, vector<128x128xf32>, vector<1x128xf32> -> vector<1x128xf32>
    %get3A_109 = arith.constant 2 : index
    %get3A_110 = arith.constant 0 : index
    %get3A_111 = arith.constant 0 : index
    %get3A_112 = vector.load %arg10[%get3A_109, %get3A_110, %get3A_111] : memref<3x1x128xf32, #tpu.memory_space<vmem>>, vector<1x1x128xf32>
    %get3A_113 = vector.shape_cast %get3A_112 : vector<1x1x128xf32> to vector<1x128xf32>
    %add3A_114 = arith.addf %dot_general3A_108, %get3A_113 : vector<1x128xf32>
    %convert_element_type3A_115 = arith.truncf %dot_general3A_103 : vector<16x128xf32> to vector<16x128xbf16>
    %dot_general3A_116 = arith.constant dense<0.000000e+00> : vector<2000x128xf32>
    %dot_general3A_117 = tpu.matmul %convert_element_type3A_35, %convert_element_type3A_115, %dot_general3A_116 {dimension_numbers = #tpu.dot_dimension_numbers<[1], [0], [0], [1], [0, 0, 1, 1], [], []>, transpose_lhs_hint = false} : vector<2000x16xbf16>, vector<16x128xbf16>, vector<2000x128xf32> -> vector<2000x128xf32>
    %add3A_118 = vector.broadcast %add3A_114 : vector<1x128xf32> to vector<2000x128xf32>
    %add3A_119 = arith.addf %dot_general3A_117, %add3A_118 : vector<2000x128xf32>
    %swap3A_120 = arith.constant 0 : index
    %swap3A_121 = arith.constant 0 : index
    %swap3A_122 = vector.load %arg16[%swap3A_120, %swap3A_121] : memref<2000x128xf32, #tpu.memory_space<vmem>>, vector<2000x128xf32>
    tpu.vector_store %arg16[%swap3A_120, %swap3A_121], %add3A_119 {strides = array<i32>} : memref<2000x128xf32, #tpu.memory_space<vmem>>, vector<2000x128xf32>,
    return
  }
  func.func @transform_0(%arg0: i32) -> (i32, i32) {
    %c0_i32 = arith.constant 0 : i32
    %c0_i32_0 = arith.constant 0 : i32
    return %arg0, %c0_i32 : i32, i32
  }
  func.func @transform_1(%arg0: i32) -> (i32, i32) {
    %c0_i32 = arith.constant 0 : i32
    %c0_i32_0 = arith.constant 0 : i32
    return %arg0, %c0_i32 : i32, i32
  }
  func.func @transform_2(%arg0: i32) -> (i32, i32) {
    %c0_i32 = arith.constant 0 : i32
    %c0_i32_0 = arith.constant 0 : i32
    %c0_i32_1 = arith.constant 0 : i32
    return %c0_i32, %c0_i32_0 : i32, i32
  }
  func.func @transform_3(%arg0: i32) -> (i32, i32) {
    %c0_i32 = arith.constant 0 : i32
    %c0_i32_0 = arith.constant 0 : i32
    %c0_i32_1 = arith.constant 0 : i32
    return %c0_i32, %c0_i32_0 : i32, i32
  }
  func.func @transform_4(%arg0: i32) -> (i32, i32) {
    %c0_i32 = arith.constant 0 : i32
    %c0_i32_0 = arith.constant 0 : i32
    %c0_i32_1 = arith.constant 0 : i32
    return %c0_i32, %c0_i32_0 : i32, i32
  }
  func.func @transform_5(%arg0: i32) -> (i32, i32) {
    %c0_i32 = arith.constant 0 : i32
    %c0_i32_0 = arith.constant 0 : i32
    %c0_i32_1 = arith.constant 0 : i32
    return %c0_i32, %c0_i32_0 : i32, i32
  }
  func.func @transform_6(%arg0: i32) -> (i32, i32, i32) {
    %c0_i32 = arith.constant 0 : i32
    %c0_i32_0 = arith.constant 0 : i32
    %c0_i32_1 = arith.constant 0 : i32
    %c0_i32_2 = arith.constant 0 : i32
    return %c0_i32, %c0_i32_0, %c0_i32_1 : i32, i32, i32
  }
  func.func @transform_7(%arg0: i32) -> (i32, i32) {
    %c0_i32 = arith.constant 0 : i32
    %c0_i32_0 = arith.constant 0 : i32
    %c0_i32_1 = arith.constant 0 : i32
    return %c0_i32, %c0_i32_0 : i32, i32
  }
  func.func @transform_8(%arg0: i32) -> (i32, i32) {
    %c0_i32 = arith.constant 0 : i32
    %c0_i32_0 = arith.constant 0 : i32
    %c0_i32_1 = arith.constant 0 : i32
    return %c0_i32, %c0_i32_0 : i32, i32
  }
  func.func @transform_9(%arg0: i32) -> (i32, i32, i32) {
    %c0_i32 = arith.constant 0 : i32
    %c0_i32_0 = arith.constant 0 : i32
    %c0_i32_1 = arith.constant 0 : i32
    %c0_i32_2 = arith.constant 0 : i32
    return %c0_i32, %c0_i32_0, %c0_i32_1 : i32, i32, i32
  }
  func.func @transform_10(%arg0: i32) -> (i32, i32) {
    %c0_i32 = arith.constant 0 : i32
    %c0_i32_0 = arith.constant 0 : i32
    return %arg0, %c0_i32 : i32, i32
  }
  func.func @transform_11(%arg0: i32) -> (i32, i32) {
    %c0_i32 = arith.constant 0 : i32
    %c0_i32_0 = arith.constant 0 : i32
    return %arg0, %c0_i32 : i32, i32
  }
  func.func @transform_12(%arg0: i32) -> (i32, i32) {
    %c0_i32 = arith.constant 0 : i32
    %c0_i32_0 = arith.constant 0 : i32
    return %arg0, %c0_i32 : i32, i32
  }
  func.func @transform_13(%arg0: i32) -> (i32, i32) {
    %c0_i32 = arith.constant 0 : i32
    %c0_i32_0 = arith.constant 0 : i32
    return %arg0, %c0_i32 : i32, i32
  }
  func.func @transform_14(%arg0: i32) -> (i32, i32) {
    %c0_i32 = arith.constant 0 : i32
    %c0_i32_0 = arith.constant 0 : i32
    return %arg0, %c0_i32 : i32, i32
  }
  func.func @transform_15(%arg0: i32) -> (i32, i32) {
    %c0_i32 = arith.constant 0 : i32
    %c0_i32_0 = arith.constant 0 : i32
    return %arg0, %c0_i32 : i32, i32
  }
}

module attributes {stable_mosaic.version = 14 : i64} {
  func.func @body(%arg0: i32, %arg1: memref<2000x128xf32, #tpu.memory_space<vmem>>, %arg2: memref<128x128xf32, #tpu.memory_space<vmem>>, %arg3: memref<1x128xf32, #tpu.memory_space<vmem>>, %arg4: memref<128x64xf32, #tpu.memory_space<vmem>>, %arg5: memref<1x64xf32, #tpu.memory_space<vmem>>, %arg6: memref<1x64xf32, #tpu.memory_space<vmem>>, %arg7: memref<1x1xf32, #tpu.memory_space<vmem>>, %arg8: memref<128x128xf32, #tpu.memory_space<vmem>>, %arg9: memref<1x128xf32, #tpu.memory_space<vmem>>, %arg10: memref<2000x1xf32, #tpu.memory_space<vmem>>, %arg11: memref<2000x128xf32, #tpu.memory_space<vmem>>) attributes {dimension_semantics = [#tpu.dimension_semantics<parallel>], iteration_bounds = array<i64: 50>, scalar_prefetch = 0 : i64, scratch_operands = 0 : i64, tpu.core_type = #tpu.core_type<tc>, window_params = [{transform_indices = @transform_0, window_bounds = array<i64: 2000, 128>}, {pipeline_mode = #tpu.pipeline_mode<synchronous>, transform_indices = @transform_1, window_bounds = array<i64: 128, 128>}, {pipeline_mode = #tpu.pipeline_mode<synchronous>, transform_indices = @transform_2, window_bounds = array<i64: 1, 128>}, {pipeline_mode = #tpu.pipeline_mode<synchronous>, transform_indices = @transform_3, window_bounds = array<i64: 128, 64>}, {pipeline_mode = #tpu.pipeline_mode<synchronous>, transform_indices = @transform_4, window_bounds = array<i64: 1, 64>}, {pipeline_mode = #tpu.pipeline_mode<synchronous>, transform_indices = @transform_5, window_bounds = array<i64: 1, 64>}, {pipeline_mode = #tpu.pipeline_mode<synchronous>, transform_indices = @transform_6, window_bounds = array<i64: 1, 1>}, {pipeline_mode = #tpu.pipeline_mode<synchronous>, transform_indices = @transform_7, window_bounds = array<i64: 128, 128>}, {pipeline_mode = #tpu.pipeline_mode<synchronous>, transform_indices = @transform_8, window_bounds = array<i64: 1, 128>}, {transform_indices = @transform_9, window_bounds = array<i64: 2000, 1>}, {transform_indices = @transform_10, window_bounds = array<i64: 2000, 128>}]} {
    %get3A = arith.constant 0 : index
    %get3A_0 = arith.constant 0 : index
    %get3A_1 = vector.load %arg1[%get3A, %get3A_0] : memref<2000x128xf32, #tpu.memory_space<vmem>>, vector<2000x128xf32>
    %convert_element_type3A = arith.truncf %get3A_1 : vector<2000x128xf32> to vector<2000x128xbf16>
    %get3A_2 = arith.constant 0 : index
    %get3A_3 = arith.constant 0 : index
    %get3A_4 = vector.load %arg2[%get3A_2, %get3A_3] : memref<128x128xf32, #tpu.memory_space<vmem>>, vector<128x128xf32>
    %convert_element_type3A_5 = arith.truncf %get3A_4 : vector<128x128xf32> to vector<128x128xbf16>
    %dot_general3A = arith.constant dense<0.000000e+00> : vector<2000x128xf32>
    %dot_general3A_6 = tpu.matmul %convert_element_type3A, %convert_element_type3A_5, %dot_general3A {dimension_numbers = #tpu.dot_dimension_numbers<[1], [0], [0], [1], [0, 0, 1, 1], [], []>, transpose_lhs_hint = false} : vector<2000x128xbf16>, vector<128x128xbf16>, vector<2000x128xf32> -> vector<2000x128xf32>
    %get3A_7 = arith.constant 0 : index
    %get3A_8 = arith.constant 0 : index
    %get3A_9 = vector.load %arg3[%get3A_7, %get3A_8] : memref<1x128xf32, #tpu.memory_space<vmem>>, vector<1x128xf32>
    %add3A = vector.broadcast %get3A_9 : vector<1x128xf32> to vector<2000x128xf32>
    %add3A_10 = arith.addf %dot_general3A_6, %add3A : vector<2000x128xf32>
    %max3A = arith.constant 0.000000e+00 : f32
    %max3A_11 = vector.broadcast %max3A : f32 to vector<2000x128xf32>
    %max3A_12 = arith.maximumf %add3A_10, %max3A_11 : vector<2000x128xf32>
    %convert_element_type3A_13 = arith.truncf %max3A_12 : vector<2000x128xf32> to vector<2000x128xbf16>
    %get3A_14 = arith.constant 0 : index
    %get3A_15 = arith.constant 0 : index
    %get3A_16 = vector.load %arg4[%get3A_14, %get3A_15] : memref<128x64xf32, #tpu.memory_space<vmem>>, vector<128x64xf32>
    %convert_element_type3A_17 = arith.truncf %get3A_16 : vector<128x64xf32> to vector<128x64xbf16>
    %dot_general3A_18 = arith.constant dense<0.000000e+00> : vector<2000x64xf32>
    %dot_general3A_19 = tpu.matmul %convert_element_type3A_13, %convert_element_type3A_17, %dot_general3A_18 {dimension_numbers = #tpu.dot_dimension_numbers<[1], [0], [0], [1], [0, 0, 1, 1], [], []>, transpose_lhs_hint = false} : vector<2000x128xbf16>, vector<128x64xbf16>, vector<2000x64xf32> -> vector<2000x64xf32>
    %get3A_20 = arith.constant 0 : index
    %get3A_21 = arith.constant 0 : index
    %get3A_22 = vector.load %arg5[%get3A_20, %get3A_21] : memref<1x64xf32, #tpu.memory_space<vmem>>, vector<1x64xf32>
    %add3A_23 = vector.broadcast %get3A_22 : vector<1x64xf32> to vector<2000x64xf32>
    %add3A_24 = arith.addf %dot_general3A_19, %add3A_23 : vector<2000x64xf32>
    %max3A_25 = arith.constant 0.000000e+00 : f32
    %max3A_26 = vector.broadcast %max3A_25 : f32 to vector<2000x64xf32>
    %max3A_27 = arith.maximumf %add3A_24, %max3A_26 : vector<2000x64xf32>
    %get3A_28 = arith.constant 0 : index
    %get3A_29 = arith.constant 0 : index
    %get3A_30 = vector.load %arg6[%get3A_28, %get3A_29] : memref<1x64xf32, #tpu.memory_space<vmem>>, vector<1x64xf32>
    %mul3A = vector.broadcast %get3A_30 : vector<1x64xf32> to vector<2000x64xf32>
    %mul3A_31 = arith.mulf %max3A_27, %mul3A : vector<2000x64xf32>
    %reduce_sum3A = arith.constant dense<0.000000e+00> : vector<2000xf32>
    %reduce_sum3A_32 = vector.multi_reduction <add>, %mul3A_31, %reduce_sum3A [1] : vector<2000x64xf32> to vector<2000xf32>
    %broadcast_in_dim3A = vector.shape_cast %reduce_sum3A_32 : vector<2000xf32> to vector<2000x1xf32>
    %get3A_33 = arith.constant 0 : index
    %get3A_34 = arith.constant 0 : index
    %get3A_35 = vector.load %arg7[%get3A_33, %get3A_34] : memref<1x1xf32, #tpu.memory_space<vmem>>, vector<1x1xf32>
    %add3A_36 = vector.broadcast %get3A_35 : vector<1x1xf32> to vector<2000x1xf32>
    %add3A_37 = arith.addf %broadcast_in_dim3A, %add3A_36 : vector<2000x1xf32>
    %logistic3A = arith.negf %add3A_37 : vector<2000x1xf32>
    %logistic3A_38 = math.exp %logistic3A : vector<2000x1xf32>
    %logistic3A_39 = arith.constant 1.000000e+00 : f32
    %logistic3A_40 = vector.broadcast %logistic3A_39 : f32 to vector<2000x1xf32>
    %logistic3A_41 = arith.addf %logistic3A_40, %logistic3A_38 : vector<2000x1xf32>
    %logistic3A_42 = arith.divf %logistic3A_40, %logistic3A_41 : vector<2000x1xf32>
    %swap3A = arith.constant 0 : index
    %swap3A_43 = arith.constant 0 : index
    %swap3A_44 = vector.load %arg10[%swap3A, %swap3A_43] : memref<2000x1xf32, #tpu.memory_space<vmem>>, vector<2000x1xf32>
    tpu.vector_store %arg10[%swap3A, %swap3A_43], %logistic3A_42 {strides = array<i32>} : memref<2000x1xf32, #tpu.memory_space<vmem>>, vector<2000x1xf32>,
    %get3A_45 = arith.constant 0 : index
    %get3A_46 = arith.constant 0 : index
    %get3A_47 = vector.load %arg8[%get3A_45, %get3A_46] : memref<128x128xf32, #tpu.memory_space<vmem>>, vector<128x128xf32>
    %convert_element_type3A_48 = arith.truncf %get3A_47 : vector<128x128xf32> to vector<128x128xbf16>
    %dot_general3A_49 = arith.constant dense<0.000000e+00> : vector<2000x128xf32>
    %dot_general3A_50 = tpu.matmul %convert_element_type3A, %convert_element_type3A_48, %dot_general3A_49 {dimension_numbers = #tpu.dot_dimension_numbers<[1], [0], [0], [1], [0, 0, 1, 1], [], []>, transpose_lhs_hint = false} : vector<2000x128xbf16>, vector<128x128xbf16>, vector<2000x128xf32> -> vector<2000x128xf32>
    %get3A_51 = arith.constant 0 : index
    %get3A_52 = arith.constant 0 : index
    %get3A_53 = vector.load %arg9[%get3A_51, %get3A_52] : memref<1x128xf32, #tpu.memory_space<vmem>>, vector<1x128xf32>
    %add3A_54 = vector.broadcast %get3A_53 : vector<1x128xf32> to vector<2000x128xf32>
    %add3A_55 = arith.addf %dot_general3A_50, %add3A_54 : vector<2000x128xf32>
    %swap3A_56 = arith.constant 0 : index
    %swap3A_57 = arith.constant 0 : index
    %swap3A_58 = vector.load %arg11[%swap3A_56, %swap3A_57] : memref<2000x128xf32, #tpu.memory_space<vmem>>, vector<2000x128xf32>
    tpu.vector_store %arg11[%swap3A_56, %swap3A_57], %add3A_55 {strides = array<i32>} : memref<2000x128xf32, #tpu.memory_space<vmem>>, vector<2000x128xf32>,
    return
  }
  func.func @transform_0(%arg0: i32) -> (i32, i32) {
    %c0_i32 = arith.constant 0 : i32
    %c0_i32_0 = arith.constant 0 : i32
    return %arg0, %c0_i32 : i32, i32
  }
  func.func @transform_1(%arg0: i32) -> (i32, i32) {
    %c0_i32 = arith.constant 0 : i32
    %c0_i32_0 = arith.constant 0 : i32
    %c0_i32_1 = arith.constant 0 : i32
    return %c0_i32, %c0_i32_0 : i32, i32
  }
  func.func @transform_2(%arg0: i32) -> (i32, i32) {
    %c0_i32 = arith.constant 0 : i32
    %c0_i32_0 = arith.constant 0 : i32
    %c0_i32_1 = arith.constant 0 : i32
    return %c0_i32, %c0_i32_0 : i32, i32
  }
  func.func @transform_3(%arg0: i32) -> (i32, i32) {
    %c0_i32 = arith.constant 0 : i32
    %c0_i32_0 = arith.constant 0 : i32
    %c0_i32_1 = arith.constant 0 : i32
    return %c0_i32, %c0_i32_0 : i32, i32
  }
  func.func @transform_4(%arg0: i32) -> (i32, i32) {
    %c0_i32 = arith.constant 0 : i32
    %c0_i32_0 = arith.constant 0 : i32
    %c0_i32_1 = arith.constant 0 : i32
    return %c0_i32, %c0_i32_0 : i32, i32
  }
  func.func @transform_5(%arg0: i32) -> (i32, i32) {
    %c0_i32 = arith.constant 0 : i32
    %c0_i32_0 = arith.constant 0 : i32
    %c0_i32_1 = arith.constant 0 : i32
    return %c0_i32, %c0_i32_0 : i32, i32
  }
  func.func @transform_6(%arg0: i32) -> (i32, i32) {
    %c0_i32 = arith.constant 0 : i32
    %c0_i32_0 = arith.constant 0 : i32
    %c0_i32_1 = arith.constant 0 : i32
    return %c0_i32, %c0_i32_0 : i32, i32
  }
  func.func @transform_7(%arg0: i32) -> (i32, i32) {
    %c0_i32 = arith.constant 0 : i32
    %c0_i32_0 = arith.constant 0 : i32
    %c0_i32_1 = arith.constant 0 : i32
    return %c0_i32, %c0_i32_0 : i32, i32
  }
  func.func @transform_8(%arg0: i32) -> (i32, i32) {
    %c0_i32 = arith.constant 0 : i32
    %c0_i32_0 = arith.constant 0 : i32
    %c0_i32_1 = arith.constant 0 : i32
    return %c0_i32, %c0_i32_0 : i32, i32
  }
  func.func @transform_9(%arg0: i32) -> (i32, i32) {
    %c0_i32 = arith.constant 0 : i32
    %c0_i32_0 = arith.constant 0 : i32
    return %arg0, %c0_i32 : i32, i32
  }
  func.func @transform_10(%arg0: i32) -> (i32, i32) {
    %c0_i32 = arith.constant 0 : i32
    %c0_i32_0 = arith.constant 0 : i32
    return %arg0, %c0_i32 : i32, i32
  }
}

</mosaic_0001>

<sc_bundles>
// kernel: kernel.12.cloned.1.call-start
scs
__scs_entry_jumppad:
0x0: {  	(pc) =	sbr.rel $0x88, $3  }
0x1: {  	(tag) =	ssettag $0x0;
	lr =	simm.s32 $0x1  }
0x2: {  	[smem:$0x3F90] =	sst lr;
	_ =	strace $0xD0000000  }
0x3: {  	_ = 	snop  }
0x4: {  	_ = 	snop  }
0x5: {  	_ = 	snop  }
0x6: {  	_ = 	snop  }
0x7: {  	_ = 	snop  }
__scs_overlays_trampoline_lowered:
0x8: {  	[smem:$0x3F9F] =	sst s0  }
0x9: {  	[smem:$0x3FA0] =	sst s1  }
0xa: {  	[smem:$0x3FA1] =	sst s2  }
0xb: {  	[smem:$0x3FA2] =	sst s3  }
0xc: {  	[smem:$0x3FA3] =	sst s4  }
0xd: {  	[smem:$0x3FA4] =	sst s5  }
0xe: {  	[smem:$0x3FA5] =	sst s6  }
0xf: {  	[smem:$0x3FA6] =	sst s7  }
0x10: {  	[smem:$0x3FA7] =	sst s8  }
0x11: {  	[smem:$0x3FA8] =	sst s9;
	s0 =	simm.s32 @!p0 $0x0  }
0x12: {  	s1 =	sld [smem:$0x3F8E];
	s0 =	simm.s32 @p0 $0x1  }
0x13: {  	[smem:$0x3FA9] =	sst s0;
	s0 =	simm.s32 @!p1 $0x0  }
0x14: {  	s2 =	sld [smem:$0x3F8D];
	s0 =	simm.s32 @p1 $0x1  }
0x15: {  	[smem:$0x3FAA] =	sst s0;
	s0 =	simm.s32 @!p2 $0x0  }
0x16: {  	s3 =	sld [smem:$0x3FDB];
	s0 =	simm.s32 @p2 $0x1  }
0x17: {  	s4 =	simm.s32 $0x1BF5;
	[smem:$0x3FAC] =	sst s0  }
0x18: {  	s0 =	sld [smem:$0x3F8F];
	_ =	swait.ge [sflag:s4], $0x0  }
0x19: {  	s7 =	sld [smem:$0x3F90]  }
0x1a: {  	s8 =	sadd.s32 $0xFFFFE003, lr  }
0x1b: {  	s9 =	sadd.s32 $0xFFFFFEF7, lr;
	s5 =	simm.s32 $0xFFFFFFFF;
	p2 =	slt.u32 s8, $0xFFFFF086  }
0x1c: {  	p1 =	slt.u32 s9, $0xF7A;
	s5 =	simm.s32 @!p2 $0x0  }
0x1d: {  	s5 =	simm.s32 @p1 $0x1;
	p0 =	seq.s32 s7, s2  }
0x1e: {  	s7 =	smul.u32 @!p0 $0xF7A, s2;
	p2 =	seq.s32 @!p0 s5, $0x0  }
0x1f: {  	s9 =	smul.u32 $0xF7A, s1;
	s8 =	simm.s32 @!p0 $0x1BF5;
	p2 =	por !p2, p0  }
0x20: {  	[sflag:s8] =	ssyncset.s32 @!p0 $0xFFFFF086;
	s6 =	sadd.s32 @!p0 s3, s7;
	s7 =	simm.s32 @!p0 $0x108  }
0x21: {  	s3 =	sadd.s32 s3, s9;
	s6 =	sadd.s32 @!p0 $0x88, s6;
	s7 =	simm.s32 @p2 $0x1082  }
0x22: {  	[simem:s7], [sflag:s8] =	dma.local @!p0 [hbm:s6], $0xF7A  }
0x23: {  	s9 =	sor.u32 $0xD0000000, s2;
	s6 =	simm.s32 $0x108;
	_ =	swait.ge @!p0 [sflag:s8], $0x0  }
0x24: {  	s3 =	sadd.s32 $0x88, s3;
	s6 =	simm.s32 @!p1 $0x1082;
	[sflag:s4] =	ssyncset.s32 $0xFFFFF086  }
0x25: {  	[simem:s6], [sflag:s4] =	dma.local [hbm:s3], $0xF7A  }
0x26: {  	[smem:$0x3F90] =	sst s1;
	(tag) =	ssettag s2;
	_ =	strace s9  }
0x27: {  	s1 =	sld [smem:$0x3FA0]  }
0x28: {  	s2 =	sld [smem:$0x3FA1]  }
0x29: {  	s4 =	sld [smem:$0x3FA3]  }
0x2a: {  	p0 =	seq.s32 s5, $0x0;
	s5 =	sld [smem:$0x3FA4]  }
0x2b: {  	s6 =	sld [smem:$0x3FA5]  }
0x2c: {  	s7 =	sld [smem:$0x3FA6]  }
0x2d: {  	s3 =	simm.s32 $0x108;
	s8 =	sld [smem:$0x3FA7]  }
0x2e: {  	s3 =	simm.s32 @!p0 $0x1082;
	s9 =	sld [smem:$0x3FA8]  }
0x2f: {  	lr =	sadd.s32 s0, s3;
	s0 =	sld [smem:$0x3F9F]  }
0x30: {  	s3 =	sld [smem:$0x3FA2]  }
0x31: {  	[smem:$0x3FAB] =	sst s10  }
0x32: {  	s10 =	sld [smem:$0x3FA9];
	_ =	sdelay $0x3  }
0x33: {  	p0 =	seq.s32 s10, $0x1;
	s10 =	sld [smem:$0x3FAB];
	_ =	sdelay $0x3  }
0x34: {  	[smem:$0x3FAB] =	sst s10  }
0x35: {  	s10 =	sld [smem:$0x3FAA];
	_ =	sdelay $0x3  }
0x36: {  	p1 =	seq.s32 s10, $0x1;
	s10 =	sld [smem:$0x3FAB];
	_ =	sdelay $0x3  }
0x37: {  	[smem:$0x3FAB] =	sst s10  }
0x38: {  	s10 =	sld [smem:$0x3FAC]  }
0x39: {  	_ = 	snop;
	(pc) =	sbr.ind lr, $3  }
0x3a: {  	_ = 	snop  }
0x3b: {  	_ = 	snop  }
0x3c: {  	p2 =	seq.s32 s10, $0x1;
	s10 =	sld [smem:$0x3FAB]  }
0x3d: {  	_ =	shalt  }
0x3e: {  	_ =	shalt  }
0x3f: {  	_ =	shalt  }
0x40: {  	_ =	shalt  }
0x41: {  	_ =	shalt  }
0x42: {  	_ =	shalt  }
0x43: {  	_ =	shalt  }
0x44: {  	_ =	shalt  }
0x45: {  	_ =	shalt  }
0x46: {  	_ =	shalt  }
0x47: {  	_ =	shalt  }
0x48: {  	_ =	shalt  }
0x49: {  	_ =	shalt  }
0x4a: {  	_ =	shalt  }
0x4b: {  	_ =	shalt  }
0x4c: {  	_ =	shalt  }
0x4d: {  	_ =	shalt  }
0x4e: {  	_ =	shalt  }
0x4f: {  	_ =	shalt  }
0x50: {  	_ =	shalt  }
0x51: {  	_ =	shalt  }
0x52: {  	_ =	shalt  }
0x53: {  	_ =	shalt  }
0x54: {  	_ =	shalt  }
0x55: {  	_ =	shalt  }
0x56: {  	_ =	shalt  }
0x57: {  	_ =	shalt  }
0x58: {  	_ =	shalt  }
0x59: {  	_ =	shalt  }
0x5a: {  	_ =	shalt  }
0x5b: {  	_ =	shalt  }
0x5c: {  	_ =	shalt  }
0x5d: {  	_ =	shalt  }
0x5e: {  	_ =	shalt  }
0x5f: {  	_ =	shalt  }
0x60: {  	_ =	shalt  }
0x61: {  	_ =	shalt  }
0x62: {  	_ =	shalt  }
0x63: {  	_ =	shalt  }
0x64: {  	_ =	shalt  }
0x65: {  	_ =	shalt  }
0x66: {  	_ =	shalt  }
0x67: {  	_ =	shalt  }
0x68: {  	_ =	shalt  }
0x69: {  	_ =	shalt  }
0x6a: {  	_ =	shalt  }
0x6b: {  	_ =	shalt  }
0x6c: {  	_ =	shalt  }
0x6d: {  	_ =	shalt  }
0x6e: {  	_ =	shalt  }
0x6f: {  	_ =	shalt  }
0x70: {  	_ =	shalt  }
0x71: {  	_ =	shalt  }
0x72: {  	_ =	shalt  }
0x73: {  	_ =	shalt  }
0x74: {  	_ =	shalt  }
0x75: {  	_ =	shalt  }
0x76: {  	_ =	shalt  }
0x77: {  	_ =	shalt  }
0x78: {  	_ =	shalt  }
0x79: {  	_ =	shalt  }
0x7a: {  	_ =	shalt  }
0x7b: {  	_ =	shalt  }
0x7c: {  	_ =	shalt  }
0x7d: {  	_ =	shalt  }
0x7e: {  	_ =	shalt  }
0x7f: {  	_ =	shalt  }
0x80: {  	_ =	shalt  }
0x81: {  	_ =	shalt  }
0x82: {  	_ =	shalt  }
0x83: {  	_ =	shalt  }
0x84: {  	_ =	shalt  }
0x85: {  	_ =	shalt  }
0x86: {  	_ =	shalt  }
0x87: {  	_ =	shalt  }
.Lfunc_end0:
.L_simem_size_0:
called_computation.1_lowered:
.L_overlay_start_0:
0x88: {  	s2 =	sld [smem:$0x3FD9]  }
0x89: {  	s3 =	sld [smem:$0x3FFE];
	_ =	sdelay $0x1  }
0x8a: {  	s1 =	srdreg.scid  }
0x8b: {  	s0 =	sand.u32 $0x1, s1  }
0x8c: {  	s14 =	sshll.u32 s0, $0xA;
	s2 =	sadd.s32 s3, s2  }
0x8d: {  	s2 =	sadd.s32 s2, s14  }
0x8e: {  	[smem:$0x3FB7] =	sst s2  }
0x8f: {  	_ = 	snop  }
0x90: {  	s2 =	sld [smem:$0x3FD0];
	_ =	sdelay $0x2  }
0x91: {  	s15 =	simm.s32 $0xA;
	s4 =	simm.s32 $0x10  }
0x92: {  	[smem:s4], [sflag:s15] =	dma.local [hbm:s2], $0x1  }
0x93: {  	_ =	swait.eq [sflag:s15], $0x1  }
0x94: {  	[sflag:s15] =	ssyncset.done $0x0  }
0x95: {  	[sflag:s15] =	ssyncadd.s32 $0xFFFFFFFF  }
0x96: {  	s16 =	sld [smem:$0x11];
	(tm) =	ssettm $0x1  }
0x97: {  	s17 =	sld [smem:$0x3FFB];
	_ =	sdelay $0x3  }
0x98: {  	_ =	strace s17  }
0x99: {  	s3 =	sld [smem:$0x3FFC];
	_ =	sdelay $0x3  }
0x9a: {  	_ =	strace s3  }
0x9b: {  	s3 =	sld [smem:$0x3FFD];
	_ =	sdelay $0x3  }
0x9c: {  	_ =	strace s3  }
0x9d: {  	_ =	strace $0x8FFFFFFF  }
0x9e: {  	s18 =	sld [smem:$0x3FDB];
	_ =	sdelay $0x1  }
0x9f: {  	s19 =	simm.s32 $_scs_section_size  }
0xa0: {  	s5 =	simm.s32 $_size__tile_overlayer_lowered;
	s6 =	simm.s32 $_tile_overlayer_lowered  }
0xa1: {  	s22 =	simm.s32 $0x1BFF;
	s21 =	sshll.u32 s6, $0x1;
	s3 =	sadd.s32 s19, s18  }
0xa2: {  	s7 =	simm.s32 $0x0;
	s20 =	sshll.u32 s5, $0x1;
	s5 =	sadd.s32 s21, s3  }
0xa3: {  	[timem:s7], [sflag:s22] =	dma.local [hbm:s5], s20  }
0xa4: {  	_ =	swait.ge [sflag:s22], s20  }
0xa5: {  	s4 =	ssub.s32 $0x0, s20;
	[sflag:s22] =	ssyncset.done $0x0  }
0xa6: {  	[sflag:s22] =	ssyncadd.s32 s4;
	_ =	sdelay $0x1  }
0xa7: {  	s23 =	simm.s32 $0x1B8B  }
0xa8: {  	_ =	swait.ge [sflag:s23], $0x1  }
0xa9: {  	[sflag:s23] =	ssyncset.done $0x0  }
0xaa: {  	s25 =	simm.s32 $0x1B8E;
	s24 =	sld [smem:$0x3FFE];
	[sflag:s23] =	ssyncadd.s32 $0xFFFFFFFF  }
0xab: {  	s26 =	simm.s32 $execute0_lowered;
	[smem:$0x3FD2] =	sst s25  }
0xac: {  	s5 =	sshll.u32 s26, $0x1;
	_ =	strace $0x80000049;
	[dreg:$0x1] =	wrdreg $0xFFFFFFFF  }
0xad: {  	s28 =	simm.s32 $_size_execute0_lowered;
	s3 =	sadd.s32 s3, s5;
	[dreg:$0x0] =	wrdreg $0x0  }
0xae: {  	s5 =	sshll.u32 s28, $0x1;
	[dreg:$0x2] =	wrdreg s3  }
0xaf: {  	[dreg:$0x3] =	wrdreg s5  }
0xb0: {  	[dreg:$0x4] =	wrdreg $0xC0  }
0xb1: {  	_ =	task [dreg:s7], $0x5FFFF  }
0xb2: {  	[dreg:$0x1] =	wrdreg $0xFFFFFFFF  }
0xb3: {  	[dreg:$0x0] =	wrdreg $0x60  }
0xb4: {  	[dreg:$0x2] =	wrdreg s16  }
0xb5: {  	[dreg:$0x3] =	wrdreg s24  }
0xb6: {  	[dreg:$0x4] =	wrdreg $0x9  }
0xb7: {  	_ =	task.clear_ibuf [dreg:s7], $0x5FFFF;
	_ =	strace $0x90000049  }
0xb8: {  	s29 =	simm.s32 $0x9;
	_ =	strace $0x8000004B  }
0xb9: {  	_ =	swait.ge [sflag:s29], $0x1  }
0xba: {  	[sflag:s29] =	ssyncadd.s32 $0xFFFFFFFF  }
0xbb: {  	_ =	strace $0x9000004B  }
0xbc: {  	_ =	sfence  }
0xbd: {  	s30 =	sld [smem:$0x0];
	_ =	sdelay $0x2  }
0xbe: {  	s31 =	sshll.u32 s1, $0xD;
	s1 =	sshrl.u32 s1, $0x2  }
0xbf: {  	s3 =	sand.u32 $0x4000, s31;
	s1 =	sadd.s32 s1, s30  }
0xc0: {  	s0 =	sor.u32 s3, s0;
	s1 =	sshll.u32 s1, $0x11  }
0xc1: {  	s0 =	sor.u32 s1, s0  }
0xc2: {  	s0 =	sadd.s32 $0x8F2B, s0  }
0xc3: {  	[sflag:s0] =	ssyncadd.remote.s32 $0x1  }
0xc4: {  	_ =	sfence.sel $0xFFFF  }
0xc5: {  	[dreg:$0x0] =	wrdreg $0xFFFFFFFF;
	(pc) =	sbr.abs _section_cstart, $3  }
0xc6: {  	[dreg:$0x1] =	wrdreg $0xFFFFFFFF  }
0xc7: {  	_ =	task.clear_ibuf [dreg:s7], $0x2FFFF;
	_ =	strace $0x9FFFFFFF  }
0xc8: {  	(tm) =	ssettm $0x7FFFFFFF  }
0xc9: {  	_ =	shalt  }
tec
execute0_lowered:
.L_overlay_start_1:
0x0: {  	(tag) =	ssettag $0x1  }
0x1: {  	s1 =	rddreg [dreg:$0x0]  }
0x2: {  	s0 =	rddreg [dreg:$0x1];
	s2 =	simm.s32 $0x0  }
0x3: {  	s3 =	srdreg.scid;
	s6 =	stileid.u32;
	s28 =	simm.s32 $0x200  }
0x4: {  	s18 =	simm.s32 $0x3A00;
	s19 =	simm.s32 $0x5;
	s20 =	simm.s32 $0x6  }
0x5: {  	s22 =	simm.s32 $0x0;
	[smem:$0x7FF] =	sst s2;
	s4 =	sadd.s32 $0xAC00, s0  }
0x6: {  	s5 =	sadd.s32 $0x625400, s0;
	s3 =	sand.u32 $0x1, s3;
	s8 =	sshll.u32 s6, $0x1  }
0x7: {  	s6 =	sadd.s32 $0x932800, s0;
	s7 =	sadd.s32 $0x7A00, s0;
	s26 =	sadd.s32 $0xAAC8, s0  }
0x8: {  	s29 =	sadd.s32 $0x78C8, s0;
	_ =	strace $0x8000004A;
	[dreg:$0x6] =	wrdreg s26  }
0x9: {  	s9 =	sadd.s32 $0x4800, s0;
	s30 =	sadd.s32 $0x7AB800, s0;
	[dreg:$0x7] =	wrdreg s29  }
0xa: {  	s10 =	sadd.s32 $0x191600, s0;
	s31 =	sadd.s32 $0xAB8C00, s0;
	[dreg:$0x8] =	wrdreg s30  }
0xb: {  	s0 =	sadd.s32 $0x317A00, s0;
	s8 =	sor.u32 s3, s8;
	[dreg:$0x9] =	wrdreg s31  }
0xc: {  	s3 =	ssub.s32 $0x2, s3;
	[dreg:$0xa] =	wrdreg s0;
	s12 =	smul.u32 $0xE, s8  }
0xd: {  	s0 =	simm.s32 $0x3;
	s11 =	sshrl.u32 s3, $0x1;
	s13 =	smul.u32 $0x70, s8  }
0xe: {  	s23 =	ssub.s32 $0x39B, s8;
	s15 =	smul.u32 $0x700, s8;
	p0 =	sne.s32 s8, $0x1F  }
0xf: {  	s3 =	ssub.s32 s3, s11;
	s11 =	sshrl.u32 s23, $0x5;
	s14 =	sadd.s32 s7, s12  }
.Ltmp0:
0x10: {  	s13 =	sshrl.u32 s13, $0x3;
	s12 =	sadd.s32 s9, s12;
	(pc) =	sbr.rel .LBB2_1-.Ltmp0, $4  }
0x11: {  	s24 =	sadd.s32 s5, s15;
	s15 =	sadd.s32 s6, s15;
	[dreg:$0x3] =	wrdreg s14  }
0x12: {  	s23 =	smax.u32 s3, $0x1;
	s3 =	simm.s32 $0x4;
	[dreg:$0x4] =	wrdreg s12  }
0x13: {  	[dreg:$0x5] =	wrdreg s24;
	s25 =	sadd.s32 $0x1C0, s13;
	s24 =	simm.s32 $0x100  }
0x14: {  	s16 =	sadd.s32 s7, s25;
	s17 =	sadd.s32 s9, s25;
	s25 =	simm.s32 $0x1  }
.LBB2_13:
0x15: {  	s22 =	sadd.s32 $0x1, s22  }
0x16: {  	p1 =	sne.s32 s22, s23  }
.Ltmp1:
0x17: {  	_ = 	snop;
	(pc) =	sbr.rel @!p1 .LBB2_14-.Ltmp1, $1  }
0x18: {  	_ =	sdelay $0x3  }
.LBB2_1:
0x19: {  	s12 =	rddreg [dreg:$0x3]  }
0x1a: {  	[tilespmem:s2], [sflag:$0x1] =	stream.linear.gather [hbm4b:s12+s2], $0x70, $0x38;
	[tilespmem:$0x1C200] =	vst v63  }
0x1b: {  	s30 =	rddreg [dreg:$0x4]  }
0x1c: {  	[tilespmem:s24], [sflag:$0x1] =	stream.linear.gather [hbm4b:s30+s2], $0x70, $0x38;
	[tilespmem:$0x1C200] =	vst v63  }
0x1d: {  	_ =	swait.ge [sflag:s25], $0x70  }
0x1e: {  	[sflag:s25] =	ssyncset.done $0x0  }
0x1f: {  	[sflag:s25] =	ssyncadd.s32 $0xFFFFFF90  }
0x20: {  	_ =	swait.ge [sflag:s25], $0x70  }
0x21: {  	[sflag:s25] =	ssyncset.done $0x0  }
0x22: {  	s31 =	simm.s32 $0x70;
	[sflag:s25] =	ssyncadd.s32 $0xFFFFFF90  }
0x23: {  	[tilespmem:s28], [sflag:$0x3] =	stream.indirect.gather [hbm4b:s1+s31], $0x80, s2, s31, $0xb8;
	[tilespmem:$0x1C200] =	vst v63  }
0x24: {  	s13 =	simm.s32 $0x7200  }
0x25: {  	[tilespmem:s13], [sflag:$0x3] =	stream.indirect.gather [hbm4b:s4+s31], $0x80, s24, s31, $0xb8;
	[tilespmem:$0x1C200] =	vst v63  }
0x26: {  	s21 =	simm.s32 $0xE200;
	s14 =	rddreg [dreg:$0x5]  }
0x27: {  	[tilespmem:s21], [sflag:$0x3] =	stream.linear.gather [hbm4b:s14+s2], $0x3800, $0x38;
	[tilespmem:$0x1C200] =	vst v63  }
0x28: {  	s26 =	simm.s32 $0x15200  }
0x29: {  	[tilespmem:s26], [sflag:$0x3] =	stream.linear.gather [hbm4b:s15+s2], $0x3800, $0x38;
	[tilespmem:$0x1C200] =	vst v63  }
.Ltmp2:
0x2a: {  	_ = 	snop;
	(pc) =	sbr.rel .LBB2_2-.Ltmp2, $4  }
0x2b: {  	s30 =	simm.s32 $0x80  }
0x2c: {  	[tilespmem:s30], [sflag:$0x2] =	stream.linear.gather [hbm4b:s16+s2], $0x70, $0x38;
	[tilespmem:$0x1C200] =	vst v63  }
0x2d: {  	s29 =	simm.s32 $0x0;
	s31 =	simm.s32 $0x180  }
0x2e: {  	[tilespmem:s31], [sflag:$0x2] =	stream.linear.gather [hbm4b:s17+s2], $0x70, $0x38;
	[tilespmem:$0x1C200] =	vst v63  }
.LBB2_8:
0x2f: {  	s29 =	sadd.s32 $0x1, s29  }
0x30: {  	p1 =	sne.s32 s29, $0xE  }
.Ltmp3:
0x31: {  	_ = 	snop;
	(pc) =	sbr.rel @!p1 .LBB2_9-.Ltmp3, $1  }
0x32: {  	_ =	sdelay $0x3  }
.LBB2_2:
0x33: {  	s30 =	sshllo.u32 s29, $0x1  }
0x34: {  	p1 =	sge.u32 s30, s11  }
0x35: {  	s12 =	simm.s32 @!p1 $0x2  }
0x36: {  	_ =	swait.ge @!p1 [sflag:s12], $0x70  }
0x37: {  	[sflag:s12] =	ssyncset.done @!p1 $0x0  }
0x38: {  	[sflag:s12] =	ssyncadd.s32 @!p1 $0xFFFFFF90  }
0x39: {  	p2 =	seq.s32 @!p1 s29, $0x0;
	_ =	swait.ge @!p1 [sflag:s12], $0x70  }
0x3a: {  	p2 =	por p2, p1;
	[sflag:s12] =	ssyncset.done @!p1 $0x0  }
0x3b: {  	[sflag:s12] =	ssyncadd.s32 @!p1 $0xFFFFFF90;
	s12 =	simm.s32 @!p2 $0x6  }
0x3c: {  	_ =	swait.ge @!p2 [sflag:s12], $0x3800  }
0x3d: {  	s13 =	simm.s32 @!p1 $0x80;
	[sflag:s12] =	ssyncset.done @!p2 $0x0  }
0x3e: {  	s21 =	simm.s32 @!p1 $0x3A00;
	[sflag:s12] =	ssyncadd.s32 @!p2 $0xFFFFC800;
	s12 =	simm.s32 @!p1 $0x70  }
0x3f: {  	[tilespmem:s21], [sflag:$0x4] =	stream.indirect.gather @!p1 [hbm4b:s1+s12], $0x80, s13, s12, $0xb8;
	[tilespmem:$0x1C200] =	vst v63  }
0x40: {  	s13 =	sshll.u32 @!p1 s30, $0x5  }
0x41: {  	s13 =	sor.u32 @!p1 s8, s13  }
0x42: {  	s31 =	simm.s32 @!p1 $0xAA00;
	s21 =	simm.s32 @!p1 $0x180;
	s13 =	smul.u32 @!p1 $0x700, s13  }
0x43: {  	[tilespmem:s31], [sflag:$0x4] =	stream.indirect.gather @!p1 [hbm4b:s4+s12], $0x80, s21, s12, $0xb8;
	[tilespmem:$0x1C200] =	vst v63  }
0x44: {  	s21 =	simm.s32 @!p1 $0x0;
	s31 =	simm.s32 @!p1 $0x11A00;
	s12 =	sadd.s32 @!p1 s5, s13  }
0x45: {  	[tilespmem:s31], [sflag:$0x4] =	stream.linear.gather @!p1 [hbm4b:s12+s21], $0x3800, $0x38;
	[tilespmem:$0x1C200] =	vst v63  }
0x46: {  	s12 =	sadd.s32 @!p1 s6, s13;
	s13 =	simm.s32 @!p1 $0x18A00  }
0x47: {  	[tilespmem:s13], [sflag:$0x4] =	stream.linear.gather @!p1 [hbm4b:s12+s21], $0x3800, $0x38;
	[tilespmem:$0x1C200] =	vst v63  }
0x48: {  	_ =	swait.ge [sflag:s0], $0x3800  }
0x49: {  	[sflag:s0] =	ssyncset.done $0x0  }
0x4a: {  	[sflag:s0] =	ssyncadd.s32 $0xFFFFC800  }
0x4b: {  	_ =	swait.ge [sflag:s0], $0x3800  }
0x4c: {  	s31 =	sshll.u32 s29, $0x1;
	[sflag:s0] =	ssyncset.done $0x0  }
0x4d: {  	s12 =	sadd.s32 $0x2, s31;
	[sflag:s0] =	ssyncadd.s32 $0xFFFFC800  }
0x4e: {  	p2 =	sge.u32 s12, s11;
	_ =	swait.ge [sflag:s0], $0x3800  }
0x4f: {  	s12 =	sshll.u32 @!p2 s12, $0x5;
	[sflag:s0] =	ssyncset.done $0x0  }
0x50: {  	s21 =	sor.u32 @!p2 s8, s12;
	[sflag:s0] =	ssyncadd.s32 $0xFFFFC800  }
0x51: {  	s12 =	smul.u32 @!p2 $0xE, s21;
	_ =	swait.ge [sflag:s0], $0x3800  }
0x52: {  	[sflag:s0] =	ssyncset.done $0x0  }
0x53: {  	s14 =	simm.s32 @!p2 $0x0;
	s13 =	sadd.s32 @!p2 s7, s12;
	[sflag:s0] =	ssyncadd.s32 $0xFFFFC800  }
0x54: {  	[tilespmem:s14], [sflag:$0x1] =	stream.linear.gather @!p2 [hbm4b:s13+s14], $0x70, $0x38;
	[tilespmem:$0x1C200] =	vst v63  }
0x55: {  	s12 =	sadd.s32 @!p2 s9, s12;
	s13 =	simm.s32 @!p2 $0x100  }
0x56: {  	[tilespmem:s13], [sflag:$0x1] =	stream.linear.gather @!p2 [hbm4b:s12+s14], $0x70, $0x38;
	[tilespmem:$0x1C200] =	vst v63  }
0x57: {  	s12 =	simm.s32 $0x0  }
0x58: {  	v3 =	vld [tilespmem:s12+$0x15200]  }
0x59: {  	v4 =	vld [tilespmem:s12+$0x15210]  }
0x5a: {  	v2 =	vld [tilespmem:s12+$0x15220]  }
0x5b: {  	v1 =	vld [tilespmem:s12+$0x15230]  }
0x5c: {  	v0 =	vld [tilespmem:s12+$0x15240]  }
0x5d: {  	v13 =	vld [tilespmem:s12+$0xE200]  }
0x5e: {  	v14 =	vld [tilespmem:s12+$0xE210]  }
0x5f: {  	v17 =	vld [tilespmem:s12+$0xE220]  }
0x60: {  	v7 =	vld [tilespmem:s12+$0xE230]  }
0x61: {  	v6 =	vld [tilespmem:s12+$0xE240]  }
0x62: {  	v5 =	vld [tilespmem:s12+$0xE250]  }
0x63: {  	v8 =	vld [tilespmem:s12+$0x7200]  }
0x64: {  	v15 =	vld [tilespmem:s12+$0x7210]  }
0x65: {  	v16 =	vld [tilespmem:s12+$0x7220]  }
0x66: {  	v11 =	vld [tilespmem:s12+$0x7230]  }
0x67: {  	v9 =	vld [tilespmem:s12+$0x7240]  }
0x68: {  	v18 =	vld [tilespmem:s12+$0x200]  }
0x69: {  	v19 =	vld [tilespmem:s12+$0x210]  }
0x6a: {  	v20 =	vld [tilespmem:s12+$0x220]  }
0x6b: {  	v12 =	vld [tilespmem:s12+$0x7250]  }
0x6c: {  	v10 =	vld [tilespmem:s12+$0x7260]  }
0x6d: {  	v18 =	vadd.f32 v8, v18;
	v8 =	vld [tilespmem:s12+$0x7270]  }
0x6e: {  	v19 =	vadd.f32 v15, v19;
	v15 =	vld [tilespmem:s12+$0x230]  }
0x6f: {  	v20 =	vadd.f32 v16, v20;
	v16 =	vld [tilespmem:s12+$0x240];
	v21 =	vadd.f32 v13, v18  }
0x70: {  	v13 =	vld [tilespmem:s12+$0x250];
	v18 =	vadd.f32 v14, v19  }
0x71: {  	s13 =	simm.s32 $0x200;
	v17 =	vadd.f32 v17, v20;
	v14 =	vld [tilespmem:s12+$0x260];
	v19 =	vmax.f32 v21, $0.0e+00  }
.LBB2_3:
0x72: {  	p3 =	sne.s32 s13, $0xDE00;
	v3 =	vadd.f32 v19, v3;
	v18 =	vmax.f32 v18, $0.0e+00;
	v19 =	vld [tilespmem:s12+$0x270]  }
0x73: {  	v4 =	vadd.f32 v18, v4;
	v17 =	vmax.f32 v17, $0.0e+00;
	v11 =	vadd.f32 v11, v15;
	v15 =	vld [tilespmem:s12+$0xE260]  }
0x74: {  	v2 =	vadd.f32 v17, v2;
	v9 =	vadd.f32 v9, v16;
	v16 =	vld [tilespmem:s12+$0xE270]  }
0x75: {  	v7 =	vadd.f32 v7, v11;
	v11 =	vadd.f32 v12, v13;
	v12 =	vld [tilespmem:s12+$0x15250]  }
0x76: {  	v6 =	vadd.f32 v6, v9;
	v9 =	vadd.f32 v10, v14;
	v10 =	vld [tilespmem:s12+$0x15260]  }
0x77: {  	s14 =	sshra.s32 s13, $0x2;
	[tilespmem:s12+$0x200] =	vst v3;
	v7 =	vmax.f32 v7, $0.0e+00;
	v5 =	vadd.f32 v5, v11;
	v8 =	vadd.f32 v8, v19;
	v11 =	vld [tilespmem:s12+$0x15270]  }
0x78: {  	v3 =	vld [tilespmem:s14+$0x15200];
	[tilespmem:s12+$0x210] =	vst v4;
	v1 =	vadd.f32 v7, v1;
	v6 =	vmax.f32 v6, $0.0e+00;
	v7 =	vadd.f32 v15, v9  }
0x79: {  	v4 =	vld [tilespmem:s14+$0x15210];
	[tilespmem:s12+$0x220] =	vst v2;
	v0 =	vadd.f32 v6, v0;
	v5 =	vmax.f32 v5, $0.0e+00;
	v6 =	vadd.f32 v16, v8  }
0x7a: {  	v2 =	vld [tilespmem:s14+$0x15220];
	[tilespmem:s12+$0x230] =	vst v1;
	v5 =	vadd.f32 v5, v12;
	v7 =	vmax.f32 v7, $0.0e+00  }
0x7b: {  	v1 =	vld [tilespmem:s14+$0x15230];
	[tilespmem:s12+$0x240] =	vst v0;
	v7 =	vadd.f32 v7, v10;
	v6 =	vmax.f32 v6, $0.0e+00  }
0x7c: {  	v0 =	vld [tilespmem:s14+$0x15240];
	[tilespmem:s12+$0x250] =	vst v5;
	v5 =	vadd.f32 v6, v11  }
0x7d: {  	v13 =	vld [tilespmem:s14+$0xE200];
	[tilespmem:s12+$0x260] =	vst v7  }
0x7e: {  	v14 =	vld [tilespmem:s14+$0xE210];
	[tilespmem:s12+$0x270] =	vst v5;
	s12 =	smov.u32 s14  }
0x7f: {  	v17 =	vld [tilespmem:s12+$0xE220]  }
0x80: {  	v7 =	vld [tilespmem:s12+$0xE230]  }
0x81: {  	v6 =	vld [tilespmem:s12+$0xE240]  }
0x82: {  	v5 =	vld [tilespmem:s12+$0xE250]  }
0x83: {  	v8 =	vld [tilespmem:s12+$0x7200]  }
0x84: {  	v15 =	vld [tilespmem:s12+$0x7210]  }
0x85: {  	v16 =	vld [tilespmem:s12+$0x7220]  }
0x86: {  	v11 =	vld [tilespmem:s12+$0x7230]  }
0x87: {  	v9 =	vld [tilespmem:s12+$0x7240]  }
0x88: {  	v18 =	vld [tilespmem:s12+$0x200]  }
0x89: {  	v19 =	vld [tilespmem:s12+$0x210]  }
0x8a: {  	v20 =	vld [tilespmem:s12+$0x220]  }
0x8b: {  	v12 =	vld [tilespmem:s12+$0x7250]  }
0x8c: {  	v10 =	vld [tilespmem:s12+$0x7260]  }
.Ltmp4:
0x8d: {  	v18 =	vadd.f32 v8, v18;
	v8 =	vld [tilespmem:s12+$0x7270];
	(pc) =	sbr.rel @p3 .LBB2_3-.Ltmp4, $4  }
0x8e: {  	v19 =	vadd.f32 v15, v19;
	v15 =	vld [tilespmem:s12+$0x230]  }
0x8f: {  	v21 =	vadd.f32 v13, v18;
	v20 =	vadd.f32 v16, v20;
	v16 =	vld [tilespmem:s12+$0x240]  }
0x90: {  	v18 =	vadd.f32 v14, v19;
	v13 =	vld [tilespmem:s12+$0x250]  }
0x91: {  	s13 =	sadd.s32 $0x200, s13;
	v19 =	vmax.f32 v21, $0.0e+00;
	v17 =	vadd.f32 v17, v20;
	v14 =	vld [tilespmem:s12+$0x260]  }
0x92: {  	v20 =	vld [tilespmem:s12+$0x270];
	v3 =	vadd.f32 v19, v3;
	v18 =	vmax.f32 v18, $0.0e+00  }
0x93: {  	v46 =	vld [tilespmem:s12+$0xE260];
	v4 =	vadd.f32 v18, v4;
	v17 =	vmax.f32 v17, $0.0e+00;
	v11 =	vadd.f32 v11, v15  }
0x94: {  	v47 =	vld [tilespmem:s12+$0xE270];
	v2 =	vadd.f32 v17, v2;
	v9 =	vadd.f32 v9, v16  }
0x95: {  	v48 =	vld [tilespmem:s12+$0x15250];
	v7 =	vadd.f32 v7, v11;
	v49 =	vadd.f32 v12, v13  }
0x96: {  	v50 =	vld [tilespmem:s12+$0x15260];
	v6 =	vadd.f32 v6, v9;
	v51 =	vadd.f32 v10, v14  }
0x97: {  	v54 =	vld [tilespmem:s12+$0x15270];
	[tilespmem:s12+$0x200] =	vst v3;
	v52 =	vmax.f32 v7, $0.0e+00;
	v5 =	vadd.f32 v5, v49;
	v53 =	vadd.f32 v8, v20  }
0x98: {  	[tilespmem:s12+$0x210] =	vst v4;
	v1 =	vadd.f32 v52, v1;
	v55 =	vmax.f32 v6, $0.0e+00;
	v56 =	vadd.f32 v46, v51  }
0x99: {  	[tilespmem:s12+$0x220] =	vst v2;
	v0 =	vadd.f32 v55, v0;
	v57 =	vmax.f32 v5, $0.0e+00;
	v58 =	vadd.f32 v47, v53  }
0x9a: {  	s13 =	sshll.u32 s29, $0x6;
	[tilespmem:s12+$0x230] =	vst v1;
	v59 =	vadd.f32 v57, v48;
	v60 =	vmax.f32 v56, $0.0e+00  }
.Ltmp5:
0x9b: {  	s13 =	sor.u32 s8, s13;
	[tilespmem:s12+$0x240] =	vst v0;
	v61 =	vadd.f32 v60, v50;
	v62 =	vmax.f32 v58, $0.0e+00;
	(pc) =	sbr.rel @p1 .LBB2_8-.Ltmp5, $4  }
0x9c: {  	s13 =	smul.u32 $0x700, s13;
	[tilespmem:s12+$0x250] =	vst v59;
	v63 =	vadd.f32 v62, v54  }
0x9d: {  	[tilespmem:s12+$0x260] =	vst v61  }
0x9e: {  	s26 =	sadd.s32 s10, s13;
	[tilespmem:s12+$0x270] =	vst v63  }
0x9f: {  	[hbm4b:s26+s2] =	stream.linear.scatter [tilespmem:s28], [sflag:$0x5], $0x3800, $0x38;
	[tilespmem:$0x1C200] =	vst v63  }
0xa0: {  	s12 =	simm.s32 @!p2 $0x1  }
0xa1: {  	_ =	swait.ge @!p2 [sflag:s12], $0x70  }
0xa2: {  	[sflag:s12] =	ssyncset.done @!p2 $0x0  }
0xa3: {  	[sflag:s12] =	ssyncadd.s32 @!p2 $0xFFFFFF90  }
0xa4: {  	_ =	swait.ge @!p2 [sflag:s12], $0x70  }
0xa5: {  	[sflag:s12] =	ssyncset.done @!p2 $0x0  }
0xa6: {  	[sflag:s12] =	ssyncadd.s32 @!p2 $0xFFFFFF90;
	s12 =	simm.s32 @!p2 $0x5  }
0xa7: {  	_ =	swait.ge @!p2 [sflag:s12], $0x3800  }
0xa8: {  	s13 =	simm.s32 @!p2 $0x0;
	[sflag:s12] =	ssyncset.done @!p2 $0x0  }
0xa9: {  	s14 =	simm.s32 @!p2 $0x200;
	[sflag:s12] =	ssyncadd.s32 @!p2 $0xFFFFC800;
	s12 =	simm.s32 @!p2 $0x70  }
0xaa: {  	[tilespmem:s14], [sflag:$0x3] =	stream.indirect.gather @!p2 [hbm4b:s1+s12], $0x80, s13, s12, $0xb8;
	[tilespmem:$0x1C200] =	vst v63  }
0xab: {  	s26 =	simm.s32 @!p2 $0x7200;
	s21 =	smul.u32 @!p2 $0x700, s21;
	s14 =	simm.s32 @!p2 $0x100  }
0xac: {  	[tilespmem:s26], [sflag:$0x3] =	stream.indirect.gather @!p2 [hbm4b:s4+s12], $0x80, s14, s12, $0xb8;
	[tilespmem:$0x1C200] =	vst v63  }
0xad: {  	s12 =	sadd.s32 @!p2 s5, s21;
	s14 =	simm.s32 @!p2 $0xE200  }
0xae: {  	[tilespmem:s14], [sflag:$0x3] =	stream.linear.gather @!p2 [hbm4b:s12+s13], $0x3800, $0x38;
	[tilespmem:$0x1C200] =	vst v63  }
0xaf: {  	s12 =	sadd.s32 @!p2 s6, s21;
	s14 =	simm.s32 @!p2 $0x15200  }
0xb0: {  	[tilespmem:s14], [sflag:$0x3] =	stream.linear.gather @!p2 [hbm4b:s12+s13], $0x3800, $0x38;
	[tilespmem:$0x1C200] =	vst v63  }
0xb1: {  	_ =	swait.ge [sflag:s3], $0x3800  }
0xb2: {  	[sflag:s3] =	ssyncset.done $0x0  }
0xb3: {  	[sflag:s3] =	ssyncadd.s32 $0xFFFFC800  }
0xb4: {  	_ =	swait.ge [sflag:s3], $0x3800  }
0xb5: {  	[sflag:s3] =	ssyncset.done $0x0  }
0xb6: {  	s12 =	sadd.s32 $0x3, s31;
	[sflag:s3] =	ssyncadd.s32 $0xFFFFC800  }
0xb7: {  	p1 =	sge.u32 s12, s11;
	_ =	swait.ge [sflag:s3], $0x3800  }
0xb8: {  	s12 =	sshll.u32 @!p1 s12, $0x5;
	[sflag:s3] =	ssyncset.done $0x0  }
0xb9: {  	s12 =	sor.u32 @!p1 s8, s12;
	[sflag:s3] =	ssyncadd.s32 $0xFFFFC800  }
0xba: {  	s12 =	smul.u32 @!p1 $0xE, s12;
	_ =	swait.ge [sflag:s3], $0x3800  }
0xbb: {  	s14 =	simm.s32 @!p1 $0x0;
	[sflag:s3] =	ssyncset.done $0x0  }
0xbc: {  	s21 =	simm.s32 @!p1 $0x80;
	s13 =	sadd.s32 @!p1 s7, s12;
	[sflag:s3] =	ssyncadd.s32 $0xFFFFC800  }
0xbd: {  	[tilespmem:s21], [sflag:$0x2] =	stream.linear.gather @!p1 [hbm4b:s13+s14], $0x70, $0x38;
	[tilespmem:$0x1C200] =	vst v63  }
0xbe: {  	s12 =	sadd.s32 @!p1 s9, s12;
	s13 =	simm.s32 @!p1 $0x180  }
0xbf: {  	[tilespmem:s13], [sflag:$0x2] =	stream.linear.gather @!p1 [hbm4b:s12+s14], $0x70, $0x38;
	[tilespmem:$0x1C200] =	vst v63  }
0xc0: {  	s12 =	simm.s32 $0x0  }
0xc1: {  	v3 =	vld [tilespmem:s12+$0x18A00]  }
0xc2: {  	v4 =	vld [tilespmem:s12+$0x18A10]  }
0xc3: {  	v2 =	vld [tilespmem:s12+$0x18A20]  }
0xc4: {  	v1 =	vld [tilespmem:s12+$0x18A30]  }
0xc5: {  	v0 =	vld [tilespmem:s12+$0x18A40]  }
0xc6: {  	v13 =	vld [tilespmem:s12+$0x11A00]  }
0xc7: {  	v14 =	vld [tilespmem:s12+$0x11A10]  }
0xc8: {  	v17 =	vld [tilespmem:s12+$0x11A20]  }
0xc9: {  	v7 =	vld [tilespmem:s12+$0x11A30]  }
0xca: {  	v6 =	vld [tilespmem:s12+$0x11A40]  }
0xcb: {  	v5 =	vld [tilespmem:s12+$0x11A50]  }
0xcc: {  	v8 =	vld [tilespmem:s12+$0xAA00]  }
0xcd: {  	v15 =	vld [tilespmem:s12+$0xAA10]  }
0xce: {  	v16 =	vld [tilespmem:s12+$0xAA20]  }
0xcf: {  	v11 =	vld [tilespmem:s12+$0xAA30]  }
0xd0: {  	v9 =	vld [tilespmem:s12+$0xAA40]  }
0xd1: {  	v18 =	vld [tilespmem:s12+$0x3A00]  }
0xd2: {  	v19 =	vld [tilespmem:s12+$0x3A10]  }
0xd3: {  	v20 =	vld [tilespmem:s12+$0x3A20]  }
0xd4: {  	v12 =	vld [tilespmem:s12+$0xAA50]  }
0xd5: {  	v10 =	vld [tilespmem:s12+$0xAA60]  }
0xd6: {  	v18 =	vadd.f32 v8, v18;
	v8 =	vld [tilespmem:s12+$0xAA70]  }
0xd7: {  	v19 =	vadd.f32 v15, v19;
	v15 =	vld [tilespmem:s12+$0x3A30]  }
0xd8: {  	v20 =	vadd.f32 v16, v20;
	v16 =	vld [tilespmem:s12+$0x3A40];
	v21 =	vadd.f32 v13, v18  }
0xd9: {  	v13 =	vld [tilespmem:s12+$0x3A50];
	v18 =	vadd.f32 v14, v19  }
0xda: {  	s13 =	simm.s32 $0x200;
	v17 =	vadd.f32 v17, v20;
	v14 =	vld [tilespmem:s12+$0x3A60];
	v19 =	vmax.f32 v21, $0.0e+00  }
.LBB2_6:
0xdb: {  	p1 =	sne.s32 s13, $0xDE00;
	v3 =	vadd.f32 v19, v3;
	v18 =	vmax.f32 v18, $0.0e+00;
	v19 =	vld [tilespmem:s12+$0x3A70]  }
0xdc: {  	v4 =	vadd.f32 v18, v4;
	v17 =	vmax.f32 v17, $0.0e+00;
	v11 =	vadd.f32 v11, v15;
	v15 =	vld [tilespmem:s12+$0x11A60]  }
0xdd: {  	v2 =	vadd.f32 v17, v2;
	v9 =	vadd.f32 v9, v16;
	v16 =	vld [tilespmem:s12+$0x11A70]  }
0xde: {  	v7 =	vadd.f32 v7, v11;
	v11 =	vadd.f32 v12, v13;
	v12 =	vld [tilespmem:s12+$0x18A50]  }
0xdf: {  	v6 =	vadd.f32 v6, v9;
	v9 =	vadd.f32 v10, v14;
	v10 =	vld [tilespmem:s12+$0x18A60]  }
0xe0: {  	s14 =	sshra.s32 s13, $0x2;
	[tilespmem:s12+$0x3A00] =	vst v3;
	v7 =	vmax.f32 v7, $0.0e+00;
	v5 =	vadd.f32 v5, v11;
	v8 =	vadd.f32 v8, v19;
	v11 =	vld [tilespmem:s12+$0x18A70]  }
0xe1: {  	v3 =	vld [tilespmem:s14+$0x18A00];
	[tilespmem:s12+$0x3A10] =	vst v4;
	v1 =	vadd.f32 v7, v1;
	v6 =	vmax.f32 v6, $0.0e+00;
	v7 =	vadd.f32 v15, v9  }
0xe2: {  	v4 =	vld [tilespmem:s14+$0x18A10];
	[tilespmem:s12+$0x3A20] =	vst v2;
	v0 =	vadd.f32 v6, v0;
	v5 =	vmax.f32 v5, $0.0e+00;
	v6 =	vadd.f32 v16, v8  }
0xe3: {  	v2 =	vld [tilespmem:s14+$0x18A20];
	[tilespmem:s12+$0x3A30] =	vst v1;
	v5 =	vadd.f32 v5, v12;
	v7 =	vmax.f32 v7, $0.0e+00  }
0xe4: {  	v1 =	vld [tilespmem:s14+$0x18A30];
	[tilespmem:s12+$0x3A40] =	vst v0;
	v7 =	vadd.f32 v7, v10;
	v6 =	vmax.f32 v6, $0.0e+00  }
0xe5: {  	v0 =	vld [tilespmem:s14+$0x18A40];
	[tilespmem:s12+$0x3A50] =	vst v5;
	v5 =	vadd.f32 v6, v11  }
0xe6: {  	v13 =	vld [tilespmem:s14+$0x11A00];
	[tilespmem:s12+$0x3A60] =	vst v7  }
0xe7: {  	v14 =	vld [tilespmem:s14+$0x11A10];
	[tilespmem:s12+$0x3A70] =	vst v5;
	s12 =	smov.u32 s14  }
0xe8: {  	v17 =	vld [tilespmem:s12+$0x11A20]  }
0xe9: {  	v7 =	vld [tilespmem:s12+$0x11A30]  }
0xea: {  	v6 =	vld [tilespmem:s12+$0x11A40]  }
0xeb: {  	v5 =	vld [tilespmem:s12+$0x11A50]  }
0xec: {  	v8 =	vld [tilespmem:s12+$0xAA00]  }
0xed: {  	v15 =	vld [tilespmem:s12+$0xAA10]  }
0xee: {  	v16 =	vld [tilespmem:s12+$0xAA20]  }
0xef: {  	v11 =	vld [tilespmem:s12+$0xAA30]  }
0xf0: {  	v9 =	vld [tilespmem:s12+$0xAA40]  }
0xf1: {  	v18 =	vld [tilespmem:s12+$0x3A00]  }
0xf2: {  	v19 =	vld [tilespmem:s12+$0x3A10]  }
0xf3: {  	v20 =	vld [tilespmem:s12+$0x3A20]  }
0xf4: {  	v12 =	vld [tilespmem:s12+$0xAA50]  }
0xf5: {  	v10 =	vld [tilespmem:s12+$0xAA60]  }
.Ltmp6:
0xf6: {  	v18 =	vadd.f32 v8, v18;
	v8 =	vld [tilespmem:s12+$0xAA70];
	(pc) =	sbr.rel @p1 .LBB2_6-.Ltmp6, $4  }
0xf7: {  	v19 =	vadd.f32 v15, v19;
	v15 =	vld [tilespmem:s12+$0x3A30]  }
0xf8: {  	v21 =	vadd.f32 v13, v18;
	v20 =	vadd.f32 v16, v20;
	v16 =	vld [tilespmem:s12+$0x3A40]  }
0xf9: {  	v18 =	vadd.f32 v14, v19;
	v13 =	vld [tilespmem:s12+$0x3A50]  }
0xfa: {  	s13 =	sadd.s32 $0x200, s13;
	v19 =	vmax.f32 v21, $0.0e+00;
	v17 =	vadd.f32 v17, v20;
	v14 =	vld [tilespmem:s12+$0x3A60]  }
0xfb: {  	v20 =	vld [tilespmem:s12+$0x3A70];
	v3 =	vadd.f32 v19, v3;
	v18 =	vmax.f32 v18, $0.0e+00  }
0xfc: {  	v46 =	vld [tilespmem:s12+$0x11A60];
	v4 =	vadd.f32 v18, v4;
	v17 =	vmax.f32 v17, $0.0e+00;
	v11 =	vadd.f32 v11, v15  }
0xfd: {  	v47 =	vld [tilespmem:s12+$0x11A70];
	v2 =	vadd.f32 v17, v2;
	v9 =	vadd.f32 v9, v16  }
0xfe: {  	v48 =	vld [tilespmem:s12+$0x18A50];
	v7 =	vadd.f32 v7, v11;
	v49 =	vadd.f32 v12, v13  }
0xff: {  	v50 =	vld [tilespmem:s12+$0x18A60];
	v6 =	vadd.f32 v6, v9;
	v51 =	vadd.f32 v10, v14  }
0x100: {  	v54 =	vld [tilespmem:s12+$0x18A70];
	[tilespmem:s12+$0x3A00] =	vst v3;
	v52 =	vmax.f32 v7, $0.0e+00;
	v5 =	vadd.f32 v5, v49;
	v53 =	vadd.f32 v8, v20  }
0x101: {  	[tilespmem:s12+$0x3A10] =	vst v4;
	v1 =	vadd.f32 v52, v1;
	v55 =	vmax.f32 v6, $0.0e+00;
	v56 =	vadd.f32 v46, v51  }
0x102: {  	[tilespmem:s12+$0x3A20] =	vst v2;
	v0 =	vadd.f32 v55, v0;
	v57 =	vmax.f32 v5, $0.0e+00;
	v58 =	vadd.f32 v47, v53  }
0x103: {  	s13 =	sshll.u32 s30, $0x5;
	[tilespmem:s12+$0x3A30] =	vst v1;
	v59 =	vadd.f32 v57, v48;
	v60 =	vmax.f32 v56, $0.0e+00  }
.Ltmp7:
0x104: {  	s13 =	sor.u32 s8, s13;
	[tilespmem:s12+$0x3A40] =	vst v0;
	v61 =	vadd.f32 v60, v50;
	v62 =	vmax.f32 v58, $0.0e+00;
	(pc) =	sbr.rel .LBB2_8-.Ltmp7, $4  }
0x105: {  	s13 =	smul.u32 $0x700, s13;
	[tilespmem:s12+$0x3A50] =	vst v59;
	v63 =	vadd.f32 v62, v54  }
0x106: {  	[tilespmem:s12+$0x3A60] =	vst v61  }
0x107: {  	s31 =	sadd.s32 s10, s13;
	[tilespmem:s12+$0x3A70] =	vst v63  }
0x108: {  	[hbm4b:s31+s2] =	stream.linear.scatter [tilespmem:s18], [sflag:$0x6], $0x3800, $0x38;
	[tilespmem:$0x1C200] =	vst v63  }
.LBB2_9:
0x109: {  	_ =	swait.ge [sflag:s19], $0x3800  }
.Ltmp8:
0x10a: {  	[sflag:s19] =	ssyncset.done $0x0;
	(pc) =	sbr.rel @p0 .LBB2_13-.Ltmp8, $4  }
0x10b: {  	[sflag:s19] =	ssyncadd.s32 $0xFFFFC800  }
0x10c: {  	_ =	swait.ge [sflag:s20], $0x3800  }
0x10d: {  	[sflag:s20] =	ssyncset.done $0x0  }
0x10e: {  	[sflag:s20] =	ssyncadd.s32 $0xFFFFC800  }
0x10f: {  	s12 =	simm.s32 $0x0;
	s13 =	rddreg [dreg:$0x6]  }
0x110: {  	[tilespmem:s12], [sflag:$0x1] =	stream.linear.gather [hbm4b:s13+s12], $0x60, $0x38;
	[tilespmem:$0x1C200] =	vst v63  }
0x111: {  	s14 =	rddreg [dreg:$0x7]  }
0x112: {  	[tilespmem:s24], [sflag:$0x1] =	stream.linear.gather [hbm4b:s14+s12], $0x60, $0x38;
	[tilespmem:$0x1C200] =	vst v63  }
0x113: {  	_ =	swait.ge [sflag:s25], $0x60  }
0x114: {  	[sflag:s25] =	ssyncset.done $0x0  }
0x115: {  	[sflag:s25] =	ssyncadd.s32 $0xFFFFFFA0  }
0x116: {  	_ =	swait.ge [sflag:s25], $0x60  }
0x117: {  	[sflag:s25] =	ssyncset.done $0x0  }
0x118: {  	s14 =	simm.s32 $0x60;
	[sflag:s25] =	ssyncadd.s32 $0xFFFFFFA0  }
0x119: {  	[tilespmem:s28], [sflag:$0x3] =	stream.indirect.gather [hbm4b:s1+s14], $0x80, s12, s14, $0xb8;
	[tilespmem:$0x1C200] =	vst v63  }
0x11a: {  	s21 =	simm.s32 $0x7200  }
0x11b: {  	[tilespmem:s21], [sflag:$0x3] =	stream.indirect.gather [hbm4b:s4+s14], $0x80, s24, s14, $0xb8;
	[tilespmem:$0x1C200] =	vst v63  }
0x11c: {  	s29 =	simm.s32 $0xE200;
	s26 =	rddreg [dreg:$0x8]  }
0x11d: {  	[tilespmem:s29], [sflag:$0x3] =	stream.linear.gather [hbm4b:s26+s12], $0x3000, $0x38;
	[tilespmem:$0x1C200] =	vst v63  }
0x11e: {  	s31 =	simm.s32 $0x15200;
	s30 =	rddreg [dreg:$0x9]  }
0x11f: {  	[tilespmem:s31], [sflag:$0x3] =	stream.linear.gather [hbm4b:s30+s12], $0x3000, $0x38;
	[tilespmem:$0x1C200] =	vst v63  }
0x120: {  	_ =	swait.ge [sflag:s0], $0x3000  }
0x121: {  	[sflag:s0] =	ssyncset.done $0x0  }
0x122: {  	[sflag:s0] =	ssyncadd.s32 $0xFFFFD000  }
0x123: {  	_ =	swait.ge [sflag:s0], $0x3000  }
0x124: {  	[sflag:s0] =	ssyncset.done $0x0  }
0x125: {  	[sflag:s0] =	ssyncadd.s32 $0xFFFFD000  }
0x126: {  	_ =	swait.ge [sflag:s0], $0x3000  }
0x127: {  	[sflag:s0] =	ssyncset.done $0x0  }
0x128: {  	[sflag:s0] =	ssyncadd.s32 $0xFFFFD000  }
0x129: {  	_ =	swait.ge [sflag:s0], $0x3000  }
0x12a: {  	[sflag:s0] =	ssyncset.done $0x0  }
0x12b: {  	s12 =	simm.s32 $0x0;
	[sflag:s0] =	ssyncadd.s32 $0xFFFFD000  }
0x12c: {  	v3 =	vld [tilespmem:s12+$0x15200]  }
0x12d: {  	v4 =	vld [tilespmem:s12+$0x15210]  }
0x12e: {  	v2 =	vld [tilespmem:s12+$0x15220]  }
0x12f: {  	v1 =	vld [tilespmem:s12+$0x15230]  }
0x130: {  	v0 =	vld [tilespmem:s12+$0x15240]  }
0x131: {  	v13 =	vld [tilespmem:s12+$0xE200]  }
0x132: {  	v14 =	vld [tilespmem:s12+$0xE210]  }
0x133: {  	v17 =	vld [tilespmem:s12+$0xE220]  }
0x134: {  	v7 =	vld [tilespmem:s12+$0xE230]  }
0x135: {  	v6 =	vld [tilespmem:s12+$0xE240]  }
0x136: {  	v5 =	vld [tilespmem:s12+$0xE250]  }
0x137: {  	v8 =	vld [tilespmem:s12+$0x7200]  }
0x138: {  	v15 =	vld [tilespmem:s12+$0x7210]  }
0x139: {  	v16 =	vld [tilespmem:s12+$0x7220]  }
0x13a: {  	v11 =	vld [tilespmem:s12+$0x7230]  }
0x13b: {  	v9 =	vld [tilespmem:s12+$0x7240]  }
0x13c: {  	v18 =	vld [tilespmem:s12+$0x200]  }
0x13d: {  	v19 =	vld [tilespmem:s12+$0x210]  }
0x13e: {  	v20 =	vld [tilespmem:s12+$0x220]  }
0x13f: {  	v12 =	vld [tilespmem:s12+$0x7250]  }
0x140: {  	v10 =	vld [tilespmem:s12+$0x7260]  }
0x141: {  	v18 =	vadd.f32 v8, v18;
	v8 =	vld [tilespmem:s12+$0x7270]  }
0x142: {  	v19 =	vadd.f32 v15, v19;
	v15 =	vld [tilespmem:s12+$0x230]  }
0x143: {  	v20 =	vadd.f32 v16, v20;
	v16 =	vld [tilespmem:s12+$0x240];
	v21 =	vadd.f32 v13, v18  }
0x144: {  	v13 =	vld [tilespmem:s12+$0x250];
	v18 =	vadd.f32 v14, v19  }
0x145: {  	s13 =	simm.s32 $0x200;
	v17 =	vadd.f32 v17, v20;
	v14 =	vld [tilespmem:s12+$0x260];
	v19 =	vmax.f32 v21, $0.0e+00  }
.LBB2_11:
0x146: {  	p1 =	sne.s32 s13, $0xBE00;
	v3 =	vadd.f32 v19, v3;
	v18 =	vmax.f32 v18, $0.0e+00;
	v19 =	vld [tilespmem:s12+$0x270]  }
0x147: {  	v4 =	vadd.f32 v18, v4;
	v17 =	vmax.f32 v17, $0.0e+00;
	v11 =	vadd.f32 v11, v15;
	v15 =	vld [tilespmem:s12+$0xE260]  }
0x148: {  	v2 =	vadd.f32 v17, v2;
	v9 =	vadd.f32 v9, v16;
	v16 =	vld [tilespmem:s12+$0xE270]  }
0x149: {  	v7 =	vadd.f32 v7, v11;
	v11 =	vadd.f32 v12, v13;
	v12 =	vld [tilespmem:s12+$0x15250]  }
0x14a: {  	v6 =	vadd.f32 v6, v9;
	v9 =	vadd.f32 v10, v14;
	v10 =	vld [tilespmem:s12+$0x15260]  }
0x14b: {  	s14 =	sshra.s32 s13, $0x2;
	[tilespmem:s12+$0x200] =	vst v3;
	v7 =	vmax.f32 v7, $0.0e+00;
	v5 =	vadd.f32 v5, v11;
	v8 =	vadd.f32 v8, v19;
	v11 =	vld [tilespmem:s12+$0x15270]  }
0x14c: {  	v3 =	vld [tilespmem:s14+$0x15200];
	[tilespmem:s12+$0x210] =	vst v4;
	v1 =	vadd.f32 v7, v1;
	v6 =	vmax.f32 v6, $0.0e+00;
	v7 =	vadd.f32 v15, v9  }
0x14d: {  	v4 =	vld [tilespmem:s14+$0x15210];
	[tilespmem:s12+$0x220] =	vst v2;
	v0 =	vadd.f32 v6, v0;
	v5 =	vmax.f32 v5, $0.0e+00;
	v6 =	vadd.f32 v16, v8  }
0x14e: {  	v2 =	vld [tilespmem:s14+$0x15220];
	[tilespmem:s12+$0x230] =	vst v1;
	v5 =	vadd.f32 v5, v12;
	v7 =	vmax.f32 v7, $0.0e+00  }
0x14f: {  	v1 =	vld [tilespmem:s14+$0x15230];
	[tilespmem:s12+$0x240] =	vst v0;
	v7 =	vadd.f32 v7, v10;
	v6 =	vmax.f32 v6, $0.0e+00  }
0x150: {  	v0 =	vld [tilespmem:s14+$0x15240];
	[tilespmem:s12+$0x250] =	vst v5;
	v5 =	vadd.f32 v6, v11  }
0x151: {  	v13 =	vld [tilespmem:s14+$0xE200];
	[tilespmem:s12+$0x260] =	vst v7  }
0x152: {  	v14 =	vld [tilespmem:s14+$0xE210];
	[tilespmem:s12+$0x270] =	vst v5;
	s12 =	smov.u32 s14  }
0x153: {  	v17 =	vld [tilespmem:s12+$0xE220]  }
0x154: {  	v7 =	vld [tilespmem:s12+$0xE230]  }
0x155: {  	v6 =	vld [tilespmem:s12+$0xE240]  }
0x156: {  	v5 =	vld [tilespmem:s12+$0xE250]  }
0x157: {  	v8 =	vld [tilespmem:s12+$0x7200]  }
0x158: {  	v15 =	vld [tilespmem:s12+$0x7210]  }
0x159: {  	v16 =	vld [tilespmem:s12+$0x7220]  }
0x15a: {  	v11 =	vld [tilespmem:s12+$0x7230]  }
0x15b: {  	v9 =	vld [tilespmem:s12+$0x7240]  }
0x15c: {  	v18 =	vld [tilespmem:s12+$0x200]  }
0x15d: {  	v19 =	vld [tilespmem:s12+$0x210]  }
0x15e: {  	v20 =	vld [tilespmem:s12+$0x220]  }
0x15f: {  	v12 =	vld [tilespmem:s12+$0x7250]  }
0x160: {  	v10 =	vld [tilespmem:s12+$0x7260]  }
.Ltmp9:
0x161: {  	v18 =	vadd.f32 v8, v18;
	v8 =	vld [tilespmem:s12+$0x7270];
	(pc) =	sbr.rel @p1 .LBB2_11-.Ltmp9, $4  }
0x162: {  	v19 =	vadd.f32 v15, v19;
	v15 =	vld [tilespmem:s12+$0x230]  }
0x163: {  	v21 =	vadd.f32 v13, v18;
	v20 =	vadd.f32 v16, v20;
	v16 =	vld [tilespmem:s12+$0x240]  }
0x164: {  	v18 =	vadd.f32 v14, v19;
	v13 =	vld [tilespmem:s12+$0x250]  }
0x165: {  	s13 =	sadd.s32 $0x200, s13;
	v19 =	vmax.f32 v21, $0.0e+00;
	v17 =	vadd.f32 v17, v20;
	v14 =	vld [tilespmem:s12+$0x260]  }
0x166: {  	v20 =	vld [tilespmem:s12+$0x270];
	v3 =	vadd.f32 v19, v3;
	v18 =	vmax.f32 v18, $0.0e+00  }
0x167: {  	v46 =	vld [tilespmem:s12+$0xE260];
	v4 =	vadd.f32 v18, v4;
	v17 =	vmax.f32 v17, $0.0e+00;
	v11 =	vadd.f32 v11, v15  }
0x168: {  	v47 =	vld [tilespmem:s12+$0xE270];
	v2 =	vadd.f32 v17, v2;
	v9 =	vadd.f32 v9, v16  }
0x169: {  	v48 =	vld [tilespmem:s12+$0x15250];
	v7 =	vadd.f32 v7, v11;
	v49 =	vadd.f32 v12, v13  }
0x16a: {  	v50 =	vld [tilespmem:s12+$0x15260];
	v6 =	vadd.f32 v6, v9;
	v51 =	vadd.f32 v10, v14  }
0x16b: {  	v54 =	vld [tilespmem:s12+$0x15270];
	[tilespmem:s12+$0x200] =	vst v3;
	v52 =	vmax.f32 v7, $0.0e+00;
	v5 =	vadd.f32 v5, v49;
	v53 =	vadd.f32 v8, v20  }
0x16c: {  	[tilespmem:s12+$0x210] =	vst v4;
	v1 =	vadd.f32 v52, v1;
	v55 =	vmax.f32 v6, $0.0e+00;
	v56 =	vadd.f32 v46, v51  }
0x16d: {  	[tilespmem:s12+$0x220] =	vst v2;
	v0 =	vadd.f32 v55, v0;
	v57 =	vmax.f32 v5, $0.0e+00;
	v58 =	vadd.f32 v47, v53  }
0x16e: {  	[tilespmem:s12+$0x230] =	vst v1;
	v59 =	vadd.f32 v57, v48;
	v60 =	vmax.f32 v56, $0.0e+00  }
0x16f: {  	[tilespmem:s12+$0x240] =	vst v0;
	v61 =	vadd.f32 v60, v50;
	v62 =	vmax.f32 v58, $0.0e+00  }
0x170: {  	[tilespmem:s12+$0x250] =	vst v59;
	v63 =	vadd.f32 v62, v54  }
0x171: {  	[tilespmem:s12+$0x260] =	vst v61  }
.Ltmp10:
0x172: {  	s30 =	rddreg [dreg:$0xa];
	s31 =	simm.s32 $0x7;
	[tilespmem:s12+$0x270] =	vst v63;
	(pc) =	sbr.rel .LBB2_13-.Ltmp10, $4  }
0x173: {  	[hbm4b:s30+s2] =	stream.linear.scatter [tilespmem:s28], [sflag:$0x7], $0x3000, $0x38;
	[tilespmem:$0x1C200] =	vst v63  }
0x174: {  	_ =	swait.ge [sflag:s31], $0x3000  }
0x175: {  	[sflag:s31] =	ssyncset.done $0x0  }
0x176: {  	[sflag:s31] =	ssyncadd.s32 $0xFFFFD000  }
.LBB2_14:
0x177: {  	_ =	sfence.sel $0x180000  }
0x178: {  	[bflag:$0x0] =	sbarrier.arrive $0xFFFF  }
0x179: {  	_ =	strace $0x9000004A  }
0x17a: {  	s0 =	stileid.u32;
	[bflag:$0x2] =	sbarrier.arrive $0xFFFF  }
0x17b: {  	p0 =	sne.s32 s0, $0x0;
	s0 =	rddreg [dreg:$0x2]  }
0x17c: {  	s0 =	sadd.s32 @!p0 $0x100000, s0  }
0x17d: {  	[sflag:s0] =	ssyncadd.tile.s32 @!p0 $0x1;
	_ =	shalt  }
.Lfunc_end2:
_tile_overlayer_lowered:
.L_overlay_start_2:
0x17e: {  	(tag) =	ssettag $0x2  }
0x17f: {  	s0 =	rddreg [dreg:$0x0];
	s2 =	stileid.u32  }
0x180: {  	s1 =	rddreg [dreg:$0x1];
	p0 =	sne.s32 s2, $0x0  }
0x181: {  	s3 =	rddreg [dreg:$0x2];
	[bflag:$0x3] =	sbarrier.arrive $0xFFFF;
	s2 =	simm.s32 @!p0 $0x1C07  }
0x182: {  	[timem:s3], [sflag:s2] =	dma.local @!p0 [hbm:s0], s1  }
0x183: {  	s0 =	simm.s32 @!p0 $0x7  }
0x184: {  	_ =	swait.ge @!p0 [sflag:s0], s1  }
0x185: {  	s1 =	ssub.s32 @!p0 $0x0, s1;
	[sflag:s0] =	ssyncset.done @!p0 $0x0  }
0x186: {  	[sflag:s0] =	ssyncadd.s32 @!p0 s1  }
0x187: {  	[bflag:$0x3] =	sbarrier.arrive $0xFFFF  }
0x188: {  	_ =	shalt  }

// kernel: kernel.15.cloned.1.call-start
scs
__scs_entry_jumppad:
0x0: {  	(pc) =	sbr.rel $0x88, $3  }
0x1: {  	(tag) =	ssettag $0x0;
	lr =	simm.s32 $0x1  }
0x2: {  	[smem:$0x3F90] =	sst lr;
	_ =	strace $0xD0000000  }
0x3: {  	_ = 	snop  }
0x4: {  	_ = 	snop  }
0x5: {  	_ = 	snop  }
0x6: {  	_ = 	snop  }
0x7: {  	_ = 	snop  }
__scs_overlays_trampoline_lowered:
0x8: {  	[smem:$0x3F9F] =	sst s0  }
0x9: {  	[smem:$0x3FA0] =	sst s1  }
0xa: {  	[smem:$0x3FA1] =	sst s2  }
0xb: {  	[smem:$0x3FA2] =	sst s3  }
0xc: {  	[smem:$0x3FA3] =	sst s4  }
0xd: {  	[smem:$0x3FA4] =	sst s5  }
0xe: {  	[smem:$0x3FA5] =	sst s6  }
0xf: {  	[smem:$0x3FA6] =	sst s7  }
0x10: {  	[smem:$0x3FA7] =	sst s8  }
0x11: {  	[smem:$0x3FA8] =	sst s9;
	s0 =	simm.s32 @!p0 $0x0  }
0x12: {  	s1 =	sld [smem:$0x3F8E];
	s0 =	simm.s32 @p0 $0x1  }
0x13: {  	[smem:$0x3FA9] =	sst s0;
	s0 =	simm.s32 @!p1 $0x0  }
0x14: {  	s2 =	sld [smem:$0x3F8D];
	s0 =	simm.s32 @p1 $0x1  }
0x15: {  	[smem:$0x3FAA] =	sst s0;
	s0 =	simm.s32 @!p2 $0x0  }
0x16: {  	s3 =	sld [smem:$0x3FDB];
	s0 =	simm.s32 @p2 $0x1  }
0x17: {  	s4 =	simm.s32 $0x1BF5;
	[smem:$0x3FAC] =	sst s0  }
0x18: {  	s0 =	sld [smem:$0x3F8F];
	_ =	swait.ge [sflag:s4], $0x0  }
0x19: {  	s7 =	sld [smem:$0x3F90]  }
0x1a: {  	s8 =	sadd.s32 $0xFFFFE003, lr  }
0x1b: {  	s9 =	sadd.s32 $0xFFFFFEF7, lr;
	s5 =	simm.s32 $0xFFFFFFFF;
	p2 =	slt.u32 s8, $0xFFFFF086  }
0x1c: {  	p1 =	slt.u32 s9, $0xF7A;
	s5 =	simm.s32 @!p2 $0x0  }
0x1d: {  	s5 =	simm.s32 @p1 $0x1;
	p0 =	seq.s32 s7, s2  }
0x1e: {  	s7 =	smul.u32 @!p0 $0xF7A, s2;
	p2 =	seq.s32 @!p0 s5, $0x0  }
0x1f: {  	s9 =	smul.u32 $0xF7A, s1;
	s8 =	simm.s32 @!p0 $0x1BF5;
	p2 =	por !p2, p0  }
0x20: {  	[sflag:s8] =	ssyncset.s32 @!p0 $0xFFFFF086;
	s6 =	sadd.s32 @!p0 s3, s7;
	s7 =	simm.s32 @!p0 $0x108  }
0x21: {  	s3 =	sadd.s32 s3, s9;
	s6 =	sadd.s32 @!p0 $0x88, s6;
	s7 =	simm.s32 @p2 $0x1082  }
0x22: {  	[simem:s7], [sflag:s8] =	dma.local @!p0 [hbm:s6], $0xF7A  }
0x23: {  	s9 =	sor.u32 $0xD0000000, s2;
	s6 =	simm.s32 $0x108;
	_ =	swait.ge @!p0 [sflag:s8], $0x0  }
0x24: {  	s3 =	sadd.s32 $0x88, s3;
	s6 =	simm.s32 @!p1 $0x1082;
	[sflag:s4] =	ssyncset.s32 $0xFFFFF086  }
0x25: {  	[simem:s6], [sflag:s4] =	dma.local [hbm:s3], $0xF7A  }
0x26: {  	[smem:$0x3F90] =	sst s1;
	(tag) =	ssettag s2;
	_ =	strace s9  }
0x27: {  	s1 =	sld [smem:$0x3FA0]  }
0x28: {  	s2 =	sld [smem:$0x3FA1]  }
0x29: {  	s4 =	sld [smem:$0x3FA3]  }
0x2a: {  	p0 =	seq.s32 s5, $0x0;
	s5 =	sld [smem:$0x3FA4]  }
0x2b: {  	s6 =	sld [smem:$0x3FA5]  }
0x2c: {  	s7 =	sld [smem:$0x3FA6]  }
0x2d: {  	s3 =	simm.s32 $0x108;
	s8 =	sld [smem:$0x3FA7]  }
0x2e: {  	s3 =	simm.s32 @!p0 $0x1082;
	s9 =	sld [smem:$0x3FA8]  }
0x2f: {  	lr =	sadd.s32 s0, s3;
	s0 =	sld [smem:$0x3F9F]  }
0x30: {  	s3 =	sld [smem:$0x3FA2]  }
0x31: {  	[smem:$0x3FAB] =	sst s10  }
0x32: {  	s10 =	sld [smem:$0x3FA9];
	_ =	sdelay $0x3  }
0x33: {  	p0 =	seq.s32 s10, $0x1;
	s10 =	sld [smem:$0x3FAB];
	_ =	sdelay $0x3  }
0x34: {  	[smem:$0x3FAB] =	sst s10  }
0x35: {  	s10 =	sld [smem:$0x3FAA];
	_ =	sdelay $0x3  }
0x36: {  	p1 =	seq.s32 s10, $0x1;
	s10 =	sld [smem:$0x3FAB];
	_ =	sdelay $0x3  }
0x37: {  	[smem:$0x3FAB] =	sst s10  }
0x38: {  	s10 =	sld [smem:$0x3FAC]  }
0x39: {  	_ = 	snop;
	(pc) =	sbr.ind lr, $3  }
0x3a: {  	_ = 	snop  }
0x3b: {  	_ = 	snop  }
0x3c: {  	p2 =	seq.s32 s10, $0x1;
	s10 =	sld [smem:$0x3FAB]  }
0x3d: {  	_ =	shalt  }
0x3e: {  	_ =	shalt  }
0x3f: {  	_ =	shalt  }
0x40: {  	_ =	shalt  }
0x41: {  	_ =	shalt  }
0x42: {  	_ =	shalt  }
0x43: {  	_ =	shalt  }
0x44: {  	_ =	shalt  }
0x45: {  	_ =	shalt  }
0x46: {  	_ =	shalt  }
0x47: {  	_ =	shalt  }
0x48: {  	_ =	shalt  }
0x49: {  	_ =	shalt  }
0x4a: {  	_ =	shalt  }
0x4b: {  	_ =	shalt  }
0x4c: {  	_ =	shalt  }
0x4d: {  	_ =	shalt  }
0x4e: {  	_ =	shalt  }
0x4f: {  	_ =	shalt  }
0x50: {  	_ =	shalt  }
0x51: {  	_ =	shalt  }
0x52: {  	_ =	shalt  }
0x53: {  	_ =	shalt  }
0x54: {  	_ =	shalt  }
0x55: {  	_ =	shalt  }
0x56: {  	_ =	shalt  }
0x57: {  	_ =	shalt  }
0x58: {  	_ =	shalt  }
0x59: {  	_ =	shalt  }
0x5a: {  	_ =	shalt  }
0x5b: {  	_ =	shalt  }
0x5c: {  	_ =	shalt  }
0x5d: {  	_ =	shalt  }
0x5e: {  	_ =	shalt  }
0x5f: {  	_ =	shalt  }
0x60: {  	_ =	shalt  }
0x61: {  	_ =	shalt  }
0x62: {  	_ =	shalt  }
0x63: {  	_ =	shalt  }
0x64: {  	_ =	shalt  }
0x65: {  	_ =	shalt  }
0x66: {  	_ =	shalt  }
0x67: {  	_ =	shalt  }
0x68: {  	_ =	shalt  }
0x69: {  	_ =	shalt  }
0x6a: {  	_ =	shalt  }
0x6b: {  	_ =	shalt  }
0x6c: {  	_ =	shalt  }
0x6d: {  	_ =	shalt  }
0x6e: {  	_ =	shalt  }
0x6f: {  	_ =	shalt  }
0x70: {  	_ =	shalt  }
0x71: {  	_ =	shalt  }
0x72: {  	_ =	shalt  }
0x73: {  	_ =	shalt  }
0x74: {  	_ =	shalt  }
0x75: {  	_ =	shalt  }
0x76: {  	_ =	shalt  }
0x77: {  	_ =	shalt  }
0x78: {  	_ =	shalt  }
0x79: {  	_ =	shalt  }
0x7a: {  	_ =	shalt  }
0x7b: {  	_ =	shalt  }
0x7c: {  	_ =	shalt  }
0x7d: {  	_ =	shalt  }
0x7e: {  	_ =	shalt  }
0x7f: {  	_ =	shalt  }
0x80: {  	_ =	shalt  }
0x81: {  	_ =	shalt  }
0x82: {  	_ =	shalt  }
0x83: {  	_ =	shalt  }
0x84: {  	_ =	shalt  }
0x85: {  	_ =	shalt  }
0x86: {  	_ =	shalt  }
0x87: {  	_ =	shalt  }
.Lfunc_end0:
.L_simem_size_0:
called_computation.2_lowered:
.L_overlay_start_0:
0x88: {  	s2 =	sld [smem:$0x3FD9]  }
0x89: {  	s3 =	sld [smem:$0x3FFE];
	_ =	sdelay $0x1  }
0x8a: {  	s1 =	srdreg.scid  }
0x8b: {  	s0 =	sand.u32 $0x1, s1  }
0x8c: {  	s14 =	sshll.u32 s0, $0xA;
	s2 =	sadd.s32 s3, s2  }
0x8d: {  	s2 =	sadd.s32 s2, s14  }
0x8e: {  	[smem:$0x3FB7] =	sst s2  }
0x8f: {  	_ = 	snop  }
0x90: {  	s2 =	sld [smem:$0x3FD0];
	_ =	sdelay $0x2  }
0x91: {  	s15 =	simm.s32 $0xA;
	s4 =	simm.s32 $0x10  }
0x92: {  	[smem:s4], [sflag:s15] =	dma.local [hbm:s2], $0x1  }
0x93: {  	_ =	swait.eq [sflag:s15], $0x1  }
0x94: {  	[sflag:s15] =	ssyncset.done $0x0  }
0x95: {  	[sflag:s15] =	ssyncadd.s32 $0xFFFFFFFF  }
0x96: {  	s16 =	sld [smem:$0x11];
	(tm) =	ssettm $0x1  }
0x97: {  	s17 =	sld [smem:$0x3FFB];
	_ =	sdelay $0x3  }
0x98: {  	_ =	strace s17  }
0x99: {  	s3 =	sld [smem:$0x3FFC];
	_ =	sdelay $0x3  }
0x9a: {  	_ =	strace s3  }
0x9b: {  	s3 =	sld [smem:$0x3FFD];
	_ =	sdelay $0x3  }
0x9c: {  	_ =	strace s3  }
0x9d: {  	_ =	strace $0x8FFFFFFF  }
0x9e: {  	s18 =	sld [smem:$0x3FDB];
	_ =	sdelay $0x1  }
0x9f: {  	s19 =	simm.s32 $_scs_section_size  }
0xa0: {  	s5 =	simm.s32 $_size__tile_overlayer_lowered;
	s6 =	simm.s32 $_tile_overlayer_lowered  }
0xa1: {  	s22 =	simm.s32 $0x1BFF;
	s21 =	sshll.u32 s6, $0x1;
	s3 =	sadd.s32 s19, s18  }
0xa2: {  	s7 =	simm.s32 $0x0;
	s20 =	sshll.u32 s5, $0x1;
	s5 =	sadd.s32 s21, s3  }
0xa3: {  	[timem:s7], [sflag:s22] =	dma.local [hbm:s5], s20  }
0xa4: {  	_ =	swait.ge [sflag:s22], s20  }
0xa5: {  	s4 =	ssub.s32 $0x0, s20;
	[sflag:s22] =	ssyncset.done $0x0  }
0xa6: {  	[sflag:s22] =	ssyncadd.s32 s4;
	_ =	sdelay $0x1  }
0xa7: {  	s23 =	simm.s32 $0x1B8B  }
0xa8: {  	_ =	swait.ge [sflag:s23], $0x1  }
0xa9: {  	[sflag:s23] =	ssyncset.done $0x0  }
0xaa: {  	s25 =	simm.s32 $0x1B8E;
	s24 =	sld [smem:$0x3FFE];
	[sflag:s23] =	ssyncadd.s32 $0xFFFFFFFF  }
0xab: {  	s26 =	simm.s32 $execute0_lowered;
	[smem:$0x3FD2] =	sst s25  }
0xac: {  	s5 =	sshll.u32 s26, $0x1;
	_ =	strace $0x8000004C;
	[dreg:$0x1] =	wrdreg $0xFFFFFFFF  }
0xad: {  	s28 =	simm.s32 $_size_execute0_lowered;
	s3 =	sadd.s32 s3, s5;
	[dreg:$0x0] =	wrdreg $0x0  }
0xae: {  	s5 =	sshll.u32 s28, $0x1;
	[dreg:$0x2] =	wrdreg s3  }
0xaf: {  	[dreg:$0x3] =	wrdreg s5  }
0xb0: {  	[dreg:$0x4] =	wrdreg $0xC0  }
0xb1: {  	_ =	task [dreg:s7], $0x5FFFF  }
0xb2: {  	[dreg:$0x1] =	wrdreg $0xFFFFFFFF  }
0xb3: {  	[dreg:$0x0] =	wrdreg $0x60  }
0xb4: {  	[dreg:$0x2] =	wrdreg s16  }
0xb5: {  	[dreg:$0x3] =	wrdreg s24  }
0xb6: {  	[dreg:$0x4] =	wrdreg $0x9  }
0xb7: {  	_ =	task.clear_ibuf [dreg:s7], $0x5FFFF;
	_ =	strace $0x9000004C  }
0xb8: {  	s29 =	simm.s32 $0x9;
	_ =	strace $0x8000004E  }
0xb9: {  	_ =	swait.ge [sflag:s29], $0x1  }
0xba: {  	[sflag:s29] =	ssyncadd.s32 $0xFFFFFFFF  }
0xbb: {  	_ =	strace $0x9000004E  }
0xbc: {  	_ =	sfence  }
0xbd: {  	s30 =	sld [smem:$0x0];
	_ =	sdelay $0x2  }
0xbe: {  	s31 =	sshll.u32 s1, $0xD;
	s1 =	sshrl.u32 s1, $0x2  }
0xbf: {  	s3 =	sand.u32 $0x4000, s31;
	s1 =	sadd.s32 s1, s30  }
0xc0: {  	s0 =	sor.u32 s3, s0;
	s1 =	sshll.u32 s1, $0x11  }
0xc1: {  	s0 =	sor.u32 s1, s0  }
0xc2: {  	s0 =	sadd.s32 $0x8F2B, s0  }
0xc3: {  	[sflag:s0] =	ssyncadd.remote.s32 $0x1  }
0xc4: {  	_ =	sfence.sel $0xFFFF  }
0xc5: {  	[dreg:$0x0] =	wrdreg $0xFFFFFFFF;
	(pc) =	sbr.abs _section_cstart, $3  }
0xc6: {  	[dreg:$0x1] =	wrdreg $0xFFFFFFFF  }
0xc7: {  	_ =	task.clear_ibuf [dreg:s7], $0x2FFFF;
	_ =	strace $0x9FFFFFFF  }
0xc8: {  	(tm) =	ssettm $0x7FFFFFFF  }
0xc9: {  	_ =	shalt  }
tec
execute0_lowered:
.L_overlay_start_1:
0x0: {  	(tag) =	ssettag $0x1  }
0x1: {  	s1 =	rddreg [dreg:$0x0]  }
0x2: {  	s0 =	rddreg [dreg:$0x1];
	s2 =	simm.s32 $0x0  }
0x3: {  	s3 =	srdreg.scid;
	s6 =	stileid.u32;
	s28 =	simm.s32 $0x200  }
0x4: {  	s18 =	simm.s32 $0x3A00;
	s19 =	simm.s32 $0x5;
	s20 =	simm.s32 $0x6  }
0x5: {  	s22 =	simm.s32 $0x0;
	[smem:$0x7FF] =	sst s2;
	s4 =	sadd.s32 $0xAC00, s0  }
0x6: {  	s5 =	sadd.s32 $0x7ABE00, s0;
	s3 =	sand.u32 $0x1, s3;
	s8 =	sshll.u32 s6, $0x1  }
0x7: {  	s6 =	sadd.s32 $0x191600, s0;
	s7 =	sadd.s32 $0x7A00, s0;
	s26 =	sadd.s32 $0xAAC8, s0  }
0x8: {  	s29 =	sadd.s32 $0x78C8, s0;
	_ =	strace $0x8000004D;
	[dreg:$0x6] =	wrdreg s26  }
0x9: {  	s9 =	sadd.s32 $0x4800, s0;
	s30 =	sadd.s32 $0x932200, s0;
	[dreg:$0x7] =	wrdreg s29  }
0xa: {  	s10 =	sadd.s32 $0x318000, s0;
	s31 =	sadd.s32 $0x317A00, s0;
	[dreg:$0x8] =	wrdreg s30  }
0xb: {  	s0 =	sadd.s32 $0x49E400, s0;
	s8 =	sor.u32 s3, s8;
	[dreg:$0x9] =	wrdreg s31  }
0xc: {  	s3 =	ssub.s32 $0x2, s3;
	[dreg:$0xa] =	wrdreg s0;
	s12 =	smul.u32 $0xE, s8  }
0xd: {  	s0 =	simm.s32 $0x3;
	s11 =	sshrl.u32 s3, $0x1;
	s13 =	smul.u32 $0x70, s8  }
0xe: {  	s23 =	ssub.s32 $0x39B, s8;
	s15 =	smul.u32 $0x700, s8;
	p0 =	sne.s32 s8, $0x1F  }
0xf: {  	s3 =	ssub.s32 s3, s11;
	s11 =	sshrl.u32 s23, $0x5;
	s14 =	sadd.s32 s7, s12  }
.Ltmp0:
0x10: {  	s13 =	sshrl.u32 s13, $0x3;
	s12 =	sadd.s32 s9, s12;
	(pc) =	sbr.rel .LBB2_1-.Ltmp0, $4  }
0x11: {  	s24 =	sadd.s32 s5, s15;
	s15 =	sadd.s32 s6, s15;
	[dreg:$0x3] =	wrdreg s14  }
0x12: {  	s23 =	smax.u32 s3, $0x1;
	s3 =	simm.s32 $0x4;
	[dreg:$0x4] =	wrdreg s12  }
0x13: {  	[dreg:$0x5] =	wrdreg s24;
	s25 =	sadd.s32 $0x1C0, s13;
	s24 =	simm.s32 $0x100  }
0x14: {  	s16 =	sadd.s32 s7, s25;
	s17 =	sadd.s32 s9, s25;
	s25 =	simm.s32 $0x1  }
.LBB2_13:
0x15: {  	s22 =	sadd.s32 $0x1, s22  }
0x16: {  	p1 =	sne.s32 s22, s23  }
.Ltmp1:
0x17: {  	_ = 	snop;
	(pc) =	sbr.rel @!p1 .LBB2_14-.Ltmp1, $1  }
0x18: {  	_ =	sdelay $0x3  }
.LBB2_1:
0x19: {  	s12 =	rddreg [dreg:$0x3]  }
0x1a: {  	[tilespmem:s2], [sflag:$0x1] =	stream.linear.gather [hbm4b:s12+s2], $0x70, $0x38;
	[tilespmem:$0x1C200] =	vst v63  }
0x1b: {  	s30 =	rddreg [dreg:$0x4]  }
0x1c: {  	[tilespmem:s24], [sflag:$0x1] =	stream.linear.gather [hbm4b:s30+s2], $0x70, $0x38;
	[tilespmem:$0x1C200] =	vst v63  }
0x1d: {  	_ =	swait.ge [sflag:s25], $0x70  }
0x1e: {  	[sflag:s25] =	ssyncset.done $0x0  }
0x1f: {  	[sflag:s25] =	ssyncadd.s32 $0xFFFFFF90  }
0x20: {  	_ =	swait.ge [sflag:s25], $0x70  }
0x21: {  	[sflag:s25] =	ssyncset.done $0x0  }
0x22: {  	s31 =	simm.s32 $0x70;
	[sflag:s25] =	ssyncadd.s32 $0xFFFFFF90  }
0x23: {  	[tilespmem:s28], [sflag:$0x3] =	stream.indirect.gather [hbm4b:s1+s31], $0x80, s2, s31, $0xb8;
	[tilespmem:$0x1C200] =	vst v63  }
0x24: {  	s13 =	simm.s32 $0x7200  }
0x25: {  	[tilespmem:s13], [sflag:$0x3] =	stream.indirect.gather [hbm4b:s4+s31], $0x80, s24, s31, $0xb8;
	[tilespmem:$0x1C200] =	vst v63  }
0x26: {  	s21 =	simm.s32 $0xE200;
	s14 =	rddreg [dreg:$0x5]  }
0x27: {  	[tilespmem:s21], [sflag:$0x3] =	stream.linear.gather [hbm4b:s14+s2], $0x3800, $0x38;
	[tilespmem:$0x1C200] =	vst v63  }
0x28: {  	s26 =	simm.s32 $0x15200  }
0x29: {  	[tilespmem:s26], [sflag:$0x3] =	stream.linear.gather [hbm4b:s15+s2], $0x3800, $0x38;
	[tilespmem:$0x1C200] =	vst v63  }
.Ltmp2:
0x2a: {  	_ = 	snop;
	(pc) =	sbr.rel .LBB2_2-.Ltmp2, $4  }
0x2b: {  	s30 =	simm.s32 $0x80  }
0x2c: {  	[tilespmem:s30], [sflag:$0x2] =	stream.linear.gather [hbm4b:s16+s2], $0x70, $0x38;
	[tilespmem:$0x1C200] =	vst v63  }
0x2d: {  	s29 =	simm.s32 $0x0;
	s31 =	simm.s32 $0x180  }
0x2e: {  	[tilespmem:s31], [sflag:$0x2] =	stream.linear.gather [hbm4b:s17+s2], $0x70, $0x38;
	[tilespmem:$0x1C200] =	vst v63  }
.LBB2_8:
0x2f: {  	s29 =	sadd.s32 $0x1, s29  }
0x30: {  	p1 =	sne.s32 s29, $0xE  }
.Ltmp3:
0x31: {  	_ = 	snop;
	(pc) =	sbr.rel @!p1 .LBB2_9-.Ltmp3, $1  }
0x32: {  	_ =	sdelay $0x3  }
.LBB2_2:
0x33: {  	s30 =	sshllo.u32 s29, $0x1  }
0x34: {  	p1 =	sge.u32 s30, s11  }
0x35: {  	s12 =	simm.s32 @!p1 $0x2  }
0x36: {  	_ =	swait.ge @!p1 [sflag:s12], $0x70  }
0x37: {  	[sflag:s12] =	ssyncset.done @!p1 $0x0  }
0x38: {  	[sflag:s12] =	ssyncadd.s32 @!p1 $0xFFFFFF90  }
0x39: {  	p2 =	seq.s32 @!p1 s29, $0x0;
	_ =	swait.ge @!p1 [sflag:s12], $0x70  }
0x3a: {  	p2 =	por p2, p1;
	[sflag:s12] =	ssyncset.done @!p1 $0x0  }
0x3b: {  	[sflag:s12] =	ssyncadd.s32 @!p1 $0xFFFFFF90;
	s12 =	simm.s32 @!p2 $0x6  }
0x3c: {  	_ =	swait.ge @!p2 [sflag:s12], $0x3800  }
0x3d: {  	s13 =	simm.s32 @!p1 $0x80;
	[sflag:s12] =	ssyncset.done @!p2 $0x0  }
0x3e: {  	s21 =	simm.s32 @!p1 $0x3A00;
	[sflag:s12] =	ssyncadd.s32 @!p2 $0xFFFFC800;
	s12 =	simm.s32 @!p1 $0x70  }
0x3f: {  	[tilespmem:s21], [sflag:$0x4] =	stream.indirect.gather @!p1 [hbm4b:s1+s12], $0x80, s13, s12, $0xb8;
	[tilespmem:$0x1C200] =	vst v63  }
0x40: {  	s13 =	sshll.u32 @!p1 s30, $0x5  }
0x41: {  	s13 =	sor.u32 @!p1 s8, s13  }
0x42: {  	s31 =	simm.s32 @!p1 $0xAA00;
	s21 =	simm.s32 @!p1 $0x180;
	s13 =	smul.u32 @!p1 $0x700, s13  }
0x43: {  	[tilespmem:s31], [sflag:$0x4] =	stream.indirect.gather @!p1 [hbm4b:s4+s12], $0x80, s21, s12, $0xb8;
	[tilespmem:$0x1C200] =	vst v63  }
0x44: {  	s21 =	simm.s32 @!p1 $0x0;
	s31 =	simm.s32 @!p1 $0x11A00;
	s12 =	sadd.s32 @!p1 s5, s13  }
0x45: {  	[tilespmem:s31], [sflag:$0x4] =	stream.linear.gather @!p1 [hbm4b:s12+s21], $0x3800, $0x38;
	[tilespmem:$0x1C200] =	vst v63  }
0x46: {  	s12 =	sadd.s32 @!p1 s6, s13;
	s13 =	simm.s32 @!p1 $0x18A00  }
0x47: {  	[tilespmem:s13], [sflag:$0x4] =	stream.linear.gather @!p1 [hbm4b:s12+s21], $0x3800, $0x38;
	[tilespmem:$0x1C200] =	vst v63  }
0x48: {  	_ =	swait.ge [sflag:s0], $0x3800  }
0x49: {  	[sflag:s0] =	ssyncset.done $0x0  }
0x4a: {  	[sflag:s0] =	ssyncadd.s32 $0xFFFFC800  }
0x4b: {  	_ =	swait.ge [sflag:s0], $0x3800  }
0x4c: {  	s31 =	sshll.u32 s29, $0x1;
	[sflag:s0] =	ssyncset.done $0x0  }
0x4d: {  	s12 =	sadd.s32 $0x2, s31;
	[sflag:s0] =	ssyncadd.s32 $0xFFFFC800  }
0x4e: {  	p2 =	sge.u32 s12, s11;
	_ =	swait.ge [sflag:s0], $0x3800  }
0x4f: {  	s12 =	sshll.u32 @!p2 s12, $0x5;
	[sflag:s0] =	ssyncset.done $0x0  }
0x50: {  	s21 =	sor.u32 @!p2 s8, s12;
	[sflag:s0] =	ssyncadd.s32 $0xFFFFC800  }
0x51: {  	s12 =	smul.u32 @!p2 $0xE, s21;
	_ =	swait.ge [sflag:s0], $0x3800  }
0x52: {  	[sflag:s0] =	ssyncset.done $0x0  }
0x53: {  	s14 =	simm.s32 @!p2 $0x0;
	s13 =	sadd.s32 @!p2 s7, s12;
	[sflag:s0] =	ssyncadd.s32 $0xFFFFC800  }
0x54: {  	[tilespmem:s14], [sflag:$0x1] =	stream.linear.gather @!p2 [hbm4b:s13+s14], $0x70, $0x38;
	[tilespmem:$0x1C200] =	vst v63  }
0x55: {  	s12 =	sadd.s32 @!p2 s9, s12;
	s13 =	simm.s32 @!p2 $0x100  }
0x56: {  	[tilespmem:s13], [sflag:$0x1] =	stream.linear.gather @!p2 [hbm4b:s12+s14], $0x70, $0x38;
	[tilespmem:$0x1C200] =	vst v63  }
0x57: {  	s12 =	simm.s32 $0x0  }
0x58: {  	v3 =	vld [tilespmem:s12+$0x15200]  }
0x59: {  	v4 =	vld [tilespmem:s12+$0x15210]  }
0x5a: {  	v2 =	vld [tilespmem:s12+$0x15220]  }
0x5b: {  	v1 =	vld [tilespmem:s12+$0x15230]  }
0x5c: {  	v0 =	vld [tilespmem:s12+$0x15240]  }
0x5d: {  	v13 =	vld [tilespmem:s12+$0xE200]  }
0x5e: {  	v14 =	vld [tilespmem:s12+$0xE210]  }
0x5f: {  	v17 =	vld [tilespmem:s12+$0xE220]  }
0x60: {  	v7 =	vld [tilespmem:s12+$0xE230]  }
0x61: {  	v6 =	vld [tilespmem:s12+$0xE240]  }
0x62: {  	v5 =	vld [tilespmem:s12+$0xE250]  }
0x63: {  	v8 =	vld [tilespmem:s12+$0x7200]  }
0x64: {  	v15 =	vld [tilespmem:s12+$0x7210]  }
0x65: {  	v16 =	vld [tilespmem:s12+$0x7220]  }
0x66: {  	v11 =	vld [tilespmem:s12+$0x7230]  }
0x67: {  	v9 =	vld [tilespmem:s12+$0x7240]  }
0x68: {  	v18 =	vld [tilespmem:s12+$0x200]  }
0x69: {  	v19 =	vld [tilespmem:s12+$0x210]  }
0x6a: {  	v20 =	vld [tilespmem:s12+$0x220]  }
0x6b: {  	v12 =	vld [tilespmem:s12+$0x7250]  }
0x6c: {  	v10 =	vld [tilespmem:s12+$0x7260]  }
0x6d: {  	v18 =	vadd.f32 v8, v18;
	v8 =	vld [tilespmem:s12+$0x7270]  }
0x6e: {  	v19 =	vadd.f32 v15, v19;
	v15 =	vld [tilespmem:s12+$0x230]  }
0x6f: {  	v20 =	vadd.f32 v16, v20;
	v16 =	vld [tilespmem:s12+$0x240];
	v21 =	vadd.f32 v13, v18  }
0x70: {  	v13 =	vld [tilespmem:s12+$0x250];
	v18 =	vadd.f32 v14, v19  }
0x71: {  	s13 =	simm.s32 $0x200;
	v17 =	vadd.f32 v17, v20;
	v14 =	vld [tilespmem:s12+$0x260];
	v19 =	vmax.f32 v21, $0.0e+00  }
.LBB2_3:
0x72: {  	p3 =	sne.s32 s13, $0xDE00;
	v3 =	vadd.f32 v19, v3;
	v18 =	vmax.f32 v18, $0.0e+00;
	v19 =	vld [tilespmem:s12+$0x270]  }
0x73: {  	v4 =	vadd.f32 v18, v4;
	v17 =	vmax.f32 v17, $0.0e+00;
	v11 =	vadd.f32 v11, v15;
	v15 =	vld [tilespmem:s12+$0xE260]  }
0x74: {  	v2 =	vadd.f32 v17, v2;
	v9 =	vadd.f32 v9, v16;
	v16 =	vld [tilespmem:s12+$0xE270]  }
0x75: {  	v7 =	vadd.f32 v7, v11;
	v11 =	vadd.f32 v12, v13;
	v12 =	vld [tilespmem:s12+$0x15250]  }
0x76: {  	v6 =	vadd.f32 v6, v9;
	v9 =	vadd.f32 v10, v14;
	v10 =	vld [tilespmem:s12+$0x15260]  }
0x77: {  	s14 =	sshra.s32 s13, $0x2;
	[tilespmem:s12+$0x200] =	vst v3;
	v7 =	vmax.f32 v7, $0.0e+00;
	v5 =	vadd.f32 v5, v11;
	v8 =	vadd.f32 v8, v19;
	v11 =	vld [tilespmem:s12+$0x15270]  }
0x78: {  	v3 =	vld [tilespmem:s14+$0x15200];
	[tilespmem:s12+$0x210] =	vst v4;
	v1 =	vadd.f32 v7, v1;
	v6 =	vmax.f32 v6, $0.0e+00;
	v7 =	vadd.f32 v15, v9  }
0x79: {  	v4 =	vld [tilespmem:s14+$0x15210];
	[tilespmem:s12+$0x220] =	vst v2;
	v0 =	vadd.f32 v6, v0;
	v5 =	vmax.f32 v5, $0.0e+00;
	v6 =	vadd.f32 v16, v8  }
0x7a: {  	v2 =	vld [tilespmem:s14+$0x15220];
	[tilespmem:s12+$0x230] =	vst v1;
	v5 =	vadd.f32 v5, v12;
	v7 =	vmax.f32 v7, $0.0e+00  }
0x7b: {  	v1 =	vld [tilespmem:s14+$0x15230];
	[tilespmem:s12+$0x240] =	vst v0;
	v7 =	vadd.f32 v7, v10;
	v6 =	vmax.f32 v6, $0.0e+00  }
0x7c: {  	v0 =	vld [tilespmem:s14+$0x15240];
	[tilespmem:s12+$0x250] =	vst v5;
	v5 =	vadd.f32 v6, v11  }
0x7d: {  	v13 =	vld [tilespmem:s14+$0xE200];
	[tilespmem:s12+$0x260] =	vst v7  }
0x7e: {  	v14 =	vld [tilespmem:s14+$0xE210];
	[tilespmem:s12+$0x270] =	vst v5;
	s12 =	smov.u32 s14  }
0x7f: {  	v17 =	vld [tilespmem:s12+$0xE220]  }
0x80: {  	v7 =	vld [tilespmem:s12+$0xE230]  }
0x81: {  	v6 =	vld [tilespmem:s12+$0xE240]  }
0x82: {  	v5 =	vld [tilespmem:s12+$0xE250]  }
0x83: {  	v8 =	vld [tilespmem:s12+$0x7200]  }
0x84: {  	v15 =	vld [tilespmem:s12+$0x7210]  }
0x85: {  	v16 =	vld [tilespmem:s12+$0x7220]  }
0x86: {  	v11 =	vld [tilespmem:s12+$0x7230]  }
0x87: {  	v9 =	vld [tilespmem:s12+$0x7240]  }
0x88: {  	v18 =	vld [tilespmem:s12+$0x200]  }
0x89: {  	v19 =	vld [tilespmem:s12+$0x210]  }
0x8a: {  	v20 =	vld [tilespmem:s12+$0x220]  }
0x8b: {  	v12 =	vld [tilespmem:s12+$0x7250]  }
0x8c: {  	v10 =	vld [tilespmem:s12+$0x7260]  }
.Ltmp4:
0x8d: {  	v18 =	vadd.f32 v8, v18;
	v8 =	vld [tilespmem:s12+$0x7270];
	(pc) =	sbr.rel @p3 .LBB2_3-.Ltmp4, $4  }
0x8e: {  	v19 =	vadd.f32 v15, v19;
	v15 =	vld [tilespmem:s12+$0x230]  }
0x8f: {  	v21 =	vadd.f32 v13, v18;
	v20 =	vadd.f32 v16, v20;
	v16 =	vld [tilespmem:s12+$0x240]  }
0x90: {  	v18 =	vadd.f32 v14, v19;
	v13 =	vld [tilespmem:s12+$0x250]  }
0x91: {  	s13 =	sadd.s32 $0x200, s13;
	v19 =	vmax.f32 v21, $0.0e+00;
	v17 =	vadd.f32 v17, v20;
	v14 =	vld [tilespmem:s12+$0x260]  }
0x92: {  	v20 =	vld [tilespmem:s12+$0x270];
	v3 =	vadd.f32 v19, v3;
	v18 =	vmax.f32 v18, $0.0e+00  }
0x93: {  	v46 =	vld [tilespmem:s12+$0xE260];
	v4 =	vadd.f32 v18, v4;
	v17 =	vmax.f32 v17, $0.0e+00;
	v11 =	vadd.f32 v11, v15  }
0x94: {  	v47 =	vld [tilespmem:s12+$0xE270];
	v2 =	vadd.f32 v17, v2;
	v9 =	vadd.f32 v9, v16  }
0x95: {  	v48 =	vld [tilespmem:s12+$0x15250];
	v7 =	vadd.f32 v7, v11;
	v49 =	vadd.f32 v12, v13  }
0x96: {  	v50 =	vld [tilespmem:s12+$0x15260];
	v6 =	vadd.f32 v6, v9;
	v51 =	vadd.f32 v10, v14  }
0x97: {  	v54 =	vld [tilespmem:s12+$0x15270];
	[tilespmem:s12+$0x200] =	vst v3;
	v52 =	vmax.f32 v7, $0.0e+00;
	v5 =	vadd.f32 v5, v49;
	v53 =	vadd.f32 v8, v20  }
0x98: {  	[tilespmem:s12+$0x210] =	vst v4;
	v1 =	vadd.f32 v52, v1;
	v55 =	vmax.f32 v6, $0.0e+00;
	v56 =	vadd.f32 v46, v51  }
0x99: {  	[tilespmem:s12+$0x220] =	vst v2;
	v0 =	vadd.f32 v55, v0;
	v57 =	vmax.f32 v5, $0.0e+00;
	v58 =	vadd.f32 v47, v53  }
0x9a: {  	s13 =	sshll.u32 s29, $0x6;
	[tilespmem:s12+$0x230] =	vst v1;
	v59 =	vadd.f32 v57, v48;
	v60 =	vmax.f32 v56, $0.0e+00  }
.Ltmp5:
0x9b: {  	s13 =	sor.u32 s8, s13;
	[tilespmem:s12+$0x240] =	vst v0;
	v61 =	vadd.f32 v60, v50;
	v62 =	vmax.f32 v58, $0.0e+00;
	(pc) =	sbr.rel @p1 .LBB2_8-.Ltmp5, $4  }
0x9c: {  	s13 =	smul.u32 $0x700, s13;
	[tilespmem:s12+$0x250] =	vst v59;
	v63 =	vadd.f32 v62, v54  }
0x9d: {  	[tilespmem:s12+$0x260] =	vst v61  }
0x9e: {  	s26 =	sadd.s32 s10, s13;
	[tilespmem:s12+$0x270] =	vst v63  }
0x9f: {  	[hbm4b:s26+s2] =	stream.linear.scatter [tilespmem:s28], [sflag:$0x5], $0x3800, $0x38;
	[tilespmem:$0x1C200] =	vst v63  }
0xa0: {  	s12 =	simm.s32 @!p2 $0x1  }
0xa1: {  	_ =	swait.ge @!p2 [sflag:s12], $0x70  }
0xa2: {  	[sflag:s12] =	ssyncset.done @!p2 $0x0  }
0xa3: {  	[sflag:s12] =	ssyncadd.s32 @!p2 $0xFFFFFF90  }
0xa4: {  	_ =	swait.ge @!p2 [sflag:s12], $0x70  }
0xa5: {  	[sflag:s12] =	ssyncset.done @!p2 $0x0  }
0xa6: {  	[sflag:s12] =	ssyncadd.s32 @!p2 $0xFFFFFF90;
	s12 =	simm.s32 @!p2 $0x5  }
0xa7: {  	_ =	swait.ge @!p2 [sflag:s12], $0x3800  }
0xa8: {  	s13 =	simm.s32 @!p2 $0x0;
	[sflag:s12] =	ssyncset.done @!p2 $0x0  }
0xa9: {  	s14 =	simm.s32 @!p2 $0x200;
	[sflag:s12] =	ssyncadd.s32 @!p2 $0xFFFFC800;
	s12 =	simm.s32 @!p2 $0x70  }
0xaa: {  	[tilespmem:s14], [sflag:$0x3] =	stream.indirect.gather @!p2 [hbm4b:s1+s12], $0x80, s13, s12, $0xb8;
	[tilespmem:$0x1C200] =	vst v63  }
0xab: {  	s26 =	simm.s32 @!p2 $0x7200;
	s21 =	smul.u32 @!p2 $0x700, s21;
	s14 =	simm.s32 @!p2 $0x100  }
0xac: {  	[tilespmem:s26], [sflag:$0x3] =	stream.indirect.gather @!p2 [hbm4b:s4+s12], $0x80, s14, s12, $0xb8;
	[tilespmem:$0x1C200] =	vst v63  }
0xad: {  	s12 =	sadd.s32 @!p2 s5, s21;
	s14 =	simm.s32 @!p2 $0xE200  }
0xae: {  	[tilespmem:s14], [sflag:$0x3] =	stream.linear.gather @!p2 [hbm4b:s12+s13], $0x3800, $0x38;
	[tilespmem:$0x1C200] =	vst v63  }
0xaf: {  	s12 =	sadd.s32 @!p2 s6, s21;
	s14 =	simm.s32 @!p2 $0x15200  }
0xb0: {  	[tilespmem:s14], [sflag:$0x3] =	stream.linear.gather @!p2 [hbm4b:s12+s13], $0x3800, $0x38;
	[tilespmem:$0x1C200] =	vst v63  }
0xb1: {  	_ =	swait.ge [sflag:s3], $0x3800  }
0xb2: {  	[sflag:s3] =	ssyncset.done $0x0  }
0xb3: {  	[sflag:s3] =	ssyncadd.s32 $0xFFFFC800  }
0xb4: {  	_ =	swait.ge [sflag:s3], $0x3800  }
0xb5: {  	[sflag:s3] =	ssyncset.done $0x0  }
0xb6: {  	s12 =	sadd.s32 $0x3, s31;
	[sflag:s3] =	ssyncadd.s32 $0xFFFFC800  }
0xb7: {  	p1 =	sge.u32 s12, s11;
	_ =	swait.ge [sflag:s3], $0x3800  }
0xb8: {  	s12 =	sshll.u32 @!p1 s12, $0x5;
	[sflag:s3] =	ssyncset.done $0x0  }
0xb9: {  	s12 =	sor.u32 @!p1 s8, s12;
	[sflag:s3] =	ssyncadd.s32 $0xFFFFC800  }
0xba: {  	s12 =	smul.u32 @!p1 $0xE, s12;
	_ =	swait.ge [sflag:s3], $0x3800  }
0xbb: {  	s14 =	simm.s32 @!p1 $0x0;
	[sflag:s3] =	ssyncset.done $0x0  }
0xbc: {  	s21 =	simm.s32 @!p1 $0x80;
	s13 =	sadd.s32 @!p1 s7, s12;
	[sflag:s3] =	ssyncadd.s32 $0xFFFFC800  }
0xbd: {  	[tilespmem:s21], [sflag:$0x2] =	stream.linear.gather @!p1 [hbm4b:s13+s14], $0x70, $0x38;
	[tilespmem:$0x1C200] =	vst v63  }
0xbe: {  	s12 =	sadd.s32 @!p1 s9, s12;
	s13 =	simm.s32 @!p1 $0x180  }
0xbf: {  	[tilespmem:s13], [sflag:$0x2] =	stream.linear.gather @!p1 [hbm4b:s12+s14], $0x70, $0x38;
	[tilespmem:$0x1C200] =	vst v63  }
0xc0: {  	s12 =	simm.s32 $0x0  }
0xc1: {  	v3 =	vld [tilespmem:s12+$0x18A00]  }
0xc2: {  	v4 =	vld [tilespmem:s12+$0x18A10]  }
0xc3: {  	v2 =	vld [tilespmem:s12+$0x18A20]  }
0xc4: {  	v1 =	vld [tilespmem:s12+$0x18A30]  }
0xc5: {  	v0 =	vld [tilespmem:s12+$0x18A40]  }
0xc6: {  	v13 =	vld [tilespmem:s12+$0x11A00]  }
0xc7: {  	v14 =	vld [tilespmem:s12+$0x11A10]  }
0xc8: {  	v17 =	vld [tilespmem:s12+$0x11A20]  }
0xc9: {  	v7 =	vld [tilespmem:s12+$0x11A30]  }
0xca: {  	v6 =	vld [tilespmem:s12+$0x11A40]  }
0xcb: {  	v5 =	vld [tilespmem:s12+$0x11A50]  }
0xcc: {  	v8 =	vld [tilespmem:s12+$0xAA00]  }
0xcd: {  	v15 =	vld [tilespmem:s12+$0xAA10]  }
0xce: {  	v16 =	vld [tilespmem:s12+$0xAA20]  }
0xcf: {  	v11 =	vld [tilespmem:s12+$0xAA30]  }
0xd0: {  	v9 =	vld [tilespmem:s12+$0xAA40]  }
0xd1: {  	v18 =	vld [tilespmem:s12+$0x3A00]  }
0xd2: {  	v19 =	vld [tilespmem:s12+$0x3A10]  }
0xd3: {  	v20 =	vld [tilespmem:s12+$0x3A20]  }
0xd4: {  	v12 =	vld [tilespmem:s12+$0xAA50]  }
0xd5: {  	v10 =	vld [tilespmem:s12+$0xAA60]  }
0xd6: {  	v18 =	vadd.f32 v8, v18;
	v8 =	vld [tilespmem:s12+$0xAA70]  }
0xd7: {  	v19 =	vadd.f32 v15, v19;
	v15 =	vld [tilespmem:s12+$0x3A30]  }
0xd8: {  	v20 =	vadd.f32 v16, v20;
	v16 =	vld [tilespmem:s12+$0x3A40];
	v21 =	vadd.f32 v13, v18  }
0xd9: {  	v13 =	vld [tilespmem:s12+$0x3A50];
	v18 =	vadd.f32 v14, v19  }
0xda: {  	s13 =	simm.s32 $0x200;
	v17 =	vadd.f32 v17, v20;
	v14 =	vld [tilespmem:s12+$0x3A60];
	v19 =	vmax.f32 v21, $0.0e+00  }
.LBB2_6:
0xdb: {  	p1 =	sne.s32 s13, $0xDE00;
	v3 =	vadd.f32 v19, v3;
	v18 =	vmax.f32 v18, $0.0e+00;
	v19 =	vld [tilespmem:s12+$0x3A70]  }
0xdc: {  	v4 =	vadd.f32 v18, v4;
	v17 =	vmax.f32 v17, $0.0e+00;
	v11 =	vadd.f32 v11, v15;
	v15 =	vld [tilespmem:s12+$0x11A60]  }
0xdd: {  	v2 =	vadd.f32 v17, v2;
	v9 =	vadd.f32 v9, v16;
	v16 =	vld [tilespmem:s12+$0x11A70]  }
0xde: {  	v7 =	vadd.f32 v7, v11;
	v11 =	vadd.f32 v12, v13;
	v12 =	vld [tilespmem:s12+$0x18A50]  }
0xdf: {  	v6 =	vadd.f32 v6, v9;
	v9 =	vadd.f32 v10, v14;
	v10 =	vld [tilespmem:s12+$0x18A60]  }
0xe0: {  	s14 =	sshra.s32 s13, $0x2;
	[tilespmem:s12+$0x3A00] =	vst v3;
	v7 =	vmax.f32 v7, $0.0e+00;
	v5 =	vadd.f32 v5, v11;
	v8 =	vadd.f32 v8, v19;
	v11 =	vld [tilespmem:s12+$0x18A70]  }
0xe1: {  	v3 =	vld [tilespmem:s14+$0x18A00];
	[tilespmem:s12+$0x3A10] =	vst v4;
	v1 =	vadd.f32 v7, v1;
	v6 =	vmax.f32 v6, $0.0e+00;
	v7 =	vadd.f32 v15, v9  }
0xe2: {  	v4 =	vld [tilespmem:s14+$0x18A10];
	[tilespmem:s12+$0x3A20] =	vst v2;
	v0 =	vadd.f32 v6, v0;
	v5 =	vmax.f32 v5, $0.0e+00;
	v6 =	vadd.f32 v16, v8  }
0xe3: {  	v2 =	vld [tilespmem:s14+$0x18A20];
	[tilespmem:s12+$0x3A30] =	vst v1;
	v5 =	vadd.f32 v5, v12;
	v7 =	vmax.f32 v7, $0.0e+00  }
0xe4: {  	v1 =	vld [tilespmem:s14+$0x18A30];
	[tilespmem:s12+$0x3A40] =	vst v0;
	v7 =	vadd.f32 v7, v10;
	v6 =	vmax.f32 v6, $0.0e+00  }
0xe5: {  	v0 =	vld [tilespmem:s14+$0x18A40];
	[tilespmem:s12+$0x3A50] =	vst v5;
	v5 =	vadd.f32 v6, v11  }
0xe6: {  	v13 =	vld [tilespmem:s14+$0x11A00];
	[tilespmem:s12+$0x3A60] =	vst v7  }
0xe7: {  	v14 =	vld [tilespmem:s14+$0x11A10];
	[tilespmem:s12+$0x3A70] =	vst v5;
	s12 =	smov.u32 s14  }
0xe8: {  	v17 =	vld [tilespmem:s12+$0x11A20]  }
0xe9: {  	v7 =	vld [tilespmem:s12+$0x11A30]  }
0xea: {  	v6 =	vld [tilespmem:s12+$0x11A40]  }
0xeb: {  	v5 =	vld [tilespmem:s12+$0x11A50]  }
0xec: {  	v8 =	vld [tilespmem:s12+$0xAA00]  }
0xed: {  	v15 =	vld [tilespmem:s12+$0xAA10]  }
0xee: {  	v16 =	vld [tilespmem:s12+$0xAA20]  }
0xef: {  	v11 =	vld [tilespmem:s12+$0xAA30]  }
0xf0: {  	v9 =	vld [tilespmem:s12+$0xAA40]  }
0xf1: {  	v18 =	vld [tilespmem:s12+$0x3A00]  }
0xf2: {  	v19 =	vld [tilespmem:s12+$0x3A10]  }
0xf3: {  	v20 =	vld [tilespmem:s12+$0x3A20]  }
0xf4: {  	v12 =	vld [tilespmem:s12+$0xAA50]  }
0xf5: {  	v10 =	vld [tilespmem:s12+$0xAA60]  }
.Ltmp6:
0xf6: {  	v18 =	vadd.f32 v8, v18;
	v8 =	vld [tilespmem:s12+$0xAA70];
	(pc) =	sbr.rel @p1 .LBB2_6-.Ltmp6, $4  }
0xf7: {  	v19 =	vadd.f32 v15, v19;
	v15 =	vld [tilespmem:s12+$0x3A30]  }
0xf8: {  	v21 =	vadd.f32 v13, v18;
	v20 =	vadd.f32 v16, v20;
	v16 =	vld [tilespmem:s12+$0x3A40]  }
0xf9: {  	v18 =	vadd.f32 v14, v19;
	v13 =	vld [tilespmem:s12+$0x3A50]  }
0xfa: {  	s13 =	sadd.s32 $0x200, s13;
	v19 =	vmax.f32 v21, $0.0e+00;
	v17 =	vadd.f32 v17, v20;
	v14 =	vld [tilespmem:s12+$0x3A60]  }
0xfb: {  	v20 =	vld [tilespmem:s12+$0x3A70];
	v3 =	vadd.f32 v19, v3;
	v18 =	vmax.f32 v18, $0.0e+00  }
0xfc: {  	v46 =	vld [tilespmem:s12+$0x11A60];
	v4 =	vadd.f32 v18, v4;
	v17 =	vmax.f32 v17, $0.0e+00;
	v11 =	vadd.f32 v11, v15  }
0xfd: {  	v47 =	vld [tilespmem:s12+$0x11A70];
	v2 =	vadd.f32 v17, v2;
	v9 =	vadd.f32 v9, v16  }
0xfe: {  	v48 =	vld [tilespmem:s12+$0x18A50];
	v7 =	vadd.f32 v7, v11;
	v49 =	vadd.f32 v12, v13  }
0xff: {  	v50 =	vld [tilespmem:s12+$0x18A60];
	v6 =	vadd.f32 v6, v9;
	v51 =	vadd.f32 v10, v14  }
0x100: {  	v54 =	vld [tilespmem:s12+$0x18A70];
	[tilespmem:s12+$0x3A00] =	vst v3;
	v52 =	vmax.f32 v7, $0.0e+00;
	v5 =	vadd.f32 v5, v49;
	v53 =	vadd.f32 v8, v20  }
0x101: {  	[tilespmem:s12+$0x3A10] =	vst v4;
	v1 =	vadd.f32 v52, v1;
	v55 =	vmax.f32 v6, $0.0e+00;
	v56 =	vadd.f32 v46, v51  }
0x102: {  	[tilespmem:s12+$0x3A20] =	vst v2;
	v0 =	vadd.f32 v55, v0;
	v57 =	vmax.f32 v5, $0.0e+00;
	v58 =	vadd.f32 v47, v53  }
0x103: {  	s13 =	sshll.u32 s30, $0x5;
	[tilespmem:s12+$0x3A30] =	vst v1;
	v59 =	vadd.f32 v57, v48;
	v60 =	vmax.f32 v56, $0.0e+00  }
.Ltmp7:
0x104: {  	s13 =	sor.u32 s8, s13;
	[tilespmem:s12+$0x3A40] =	vst v0;
	v61 =	vadd.f32 v60, v50;
	v62 =	vmax.f32 v58, $0.0e+00;
	(pc) =	sbr.rel .LBB2_8-.Ltmp7, $4  }
0x105: {  	s13 =	smul.u32 $0x700, s13;
	[tilespmem:s12+$0x3A50] =	vst v59;
	v63 =	vadd.f32 v62, v54  }
0x106: {  	[tilespmem:s12+$0x3A60] =	vst v61  }
0x107: {  	s31 =	sadd.s32 s10, s13;
	[tilespmem:s12+$0x3A70] =	vst v63  }
0x108: {  	[hbm4b:s31+s2] =	stream.linear.scatter [tilespmem:s18], [sflag:$0x6], $0x3800, $0x38;
	[tilespmem:$0x1C200] =	vst v63  }
.LBB2_9:
0x109: {  	_ =	swait.ge [sflag:s19], $0x3800  }
.Ltmp8:
0x10a: {  	[sflag:s19] =	ssyncset.done $0x0;
	(pc) =	sbr.rel @p0 .LBB2_13-.Ltmp8, $4  }
0x10b: {  	[sflag:s19] =	ssyncadd.s32 $0xFFFFC800  }
0x10c: {  	_ =	swait.ge [sflag:s20], $0x3800  }
0x10d: {  	[sflag:s20] =	ssyncset.done $0x0  }
0x10e: {  	[sflag:s20] =	ssyncadd.s32 $0xFFFFC800  }
0x10f: {  	s12 =	simm.s32 $0x0;
	s13 =	rddreg [dreg:$0x6]  }
0x110: {  	[tilespmem:s12], [sflag:$0x1] =	stream.linear.gather [hbm4b:s13+s12], $0x60, $0x38;
	[tilespmem:$0x1C200] =	vst v63  }
0x111: {  	s14 =	rddreg [dreg:$0x7]  }
0x112: {  	[tilespmem:s24], [sflag:$0x1] =	stream.linear.gather [hbm4b:s14+s12], $0x60, $0x38;
	[tilespmem:$0x1C200] =	vst v63  }
0x113: {  	_ =	swait.ge [sflag:s25], $0x60  }
0x114: {  	[sflag:s25] =	ssyncset.done $0x0  }
0x115: {  	[sflag:s25] =	ssyncadd.s32 $0xFFFFFFA0  }
0x116: {  	_ =	swait.ge [sflag:s25], $0x60  }
0x117: {  	[sflag:s25] =	ssyncset.done $0x0  }
0x118: {  	s14 =	simm.s32 $0x60;
	[sflag:s25] =	ssyncadd.s32 $0xFFFFFFA0  }
0x119: {  	[tilespmem:s28], [sflag:$0x3] =	stream.indirect.gather [hbm4b:s1+s14], $0x80, s12, s14, $0xb8;
	[tilespmem:$0x1C200] =	vst v63  }
0x11a: {  	s21 =	simm.s32 $0x7200  }
0x11b: {  	[tilespmem:s21], [sflag:$0x3] =	stream.indirect.gather [hbm4b:s4+s14], $0x80, s24, s14, $0xb8;
	[tilespmem:$0x1C200] =	vst v63  }
0x11c: {  	s29 =	simm.s32 $0xE200;
	s26 =	rddreg [dreg:$0x8]  }
0x11d: {  	[tilespmem:s29], [sflag:$0x3] =	stream.linear.gather [hbm4b:s26+s12], $0x3000, $0x38;
	[tilespmem:$0x1C200] =	vst v63  }
0x11e: {  	s31 =	simm.s32 $0x15200;
	s30 =	rddreg [dreg:$0x9]  }
0x11f: {  	[tilespmem:s31], [sflag:$0x3] =	stream.linear.gather [hbm4b:s30+s12], $0x3000, $0x38;
	[tilespmem:$0x1C200] =	vst v63  }
0x120: {  	_ =	swait.ge [sflag:s0], $0x3000  }
0x121: {  	[sflag:s0] =	ssyncset.done $0x0  }
0x122: {  	[sflag:s0] =	ssyncadd.s32 $0xFFFFD000  }
0x123: {  	_ =	swait.ge [sflag:s0], $0x3000  }
0x124: {  	[sflag:s0] =	ssyncset.done $0x0  }
0x125: {  	[sflag:s0] =	ssyncadd.s32 $0xFFFFD000  }
0x126: {  	_ =	swait.ge [sflag:s0], $0x3000  }
0x127: {  	[sflag:s0] =	ssyncset.done $0x0  }
0x128: {  	[sflag:s0] =	ssyncadd.s32 $0xFFFFD000  }
0x129: {  	_ =	swait.ge [sflag:s0], $0x3000  }
0x12a: {  	[sflag:s0] =	ssyncset.done $0x0  }
0x12b: {  	s12 =	simm.s32 $0x0;
	[sflag:s0] =	ssyncadd.s32 $0xFFFFD000  }
0x12c: {  	v3 =	vld [tilespmem:s12+$0x15200]  }
0x12d: {  	v4 =	vld [tilespmem:s12+$0x15210]  }
0x12e: {  	v2 =	vld [tilespmem:s12+$0x15220]  }
0x12f: {  	v1 =	vld [tilespmem:s12+$0x15230]  }
0x130: {  	v0 =	vld [tilespmem:s12+$0x15240]  }
0x131: {  	v13 =	vld [tilespmem:s12+$0xE200]  }
0x132: {  	v14 =	vld [tilespmem:s12+$0xE210]  }
0x133: {  	v17 =	vld [tilespmem:s12+$0xE220]  }
0x134: {  	v7 =	vld [tilespmem:s12+$0xE230]  }
0x135: {  	v6 =	vld [tilespmem:s12+$0xE240]  }
0x136: {  	v5 =	vld [tilespmem:s12+$0xE250]  }
0x137: {  	v8 =	vld [tilespmem:s12+$0x7200]  }
0x138: {  	v15 =	vld [tilespmem:s12+$0x7210]  }
0x139: {  	v16 =	vld [tilespmem:s12+$0x7220]  }
0x13a: {  	v11 =	vld [tilespmem:s12+$0x7230]  }
0x13b: {  	v9 =	vld [tilespmem:s12+$0x7240]  }
0x13c: {  	v18 =	vld [tilespmem:s12+$0x200]  }
0x13d: {  	v19 =	vld [tilespmem:s12+$0x210]  }
0x13e: {  	v20 =	vld [tilespmem:s12+$0x220]  }
0x13f: {  	v12 =	vld [tilespmem:s12+$0x7250]  }
0x140: {  	v10 =	vld [tilespmem:s12+$0x7260]  }
0x141: {  	v18 =	vadd.f32 v8, v18;
	v8 =	vld [tilespmem:s12+$0x7270]  }
0x142: {  	v19 =	vadd.f32 v15, v19;
	v15 =	vld [tilespmem:s12+$0x230]  }
0x143: {  	v20 =	vadd.f32 v16, v20;
	v16 =	vld [tilespmem:s12+$0x240];
	v21 =	vadd.f32 v13, v18  }
0x144: {  	v13 =	vld [tilespmem:s12+$0x250];
	v18 =	vadd.f32 v14, v19  }
0x145: {  	s13 =	simm.s32 $0x200;
	v17 =	vadd.f32 v17, v20;
	v14 =	vld [tilespmem:s12+$0x260];
	v19 =	vmax.f32 v21, $0.0e+00  }
.LBB2_11:
0x146: {  	p1 =	sne.s32 s13, $0xBE00;
	v3 =	vadd.f32 v19, v3;
	v18 =	vmax.f32 v18, $0.0e+00;
	v19 =	vld [tilespmem:s12+$0x270]  }
0x147: {  	v4 =	vadd.f32 v18, v4;
	v17 =	vmax.f32 v17, $0.0e+00;
	v11 =	vadd.f32 v11, v15;
	v15 =	vld [tilespmem:s12+$0xE260]  }
0x148: {  	v2 =	vadd.f32 v17, v2;
	v9 =	vadd.f32 v9, v16;
	v16 =	vld [tilespmem:s12+$0xE270]  }
0x149: {  	v7 =	vadd.f32 v7, v11;
	v11 =	vadd.f32 v12, v13;
	v12 =	vld [tilespmem:s12+$0x15250]  }
0x14a: {  	v6 =	vadd.f32 v6, v9;
	v9 =	vadd.f32 v10, v14;
	v10 =	vld [tilespmem:s12+$0x15260]  }
0x14b: {  	s14 =	sshra.s32 s13, $0x2;
	[tilespmem:s12+$0x200] =	vst v3;
	v7 =	vmax.f32 v7, $0.0e+00;
	v5 =	vadd.f32 v5, v11;
	v8 =	vadd.f32 v8, v19;
	v11 =	vld [tilespmem:s12+$0x15270]  }
0x14c: {  	v3 =	vld [tilespmem:s14+$0x15200];
	[tilespmem:s12+$0x210] =	vst v4;
	v1 =	vadd.f32 v7, v1;
	v6 =	vmax.f32 v6, $0.0e+00;
	v7 =	vadd.f32 v15, v9  }
0x14d: {  	v4 =	vld [tilespmem:s14+$0x15210];
	[tilespmem:s12+$0x220] =	vst v2;
	v0 =	vadd.f32 v6, v0;
	v5 =	vmax.f32 v5, $0.0e+00;
	v6 =	vadd.f32 v16, v8  }
0x14e: {  	v2 =	vld [tilespmem:s14+$0x15220];
	[tilespmem:s12+$0x230] =	vst v1;
	v5 =	vadd.f32 v5, v12;
	v7 =	vmax.f32 v7, $0.0e+00  }
0x14f: {  	v1 =	vld [tilespmem:s14+$0x15230];
	[tilespmem:s12+$0x240] =	vst v0;
	v7 =	vadd.f32 v7, v10;
	v6 =	vmax.f32 v6, $0.0e+00  }
0x150: {  	v0 =	vld [tilespmem:s14+$0x15240];
	[tilespmem:s12+$0x250] =	vst v5;
	v5 =	vadd.f32 v6, v11  }
0x151: {  	v13 =	vld [tilespmem:s14+$0xE200];
	[tilespmem:s12+$0x260] =	vst v7  }
0x152: {  	v14 =	vld [tilespmem:s14+$0xE210];
	[tilespmem:s12+$0x270] =	vst v5;
	s12 =	smov.u32 s14  }
0x153: {  	v17 =	vld [tilespmem:s12+$0xE220]  }
0x154: {  	v7 =	vld [tilespmem:s12+$0xE230]  }
0x155: {  	v6 =	vld [tilespmem:s12+$0xE240]  }
0x156: {  	v5 =	vld [tilespmem:s12+$0xE250]  }
0x157: {  	v8 =	vld [tilespmem:s12+$0x7200]  }
0x158: {  	v15 =	vld [tilespmem:s12+$0x7210]  }
0x159: {  	v16 =	vld [tilespmem:s12+$0x7220]  }
0x15a: {  	v11 =	vld [tilespmem:s12+$0x7230]  }
0x15b: {  	v9 =	vld [tilespmem:s12+$0x7240]  }
0x15c: {  	v18 =	vld [tilespmem:s12+$0x200]  }
0x15d: {  	v19 =	vld [tilespmem:s12+$0x210]  }
0x15e: {  	v20 =	vld [tilespmem:s12+$0x220]  }
0x15f: {  	v12 =	vld [tilespmem:s12+$0x7250]  }
0x160: {  	v10 =	vld [tilespmem:s12+$0x7260]  }
.Ltmp9:
0x161: {  	v18 =	vadd.f32 v8, v18;
	v8 =	vld [tilespmem:s12+$0x7270];
	(pc) =	sbr.rel @p1 .LBB2_11-.Ltmp9, $4  }
0x162: {  	v19 =	vadd.f32 v15, v19;
	v15 =	vld [tilespmem:s12+$0x230]  }
0x163: {  	v21 =	vadd.f32 v13, v18;
	v20 =	vadd.f32 v16, v20;
	v16 =	vld [tilespmem:s12+$0x240]  }
0x164: {  	v18 =	vadd.f32 v14, v19;
	v13 =	vld [tilespmem:s12+$0x250]  }
0x165: {  	s13 =	sadd.s32 $0x200, s13;
	v19 =	vmax.f32 v21, $0.0e+00;
	v17 =	vadd.f32 v17, v20;
	v14 =	vld [tilespmem:s12+$0x260]  }
0x166: {  	v20 =	vld [tilespmem:s12+$0x270];
	v3 =	vadd.f32 v19, v3;
	v18 =	vmax.f32 v18, $0.0e+00  }
0x167: {  	v46 =	vld [tilespmem:s12+$0xE260];
	v4 =	vadd.f32 v18, v4;
	v17 =	vmax.f32 v17, $0.0e+00;
	v11 =	vadd.f32 v11, v15  }
0x168: {  	v47 =	vld [tilespmem:s12+$0xE270];
	v2 =	vadd.f32 v17, v2;
	v9 =	vadd.f32 v9, v16  }
0x169: {  	v48 =	vld [tilespmem:s12+$0x15250];
	v7 =	vadd.f32 v7, v11;
	v49 =	vadd.f32 v12, v13  }
0x16a: {  	v50 =	vld [tilespmem:s12+$0x15260];
	v6 =	vadd.f32 v6, v9;
	v51 =	vadd.f32 v10, v14  }
0x16b: {  	v54 =	vld [tilespmem:s12+$0x15270];
	[tilespmem:s12+$0x200] =	vst v3;
	v52 =	vmax.f32 v7, $0.0e+00;
	v5 =	vadd.f32 v5, v49;
	v53 =	vadd.f32 v8, v20  }
0x16c: {  	[tilespmem:s12+$0x210] =	vst v4;
	v1 =	vadd.f32 v52, v1;
	v55 =	vmax.f32 v6, $0.0e+00;
	v56 =	vadd.f32 v46, v51  }
0x16d: {  	[tilespmem:s12+$0x220] =	vst v2;
	v0 =	vadd.f32 v55, v0;
	v57 =	vmax.f32 v5, $0.0e+00;
	v58 =	vadd.f32 v47, v53  }
0x16e: {  	[tilespmem:s12+$0x230] =	vst v1;
	v59 =	vadd.f32 v57, v48;
	v60 =	vmax.f32 v56, $0.0e+00  }
0x16f: {  	[tilespmem:s12+$0x240] =	vst v0;
	v61 =	vadd.f32 v60, v50;
	v62 =	vmax.f32 v58, $0.0e+00  }
0x170: {  	[tilespmem:s12+$0x250] =	vst v59;
	v63 =	vadd.f32 v62, v54  }
0x171: {  	[tilespmem:s12+$0x260] =	vst v61  }
.Ltmp10:
0x172: {  	s30 =	rddreg [dreg:$0xa];
	s31 =	simm.s32 $0x7;
	[tilespmem:s12+$0x270] =	vst v63;
	(pc) =	sbr.rel .LBB2_13-.Ltmp10, $4  }
0x173: {  	[hbm4b:s30+s2] =	stream.linear.scatter [tilespmem:s28], [sflag:$0x7], $0x3000, $0x38;
	[tilespmem:$0x1C200] =	vst v63  }
0x174: {  	_ =	swait.ge [sflag:s31], $0x3000  }
0x175: {  	[sflag:s31] =	ssyncset.done $0x0  }
0x176: {  	[sflag:s31] =	ssyncadd.s32 $0xFFFFD000  }
.LBB2_14:
0x177: {  	_ =	sfence.sel $0x180000  }
0x178: {  	[bflag:$0x0] =	sbarrier.arrive $0xFFFF  }
0x179: {  	_ =	strace $0x9000004D  }
0x17a: {  	s0 =	stileid.u32;
	[bflag:$0x2] =	sbarrier.arrive $0xFFFF  }
0x17b: {  	p0 =	sne.s32 s0, $0x0;
	s0 =	rddreg [dreg:$0x2]  }
0x17c: {  	s0 =	sadd.s32 @!p0 $0x100000, s0  }
0x17d: {  	[sflag:s0] =	ssyncadd.tile.s32 @!p0 $0x1;
	_ =	shalt  }
.Lfunc_end2:
_tile_overlayer_lowered:
.L_overlay_start_2:
0x17e: {  	(tag) =	ssettag $0x2  }
0x17f: {  	s0 =	rddreg [dreg:$0x0];
	s2 =	stileid.u32  }
0x180: {  	s1 =	rddreg [dreg:$0x1];
	p0 =	sne.s32 s2, $0x0  }
0x181: {  	s3 =	rddreg [dreg:$0x2];
	[bflag:$0x3] =	sbarrier.arrive $0xFFFF;
	s2 =	simm.s32 @!p0 $0x1C07  }
0x182: {  	[timem:s3], [sflag:s2] =	dma.local @!p0 [hbm:s0], s1  }
0x183: {  	s0 =	simm.s32 @!p0 $0x7  }
0x184: {  	_ =	swait.ge @!p0 [sflag:s0], s1  }
0x185: {  	s1 =	ssub.s32 @!p0 $0x0, s1;
	[sflag:s0] =	ssyncset.done @!p0 $0x0  }
0x186: {  	[sflag:s0] =	ssyncadd.s32 @!p0 s1  }
0x187: {  	[bflag:$0x3] =	sbarrier.arrive $0xFFFF  }
0x188: {  	_ =	shalt  }

// kernel: kernel.9.cloned.1.call-start
scs
__scs_entry_jumppad:
0x0: {  	(pc) =	sbr.rel $0x88, $3  }
0x1: {  	(tag) =	ssettag $0x0;
	lr =	simm.s32 $0x1  }
0x2: {  	[smem:$0x3F90] =	sst lr;
	_ =	strace $0xD0000000  }
0x3: {  	_ = 	snop  }
0x4: {  	_ = 	snop  }
0x5: {  	_ = 	snop  }
0x6: {  	_ = 	snop  }
0x7: {  	_ = 	snop  }
__scs_overlays_trampoline_lowered:
0x8: {  	[smem:$0x3F9F] =	sst s0  }
0x9: {  	[smem:$0x3FA0] =	sst s1  }
0xa: {  	[smem:$0x3FA1] =	sst s2  }
0xb: {  	[smem:$0x3FA2] =	sst s3  }
0xc: {  	[smem:$0x3FA3] =	sst s4  }
0xd: {  	[smem:$0x3FA4] =	sst s5  }
0xe: {  	[smem:$0x3FA5] =	sst s6  }
0xf: {  	[smem:$0x3FA6] =	sst s7  }
0x10: {  	[smem:$0x3FA7] =	sst s8  }
0x11: {  	[smem:$0x3FA8] =	sst s9;
	s0 =	simm.s32 @!p0 $0x0  }
0x12: {  	s1 =	sld [smem:$0x3F8E];
	s0 =	simm.s32 @p0 $0x1  }
0x13: {  	[smem:$0x3FA9] =	sst s0;
	s0 =	simm.s32 @!p1 $0x0  }
0x14: {  	s2 =	sld [smem:$0x3F8D];
	s0 =	simm.s32 @p1 $0x1  }
0x15: {  	[smem:$0x3FAA] =	sst s0;
	s0 =	simm.s32 @!p2 $0x0  }
0x16: {  	s3 =	sld [smem:$0x3FDB];
	s0 =	simm.s32 @p2 $0x1  }
0x17: {  	s4 =	simm.s32 $0x1BF5;
	[smem:$0x3FAC] =	sst s0  }
0x18: {  	s0 =	sld [smem:$0x3F8F];
	_ =	swait.ge [sflag:s4], $0x0  }
0x19: {  	s7 =	sld [smem:$0x3F90]  }
0x1a: {  	s8 =	sadd.s32 $0xFFFFE003, lr  }
0x1b: {  	s9 =	sadd.s32 $0xFFFFFEF7, lr;
	s5 =	simm.s32 $0xFFFFFFFF;
	p2 =	slt.u32 s8, $0xFFFFF086  }
0x1c: {  	p1 =	slt.u32 s9, $0xF7A;
	s5 =	simm.s32 @!p2 $0x0  }
0x1d: {  	s5 =	simm.s32 @p1 $0x1;
	p0 =	seq.s32 s7, s2  }
0x1e: {  	s7 =	smul.u32 @!p0 $0xF7A, s2;
	p2 =	seq.s32 @!p0 s5, $0x0  }
0x1f: {  	s9 =	smul.u32 $0xF7A, s1;
	s8 =	simm.s32 @!p0 $0x1BF5;
	p2 =	por !p2, p0  }
0x20: {  	[sflag:s8] =	ssyncset.s32 @!p0 $0xFFFFF086;
	s6 =	sadd.s32 @!p0 s3, s7;
	s7 =	simm.s32 @!p0 $0x108  }
0x21: {  	s3 =	sadd.s32 s3, s9;
	s6 =	sadd.s32 @!p0 $0x88, s6;
	s7 =	simm.s32 @p2 $0x1082  }
0x22: {  	[simem:s7], [sflag:s8] =	dma.local @!p0 [hbm:s6], $0xF7A  }
0x23: {  	s9 =	sor.u32 $0xD0000000, s2;
	s6 =	simm.s32 $0x108;
	_ =	swait.ge @!p0 [sflag:s8], $0x0  }
0x24: {  	s3 =	sadd.s32 $0x88, s3;
	s6 =	simm.s32 @!p1 $0x1082;
	[sflag:s4] =	ssyncset.s32 $0xFFFFF086  }
0x25: {  	[simem:s6], [sflag:s4] =	dma.local [hbm:s3], $0xF7A  }
0x26: {  	[smem:$0x3F90] =	sst s1;
	(tag) =	ssettag s2;
	_ =	strace s9  }
0x27: {  	s1 =	sld [smem:$0x3FA0]  }
0x28: {  	s2 =	sld [smem:$0x3FA1]  }
0x29: {  	s4 =	sld [smem:$0x3FA3]  }
0x2a: {  	p0 =	seq.s32 s5, $0x0;
	s5 =	sld [smem:$0x3FA4]  }
0x2b: {  	s6 =	sld [smem:$0x3FA5]  }
0x2c: {  	s7 =	sld [smem:$0x3FA6]  }
0x2d: {  	s3 =	simm.s32 $0x108;
	s8 =	sld [smem:$0x3FA7]  }
0x2e: {  	s3 =	simm.s32 @!p0 $0x1082;
	s9 =	sld [smem:$0x3FA8]  }
0x2f: {  	lr =	sadd.s32 s0, s3;
	s0 =	sld [smem:$0x3F9F]  }
0x30: {  	s3 =	sld [smem:$0x3FA2]  }
0x31: {  	[smem:$0x3FAB] =	sst s10  }
0x32: {  	s10 =	sld [smem:$0x3FA9];
	_ =	sdelay $0x3  }
0x33: {  	p0 =	seq.s32 s10, $0x1;
	s10 =	sld [smem:$0x3FAB];
	_ =	sdelay $0x3  }
0x34: {  	[smem:$0x3FAB] =	sst s10  }
0x35: {  	s10 =	sld [smem:$0x3FAA];
	_ =	sdelay $0x3  }
0x36: {  	p1 =	seq.s32 s10, $0x1;
	s10 =	sld [smem:$0x3FAB];
	_ =	sdelay $0x3  }
0x37: {  	[smem:$0x3FAB] =	sst s10  }
0x38: {  	s10 =	sld [smem:$0x3FAC]  }
0x39: {  	_ = 	snop;
	(pc) =	sbr.ind lr, $3  }
0x3a: {  	_ = 	snop  }
0x3b: {  	_ = 	snop  }
0x3c: {  	p2 =	seq.s32 s10, $0x1;
	s10 =	sld [smem:$0x3FAB]  }
0x3d: {  	_ =	shalt  }
0x3e: {  	_ =	shalt  }
0x3f: {  	_ =	shalt  }
0x40: {  	_ =	shalt  }
0x41: {  	_ =	shalt  }
0x42: {  	_ =	shalt  }
0x43: {  	_ =	shalt  }
0x44: {  	_ =	shalt  }
0x45: {  	_ =	shalt  }
0x46: {  	_ =	shalt  }
0x47: {  	_ =	shalt  }
0x48: {  	_ =	shalt  }
0x49: {  	_ =	shalt  }
0x4a: {  	_ =	shalt  }
0x4b: {  	_ =	shalt  }
0x4c: {  	_ =	shalt  }
0x4d: {  	_ =	shalt  }
0x4e: {  	_ =	shalt  }
0x4f: {  	_ =	shalt  }
0x50: {  	_ =	shalt  }
0x51: {  	_ =	shalt  }
0x52: {  	_ =	shalt  }
0x53: {  	_ =	shalt  }
0x54: {  	_ =	shalt  }
0x55: {  	_ =	shalt  }
0x56: {  	_ =	shalt  }
0x57: {  	_ =	shalt  }
0x58: {  	_ =	shalt  }
0x59: {  	_ =	shalt  }
0x5a: {  	_ =	shalt  }
0x5b: {  	_ =	shalt  }
0x5c: {  	_ =	shalt  }
0x5d: {  	_ =	shalt  }
0x5e: {  	_ =	shalt  }
0x5f: {  	_ =	shalt  }
0x60: {  	_ =	shalt  }
0x61: {  	_ =	shalt  }
0x62: {  	_ =	shalt  }
0x63: {  	_ =	shalt  }
0x64: {  	_ =	shalt  }
0x65: {  	_ =	shalt  }
0x66: {  	_ =	shalt  }
0x67: {  	_ =	shalt  }
0x68: {  	_ =	shalt  }
0x69: {  	_ =	shalt  }
0x6a: {  	_ =	shalt  }
0x6b: {  	_ =	shalt  }
0x6c: {  	_ =	shalt  }
0x6d: {  	_ =	shalt  }
0x6e: {  	_ =	shalt  }
0x6f: {  	_ =	shalt  }
0x70: {  	_ =	shalt  }
0x71: {  	_ =	shalt  }
0x72: {  	_ =	shalt  }
0x73: {  	_ =	shalt  }
0x74: {  	_ =	shalt  }
0x75: {  	_ =	shalt  }
0x76: {  	_ =	shalt  }
0x77: {  	_ =	shalt  }
0x78: {  	_ =	shalt  }
0x79: {  	_ =	shalt  }
0x7a: {  	_ =	shalt  }
0x7b: {  	_ =	shalt  }
0x7c: {  	_ =	shalt  }
0x7d: {  	_ =	shalt  }
0x7e: {  	_ =	shalt  }
0x7f: {  	_ =	shalt  }
0x80: {  	_ =	shalt  }
0x81: {  	_ =	shalt  }
0x82: {  	_ =	shalt  }
0x83: {  	_ =	shalt  }
0x84: {  	_ =	shalt  }
0x85: {  	_ =	shalt  }
0x86: {  	_ =	shalt  }
0x87: {  	_ =	shalt  }
.Lfunc_end0:
.L_simem_size_0:
called_computation_lowered:
.L_overlay_start_0:
0x88: {  	s2 =	sld [smem:$0x3FD9]  }
0x89: {  	s3 =	sld [smem:$0x3FFE];
	_ =	sdelay $0x1  }
0x8a: {  	s1 =	srdreg.scid  }
0x8b: {  	s0 =	sand.u32 $0x1, s1  }
0x8c: {  	s16 =	sshll.u32 s0, $0xA;
	s2 =	sadd.s32 s3, s2  }
0x8d: {  	s2 =	sadd.s32 s2, s16  }
0x8e: {  	[smem:$0x3FB7] =	sst s2  }
0x8f: {  	_ = 	snop  }
0x90: {  	(tm) =	ssettm $0x1  }
0x91: {  	s17 =	sld [smem:$0x3FFB];
	_ =	sdelay $0x3  }
0x92: {  	_ =	strace s17  }
0x93: {  	s2 =	sld [smem:$0x3FFC];
	_ =	sdelay $0x3  }
0x94: {  	_ =	strace s2  }
0x95: {  	s2 =	sld [smem:$0x3FFD];
	_ =	sdelay $0x3  }
0x96: {  	_ =	strace s2  }
0x97: {  	_ =	strace $0x8FFFFFFF  }
0x98: {  	s18 =	sld [smem:$0x3FDB];
	_ =	sdelay $0x1  }
0x99: {  	s19 =	simm.s32 $_scs_section_size  }
0x9a: {  	s4 =	simm.s32 $_size__tile_overlayer_lowered;
	s5 =	simm.s32 $_tile_overlayer_lowered  }
0x9b: {  	s22 =	simm.s32 $0x1BFF;
	s21 =	sshll.u32 s5, $0x1;
	s2 =	sadd.s32 s19, s18  }
0x9c: {  	s6 =	simm.s32 $0x0;
	s20 =	sshll.u32 s4, $0x1;
	s4 =	sadd.s32 s21, s2  }
0x9d: {  	[timem:s6], [sflag:s22] =	dma.local [hbm:s4], s20  }
0x9e: {  	_ =	swait.ge [sflag:s22], s20  }
0x9f: {  	s3 =	ssub.s32 $0x0, s20;
	[sflag:s22] =	ssyncset.done $0x0  }
0xa0: {  	[sflag:s22] =	ssyncadd.s32 s3;
	_ =	sdelay $0x1  }
0xa1: {  	s23 =	simm.s32 $0x1B8B  }
0xa2: {  	_ =	swait.ge [sflag:s23], $0x1  }
0xa3: {  	[sflag:s23] =	ssyncset.done $0x0  }
0xa4: {  	s25 =	simm.s32 $0x1B8E;
	s24 =	sld [smem:$0x3FFE];
	[sflag:s23] =	ssyncadd.s32 $0xFFFFFFFF  }
0xa5: {  	s26 =	simm.s32 $execute0_lowered;
	[smem:$0x3FD2] =	sst s25  }
0xa6: {  	s4 =	sshll.u32 s26, $0x1;
	_ =	strace $0x80000046;
	[dreg:$0x1] =	wrdreg $0xFFFFFFFF  }
0xa7: {  	s28 =	simm.s32 $_size_execute0_lowered;
	s2 =	sadd.s32 s2, s4;
	[dreg:$0x0] =	wrdreg $0x0  }
0xa8: {  	s4 =	sshll.u32 s28, $0x1;
	[dreg:$0x2] =	wrdreg s2  }
0xa9: {  	[dreg:$0x3] =	wrdreg s4  }
0xaa: {  	[dreg:$0x4] =	wrdreg $0xC0  }
0xab: {  	_ =	task [dreg:s6], $0x5FFFF  }
0xac: {  	[dreg:$0x1] =	wrdreg $0xFFFFFFFF  }
0xad: {  	[dreg:$0x0] =	wrdreg $0x60  }
0xae: {  	[dreg:$0x2] =	wrdreg s24  }
0xaf: {  	[dreg:$0x3] =	wrdreg $0x9  }
0xb0: {  	_ =	task.clear_ibuf [dreg:s6], $0x4FFFF;
	_ =	strace $0x90000046  }
0xb1: {  	s29 =	simm.s32 $0x9;
	_ =	strace $0x80000048  }
0xb2: {  	_ =	swait.ge [sflag:s29], $0x1  }
0xb3: {  	[sflag:s29] =	ssyncadd.s32 $0xFFFFFFFF  }
0xb4: {  	_ =	strace $0x90000048  }
0xb5: {  	_ =	sfence  }
0xb6: {  	s30 =	sld [smem:$0x0];
	_ =	sdelay $0x2  }
0xb7: {  	s31 =	sshll.u32 s1, $0xD;
	s1 =	sshrl.u32 s1, $0x2  }
0xb8: {  	s3 =	sand.u32 $0x4000, s31;
	s1 =	sadd.s32 s1, s30  }
0xb9: {  	s0 =	sor.u32 s3, s0;
	s1 =	sshll.u32 s1, $0x11  }
0xba: {  	s0 =	sor.u32 s1, s0  }
0xbb: {  	s0 =	sadd.s32 $0x8F2B, s0  }
0xbc: {  	[sflag:s0] =	ssyncadd.remote.s32 $0x1  }
0xbd: {  	_ =	sfence.sel $0xFFFF  }
0xbe: {  	[dreg:$0x0] =	wrdreg $0xFFFFFFFF;
	(pc) =	sbr.abs _section_cstart, $3  }
0xbf: {  	[dreg:$0x1] =	wrdreg $0xFFFFFFFF  }
0xc0: {  	_ =	task.clear_ibuf [dreg:s6], $0x2FFFF;
	_ =	strace $0x9FFFFFFF  }
0xc1: {  	(tm) =	ssettm $0x7FFFFFFF  }
tec
execute0_lowered:
.L_overlay_start_1:
0x0: {  	(tag) =	ssettag $0x1  }
0x1: {  	s0 =	rddreg [dreg:$0x0];
	s1 =	simm.s32 $0x0;
	s2 =	srdreg.scid  }
0x2: {  	s6 =	stileid.u32;
	s28 =	simm.s32 $0x200;
	s18 =	simm.s32 $0x3A00  }
0x3: {  	s19 =	simm.s32 $0x5;
	s20 =	simm.s32 $0x6;
	s22 =	simm.s32 $0x0  }
0x4: {  	[smem:$0x7FF] =	sst s1;
	s3 =	sadd.s32 $0x191600, s0;
	s4 =	sadd.s32 $0x318000, s0  }
0x5: {  	s5 =	sadd.s32 $0x49EA00, s0;
	s2 =	sand.u32 $0x1, s2;
	s8 =	sshll.u32 s6, $0x1  }
0x6: {  	s6 =	sadd.s32 $0xAC00, s0;
	s7 =	sadd.s32 $0x7A00, s0;
	s26 =	sadd.s32 $0xAAC8, s0  }
0x7: {  	s29 =	sadd.s32 $0x78C8, s0;
	_ =	strace $0x80000047;
	[dreg:$0x5] =	wrdreg s26  }
0x8: {  	s9 =	sadd.s32 $0x4800, s0;
	s30 =	sadd.s32 $0x624E00, s0;
	[dreg:$0x6] =	wrdreg s29  }
0x9: {  	s10 =	sadd.s32 $0x932800, s0;
	s31 =	sadd.s32 $0x191000, s0;
	[dreg:$0x7] =	wrdreg s30  }
0xa: {  	s0 =	sadd.s32 $0xAB8C00, s0;
	s8 =	sor.u32 s2, s8;
	[dreg:$0x8] =	wrdreg s31  }
0xb: {  	s2 =	ssub.s32 $0x2, s2;
	[dreg:$0x9] =	wrdreg s0;
	s12 =	smul.u32 $0xE, s8  }
0xc: {  	s0 =	simm.s32 $0x3;
	s11 =	sshrl.u32 s2, $0x1;
	s13 =	smul.u32 $0x70, s8  }
0xd: {  	s23 =	ssub.s32 $0x39B, s8;
	s15 =	smul.u32 $0x700, s8;
	p0 =	sne.s32 s8, $0x1F  }
0xe: {  	s2 =	ssub.s32 s2, s11;
	s11 =	sshrl.u32 s23, $0x5;
	s14 =	sadd.s32 s7, s12  }
.Ltmp0:
0xf: {  	s13 =	sshrl.u32 s13, $0x3;
	s12 =	sadd.s32 s9, s12;
	(pc) =	sbr.rel .LBB2_1-.Ltmp0, $4  }
0x10: {  	s24 =	sadd.s32 s5, s15;
	s15 =	sadd.s32 s6, s15;
	[dreg:$0x2] =	wrdreg s14  }
0x11: {  	s23 =	smax.u32 s2, $0x1;
	s2 =	simm.s32 $0x4;
	[dreg:$0x3] =	wrdreg s12  }
0x12: {  	[dreg:$0x4] =	wrdreg s24;
	s25 =	sadd.s32 $0x1C0, s13;
	s24 =	simm.s32 $0x100  }
0x13: {  	s16 =	sadd.s32 s7, s25;
	s17 =	sadd.s32 s9, s25;
	s25 =	simm.s32 $0x1  }
.LBB2_13:
0x14: {  	s22 =	sadd.s32 $0x1, s22  }
0x15: {  	p1 =	sne.s32 s22, s23  }
.Ltmp1:
0x16: {  	_ = 	snop;
	(pc) =	sbr.rel @!p1 .LBB2_14-.Ltmp1, $1  }
0x17: {  	_ =	sdelay $0x3  }
.LBB2_1:
0x18: {  	s12 =	rddreg [dreg:$0x2]  }
0x19: {  	[tilespmem:s1], [sflag:$0x1] =	stream.linear.gather [hbm4b:s12+s1], $0x70, $0x38;
	[tilespmem:$0x1C200] =	vst v63  }
0x1a: {  	s30 =	rddreg [dreg:$0x3]  }
0x1b: {  	[tilespmem:s24], [sflag:$0x1] =	stream.linear.gather [hbm4b:s30+s1], $0x70, $0x38;
	[tilespmem:$0x1C200] =	vst v63  }
0x1c: {  	_ =	swait.ge [sflag:s25], $0x70  }
0x1d: {  	[sflag:s25] =	ssyncset.done $0x0  }
0x1e: {  	[sflag:s25] =	ssyncadd.s32 $0xFFFFFF90  }
0x1f: {  	_ =	swait.ge [sflag:s25], $0x70  }
0x20: {  	[sflag:s25] =	ssyncset.done $0x0  }
0x21: {  	s31 =	simm.s32 $0x70;
	[sflag:s25] =	ssyncadd.s32 $0xFFFFFF90  }
0x22: {  	[tilespmem:s28], [sflag:$0x3] =	stream.indirect.gather [hbm4b:s3+s31], $0x80, s1, s31, $0xb8;
	[tilespmem:$0x1C200] =	vst v63  }
0x23: {  	s13 =	simm.s32 $0x7200  }
0x24: {  	[tilespmem:s13], [sflag:$0x3] =	stream.indirect.gather [hbm4b:s4+s31], $0x80, s24, s31, $0xb8;
	[tilespmem:$0x1C200] =	vst v63  }
0x25: {  	s21 =	simm.s32 $0xE200;
	s14 =	rddreg [dreg:$0x4]  }
0x26: {  	[tilespmem:s21], [sflag:$0x3] =	stream.linear.gather [hbm4b:s14+s1], $0x3800, $0x38;
	[tilespmem:$0x1C200] =	vst v63  }
0x27: {  	s26 =	simm.s32 $0x15200  }
0x28: {  	[tilespmem:s26], [sflag:$0x3] =	stream.linear.gather [hbm4b:s15+s1], $0x3800, $0x38;
	[tilespmem:$0x1C200] =	vst v63  }
.Ltmp2:
0x29: {  	_ = 	snop;
	(pc) =	sbr.rel .LBB2_2-.Ltmp2, $4  }
0x2a: {  	s30 =	simm.s32 $0x80  }
0x2b: {  	[tilespmem:s30], [sflag:$0x2] =	stream.linear.gather [hbm4b:s16+s1], $0x70, $0x38;
	[tilespmem:$0x1C200] =	vst v63  }
0x2c: {  	s29 =	simm.s32 $0x0;
	s31 =	simm.s32 $0x180  }
0x2d: {  	[tilespmem:s31], [sflag:$0x2] =	stream.linear.gather [hbm4b:s17+s1], $0x70, $0x38;
	[tilespmem:$0x1C200] =	vst v63  }
.LBB2_8:
0x2e: {  	s29 =	sadd.s32 $0x1, s29  }
0x2f: {  	p1 =	sne.s32 s29, $0xE  }
.Ltmp3:
0x30: {  	_ = 	snop;
	(pc) =	sbr.rel @!p1 .LBB2_9-.Ltmp3, $1  }
0x31: {  	_ =	sdelay $0x3  }
.LBB2_2:
0x32: {  	s30 =	sshllo.u32 s29, $0x1  }
0x33: {  	p1 =	sge.u32 s30, s11  }
0x34: {  	s12 =	simm.s32 @!p1 $0x2  }
0x35: {  	_ =	swait.ge @!p1 [sflag:s12], $0x70  }
0x36: {  	[sflag:s12] =	ssyncset.done @!p1 $0x0  }
0x37: {  	[sflag:s12] =	ssyncadd.s32 @!p1 $0xFFFFFF90  }
0x38: {  	p2 =	seq.s32 @!p1 s29, $0x0;
	_ =	swait.ge @!p1 [sflag:s12], $0x70  }
0x39: {  	p2 =	por p2, p1;
	[sflag:s12] =	ssyncset.done @!p1 $0x0  }
0x3a: {  	[sflag:s12] =	ssyncadd.s32 @!p1 $0xFFFFFF90;
	s12 =	simm.s32 @!p2 $0x6  }
0x3b: {  	_ =	swait.ge @!p2 [sflag:s12], $0x3800  }
0x3c: {  	s13 =	simm.s32 @!p1 $0x80;
	[sflag:s12] =	ssyncset.done @!p2 $0x0  }
0x3d: {  	s21 =	simm.s32 @!p1 $0x3A00;
	[sflag:s12] =	ssyncadd.s32 @!p2 $0xFFFFC800;
	s12 =	simm.s32 @!p1 $0x70  }
0x3e: {  	[tilespmem:s21], [sflag:$0x4] =	stream.indirect.gather @!p1 [hbm4b:s3+s12], $0x80, s13, s12, $0xb8;
	[tilespmem:$0x1C200] =	vst v63  }
0x3f: {  	s13 =	sshll.u32 @!p1 s30, $0x5  }
0x40: {  	s13 =	sor.u32 @!p1 s8, s13  }
0x41: {  	s31 =	simm.s32 @!p1 $0xAA00;
	s21 =	simm.s32 @!p1 $0x180;
	s13 =	smul.u32 @!p1 $0x700, s13  }
0x42: {  	[tilespmem:s31], [sflag:$0x4] =	stream.indirect.gather @!p1 [hbm4b:s4+s12], $0x80, s21, s12, $0xb8;
	[tilespmem:$0x1C200] =	vst v63  }
0x43: {  	s21 =	simm.s32 @!p1 $0x0;
	s31 =	simm.s32 @!p1 $0x11A00;
	s12 =	sadd.s32 @!p1 s5, s13  }
0x44: {  	[tilespmem:s31], [sflag:$0x4] =	stream.linear.gather @!p1 [hbm4b:s12+s21], $0x3800, $0x38;
	[tilespmem:$0x1C200] =	vst v63  }
0x45: {  	s12 =	sadd.s32 @!p1 s6, s13;
	s13 =	simm.s32 @!p1 $0x18A00  }
0x46: {  	[tilespmem:s13], [sflag:$0x4] =	stream.linear.gather @!p1 [hbm4b:s12+s21], $0x3800, $0x38;
	[tilespmem:$0x1C200] =	vst v63  }
0x47: {  	_ =	swait.ge [sflag:s0], $0x3800  }
0x48: {  	[sflag:s0] =	ssyncset.done $0x0  }
0x49: {  	[sflag:s0] =	ssyncadd.s32 $0xFFFFC800  }
0x4a: {  	_ =	swait.ge [sflag:s0], $0x3800  }
0x4b: {  	s31 =	sshll.u32 s29, $0x1;
	[sflag:s0] =	ssyncset.done $0x0  }
0x4c: {  	s12 =	sadd.s32 $0x2, s31;
	[sflag:s0] =	ssyncadd.s32 $0xFFFFC800  }
0x4d: {  	p2 =	sge.u32 s12, s11;
	_ =	swait.ge [sflag:s0], $0x3800  }
0x4e: {  	s12 =	sshll.u32 @!p2 s12, $0x5;
	[sflag:s0] =	ssyncset.done $0x0  }
0x4f: {  	s21 =	sor.u32 @!p2 s8, s12;
	[sflag:s0] =	ssyncadd.s32 $0xFFFFC800  }
0x50: {  	s12 =	smul.u32 @!p2 $0xE, s21;
	_ =	swait.ge [sflag:s0], $0x3800  }
0x51: {  	[sflag:s0] =	ssyncset.done $0x0  }
0x52: {  	s14 =	simm.s32 @!p2 $0x0;
	s13 =	sadd.s32 @!p2 s7, s12;
	[sflag:s0] =	ssyncadd.s32 $0xFFFFC800  }
0x53: {  	[tilespmem:s14], [sflag:$0x1] =	stream.linear.gather @!p2 [hbm4b:s13+s14], $0x70, $0x38;
	[tilespmem:$0x1C200] =	vst v63  }
0x54: {  	s12 =	sadd.s32 @!p2 s9, s12;
	s13 =	simm.s32 @!p2 $0x100  }
0x55: {  	[tilespmem:s13], [sflag:$0x1] =	stream.linear.gather @!p2 [hbm4b:s12+s14], $0x70, $0x38;
	[tilespmem:$0x1C200] =	vst v63  }
0x56: {  	s12 =	simm.s32 $0x0  }
0x57: {  	v3 =	vld [tilespmem:s12+$0x15200]  }
0x58: {  	v4 =	vld [tilespmem:s12+$0x15210]  }
0x59: {  	v2 =	vld [tilespmem:s12+$0x15220]  }
0x5a: {  	v1 =	vld [tilespmem:s12+$0x15230]  }
0x5b: {  	v0 =	vld [tilespmem:s12+$0x15240]  }
0x5c: {  	v13 =	vld [tilespmem:s12+$0xE200]  }
0x5d: {  	v14 =	vld [tilespmem:s12+$0xE210]  }
0x5e: {  	v17 =	vld [tilespmem:s12+$0xE220]  }
0x5f: {  	v7 =	vld [tilespmem:s12+$0xE230]  }
0x60: {  	v6 =	vld [tilespmem:s12+$0xE240]  }
0x61: {  	v5 =	vld [tilespmem:s12+$0xE250]  }
0x62: {  	v8 =	vld [tilespmem:s12+$0x7200]  }
0x63: {  	v15 =	vld [tilespmem:s12+$0x7210]  }
0x64: {  	v16 =	vld [tilespmem:s12+$0x7220]  }
0x65: {  	v11 =	vld [tilespmem:s12+$0x7230]  }
0x66: {  	v9 =	vld [tilespmem:s12+$0x7240]  }
0x67: {  	v18 =	vld [tilespmem:s12+$0x200]  }
0x68: {  	v19 =	vld [tilespmem:s12+$0x210]  }
0x69: {  	v20 =	vld [tilespmem:s12+$0x220]  }
0x6a: {  	v12 =	vld [tilespmem:s12+$0x7250]  }
0x6b: {  	v10 =	vld [tilespmem:s12+$0x7260]  }
0x6c: {  	v18 =	vadd.f32 v8, v18;
	v8 =	vld [tilespmem:s12+$0x7270]  }
0x6d: {  	v19 =	vadd.f32 v15, v19;
	v15 =	vld [tilespmem:s12+$0x230]  }
0x6e: {  	v20 =	vadd.f32 v16, v20;
	v16 =	vld [tilespmem:s12+$0x240];
	v21 =	vadd.f32 v13, v18  }
0x6f: {  	v13 =	vld [tilespmem:s12+$0x250];
	v18 =	vadd.f32 v14, v19  }
0x70: {  	s13 =	simm.s32 $0x200;
	v17 =	vadd.f32 v17, v20;
	v14 =	vld [tilespmem:s12+$0x260];
	v19 =	vmax.f32 v21, $0.0e+00  }
.LBB2_3:
0x71: {  	p3 =	sne.s32 s13, $0xDE00;
	v3 =	vadd.f32 v19, v3;
	v18 =	vmax.f32 v18, $0.0e+00;
	v19 =	vld [tilespmem:s12+$0x270]  }
0x72: {  	v4 =	vadd.f32 v18, v4;
	v17 =	vmax.f32 v17, $0.0e+00;
	v11 =	vadd.f32 v11, v15;
	v15 =	vld [tilespmem:s12+$0xE260]  }
0x73: {  	v2 =	vadd.f32 v17, v2;
	v9 =	vadd.f32 v9, v16;
	v16 =	vld [tilespmem:s12+$0xE270]  }
0x74: {  	v7 =	vadd.f32 v7, v11;
	v11 =	vadd.f32 v12, v13;
	v12 =	vld [tilespmem:s12+$0x15250]  }
0x75: {  	v6 =	vadd.f32 v6, v9;
	v9 =	vadd.f32 v10, v14;
	v10 =	vld [tilespmem:s12+$0x15260]  }
0x76: {  	s14 =	sshra.s32 s13, $0x2;
	[tilespmem:s12+$0x200] =	vst v3;
	v7 =	vmax.f32 v7, $0.0e+00;
	v5 =	vadd.f32 v5, v11;
	v8 =	vadd.f32 v8, v19;
	v11 =	vld [tilespmem:s12+$0x15270]  }
0x77: {  	v3 =	vld [tilespmem:s14+$0x15200];
	[tilespmem:s12+$0x210] =	vst v4;
	v1 =	vadd.f32 v7, v1;
	v6 =	vmax.f32 v6, $0.0e+00;
	v7 =	vadd.f32 v15, v9  }
0x78: {  	v4 =	vld [tilespmem:s14+$0x15210];
	[tilespmem:s12+$0x220] =	vst v2;
	v0 =	vadd.f32 v6, v0;
	v5 =	vmax.f32 v5, $0.0e+00;
	v6 =	vadd.f32 v16, v8  }
0x79: {  	v2 =	vld [tilespmem:s14+$0x15220];
	[tilespmem:s12+$0x230] =	vst v1;
	v5 =	vadd.f32 v5, v12;
	v7 =	vmax.f32 v7, $0.0e+00  }
0x7a: {  	v1 =	vld [tilespmem:s14+$0x15230];
	[tilespmem:s12+$0x240] =	vst v0;
	v7 =	vadd.f32 v7, v10;
	v6 =	vmax.f32 v6, $0.0e+00  }
0x7b: {  	v0 =	vld [tilespmem:s14+$0x15240];
	[tilespmem:s12+$0x250] =	vst v5;
	v5 =	vadd.f32 v6, v11  }
0x7c: {  	v13 =	vld [tilespmem:s14+$0xE200];
	[tilespmem:s12+$0x260] =	vst v7  }
0x7d: {  	v14 =	vld [tilespmem:s14+$0xE210];
	[tilespmem:s12+$0x270] =	vst v5;
	s12 =	smov.u32 s14  }
0x7e: {  	v17 =	vld [tilespmem:s12+$0xE220]  }
0x7f: {  	v7 =	vld [tilespmem:s12+$0xE230]  }
0x80: {  	v6 =	vld [tilespmem:s12+$0xE240]  }
0x81: {  	v5 =	vld [tilespmem:s12+$0xE250]  }
0x82: {  	v8 =	vld [tilespmem:s12+$0x7200]  }
0x83: {  	v15 =	vld [tilespmem:s12+$0x7210]  }
0x84: {  	v16 =	vld [tilespmem:s12+$0x7220]  }
0x85: {  	v11 =	vld [tilespmem:s12+$0x7230]  }
0x86: {  	v9 =	vld [tilespmem:s12+$0x7240]  }
0x87: {  	v18 =	vld [tilespmem:s12+$0x200]  }
0x88: {  	v19 =	vld [tilespmem:s12+$0x210]  }
0x89: {  	v20 =	vld [tilespmem:s12+$0x220]  }
0x8a: {  	v12 =	vld [tilespmem:s12+$0x7250]  }
0x8b: {  	v10 =	vld [tilespmem:s12+$0x7260]  }
.Ltmp4:
0x8c: {  	v18 =	vadd.f32 v8, v18;
	v8 =	vld [tilespmem:s12+$0x7270];
	(pc) =	sbr.rel @p3 .LBB2_3-.Ltmp4, $4  }
0x8d: {  	v19 =	vadd.f32 v15, v19;
	v15 =	vld [tilespmem:s12+$0x230]  }
0x8e: {  	v21 =	vadd.f32 v13, v18;
	v20 =	vadd.f32 v16, v20;
	v16 =	vld [tilespmem:s12+$0x240]  }
0x8f: {  	v18 =	vadd.f32 v14, v19;
	v13 =	vld [tilespmem:s12+$0x250]  }
0x90: {  	s13 =	sadd.s32 $0x200, s13;
	v19 =	vmax.f32 v21, $0.0e+00;
	v17 =	vadd.f32 v17, v20;
	v14 =	vld [tilespmem:s12+$0x260]  }
0x91: {  	v20 =	vld [tilespmem:s12+$0x270];
	v3 =	vadd.f32 v19, v3;
	v18 =	vmax.f32 v18, $0.0e+00  }
0x92: {  	v46 =	vld [tilespmem:s12+$0xE260];
	v4 =	vadd.f32 v18, v4;
	v17 =	vmax.f32 v17, $0.0e+00;
	v11 =	vadd.f32 v11, v15  }
0x93: {  	v47 =	vld [tilespmem:s12+$0xE270];
	v2 =	vadd.f32 v17, v2;
	v9 =	vadd.f32 v9, v16  }
0x94: {  	v48 =	vld [tilespmem:s12+$0x15250];
	v7 =	vadd.f32 v7, v11;
	v49 =	vadd.f32 v12, v13  }
0x95: {  	v50 =	vld [tilespmem:s12+$0x15260];
	v6 =	vadd.f32 v6, v9;
	v51 =	vadd.f32 v10, v14  }
0x96: {  	v54 =	vld [tilespmem:s12+$0x15270];
	[tilespmem:s12+$0x200] =	vst v3;
	v52 =	vmax.f32 v7, $0.0e+00;
	v5 =	vadd.f32 v5, v49;
	v53 =	vadd.f32 v8, v20  }
0x97: {  	[tilespmem:s12+$0x210] =	vst v4;
	v1 =	vadd.f32 v52, v1;
	v55 =	vmax.f32 v6, $0.0e+00;
	v56 =	vadd.f32 v46, v51  }
0x98: {  	[tilespmem:s12+$0x220] =	vst v2;
	v0 =	vadd.f32 v55, v0;
	v57 =	vmax.f32 v5, $0.0e+00;
	v58 =	vadd.f32 v47, v53  }
0x99: {  	s13 =	sshll.u32 s29, $0x6;
	[tilespmem:s12+$0x230] =	vst v1;
	v59 =	vadd.f32 v57, v48;
	v60 =	vmax.f32 v56, $0.0e+00  }
.Ltmp5:
0x9a: {  	s13 =	sor.u32 s8, s13;
	[tilespmem:s12+$0x240] =	vst v0;
	v61 =	vadd.f32 v60, v50;
	v62 =	vmax.f32 v58, $0.0e+00;
	(pc) =	sbr.rel @p1 .LBB2_8-.Ltmp5, $4  }
0x9b: {  	s13 =	smul.u32 $0x700, s13;
	[tilespmem:s12+$0x250] =	vst v59;
	v63 =	vadd.f32 v62, v54  }
0x9c: {  	[tilespmem:s12+$0x260] =	vst v61  }
0x9d: {  	s26 =	sadd.s32 s10, s13;
	[tilespmem:s12+$0x270] =	vst v63  }
0x9e: {  	[hbm4b:s26+s1] =	stream.linear.scatter [tilespmem:s28], [sflag:$0x5], $0x3800, $0x38;
	[tilespmem:$0x1C200] =	vst v63  }
0x9f: {  	s12 =	simm.s32 @!p2 $0x1  }
0xa0: {  	_ =	swait.ge @!p2 [sflag:s12], $0x70  }
0xa1: {  	[sflag:s12] =	ssyncset.done @!p2 $0x0  }
0xa2: {  	[sflag:s12] =	ssyncadd.s32 @!p2 $0xFFFFFF90  }
0xa3: {  	_ =	swait.ge @!p2 [sflag:s12], $0x70  }
0xa4: {  	[sflag:s12] =	ssyncset.done @!p2 $0x0  }
0xa5: {  	[sflag:s12] =	ssyncadd.s32 @!p2 $0xFFFFFF90;
	s12 =	simm.s32 @!p2 $0x5  }
0xa6: {  	_ =	swait.ge @!p2 [sflag:s12], $0x3800  }
0xa7: {  	s13 =	simm.s32 @!p2 $0x0;
	[sflag:s12] =	ssyncset.done @!p2 $0x0  }
0xa8: {  	s14 =	simm.s32 @!p2 $0x200;
	[sflag:s12] =	ssyncadd.s32 @!p2 $0xFFFFC800;
	s12 =	simm.s32 @!p2 $0x70  }
0xa9: {  	[tilespmem:s14], [sflag:$0x3] =	stream.indirect.gather @!p2 [hbm4b:s3+s12], $0x80, s13, s12, $0xb8;
	[tilespmem:$0x1C200] =	vst v63  }
0xaa: {  	s26 =	simm.s32 @!p2 $0x7200;
	s21 =	smul.u32 @!p2 $0x700, s21;
	s14 =	simm.s32 @!p2 $0x100  }
0xab: {  	[tilespmem:s26], [sflag:$0x3] =	stream.indirect.gather @!p2 [hbm4b:s4+s12], $0x80, s14, s12, $0xb8;
	[tilespmem:$0x1C200] =	vst v63  }
0xac: {  	s12 =	sadd.s32 @!p2 s5, s21;
	s14 =	simm.s32 @!p2 $0xE200  }
0xad: {  	[tilespmem:s14], [sflag:$0x3] =	stream.linear.gather @!p2 [hbm4b:s12+s13], $0x3800, $0x38;
	[tilespmem:$0x1C200] =	vst v63  }
0xae: {  	s12 =	sadd.s32 @!p2 s6, s21;
	s14 =	simm.s32 @!p2 $0x15200  }
0xaf: {  	[tilespmem:s14], [sflag:$0x3] =	stream.linear.gather @!p2 [hbm4b:s12+s13], $0x3800, $0x38;
	[tilespmem:$0x1C200] =	vst v63  }
0xb0: {  	_ =	swait.ge [sflag:s2], $0x3800  }
0xb1: {  	[sflag:s2] =	ssyncset.done $0x0  }
0xb2: {  	[sflag:s2] =	ssyncadd.s32 $0xFFFFC800  }
0xb3: {  	_ =	swait.ge [sflag:s2], $0x3800  }
0xb4: {  	[sflag:s2] =	ssyncset.done $0x0  }
0xb5: {  	s12 =	sadd.s32 $0x3, s31;
	[sflag:s2] =	ssyncadd.s32 $0xFFFFC800  }
0xb6: {  	p1 =	sge.u32 s12, s11;
	_ =	swait.ge [sflag:s2], $0x3800  }
0xb7: {  	s12 =	sshll.u32 @!p1 s12, $0x5;
	[sflag:s2] =	ssyncset.done $0x0  }
0xb8: {  	s12 =	sor.u32 @!p1 s8, s12;
	[sflag:s2] =	ssyncadd.s32 $0xFFFFC800  }
0xb9: {  	s12 =	smul.u32 @!p1 $0xE, s12;
	_ =	swait.ge [sflag:s2], $0x3800  }
0xba: {  	s14 =	simm.s32 @!p1 $0x0;
	[sflag:s2] =	ssyncset.done $0x0  }
0xbb: {  	s21 =	simm.s32 @!p1 $0x80;
	s13 =	sadd.s32 @!p1 s7, s12;
	[sflag:s2] =	ssyncadd.s32 $0xFFFFC800  }
0xbc: {  	[tilespmem:s21], [sflag:$0x2] =	stream.linear.gather @!p1 [hbm4b:s13+s14], $0x70, $0x38;
	[tilespmem:$0x1C200] =	vst v63  }
0xbd: {  	s12 =	sadd.s32 @!p1 s9, s12;
	s13 =	simm.s32 @!p1 $0x180  }
0xbe: {  	[tilespmem:s13], [sflag:$0x2] =	stream.linear.gather @!p1 [hbm4b:s12+s14], $0x70, $0x38;
	[tilespmem:$0x1C200] =	vst v63  }
0xbf: {  	s12 =	simm.s32 $0x0  }
0xc0: {  	v3 =	vld [tilespmem:s12+$0x18A00]  }
0xc1: {  	v4 =	vld [tilespmem:s12+$0x18A10]  }
0xc2: {  	v2 =	vld [tilespmem:s12+$0x18A20]  }
0xc3: {  	v1 =	vld [tilespmem:s12+$0x18A30]  }
0xc4: {  	v0 =	vld [tilespmem:s12+$0x18A40]  }
0xc5: {  	v13 =	vld [tilespmem:s12+$0x11A00]  }
0xc6: {  	v14 =	vld [tilespmem:s12+$0x11A10]  }
0xc7: {  	v17 =	vld [tilespmem:s12+$0x11A20]  }
0xc8: {  	v7 =	vld [tilespmem:s12+$0x11A30]  }
0xc9: {  	v6 =	vld [tilespmem:s12+$0x11A40]  }
0xca: {  	v5 =	vld [tilespmem:s12+$0x11A50]  }
0xcb: {  	v8 =	vld [tilespmem:s12+$0xAA00]  }
0xcc: {  	v15 =	vld [tilespmem:s12+$0xAA10]  }
0xcd: {  	v16 =	vld [tilespmem:s12+$0xAA20]  }
0xce: {  	v11 =	vld [tilespmem:s12+$0xAA30]  }
0xcf: {  	v9 =	vld [tilespmem:s12+$0xAA40]  }
0xd0: {  	v18 =	vld [tilespmem:s12+$0x3A00]  }
0xd1: {  	v19 =	vld [tilespmem:s12+$0x3A10]  }
0xd2: {  	v20 =	vld [tilespmem:s12+$0x3A20]  }
0xd3: {  	v12 =	vld [tilespmem:s12+$0xAA50]  }
0xd4: {  	v10 =	vld [tilespmem:s12+$0xAA60]  }
0xd5: {  	v18 =	vadd.f32 v8, v18;
	v8 =	vld [tilespmem:s12+$0xAA70]  }
0xd6: {  	v19 =	vadd.f32 v15, v19;
	v15 =	vld [tilespmem:s12+$0x3A30]  }
0xd7: {  	v20 =	vadd.f32 v16, v20;
	v16 =	vld [tilespmem:s12+$0x3A40];
	v21 =	vadd.f32 v13, v18  }
0xd8: {  	v13 =	vld [tilespmem:s12+$0x3A50];
	v18 =	vadd.f32 v14, v19  }
0xd9: {  	s13 =	simm.s32 $0x200;
	v17 =	vadd.f32 v17, v20;
	v14 =	vld [tilespmem:s12+$0x3A60];
	v19 =	vmax.f32 v21, $0.0e+00  }
.LBB2_6:
0xda: {  	p1 =	sne.s32 s13, $0xDE00;
	v3 =	vadd.f32 v19, v3;
	v18 =	vmax.f32 v18, $0.0e+00;
	v19 =	vld [tilespmem:s12+$0x3A70]  }
0xdb: {  	v4 =	vadd.f32 v18, v4;
	v17 =	vmax.f32 v17, $0.0e+00;
	v11 =	vadd.f32 v11, v15;
	v15 =	vld [tilespmem:s12+$0x11A60]  }
0xdc: {  	v2 =	vadd.f32 v17, v2;
	v9 =	vadd.f32 v9, v16;
	v16 =	vld [tilespmem:s12+$0x11A70]  }
0xdd: {  	v7 =	vadd.f32 v7, v11;
	v11 =	vadd.f32 v12, v13;
	v12 =	vld [tilespmem:s12+$0x18A50]  }
0xde: {  	v6 =	vadd.f32 v6, v9;
	v9 =	vadd.f32 v10, v14;
	v10 =	vld [tilespmem:s12+$0x18A60]  }
0xdf: {  	s14 =	sshra.s32 s13, $0x2;
	[tilespmem:s12+$0x3A00] =	vst v3;
	v7 =	vmax.f32 v7, $0.0e+00;
	v5 =	vadd.f32 v5, v11;
	v8 =	vadd.f32 v8, v19;
	v11 =	vld [tilespmem:s12+$0x18A70]  }
0xe0: {  	v3 =	vld [tilespmem:s14+$0x18A00];
	[tilespmem:s12+$0x3A10] =	vst v4;
	v1 =	vadd.f32 v7, v1;
	v6 =	vmax.f32 v6, $0.0e+00;
	v7 =	vadd.f32 v15, v9  }
0xe1: {  	v4 =	vld [tilespmem:s14+$0x18A10];
	[tilespmem:s12+$0x3A20] =	vst v2;
	v0 =	vadd.f32 v6, v0;
	v5 =	vmax.f32 v5, $0.0e+00;
	v6 =	vadd.f32 v16, v8  }
0xe2: {  	v2 =	vld [tilespmem:s14+$0x18A20];
	[tilespmem:s12+$0x3A30] =	vst v1;
	v5 =	vadd.f32 v5, v12;
	v7 =	vmax.f32 v7, $0.0e+00  }
0xe3: {  	v1 =	vld [tilespmem:s14+$0x18A30];
	[tilespmem:s12+$0x3A40] =	vst v0;
	v7 =	vadd.f32 v7, v10;
	v6 =	vmax.f32 v6, $0.0e+00  }
0xe4: {  	v0 =	vld [tilespmem:s14+$0x18A40];
	[tilespmem:s12+$0x3A50] =	vst v5;
	v5 =	vadd.f32 v6, v11  }
0xe5: {  	v13 =	vld [tilespmem:s14+$0x11A00];
	[tilespmem:s12+$0x3A60] =	vst v7  }
0xe6: {  	v14 =	vld [tilespmem:s14+$0x11A10];
	[tilespmem:s12+$0x3A70] =	vst v5;
	s12 =	smov.u32 s14  }
0xe7: {  	v17 =	vld [tilespmem:s12+$0x11A20]  }
0xe8: {  	v7 =	vld [tilespmem:s12+$0x11A30]  }
0xe9: {  	v6 =	vld [tilespmem:s12+$0x11A40]  }
0xea: {  	v5 =	vld [tilespmem:s12+$0x11A50]  }
0xeb: {  	v8 =	vld [tilespmem:s12+$0xAA00]  }
0xec: {  	v15 =	vld [tilespmem:s12+$0xAA10]  }
0xed: {  	v16 =	vld [tilespmem:s12+$0xAA20]  }
0xee: {  	v11 =	vld [tilespmem:s12+$0xAA30]  }
0xef: {  	v9 =	vld [tilespmem:s12+$0xAA40]  }
0xf0: {  	v18 =	vld [tilespmem:s12+$0x3A00]  }
0xf1: {  	v19 =	vld [tilespmem:s12+$0x3A10]  }
0xf2: {  	v20 =	vld [tilespmem:s12+$0x3A20]  }
0xf3: {  	v12 =	vld [tilespmem:s12+$0xAA50]  }
0xf4: {  	v10 =	vld [tilespmem:s12+$0xAA60]  }
.Ltmp6:
0xf5: {  	v18 =	vadd.f32 v8, v18;
	v8 =	vld [tilespmem:s12+$0xAA70];
	(pc) =	sbr.rel @p1 .LBB2_6-.Ltmp6, $4  }
0xf6: {  	v19 =	vadd.f32 v15, v19;
	v15 =	vld [tilespmem:s12+$0x3A30]  }
0xf7: {  	v21 =	vadd.f32 v13, v18;
	v20 =	vadd.f32 v16, v20;
	v16 =	vld [tilespmem:s12+$0x3A40]  }
0xf8: {  	v18 =	vadd.f32 v14, v19;
	v13 =	vld [tilespmem:s12+$0x3A50]  }
0xf9: {  	s13 =	sadd.s32 $0x200, s13;
	v19 =	vmax.f32 v21, $0.0e+00;
	v17 =	vadd.f32 v17, v20;
	v14 =	vld [tilespmem:s12+$0x3A60]  }
0xfa: {  	v20 =	vld [tilespmem:s12+$0x3A70];
	v3 =	vadd.f32 v19, v3;
	v18 =	vmax.f32 v18, $0.0e+00  }
0xfb: {  	v46 =	vld [tilespmem:s12+$0x11A60];
	v4 =	vadd.f32 v18, v4;
	v17 =	vmax.f32 v17, $0.0e+00;
	v11 =	vadd.f32 v11, v15  }
0xfc: {  	v47 =	vld [tilespmem:s12+$0x11A70];
	v2 =	vadd.f32 v17, v2;
	v9 =	vadd.f32 v9, v16  }
0xfd: {  	v48 =	vld [tilespmem:s12+$0x18A50];
	v7 =	vadd.f32 v7, v11;
	v49 =	vadd.f32 v12, v13  }
0xfe: {  	v50 =	vld [tilespmem:s12+$0x18A60];
	v6 =	vadd.f32 v6, v9;
	v51 =	vadd.f32 v10, v14  }
0xff: {  	v54 =	vld [tilespmem:s12+$0x18A70];
	[tilespmem:s12+$0x3A00] =	vst v3;
	v52 =	vmax.f32 v7, $0.0e+00;
	v5 =	vadd.f32 v5, v49;
	v53 =	vadd.f32 v8, v20  }
0x100: {  	[tilespmem:s12+$0x3A10] =	vst v4;
	v1 =	vadd.f32 v52, v1;
	v55 =	vmax.f32 v6, $0.0e+00;
	v56 =	vadd.f32 v46, v51  }
0x101: {  	[tilespmem:s12+$0x3A20] =	vst v2;
	v0 =	vadd.f32 v55, v0;
	v57 =	vmax.f32 v5, $0.0e+00;
	v58 =	vadd.f32 v47, v53  }
0x102: {  	s13 =	sshll.u32 s30, $0x5;
	[tilespmem:s12+$0x3A30] =	vst v1;
	v59 =	vadd.f32 v57, v48;
	v60 =	vmax.f32 v56, $0.0e+00  }
.Ltmp7:
0x103: {  	s13 =	sor.u32 s8, s13;
	[tilespmem:s12+$0x3A40] =	vst v0;
	v61 =	vadd.f32 v60, v50;
	v62 =	vmax.f32 v58, $0.0e+00;
	(pc) =	sbr.rel .LBB2_8-.Ltmp7, $4  }
0x104: {  	s13 =	smul.u32 $0x700, s13;
	[tilespmem:s12+$0x3A50] =	vst v59;
	v63 =	vadd.f32 v62, v54  }
0x105: {  	[tilespmem:s12+$0x3A60] =	vst v61  }
0x106: {  	s31 =	sadd.s32 s10, s13;
	[tilespmem:s12+$0x3A70] =	vst v63  }
0x107: {  	[hbm4b:s31+s1] =	stream.linear.scatter [tilespmem:s18], [sflag:$0x6], $0x3800, $0x38;
	[tilespmem:$0x1C200] =	vst v63  }
.LBB2_9:
0x108: {  	_ =	swait.ge [sflag:s19], $0x3800  }
.Ltmp8:
0x109: {  	[sflag:s19] =	ssyncset.done $0x0;
	(pc) =	sbr.rel @p0 .LBB2_13-.Ltmp8, $4  }
0x10a: {  	[sflag:s19] =	ssyncadd.s32 $0xFFFFC800  }
0x10b: {  	_ =	swait.ge [sflag:s20], $0x3800  }
0x10c: {  	[sflag:s20] =	ssyncset.done $0x0  }
0x10d: {  	[sflag:s20] =	ssyncadd.s32 $0xFFFFC800  }
0x10e: {  	s12 =	simm.s32 $0x0;
	s13 =	rddreg [dreg:$0x5]  }
0x10f: {  	[tilespmem:s12], [sflag:$0x1] =	stream.linear.gather [hbm4b:s13+s12], $0x60, $0x38;
	[tilespmem:$0x1C200] =	vst v63  }
0x110: {  	s14 =	rddreg [dreg:$0x6]  }
0x111: {  	[tilespmem:s24], [sflag:$0x1] =	stream.linear.gather [hbm4b:s14+s12], $0x60, $0x38;
	[tilespmem:$0x1C200] =	vst v63  }
0x112: {  	_ =	swait.ge [sflag:s25], $0x60  }
0x113: {  	[sflag:s25] =	ssyncset.done $0x0  }
0x114: {  	[sflag:s25] =	ssyncadd.s32 $0xFFFFFFA0  }
0x115: {  	_ =	swait.ge [sflag:s25], $0x60  }
0x116: {  	[sflag:s25] =	ssyncset.done $0x0  }
0x117: {  	s14 =	simm.s32 $0x60;
	[sflag:s25] =	ssyncadd.s32 $0xFFFFFFA0  }
0x118: {  	[tilespmem:s28], [sflag:$0x3] =	stream.indirect.gather [hbm4b:s3+s14], $0x80, s12, s14, $0xb8;
	[tilespmem:$0x1C200] =	vst v63  }
0x119: {  	s21 =	simm.s32 $0x7200  }
0x11a: {  	[tilespmem:s21], [sflag:$0x3] =	stream.indirect.gather [hbm4b:s4+s14], $0x80, s24, s14, $0xb8;
	[tilespmem:$0x1C200] =	vst v63  }
0x11b: {  	s29 =	simm.s32 $0xE200;
	s26 =	rddreg [dreg:$0x7]  }
0x11c: {  	[tilespmem:s29], [sflag:$0x3] =	stream.linear.gather [hbm4b:s26+s12], $0x3000, $0x38;
	[tilespmem:$0x1C200] =	vst v63  }
0x11d: {  	s31 =	simm.s32 $0x15200;
	s30 =	rddreg [dreg:$0x8]  }
0x11e: {  	[tilespmem:s31], [sflag:$0x3] =	stream.linear.gather [hbm4b:s30+s12], $0x3000, $0x38;
	[tilespmem:$0x1C200] =	vst v63  }
0x11f: {  	_ =	swait.ge [sflag:s0], $0x3000  }
0x120: {  	[sflag:s0] =	ssyncset.done $0x0  }
0x121: {  	[sflag:s0] =	ssyncadd.s32 $0xFFFFD000  }
0x122: {  	_ =	swait.ge [sflag:s0], $0x3000  }
0x123: {  	[sflag:s0] =	ssyncset.done $0x0  }
0x124: {  	[sflag:s0] =	ssyncadd.s32 $0xFFFFD000  }
0x125: {  	_ =	swait.ge [sflag:s0], $0x3000  }
0x126: {  	[sflag:s0] =	ssyncset.done $0x0  }
0x127: {  	[sflag:s0] =	ssyncadd.s32 $0xFFFFD000  }
0x128: {  	_ =	swait.ge [sflag:s0], $0x3000  }
0x129: {  	[sflag:s0] =	ssyncset.done $0x0  }
0x12a: {  	s12 =	simm.s32 $0x0;
	[sflag:s0] =	ssyncadd.s32 $0xFFFFD000  }
0x12b: {  	v3 =	vld [tilespmem:s12+$0x15200]  }
0x12c: {  	v4 =	vld [tilespmem:s12+$0x15210]  }
0x12d: {  	v2 =	vld [tilespmem:s12+$0x15220]  }
0x12e: {  	v1 =	vld [tilespmem:s12+$0x15230]  }
0x12f: {  	v0 =	vld [tilespmem:s12+$0x15240]  }
0x130: {  	v13 =	vld [tilespmem:s12+$0xE200]  }
0x131: {  	v14 =	vld [tilespmem:s12+$0xE210]  }
0x132: {  	v17 =	vld [tilespmem:s12+$0xE220]  }
0x133: {  	v7 =	vld [tilespmem:s12+$0xE230]  }
0x134: {  	v6 =	vld [tilespmem:s12+$0xE240]  }
0x135: {  	v5 =	vld [tilespmem:s12+$0xE250]  }
0x136: {  	v8 =	vld [tilespmem:s12+$0x7200]  }
0x137: {  	v15 =	vld [tilespmem:s12+$0x7210]  }
0x138: {  	v16 =	vld [tilespmem:s12+$0x7220]  }
0x139: {  	v11 =	vld [tilespmem:s12+$0x7230]  }
0x13a: {  	v9 =	vld [tilespmem:s12+$0x7240]  }
0x13b: {  	v18 =	vld [tilespmem:s12+$0x200]  }
0x13c: {  	v19 =	vld [tilespmem:s12+$0x210]  }
0x13d: {  	v20 =	vld [tilespmem:s12+$0x220]  }
0x13e: {  	v12 =	vld [tilespmem:s12+$0x7250]  }
0x13f: {  	v10 =	vld [tilespmem:s12+$0x7260]  }
0x140: {  	v18 =	vadd.f32 v8, v18;
	v8 =	vld [tilespmem:s12+$0x7270]  }
0x141: {  	v19 =	vadd.f32 v15, v19;
	v15 =	vld [tilespmem:s12+$0x230]  }
0x142: {  	v20 =	vadd.f32 v16, v20;
	v16 =	vld [tilespmem:s12+$0x240];
	v21 =	vadd.f32 v13, v18  }
0x143: {  	v13 =	vld [tilespmem:s12+$0x250];
	v18 =	vadd.f32 v14, v19  }
0x144: {  	s13 =	simm.s32 $0x200;
	v17 =	vadd.f32 v17, v20;
	v14 =	vld [tilespmem:s12+$0x260];
	v19 =	vmax.f32 v21, $0.0e+00  }
.LBB2_11:
0x145: {  	p1 =	sne.s32 s13, $0xBE00;
	v3 =	vadd.f32 v19, v3;
	v18 =	vmax.f32 v18, $0.0e+00;
	v19 =	vld [tilespmem:s12+$0x270]  }
0x146: {  	v4 =	vadd.f32 v18, v4;
	v17 =	vmax.f32 v17, $0.0e+00;
	v11 =	vadd.f32 v11, v15;
	v15 =	vld [tilespmem:s12+$0xE260]  }
0x147: {  	v2 =	vadd.f32 v17, v2;
	v9 =	vadd.f32 v9, v16;
	v16 =	vld [tilespmem:s12+$0xE270]  }
0x148: {  	v7 =	vadd.f32 v7, v11;
	v11 =	vadd.f32 v12, v13;
	v12 =	vld [tilespmem:s12+$0x15250]  }
0x149: {  	v6 =	vadd.f32 v6, v9;
	v9 =	vadd.f32 v10, v14;
	v10 =	vld [tilespmem:s12+$0x15260]  }
0x14a: {  	s14 =	sshra.s32 s13, $0x2;
	[tilespmem:s12+$0x200] =	vst v3;
	v7 =	vmax.f32 v7, $0.0e+00;
	v5 =	vadd.f32 v5, v11;
	v8 =	vadd.f32 v8, v19;
	v11 =	vld [tilespmem:s12+$0x15270]  }
0x14b: {  	v3 =	vld [tilespmem:s14+$0x15200];
	[tilespmem:s12+$0x210] =	vst v4;
	v1 =	vadd.f32 v7, v1;
	v6 =	vmax.f32 v6, $0.0e+00;
	v7 =	vadd.f32 v15, v9  }
0x14c: {  	v4 =	vld [tilespmem:s14+$0x15210];
	[tilespmem:s12+$0x220] =	vst v2;
	v0 =	vadd.f32 v6, v0;
	v5 =	vmax.f32 v5, $0.0e+00;
	v6 =	vadd.f32 v16, v8  }
0x14d: {  	v2 =	vld [tilespmem:s14+$0x15220];
	[tilespmem:s12+$0x230] =	vst v1;
	v5 =	vadd.f32 v5, v12;
	v7 =	vmax.f32 v7, $0.0e+00  }
0x14e: {  	v1 =	vld [tilespmem:s14+$0x15230];
	[tilespmem:s12+$0x240] =	vst v0;
	v7 =	vadd.f32 v7, v10;
	v6 =	vmax.f32 v6, $0.0e+00  }
0x14f: {  	v0 =	vld [tilespmem:s14+$0x15240];
	[tilespmem:s12+$0x250] =	vst v5;
	v5 =	vadd.f32 v6, v11  }
0x150: {  	v13 =	vld [tilespmem:s14+$0xE200];
	[tilespmem:s12+$0x260] =	vst v7  }
0x151: {  	v14 =	vld [tilespmem:s14+$0xE210];
	[tilespmem:s12+$0x270] =	vst v5;
	s12 =	smov.u32 s14  }
0x152: {  	v17 =	vld [tilespmem:s12+$0xE220]  }
0x153: {  	v7 =	vld [tilespmem:s12+$0xE230]  }
0x154: {  	v6 =	vld [tilespmem:s12+$0xE240]  }
0x155: {  	v5 =	vld [tilespmem:s12+$0xE250]  }
0x156: {  	v8 =	vld [tilespmem:s12+$0x7200]  }
0x157: {  	v15 =	vld [tilespmem:s12+$0x7210]  }
0x158: {  	v16 =	vld [tilespmem:s12+$0x7220]  }
0x159: {  	v11 =	vld [tilespmem:s12+$0x7230]  }
0x15a: {  	v9 =	vld [tilespmem:s12+$0x7240]  }
0x15b: {  	v18 =	vld [tilespmem:s12+$0x200]  }
0x15c: {  	v19 =	vld [tilespmem:s12+$0x210]  }
0x15d: {  	v20 =	vld [tilespmem:s12+$0x220]  }
0x15e: {  	v12 =	vld [tilespmem:s12+$0x7250]  }
0x15f: {  	v10 =	vld [tilespmem:s12+$0x7260]  }
.Ltmp9:
0x160: {  	v18 =	vadd.f32 v8, v18;
	v8 =	vld [tilespmem:s12+$0x7270];
	(pc) =	sbr.rel @p1 .LBB2_11-.Ltmp9, $4  }
0x161: {  	v19 =	vadd.f32 v15, v19;
	v15 =	vld [tilespmem:s12+$0x230]  }
0x162: {  	v21 =	vadd.f32 v13, v18;
	v20 =	vadd.f32 v16, v20;
	v16 =	vld [tilespmem:s12+$0x240]  }
0x163: {  	v18 =	vadd.f32 v14, v19;
	v13 =	vld [tilespmem:s12+$0x250]  }
0x164: {  	s13 =	sadd.s32 $0x200, s13;
	v19 =	vmax.f32 v21, $0.0e+00;
	v17 =	vadd.f32 v17, v20;
	v14 =	vld [tilespmem:s12+$0x260]  }
0x165: {  	v20 =	vld [tilespmem:s12+$0x270];
	v3 =	vadd.f32 v19, v3;
	v18 =	vmax.f32 v18, $0.0e+00  }
0x166: {  	v46 =	vld [tilespmem:s12+$0xE260];
	v4 =	vadd.f32 v18, v4;
	v17 =	vmax.f32 v17, $0.0e+00;
	v11 =	vadd.f32 v11, v15  }
0x167: {  	v47 =	vld [tilespmem:s12+$0xE270];
	v2 =	vadd.f32 v17, v2;
	v9 =	vadd.f32 v9, v16  }
0x168: {  	v48 =	vld [tilespmem:s12+$0x15250];
	v7 =	vadd.f32 v7, v11;
	v49 =	vadd.f32 v12, v13  }
0x169: {  	v50 =	vld [tilespmem:s12+$0x15260];
	v6 =	vadd.f32 v6, v9;
	v51 =	vadd.f32 v10, v14  }
0x16a: {  	v54 =	vld [tilespmem:s12+$0x15270];
	[tilespmem:s12+$0x200] =	vst v3;
	v52 =	vmax.f32 v7, $0.0e+00;
	v5 =	vadd.f32 v5, v49;
	v53 =	vadd.f32 v8, v20  }
0x16b: {  	[tilespmem:s12+$0x210] =	vst v4;
	v1 =	vadd.f32 v52, v1;
	v55 =	vmax.f32 v6, $0.0e+00;
	v56 =	vadd.f32 v46, v51  }
0x16c: {  	[tilespmem:s12+$0x220] =	vst v2;
	v0 =	vadd.f32 v55, v0;
	v57 =	vmax.f32 v5, $0.0e+00;
	v58 =	vadd.f32 v47, v53  }
0x16d: {  	[tilespmem:s12+$0x230] =	vst v1;
	v59 =	vadd.f32 v57, v48;
	v60 =	vmax.f32 v56, $0.0e+00  }
0x16e: {  	[tilespmem:s12+$0x240] =	vst v0;
	v61 =	vadd.f32 v60, v50;
	v62 =	vmax.f32 v58, $0.0e+00  }
0x16f: {  	[tilespmem:s12+$0x250] =	vst v59;
	v63 =	vadd.f32 v62, v54  }
0x170: {  	[tilespmem:s12+$0x260] =	vst v61  }
.Ltmp10:
0x171: {  	s30 =	rddreg [dreg:$0x9];
	s31 =	simm.s32 $0x7;
	[tilespmem:s12+$0x270] =	vst v63;
	(pc) =	sbr.rel .LBB2_13-.Ltmp10, $4  }
0x172: {  	[hbm4b:s30+s1] =	stream.linear.scatter [tilespmem:s28], [sflag:$0x7], $0x3000, $0x38;
	[tilespmem:$0x1C200] =	vst v63  }
0x173: {  	_ =	swait.ge [sflag:s31], $0x3000  }
0x174: {  	[sflag:s31] =	ssyncset.done $0x0  }
0x175: {  	[sflag:s31] =	ssyncadd.s32 $0xFFFFD000  }
.LBB2_14:
0x176: {  	_ =	sfence.sel $0x180000  }
0x177: {  	[bflag:$0x0] =	sbarrier.arrive $0xFFFF  }
0x178: {  	_ =	strace $0x90000047  }
0x179: {  	s0 =	stileid.u32;
	[bflag:$0x2] =	sbarrier.arrive $0xFFFF  }
0x17a: {  	p0 =	sne.s32 s0, $0x0;
	s0 =	rddreg [dreg:$0x1]  }
0x17b: {  	s0 =	sadd.s32 @!p0 $0x100000, s0  }
0x17c: {  	[sflag:s0] =	ssyncadd.tile.s32 @!p0 $0x1;
	_ =	shalt  }
.Lfunc_end2:
_tile_overlayer_lowered:
.L_overlay_start_2:
0x17d: {  	(tag) =	ssettag $0x2  }
0x17e: {  	s0 =	rddreg [dreg:$0x0];
	s2 =	stileid.u32  }
0x17f: {  	s1 =	rddreg [dreg:$0x1];
	p0 =	sne.s32 s2, $0x0  }
0x180: {  	s3 =	rddreg [dreg:$0x2];
	[bflag:$0x3] =	sbarrier.arrive $0xFFFF;
	s2 =	simm.s32 @!p0 $0x1C07  }
0x181: {  	[timem:s3], [sflag:s2] =	dma.local @!p0 [hbm:s0], s1  }
0x182: {  	s0 =	simm.s32 @!p0 $0x7  }
0x183: {  	_ =	swait.ge @!p0 [sflag:s0], s1  }
0x184: {  	s1 =	ssub.s32 @!p0 $0x0, s1;
	[sflag:s0] =	ssyncset.done @!p0 $0x0  }
0x185: {  	[sflag:s0] =	ssyncadd.s32 @!p0 s1  }
0x186: {  	[bflag:$0x3] =	sbarrier.arrive $0xFFFF  }
0x187: {  	_ =	shalt  }

</sc_bundles>
